<compile_context>
chip_gen: v7x
topology: tpu7x:2x2x1
jax: 0.10.2.dev20260603
libtpu: 0.0.44.dev20260713+nightly
codegen_flags: <defaults>
</compile_context>

<pallas_src>
import functools

import jax
import jax.numpy as jnp
from jax import lax
from jax.experimental import pallas as pl
from jax.experimental.pallas import tpu as pltpu
from jax.experimental.pallas import tpu_sc as plsc

NU = 10000
NI = 10000
NE = 320000
D = 128
G = 256
A = 4
TAU = 1.0

NC = 2
NS = 16
NW = NC * NS
EPW = NE // NW
CH = 128
NFULL = EPW // CH
REM = EPW - NFULL * CH
RPT = 624
TAILROW = NS * RPT
TAIL = NU - TAILROW
BN = 1000
NB = NU // BN



def _sc_scatter_body(feat, gidx, sidx, zrows, out, acc,
                     gi0, si0, r0, gi1, si1, r1, gi2, si2, r2,
                     gir, sir,
                     gs0, gs1, gs2, ss0, ss1, ss2, rsem):
    c = lax.axis_index("c")
    s = lax.axis_index("s")
    wid = s * NC + c
    pltpu.sync_copy(zrows, acc.at[pl.ds(s * RPT, RPT)])

    @pl.when(s == NS - 1)
    def _():
        pltpu.sync_copy(zrows.at[pl.ds(0, TAIL)], acc.at[pl.ds(TAILROW, TAIL)])

    plsc.subcore_barrier()
    base = wid * EPW
    bufs = ((gi0, si0, r0, gs0, ss0), (gi1, si1, r1, gs1, ss1),
            (gi2, si2, r2, gs2, ss2))

    def trio(t, carry):
        for p, (gi, si, rows, gsem, ssem) in enumerate(bufs):
            @pl.when(t > 0)
            def _():
                pltpu.make_async_copy(rows, acc.at[si], ssem).wait()
            off = base + (3 * t + p) * CH
            pltpu.sync_copy(gidx.at[pl.ds(off, CH)], gi)
            pltpu.sync_copy(sidx.at[pl.ds(off, CH)], si)
            pltpu.async_copy(feat.at[gi], rows, gsem)
        for p, (gi, si, rows, gsem, ssem) in enumerate(bufs):
            pltpu.make_async_copy(feat.at[gi], rows, gsem).wait()
            pltpu.make_async_copy(rows, acc.at[si], ssem).start(add=True)
        return carry

    lax.fori_loop(0, NFULL // 3, trio, 0)
    for gi, si, rows, gsem, ssem in bufs:
        pltpu.make_async_copy(rows, acc.at[si], ssem).wait()
    off = base + NFULL * CH
    pltpu.sync_copy(gidx.at[pl.ds(off, REM)], gir)
    pltpu.sync_copy(sidx.at[pl.ds(off, REM)], sir)
    pltpu.async_copy(feat.at[gir], r0.at[pl.ds(0, REM)], rsem).wait()
    pltpu.sync_copy(r0.at[pl.ds(0, REM)], acc.at[sir], add=True)
    plsc.subcore_barrier()
    pltpu.sync_copy(acc.at[pl.ds(s * RPT, RPT)],
                    out.at[pl.ds(c * NU + s * RPT, RPT)])

    @pl.when(s == NS - 1)
    def _():
        pltpu.sync_copy(acc.at[pl.ds(TAILROW, TAIL)],
                        out.at[pl.ds(c * NU + TAILROW, TAIL)])


@functools.cache
def _sc_scatter_kernel():
    return pl.kernel(
        _sc_scatter_body,
        out_type=jax.ShapeDtypeStruct((NC * NU, D), jnp.float32),
        mesh=plsc.VectorSubcoreMesh(core_axis_name="c", subcore_axis_name="s",
                                    num_cores=NC, num_subcores=NS),
        scratch_types=[
            pltpu.VMEM_SHARED((NU, D), jnp.float32),
            pltpu.VMEM((CH,), jnp.int32),
            pltpu.VMEM((CH,), jnp.int32),
            pltpu.VMEM((CH, D), jnp.float32),
            pltpu.VMEM((CH,), jnp.int32),
            pltpu.VMEM((CH,), jnp.int32),
            pltpu.VMEM((CH, D), jnp.float32),
            pltpu.VMEM((CH,), jnp.int32),
            pltpu.VMEM((CH,), jnp.int32),
            pltpu.VMEM((CH, D), jnp.float32),
            pltpu.VMEM((REM,), jnp.int32),
            pltpu.VMEM((REM,), jnp.int32),
            pltpu.SemaphoreType.DMA,
            pltpu.SemaphoreType.DMA,
            pltpu.SemaphoreType.DMA,
            pltpu.SemaphoreType.DMA,
            pltpu.SemaphoreType.DMA,
            pltpu.SemaphoreType.DMA,
            pltpu.SemaphoreType.DMA,
        ],
    )


def _sc_scatter(feat, gidx, sidx, zrows):
    return _sc_scatter_kernel()(feat, gidx, sidx, zrows)


def _sc_deg_body(srcidx, dstidx, zrows, orows, outu, outi, acc,
                 ones, gi0, gi1, gi2, gi3, gi4, gi5, gir,
                 ssem0, ssem1, ssem2, ssem3, ssem4, ssem5):
    c = lax.axis_index("c")
    s = lax.axis_index("s")
    wid = s * NC + c
    base = wid * EPW
    pltpu.sync_copy(orows, ones)

    def phase(idx, out):
        pltpu.sync_copy(zrows, acc.at[pl.ds(s * RPT, RPT)])

        @pl.when(s == NS - 1)
        def _():
            pltpu.sync_copy(zrows.at[pl.ds(0, TAIL)],
                            acc.at[pl.ds(TAILROW, TAIL)])

        plsc.subcore_barrier()

        ring = ((gi0, ssem0), (gi1, ssem1), (gi2, ssem2),
                (gi3, ssem3), (gi4, ssem4), (gi5, ssem5))

        def turn(t, carry):
            for p, (gi, ssem) in enumerate(ring):
                @pl.when(t > 0)
                def _():
                    pltpu.make_async_copy(ones, acc.at[gi], ssem).wait()
                off = base + (len(ring) * t + p) * CH
                pltpu.sync_copy(idx.at[pl.ds(off, CH)], gi)
                pltpu.make_async_copy(ones, acc.at[gi], ssem).start(add=True)
            return carry

        lax.fori_loop(0, NFULL // len(ring), turn, 0)
        for gi, ssem in ring:
            pltpu.make_async_copy(ones, acc.at[gi], ssem).wait()
        off = base + NFULL * CH
        pltpu.sync_copy(idx.at[pl.ds(off, REM)], gir)
        pltpu.sync_copy(ones.at[pl.ds(0, REM)], acc.at[gir], add=True)
        plsc.subcore_barrier()
        pltpu.sync_copy(acc.at[pl.ds(s * RPT, RPT)],
                        out.at[pl.ds(c * NU + s * RPT, RPT)])

        @pl.when(s == NS - 1)
        def _():
            pltpu.sync_copy(acc.at[pl.ds(TAILROW, TAIL)],
                            out.at[pl.ds(c * NU + TAILROW, TAIL)])

        plsc.subcore_barrier()

    phase(srcidx, outu)
    phase(dstidx, outi)


@functools.cache
def _sc_deg_kernel():
    return pl.kernel(
        _sc_deg_body,
        out_type=(jax.ShapeDtypeStruct((NC * NU, D), jnp.float32),
                  jax.ShapeDtypeStruct((NC * NU, D), jnp.float32)),
        mesh=plsc.VectorSubcoreMesh(core_axis_name="c", subcore_axis_name="s",
                                    num_cores=NC, num_subcores=NS),
        scratch_types=[
            pltpu.VMEM_SHARED((NU, D), jnp.float32),
            pltpu.VMEM((CH, D), jnp.float32),
            pltpu.VMEM((CH,), jnp.int32),
            pltpu.VMEM((CH,), jnp.int32),
            pltpu.VMEM((CH,), jnp.int32),
            pltpu.VMEM((CH,), jnp.int32),
            pltpu.VMEM((CH,), jnp.int32),
            pltpu.VMEM((CH,), jnp.int32),
            pltpu.VMEM((REM,), jnp.int32),
            pltpu.SemaphoreType.DMA,
            pltpu.SemaphoreType.DMA,
            pltpu.SemaphoreType.DMA,
            pltpu.SemaphoreType.DMA,
            pltpu.SemaphoreType.DMA,
            pltpu.SemaphoreType.DMA,
        ],
    )


def _sc_deg(srcidx, dstidx, zrows, orows):
    return _sc_deg_kernel()(srcidx, dstidx, zrows, orows)



def _aspects_body(u_ref, w_ref, b_ref, att_ref, asp_ref, h_ref):
    u = u_ref[...]
    att = att_ref[...]
    hs = []
    for a in range(A):
        z = lax.dot_general(u, w_ref[a], (((1,), (1,)), ((), ())),
                            preferred_element_type=jnp.float32)
        asp_a = u * jax.nn.sigmoid(z + b_ref[a][None, :])
        asp_ref[a] = asp_a
        hs.append(jnp.sum(asp_a * att, axis=1, keepdims=True))
    h_ref[...] = jnp.concatenate(hs, axis=1)


def _aspects(u, Wg, bg, att):
    return pl.pallas_call(
        _aspects_body,
        grid=(NB,),
        in_specs=[
            pl.BlockSpec((BN, D), lambda i: (i, 0)),
            pl.BlockSpec((A, D, D), lambda i: (0, 0, 0)),
            pl.BlockSpec((A, D), lambda i: (0, 0)),
            pl.BlockSpec((1, D), lambda i: (0, 0)),
        ],
        out_specs=[
            pl.BlockSpec((A, BN, D), lambda i: (0, i, 0)),
            pl.BlockSpec((BN, A), lambda i: (i, 0)),
        ],
        out_shape=[
            jax.ShapeDtypeStruct((A, NU, D), jnp.float32),
            jax.ShapeDtypeStruct((NU, A), jnp.float32),
        ],
    )(u, Wg, bg, att)


def _mmax_body(mt_ref, h_ref, m_ref):
    i = pl.program_id(0)
    mt = mt_ref[...]
    h = h_ref[...]
    curs = []
    for a in range(A):
        sel = jnp.where(mt > 0.5, h[:, a:a + 1], -jnp.inf)
        curs.append(jnp.max(sel, axis=0, keepdims=True))
    cur = jnp.concatenate(curs, axis=0)

    @pl.when(i == 0)
    def _():
        m_ref[...] = cur

    @pl.when(i > 0)
    def _():
        m_ref[...] = jnp.maximum(m_ref[...], cur)


def _mmax(mask_t, h_t):
    return pl.pallas_call(
        _mmax_body,
        grid=(NB,),
        in_specs=[
            pl.BlockSpec((BN, G), lambda i: (i, 0)),
            pl.BlockSpec((BN, A), lambda i: (i, 0)),
        ],
        out_specs=pl.BlockSpec((A, G), lambda i: (0, 0)),
        out_shape=jax.ShapeDtypeStruct((A, G), jnp.float32),
    )(mask_t, h_t)


def _gagg_body(mt_ref, h_ref, asp_ref, m_ref, num_ref, z_ref):
    i = pl.program_id(0)
    mt = mt_ref[...]
    h = h_ref[...]
    m = m_ref[...]
    nums, zs = [], []
    for a in range(A):
        p_a = jnp.where(mt > 0.5, jnp.exp(h[:, a:a + 1] - m[a][None, :]), 0.0)
        zs.append(jnp.sum(p_a, axis=0, keepdims=True))
        nums.append(lax.dot_general(p_a, asp_ref[a], (((0,), (0,)), ((), ())),
                                    preferred_element_type=jnp.float32)[None])
    cur = jnp.concatenate(nums, axis=0)
    znew = jnp.concatenate(zs, axis=0)

    @pl.when(i == 0)
    def _():
        num_ref[...] = cur
        z_ref[...] = znew

    @pl.when(i > 0)
    def _():
        num_ref[...] = num_ref[...] + cur
        z_ref[...] = z_ref[...] + znew


def _gagg(mask_t, h_t, asp, m):
    return pl.pallas_call(
        _gagg_body,
        grid=(NB,),
        in_specs=[
            pl.BlockSpec((BN, G), lambda i: (i, 0)),
            pl.BlockSpec((BN, A), lambda i: (i, 0)),
            pl.BlockSpec((A, BN, D), lambda i: (0, i, 0)),
            pl.BlockSpec((A, G), lambda i: (0, 0)),
        ],
        out_specs=[
            pl.BlockSpec((A, G, D), lambda i: (0, 0, 0)),
            pl.BlockSpec((A, G), lambda i: (0, 0)),
        ],
        out_shape=[
            jax.ShapeDtypeStruct((A, G, D), jnp.float32),
            jax.ShapeDtypeStruct((A, G), jnp.float32),
        ],
    )(mask_t, h_t, asp, m)


def _gfin_body(num_ref, z_ref, ge_ref, gum_ref, upd_ref):
    emb = num_ref[...] / z_ref[...][:, :, None]
    ge = ge_ref[...]
    al = jnp.sum(emb * ge[None, :, :], axis=2)
    t = (al + gum_ref[...]) / TAU
    t = t - jnp.max(t, axis=0, keepdims=True)
    e = jnp.exp(t)
    y = e / jnp.sum(e, axis=0, keepdims=True)
    learned = jnp.sum(emb * y[:, :, None], axis=0)
    upd_ref[...] = (ge + learned) * 0.5


def _gfin(num, z, ge, gum_t):
    return pl.pallas_call(
        _gfin_body,
        grid=(1,),
        in_specs=[
            pl.BlockSpec((A, G, D), lambda i: (0, 0, 0)),
            pl.BlockSpec((A, G), lambda i: (0, 0)),
            pl.BlockSpec((G, D), lambda i: (0, 0)),
            pl.BlockSpec((A, G), lambda i: (0, 0)),
        ],
        out_specs=pl.BlockSpec((G, D), lambda i: (0, 0)),
        out_shape=jax.ShapeDtypeStruct((G, D), jnp.float32),
    )(num, z, ge, gum_t)


def _g2u_body(mt_ref, ug_ref, u_ref, u0_ref):
    mt = mt_ref[...]
    denom = jnp.sum(mt, axis=1, keepdims=True)
    ugu = lax.dot_general(mt, ug_ref[...], (((1,), (0,)), ((), ())),
                          preferred_element_type=jnp.float32)
    u0_ref[...] = (u_ref[...] + ugu / denom) * 0.5


def _g2u(mask_t, upd, u):
    return pl.pallas_call(
        _g2u_body,
        grid=(NB,),
        in_specs=[
            pl.BlockSpec((BN, G), lambda i: (i, 0)),
            pl.BlockSpec((G, D), lambda i: (0, 0)),
            pl.BlockSpec((BN, D), lambda i: (i, 0)),
        ],
        out_specs=pl.BlockSpec((BN, D), lambda i: (i, 0)),
        out_shape=jax.ShapeDtypeStruct((NU, D), jnp.float32),
    )(mask_t, upd, u)


def _prep_body(du_ref, di_ref, u_ref, i_ref, nu_ref, ni_ref, fu_ref, fi_ref):
    du = du_ref[...]
    di = di_ref[...]
    nu = lax.rsqrt(jnp.maximum(du[:, 0:1] + du[:, 1:2], 1.0))
    ni = lax.rsqrt(jnp.maximum(di[:, 0:1] + di[:, 1:2], 1.0))
    nu_ref[...] = nu
    ni_ref[...] = ni
    fu_ref[...] = u_ref[...] * nu
    fi_ref[...] = i_ref[...] * ni


def _prep(degu_t, degi_t, u, it):
    return pl.pallas_call(
        _prep_body,
        grid=(NB,),
        in_specs=[
            pl.BlockSpec((BN, NC), lambda i: (i, 0)),
            pl.BlockSpec((BN, NC), lambda i: (i, 0)),
            pl.BlockSpec((BN, D), lambda i: (i, 0)),
            pl.BlockSpec((BN, D), lambda i: (i, 0)),
        ],
        out_specs=[
            pl.BlockSpec((BN, 1), lambda i: (i, 0)),
            pl.BlockSpec((BN, 1), lambda i: (i, 0)),
            pl.BlockSpec((BN, D), lambda i: (i, 0)),
            pl.BlockSpec((BN, D), lambda i: (i, 0)),
        ],
        out_shape=[
            jax.ShapeDtypeStruct((NU, 1), jnp.float32),
            jax.ShapeDtypeStruct((NI, 1), jnp.float32),
            jax.ShapeDtypeStruct((NU, D), jnp.float32),
            jax.ShapeDtypeStruct((NI, D), jnp.float32),
        ],
    )(degu_t, degi_t, u, it)


def _comb1_body(up_ref, ip_ref, nu_ref, ni_ref, u1_ref, i1_ref, fu_ref, fi_ref):
    nu = nu_ref[...]
    ni = ni_ref[...]
    u1 = (up_ref[0] + up_ref[1]) * nu
    i1 = (ip_ref[0] + ip_ref[1]) * ni
    u1_ref[...] = u1
    i1_ref[...] = i1
    fu_ref[...] = u1 * nu
    fi_ref[...] = i1 * ni


def _comb1(up, ip, nu, ni):
    return pl.pallas_call(
        _comb1_body,
        grid=(NB,),
        in_specs=[
            pl.BlockSpec((NC, BN, D), lambda i: (0, i, 0)),
            pl.BlockSpec((NC, BN, D), lambda i: (0, i, 0)),
            pl.BlockSpec((BN, 1), lambda i: (i, 0)),
            pl.BlockSpec((BN, 1), lambda i: (i, 0)),
        ],
        out_specs=[pl.BlockSpec((BN, D), lambda i: (i, 0))] * 4,
        out_shape=[jax.ShapeDtypeStruct((NU, D), jnp.float32)] * 4,
    )(up, ip, nu, ni)


def _comb2_body(up_ref, ip_ref, nu_ref, ni_ref, u0_ref, u1_ref, i0_ref,
                i1_ref, ue_ref, ie_ref):
    u2 = (up_ref[0] + up_ref[1]) * nu_ref[...]
    i2 = (ip_ref[0] + ip_ref[1]) * ni_ref[...]
    ue_ref[...] = (u0_ref[...] + u1_ref[...] + u2) / 3.0
    ie_ref[...] = (i0_ref[...] + i1_ref[...] + i2) / 3.0


def _comb2(up, ip, nu, ni, u0, u1, i0, i1):
    return pl.pallas_call(
        _comb2_body,
        grid=(NB,),
        in_specs=[
            pl.BlockSpec((NC, BN, D), lambda i: (0, i, 0)),
            pl.BlockSpec((NC, BN, D), lambda i: (0, i, 0)),
            pl.BlockSpec((BN, 1), lambda i: (i, 0)),
            pl.BlockSpec((BN, 1), lambda i: (i, 0)),
            pl.BlockSpec((BN, D), lambda i: (i, 0)),
            pl.BlockSpec((BN, D), lambda i: (i, 0)),
            pl.BlockSpec((BN, D), lambda i: (i, 0)),
            pl.BlockSpec((BN, D), lambda i: (i, 0)),
        ],
        out_specs=[pl.BlockSpec((BN, D), lambda i: (i, 0))] * 2,
        out_shape=[jax.ShapeDtypeStruct((NU, D), jnp.float32)] * 2,
    )(up, ip, nu, ni, u0, u1, i0, i1)



def kernel(user_embedding, item_embedding, attention, groupembeds, Wg, bg,
           group_user, edge_index):
    src = edge_index[0]
    dst = edge_index[1]
    mask_t = group_user.T

    u = jax.random.uniform(jax.random.key(42), (G, A),
                           minval=1e-6, maxval=1.0 - 1e-6)
    gum_t = -jnp.log(-jnp.log(u)).T

    zrows_d = jnp.zeros((RPT, D), jnp.float32)
    orows_d = jnp.ones((CH, D), jnp.float32)

    asp, h_t = _aspects(user_embedding, Wg, bg, attention)
    m = _mmax(mask_t, h_t)
    num, z = _gagg(mask_t, h_t, asp, m)
    upd = _gfin(num, z, groupembeds, gum_t)
    user0 = _g2u(mask_t, upd, user_embedding)

    degu_acc, degi_acc = _sc_deg(src, dst, zrows_d, orows_d)
    degu_t = degu_acc.reshape(NC, NU, D)[:, :, 0].T
    degi_t = degi_acc.reshape(NC, NU, D)[:, :, 0].T
    nu, ni, fu0, fi0 = _prep(degu_t, degi_t, user_embedding, item_embedding)

    ip1 = _sc_scatter(fu0, src, dst, zrows_d).reshape(NC, NI, D)
    up1 = _sc_scatter(fi0, dst, src, zrows_d).reshape(NC, NU, D)
    u1, i1, fu1, fi1 = _comb1(up1, ip1, nu, ni)
    ip2 = _sc_scatter(fu1, src, dst, zrows_d).reshape(NC, NI, D)
    up2 = _sc_scatter(fi1, dst, src, zrows_d).reshape(NC, NU, D)
    user_embed, item_embed = _comb2(up2, ip2, nu, ni, user0, u1,
                                    item_embedding, i1)
    return user_embed, item_embed, upd

# --- scband reference (transcript-rebuilt; emitter-appended) ---
"""Pipeline reference for scband-igrec-39745627357905 (READ-ONLY COPY).

The authoritative reference and input builder live on the scoring server;
editing this copy changes nothing except your own understanding.
"""

import jax, jax.numpy as jnp
import numpy as np

N_USERS = 10000
N_ITEMS = 10000
N_EDGES = 320000
D = 128
G = 256
A = 4
L = 2
TAU = 1.0


def setup_inputs(seed: int = 0) -> dict:
    key = jax.random.key(seed)
    ks = jax.random.split(key, 9)
    edge_index = jnp.stack([
        jax.random.randint(ks[0], (N_EDGES,), 0, N_USERS),
        jax.random.randint(ks[1], (N_EDGES,), 0, N_ITEMS),
    ], axis=0)
    group_user = jax.random.randint(ks[2], (G, N_USERS), 0, 2).astype(jnp.float32)
    user_embedding = jax.random.normal(ks[3], (N_USERS, D), dtype=jnp.float32)
    item_embedding = jax.random.normal(ks[4], (N_ITEMS, D), dtype=jnp.float32)
    attention = jax.random.normal(ks[5], (1, D), dtype=jnp.float32)
    groupembeds = jax.random.normal(ks[6], (G, D), dtype=jnp.float32)
    Wg = jax.random.normal(ks[7], (A, D, D), dtype=jnp.float32)
    bg = jax.random.normal(ks[8], (A, D), dtype=jnp.float32) * 0.01
    return {
        'user_embedding': user_embedding,
        'item_embedding': item_embedding,
        'attention': attention,
        'groupembeds': groupembeds,
        'Wg': Wg,
        'bg': bg,
        'group_user': group_user,
        'edge_index': edge_index,
    }


def _lightgcn(h_src, src_idx, dst_idx, n_src, n_dst):
    # out-degree norm on source side (fn.copy_u + fn.sum with symmetric norm)
    deg_out = jnp.clip(jnp.bincount(src_idx, length=n_src).astype(jnp.float32), 1.0, None)
    feat_src = h_src * (deg_out ** -0.5)[:, None]
    msg = feat_src[src_idx]
    rst = jnp.zeros((n_dst, h_src.shape[1]), h_src.dtype).at[dst_idx].add(msg)
    deg_in = jnp.clip(jnp.bincount(dst_idx, length=n_dst).astype(jnp.float32), 1.0, None)
    return rst * (deg_in ** -0.5)[:, None]


def _forward(user_embedding, item_embedding, attention, groupembeds, Wg, bg, group_user, edge_index):
    # ---- g_u_forward ----
    # aspect self-gates: x * sigmoid(Linear(x))
    asp = jax.vmap(lambda W, b: user_embedding * jax.nn.sigmoid(user_embedding @ W.T + b))(Wg, bg)  # [A,N,D]
    H_sum = (asp * attention[None, :, :]).sum(-1)  # [A,N]
    mask = group_user > 0.5  # [G,N]
    logits = jnp.where(mask[:, None, :], H_sum[None, :, :], -jnp.inf)  # [G,A,N]
    weight = jax.nn.softmax(logits, axis=2)  # softmax over members
    embed_member_agg = jnp.einsum('gan,and->gad', weight, asp)  # [G,A,D]
    aspect_logits = jnp.einsum('gad,gd->ga', embed_member_agg, groupembeds)  # [G,A]
    # gumbel softmax (soft, hard=False), fixed noise key
    gkey = jax.random.key(42)
    u = jax.random.uniform(gkey, aspect_logits.shape, minval=1e-6, maxval=1.0 - 1e-6)
    gumbel = -jnp.log(-jnp.log(u))
    y = jax.nn.softmax((aspect_logits + gumbel) / TAU, axis=-1)  # [G,A]
    learned_group = (embed_member_agg * y[:, :, None]).sum(1)  # [G,D]
    updated_group = (groupembeds + learned_group) / 2.0
    denom = group_user.T.sum(1, keepdims=True)  # [N,1]
    update_g_to_u = (group_user.T @ updated_group) / denom
    user0 = (user_embedding + update_g_to_u) / 2.0
    # ---- LightGCN propagation over bipartite user-item graph ----
    src = edge_index[0]
    dst = edge_index[1]
    user_list = [user0]
    item_list = [item_embedding]
    h_u, h_i = user_embedding, item_embedding
    for _ in range(L):
        new_i = _lightgcn(h_u, src, dst, N_USERS, N_ITEMS)  # ('user','rate','item')
        new_u = _lightgcn(h_i, dst, src, N_ITEMS, N_USERS)  # ('item','rated by','user')
        h_u, h_i = new_u, new_i
        user_list.append(h_u)
        item_list.append(h_i)
    user_embed = jnp.mean(jnp.stack(user_list, axis=0), axis=0)
    item_embed = jnp.mean(jnp.stack(item_list, axis=0), axis=0)
    return user_embed, item_embed, updated_group


def reference(user_embedding, item_embedding, attention, groupembeds, Wg, bg, group_user, edge_index):
    return _forward(user_embedding, item_embedding, attention, groupembeds, Wg, bg, group_user, edge_index)

if __name__ == "__main__":
    import jax
    _d = setup_inputs()
    print(jax.jit(kernel)(*tuple(_d.values())))

</pallas_src>

<mosaic_0001>
#map = affine_map<(d0, d1) -> (0, 0)>
#map1 = affine_map<(d0, d1) -> (0)>
module attributes {stable_mosaic.version = 14 : i64} {
  func.func @_sc_scatter_body(%arg0: i32, %arg1: i32, %arg2: memref<10000x128xf32, #tpu.memory_space<hbm>>, %arg3: memref<320000xi32, #tpu.memory_space<hbm>>, %arg4: memref<320000xi32, #tpu.memory_space<hbm>>, %arg5: memref<624x128xf32, #tpu.memory_space<hbm>>, %arg6: memref<20000x128xf32, #tpu.memory_space<hbm>>, %arg7: memref<10000x128xf32, #tpu.memory_space<vmem_shared>>, %arg8: memref<128xi32, #tpu.memory_space<vmem>>, %arg9: memref<128xi32, #tpu.memory_space<vmem>>, %arg10: memref<128x128xf32, #tpu.memory_space<vmem>>, %arg11: memref<128xi32, #tpu.memory_space<vmem>>, %arg12: memref<128xi32, #tpu.memory_space<vmem>>, %arg13: memref<128x128xf32, #tpu.memory_space<vmem>>, %arg14: memref<128xi32, #tpu.memory_space<vmem>>, %arg15: memref<128xi32, #tpu.memory_space<vmem>>, %arg16: memref<128x128xf32, #tpu.memory_space<vmem>>, %arg17: memref<16xi32, #tpu.memory_space<vmem>>, %arg18: memref<16xi32, #tpu.memory_space<vmem>>, %arg19: memref<!tpu.dma_semaphore, #tpu.memory_space<semaphore_mem>>, %arg20: memref<!tpu.dma_semaphore, #tpu.memory_space<semaphore_mem>>, %arg21: memref<!tpu.dma_semaphore, #tpu.memory_space<semaphore_mem>>, %arg22: memref<!tpu.dma_semaphore, #tpu.memory_space<semaphore_mem>>, %arg23: memref<!tpu.dma_semaphore, #tpu.memory_space<semaphore_mem>>, %arg24: memref<!tpu.dma_semaphore, #tpu.memory_space<semaphore_mem>>, %arg25: memref<!tpu.dma_semaphore, #tpu.memory_space<semaphore_mem>>) attributes {dimension_semantics = [#tpu.dimension_semantics<core_parallel>, #tpu.dimension_semantics<subcore_parallel>], iteration_bounds = array<i64: 2, 16>, scalar_prefetch = 0 : i64, scratch_operands = 19 : i64, tpu.core_type = #tpu.core_type<sc_vector_subcore>, window_params = [{transform_indices = #map}, {transform_indices = #map1}, {transform_indices = #map1}, {transform_indices = #map}, {transform_indices = #map}]} {
    %mul3A = arith.constant 2 : i32
    %mul3A_0 = arith.muli %arg1, %mul3A : i32
    %add3A = arith.addi %mul3A_0, %arg0 : i32
    %mul3A_1 = arith.constant 624 : i32
    %mul3A_2 = arith.muli %arg1, %mul3A_1 : i32
    "tpu.region"() ({
      %run_scoped3A = tpu.sem_alloc : memref<!tpu.dma_semaphore, #tpu.memory_space<semaphore_mem>>
      %dma_start3A_46 = arith.constant 0 : i32
      %dma_start3A_47 = tpu.memref_slice %arg7[%mul3A_2, %dma_start3A_46] : memref<10000x128xf32, #tpu.memory_space<vmem_shared>> -> memref<624x128xf32, #tpu.memory_space<vmem_shared>>
      tpu.enqueue_dma source(%arg5 : memref<624x128xf32, #tpu.memory_space<hbm>>) target(%dma_start3A_47 : memref<624x128xf32, #tpu.memory_space<vmem_shared>>) target_semaphore(%run_scoped3A : memref<!tpu.dma_semaphore, #tpu.memory_space<semaphore_mem>>)
      %dma_wait3A_48 = arith.constant 0 : i32
      %dma_wait3A_49 = tpu.memref_slice %arg7[%mul3A_2, %dma_wait3A_48] : memref<10000x128xf32, #tpu.memory_space<vmem_shared>> -> memref<624x128xf32, #tpu.memory_space<vmem_shared>>
      tpu.wait_dma2 semaphore(%run_scoped3A : memref<!tpu.dma_semaphore, #tpu.memory_space<semaphore_mem>>) src(%arg5 : memref<624x128xf32, #tpu.memory_space<hbm>>) dst(%dma_wait3A_49 : memref<624x128xf32, #tpu.memory_space<vmem_shared>>)
      tpu.yield
    }) : () -> ()
    %eq3A = arith.constant 15 : i32
    %eq3A_3 = arith.cmpi eq, %arg1, %eq3A : i32
    %convert_element_type3A = arith.extui %eq3A_3 : i1 to i32
    %cond3A = arith.constant 0 : i32
    %cond3A_4 = arith.cmpi ne, %convert_element_type3A, %cond3A : i32
    scf.if %cond3A_4 {
      "tpu.region"() ({
        %run_scoped3A = tpu.sem_alloc : memref<!tpu.dma_semaphore, #tpu.memory_space<semaphore_mem>>
        %dma_start3A_46 = arith.constant 9984 : i32
        %dma_start3A_47 = arith.constant 0 : i32
        %dma_start3A_48 = tpu.memref_slice %arg7[%dma_start3A_46, %dma_start3A_47] : memref<10000x128xf32, #tpu.memory_space<vmem_shared>> -> memref<16x128xf32, #tpu.memory_space<vmem_shared>>
        %dma_start3A_49 = arith.constant 0 : i32
        %dma_start3A_50 = arith.constant 0 : i32
        %dma_start3A_51 = tpu.memref_slice %arg5[%dma_start3A_49, %dma_start3A_50] : memref<624x128xf32, #tpu.memory_space<hbm>> -> memref<16x128xf32, #tpu.memory_space<hbm>>
        tpu.enqueue_dma source(%dma_start3A_51 : memref<16x128xf32, #tpu.memory_space<hbm>>) target(%dma_start3A_48 : memref<16x128xf32, #tpu.memory_space<vmem_shared>>) target_semaphore(%run_scoped3A : memref<!tpu.dma_semaphore, #tpu.memory_space<semaphore_mem>>)
        %dma_wait3A_52 = arith.constant 9984 : i32
        %dma_wait3A_53 = arith.constant 0 : i32
        %dma_wait3A_54 = tpu.memref_slice %arg7[%dma_wait3A_52, %dma_wait3A_53] : memref<10000x128xf32, #tpu.memory_space<vmem_shared>> -> memref<16x128xf32, #tpu.memory_space<vmem_shared>>
        %dma_wait3A_55 = arith.constant 0 : i32
        %dma_wait3A_56 = arith.constant 0 : i32
        %dma_wait3A_57 = tpu.memref_slice %arg5[%dma_wait3A_55, %dma_wait3A_56] : memref<624x128xf32, #tpu.memory_space<hbm>> -> memref<16x128xf32, #tpu.memory_space<hbm>>
        tpu.wait_dma2 semaphore(%run_scoped3A : memref<!tpu.dma_semaphore, #tpu.memory_space<semaphore_mem>>) src(%dma_wait3A_57 : memref<16x128xf32, #tpu.memory_space<hbm>>) dst(%dma_wait3A_54 : memref<16x128xf32, #tpu.memory_space<vmem_shared>>)
        tpu.yield
      }) : () -> ()
    } else {
    }
    %barrier3A = arith.constant 0 : index
    tpu.barrier barrier_id(%barrier3A)
    %mul3A_5 = arith.constant 10000 : i32
    %mul3A_6 = arith.muli %add3A, %mul3A_5 : i32
    %scan3A = arith.constant 0 : i32
    %scan3A_7 = arith.constant 0 : i32
    %scan3A_8 = arith.constant 26 : i32
    %scan3A_9 = arith.addi %scan3A_7, %scan3A_8 : i32
    %scan3A_10 = arith.constant 1 : i32
    scf.for %scan3A_46 = %scan3A_7 to %scan3A_9 step %scan3A_10  : i32 {
      %gt3A = arith.constant 0 : i32
      %gt3A_47 = arith.cmpi sgt, %scan3A_46, %gt3A : i32
      %convert_element_type3A_48 = arith.extui %gt3A_47 : i1 to i32
      %cond3A_49 = arith.constant 0 : i32
      %cond3A_50 = arith.cmpi ne, %convert_element_type3A_48, %cond3A_49 : i32
      scf.if %cond3A_50 {
        %dma_wait3A_109 = arith.constant 0 : i32
        %dma_wait3A_110 = arith.constant 0 : i32
        %dma_wait3A_111 = tpu.memref_slice %arg7[%dma_wait3A_109, %dma_wait3A_110] : memref<10000x128xf32, #tpu.memory_space<vmem_shared>> -> memref<10000x128xf32, #tpu.memory_space<vmem_shared>>
        tpu.wait_indirect_dma semaphore(%arg22 : memref<!tpu.dma_semaphore, #tpu.memory_space<semaphore_mem>>) src(%arg10 : memref<128x128xf32, #tpu.memory_space<vmem>>) dst(%dma_wait3A_111 : memref<10000x128xf32, #tpu.memory_space<vmem_shared>>)
      } else {
      }
      %mul3A_51 = arith.constant 3 : i32
      %mul3A_52 = arith.muli %mul3A_51, %scan3A_46 : i32
      %add3A_53 = arith.constant 0 : i32
      %add3A_54 = arith.addi %mul3A_52, %add3A_53 : i32
      %mul3A_55 = arith.constant 128 : i32
      %mul3A_56 = arith.muli %add3A_54, %mul3A_55 : i32
      %add3A_57 = arith.addi %mul3A_6, %mul3A_56 : i32
      "tpu.region"() ({
        %run_scoped3A = tpu.sem_alloc : memref<!tpu.dma_semaphore, #tpu.memory_space<semaphore_mem>>
        %dma_start3A_109 = tpu.memref_slice %arg3[%add3A_57] : memref<320000xi32, #tpu.memory_space<hbm>> -> memref<128xi32, #tpu.memory_space<hbm>>
        %dma_start3A_110 = tpu.memref_slice %arg3[%add3A_57] : memref<320000xi32, #tpu.memory_space<hbm>> -> memref<128xi32, #tpu.memory_space<hbm>>
        tpu.enqueue_dma source(%dma_start3A_110 : memref<128xi32, #tpu.memory_space<hbm>>) target(%arg8 : memref<128xi32, #tpu.memory_space<vmem>>) target_semaphore(%run_scoped3A : memref<!tpu.dma_semaphore, #tpu.memory_space<semaphore_mem>>)
        %dma_wait3A_111 = tpu.memref_slice %arg3[%add3A_57] : memref<320000xi32, #tpu.memory_space<hbm>> -> memref<128xi32, #tpu.memory_space<hbm>>
        %dma_wait3A_112 = tpu.memref_slice %arg3[%add3A_57] : memref<320000xi32, #tpu.memory_space<hbm>> -> memref<128xi32, #tpu.memory_space<hbm>>
        tpu.wait_dma2 semaphore(%run_scoped3A : memref<!tpu.dma_semaphore, #tpu.memory_space<semaphore_mem>>) src(%dma_wait3A_112 : memref<128xi32, #tpu.memory_space<hbm>>) dst(%arg8 : memref<128xi32, #tpu.memory_space<vmem>>)
        tpu.yield
      }) : () -> ()
      "tpu.region"() ({
        %run_scoped3A = tpu.sem_alloc : memref<!tpu.dma_semaphore, #tpu.memory_space<semaphore_mem>>
        %dma_start3A_109 = tpu.memref_slice %arg4[%add3A_57] : memref<320000xi32, #tpu.memory_space<hbm>> -> memref<128xi32, #tpu.memory_space<hbm>>
        %dma_start3A_110 = tpu.memref_slice %arg4[%add3A_57] : memref<320000xi32, #tpu.memory_space<hbm>> -> memref<128xi32, #tpu.memory_space<hbm>>
        tpu.enqueue_dma source(%dma_start3A_110 : memref<128xi32, #tpu.memory_space<hbm>>) target(%arg9 : memref<128xi32, #tpu.memory_space<vmem>>) target_semaphore(%run_scoped3A : memref<!tpu.dma_semaphore, #tpu.memory_space<semaphore_mem>>)
        %dma_wait3A_111 = tpu.memref_slice %arg4[%add3A_57] : memref<320000xi32, #tpu.memory_space<hbm>> -> memref<128xi32, #tpu.memory_space<hbm>>
        %dma_wait3A_112 = tpu.memref_slice %arg4[%add3A_57] : memref<320000xi32, #tpu.memory_space<hbm>> -> memref<128xi32, #tpu.memory_space<hbm>>
        tpu.wait_dma2 semaphore(%run_scoped3A : memref<!tpu.dma_semaphore, #tpu.memory_space<semaphore_mem>>) src(%dma_wait3A_112 : memref<128xi32, #tpu.memory_space<hbm>>) dst(%arg9 : memref<128xi32, #tpu.memory_space<vmem>>)
        tpu.yield
      }) : () -> ()
      %dma_start3A_58 = arith.constant 0 : i32
      %dma_start3A_59 = arith.constant 0 : i32
      %dma_start3A_60 = tpu.memref_slice %arg2[%dma_start3A_58, %dma_start3A_59] : memref<10000x128xf32, #tpu.memory_space<hbm>> -> memref<10000x128xf32, #tpu.memory_space<hbm>>
      tpu.enqueue_indirect_dma source(%dma_start3A_60 : memref<10000x128xf32, #tpu.memory_space<hbm>>) target(%arg10 : memref<128x128xf32, #tpu.memory_space<vmem>>) offsets(%arg8 : memref<128xi32, #tpu.memory_space<vmem>>) semaphore(%arg19 : memref<!tpu.dma_semaphore, #tpu.memory_space<semaphore_mem>>)
      %gt3A_61 = arith.constant 0 : i32
      %gt3A_62 = arith.cmpi sgt, %scan3A_46, %gt3A_61 : i32
      %convert_element_type3A_63 = arith.extui %gt3A_62 : i1 to i32
      %cond3A_64 = arith.constant 0 : i32
      %cond3A_65 = arith.cmpi ne, %convert_element_type3A_63, %cond3A_64 : i32
      scf.if %cond3A_65 {
        %dma_wait3A_109 = arith.constant 0 : i32
        %dma_wait3A_110 = arith.constant 0 : i32
        %dma_wait3A_111 = tpu.memref_slice %arg7[%dma_wait3A_109, %dma_wait3A_110] : memref<10000x128xf32, #tpu.memory_space<vmem_shared>> -> memref<10000x128xf32, #tpu.memory_space<vmem_shared>>
        tpu.wait_indirect_dma semaphore(%arg23 : memref<!tpu.dma_semaphore, #tpu.memory_space<semaphore_mem>>) src(%arg13 : memref<128x128xf32, #tpu.memory_space<vmem>>) dst(%dma_wait3A_111 : memref<10000x128xf32, #tpu.memory_space<vmem_shared>>)
      } else {
      }
      %mul3A_66 = arith.constant 3 : i32
      %mul3A_67 = arith.muli %mul3A_66, %scan3A_46 : i32
      %add3A_68 = arith.constant 1 : i32
      %add3A_69 = arith.addi %mul3A_67, %add3A_68 : i32
      %mul3A_70 = arith.constant 128 : i32
      %mul3A_71 = arith.muli %add3A_69, %mul3A_70 : i32
      %add3A_72 = arith.addi %mul3A_6, %mul3A_71 : i32
      "tpu.region"() ({
        %run_scoped3A = tpu.sem_alloc : memref<!tpu.dma_semaphore, #tpu.memory_space<semaphore_mem>>
        %dma_start3A_109 = tpu.memref_slice %arg3[%add3A_72] : memref<320000xi32, #tpu.memory_space<hbm>> -> memref<128xi32, #tpu.memory_space<hbm>>
        %dma_start3A_110 = tpu.memref_slice %arg3[%add3A_72] : memref<320000xi32, #tpu.memory_space<hbm>> -> memref<128xi32, #tpu.memory_space<hbm>>
        tpu.enqueue_dma source(%dma_start3A_110 : memref<128xi32, #tpu.memory_space<hbm>>) target(%arg11 : memref<128xi32, #tpu.memory_space<vmem>>) target_semaphore(%run_scoped3A : memref<!tpu.dma_semaphore, #tpu.memory_space<semaphore_mem>>)
        %dma_wait3A_111 = tpu.memref_slice %arg3[%add3A_72] : memref<320000xi32, #tpu.memory_space<hbm>> -> memref<128xi32, #tpu.memory_space<hbm>>
        %dma_wait3A_112 = tpu.memref_slice %arg3[%add3A_72] : memref<320000xi32, #tpu.memory_space<hbm>> -> memref<128xi32, #tpu.memory_space<hbm>>
        tpu.wait_dma2 semaphore(%run_scoped3A : memref<!tpu.dma_semaphore, #tpu.memory_space<semaphore_mem>>) src(%dma_wait3A_112 : memref<128xi32, #tpu.memory_space<hbm>>) dst(%arg11 : memref<128xi32, #tpu.memory_space<vmem>>)
        tpu.yield
      }) : () -> ()
      "tpu.region"() ({
        %run_scoped3A = tpu.sem_alloc : memref<!tpu.dma_semaphore, #tpu.memory_space<semaphore_mem>>
        %dma_start3A_109 = tpu.memref_slice %arg4[%add3A_72] : memref<320000xi32, #tpu.memory_space<hbm>> -> memref<128xi32, #tpu.memory_space<hbm>>
        %dma_start3A_110 = tpu.memref_slice %arg4[%add3A_72] : memref<320000xi32, #tpu.memory_space<hbm>> -> memref<128xi32, #tpu.memory_space<hbm>>
        tpu.enqueue_dma source(%dma_start3A_110 : memref<128xi32, #tpu.memory_space<hbm>>) target(%arg12 : memref<128xi32, #tpu.memory_space<vmem>>) target_semaphore(%run_scoped3A : memref<!tpu.dma_semaphore, #tpu.memory_space<semaphore_mem>>)
        %dma_wait3A_111 = tpu.memref_slice %arg4[%add3A_72] : memref<320000xi32, #tpu.memory_space<hbm>> -> memref<128xi32, #tpu.memory_space<hbm>>
        %dma_wait3A_112 = tpu.memref_slice %arg4[%add3A_72] : memref<320000xi32, #tpu.memory_space<hbm>> -> memref<128xi32, #tpu.memory_space<hbm>>
        tpu.wait_dma2 semaphore(%run_scoped3A : memref<!tpu.dma_semaphore, #tpu.memory_space<semaphore_mem>>) src(%dma_wait3A_112 : memref<128xi32, #tpu.memory_space<hbm>>) dst(%arg12 : memref<128xi32, #tpu.memory_space<vmem>>)
        tpu.yield
      }) : () -> ()
      %dma_start3A_73 = arith.constant 0 : i32
      %dma_start3A_74 = arith.constant 0 : i32
      %dma_start3A_75 = tpu.memref_slice %arg2[%dma_start3A_73, %dma_start3A_74] : memref<10000x128xf32, #tpu.memory_space<hbm>> -> memref<10000x128xf32, #tpu.memory_space<hbm>>
      tpu.enqueue_indirect_dma source(%dma_start3A_75 : memref<10000x128xf32, #tpu.memory_space<hbm>>) target(%arg13 : memref<128x128xf32, #tpu.memory_space<vmem>>) offsets(%arg11 : memref<128xi32, #tpu.memory_space<vmem>>) semaphore(%arg20 : memref<!tpu.dma_semaphore, #tpu.memory_space<semaphore_mem>>)
      %gt3A_76 = arith.constant 0 : i32
      %gt3A_77 = arith.cmpi sgt, %scan3A_46, %gt3A_76 : i32
      %convert_element_type3A_78 = arith.extui %gt3A_77 : i1 to i32
      %cond3A_79 = arith.constant 0 : i32
      %cond3A_80 = arith.cmpi ne, %convert_element_type3A_78, %cond3A_79 : i32
      scf.if %cond3A_80 {
        %dma_wait3A_109 = arith.constant 0 : i32
        %dma_wait3A_110 = arith.constant 0 : i32
        %dma_wait3A_111 = tpu.memref_slice %arg7[%dma_wait3A_109, %dma_wait3A_110] : memref<10000x128xf32, #tpu.memory_space<vmem_shared>> -> memref<10000x128xf32, #tpu.memory_space<vmem_shared>>
        tpu.wait_indirect_dma semaphore(%arg24 : memref<!tpu.dma_semaphore, #tpu.memory_space<semaphore_mem>>) src(%arg16 : memref<128x128xf32, #tpu.memory_space<vmem>>) dst(%dma_wait3A_111 : memref<10000x128xf32, #tpu.memory_space<vmem_shared>>)
      } else {
      }
      %mul3A_81 = arith.constant 3 : i32
      %mul3A_82 = arith.muli %mul3A_81, %scan3A_46 : i32
      %add3A_83 = arith.constant 2 : i32
      %add3A_84 = arith.addi %mul3A_82, %add3A_83 : i32
      %mul3A_85 = arith.constant 128 : i32
      %mul3A_86 = arith.muli %add3A_84, %mul3A_85 : i32
      %add3A_87 = arith.addi %mul3A_6, %mul3A_86 : i32
      "tpu.region"() ({
        %run_scoped3A = tpu.sem_alloc : memref<!tpu.dma_semaphore, #tpu.memory_space<semaphore_mem>>
        %dma_start3A_109 = tpu.memref_slice %arg3[%add3A_87] : memref<320000xi32, #tpu.memory_space<hbm>> -> memref<128xi32, #tpu.memory_space<hbm>>
        %dma_start3A_110 = tpu.memref_slice %arg3[%add3A_87] : memref<320000xi32, #tpu.memory_space<hbm>> -> memref<128xi32, #tpu.memory_space<hbm>>
        tpu.enqueue_dma source(%dma_start3A_110 : memref<128xi32, #tpu.memory_space<hbm>>) target(%arg14 : memref<128xi32, #tpu.memory_space<vmem>>) target_semaphore(%run_scoped3A : memref<!tpu.dma_semaphore, #tpu.memory_space<semaphore_mem>>)
        %dma_wait3A_111 = tpu.memref_slice %arg3[%add3A_87] : memref<320000xi32, #tpu.memory_space<hbm>> -> memref<128xi32, #tpu.memory_space<hbm>>
        %dma_wait3A_112 = tpu.memref_slice %arg3[%add3A_87] : memref<320000xi32, #tpu.memory_space<hbm>> -> memref<128xi32, #tpu.memory_space<hbm>>
        tpu.wait_dma2 semaphore(%run_scoped3A : memref<!tpu.dma_semaphore, #tpu.memory_space<semaphore_mem>>) src(%dma_wait3A_112 : memref<128xi32, #tpu.memory_space<hbm>>) dst(%arg14 : memref<128xi32, #tpu.memory_space<vmem>>)
        tpu.yield
      }) : () -> ()
      "tpu.region"() ({
        %run_scoped3A = tpu.sem_alloc : memref<!tpu.dma_semaphore, #tpu.memory_space<semaphore_mem>>
        %dma_start3A_109 = tpu.memref_slice %arg4[%add3A_87] : memref<320000xi32, #tpu.memory_space<hbm>> -> memref<128xi32, #tpu.memory_space<hbm>>
        %dma_start3A_110 = tpu.memref_slice %arg4[%add3A_87] : memref<320000xi32, #tpu.memory_space<hbm>> -> memref<128xi32, #tpu.memory_space<hbm>>
        tpu.enqueue_dma source(%dma_start3A_110 : memref<128xi32, #tpu.memory_space<hbm>>) target(%arg15 : memref<128xi32, #tpu.memory_space<vmem>>) target_semaphore(%run_scoped3A : memref<!tpu.dma_semaphore, #tpu.memory_space<semaphore_mem>>)
        %dma_wait3A_111 = tpu.memref_slice %arg4[%add3A_87] : memref<320000xi32, #tpu.memory_space<hbm>> -> memref<128xi32, #tpu.memory_space<hbm>>
        %dma_wait3A_112 = tpu.memref_slice %arg4[%add3A_87] : memref<320000xi32, #tpu.memory_space<hbm>> -> memref<128xi32, #tpu.memory_space<hbm>>
        tpu.wait_dma2 semaphore(%run_scoped3A : memref<!tpu.dma_semaphore, #tpu.memory_space<semaphore_mem>>) src(%dma_wait3A_112 : memref<128xi32, #tpu.memory_space<hbm>>) dst(%arg15 : memref<128xi32, #tpu.memory_space<vmem>>)
        tpu.yield
      }) : () -> ()
      %dma_start3A_88 = arith.constant 0 : i32
      %dma_start3A_89 = arith.constant 0 : i32
      %dma_start3A_90 = tpu.memref_slice %arg2[%dma_start3A_88, %dma_start3A_89] : memref<10000x128xf32, #tpu.memory_space<hbm>> -> memref<10000x128xf32, #tpu.memory_space<hbm>>
      tpu.enqueue_indirect_dma source(%dma_start3A_90 : memref<10000x128xf32, #tpu.memory_space<hbm>>) target(%arg16 : memref<128x128xf32, #tpu.memory_space<vmem>>) offsets(%arg14 : memref<128xi32, #tpu.memory_space<vmem>>) semaphore(%arg21 : memref<!tpu.dma_semaphore, #tpu.memory_space<semaphore_mem>>)
      %dma_wait3A_91 = arith.constant 0 : i32
      %dma_wait3A_92 = arith.constant 0 : i32
      %dma_wait3A_93 = tpu.memref_slice %arg2[%dma_wait3A_91, %dma_wait3A_92] : memref<10000x128xf32, #tpu.memory_space<hbm>> -> memref<10000x128xf32, #tpu.memory_space<hbm>>
      tpu.wait_indirect_dma semaphore(%arg19 : memref<!tpu.dma_semaphore, #tpu.memory_space<semaphore_mem>>) src(%dma_wait3A_93 : memref<10000x128xf32, #tpu.memory_space<hbm>>) dst(%arg10 : memref<128x128xf32, #tpu.memory_space<vmem>>)
      %dma_start3A_94 = arith.constant 0 : i32
      %dma_start3A_95 = arith.constant 0 : i32
      %dma_start3A_96 = tpu.memref_slice %arg7[%dma_start3A_94, %dma_start3A_95] : memref<10000x128xf32, #tpu.memory_space<vmem_shared>> -> memref<10000x128xf32, #tpu.memory_space<vmem_shared>>
      tpu.enqueue_indirect_dma source(%arg10 : memref<128x128xf32, #tpu.memory_space<vmem>>) target(%dma_start3A_96 : memref<10000x128xf32, #tpu.memory_space<vmem_shared>>) offsets(%arg9 : memref<128xi32, #tpu.memory_space<vmem>>) semaphore(%arg22 : memref<!tpu.dma_semaphore, #tpu.memory_space<semaphore_mem>>) {add = true}
      %dma_wait3A_97 = arith.constant 0 : i32
      %dma_wait3A_98 = arith.constant 0 : i32
      %dma_wait3A_99 = tpu.memref_slice %arg2[%dma_wait3A_97, %dma_wait3A_98] : memref<10000x128xf32, #tpu.memory_space<hbm>> -> memref<10000x128xf32, #tpu.memory_space<hbm>>
      tpu.wait_indirect_dma semaphore(%arg20 : memref<!tpu.dma_semaphore, #tpu.memory_space<semaphore_mem>>) src(%dma_wait3A_99 : memref<10000x128xf32, #tpu.memory_space<hbm>>) dst(%arg13 : memref<128x128xf32, #tpu.memory_space<vmem>>)
      %dma_start3A_100 = arith.constant 0 : i32
      %dma_start3A_101 = arith.constant 0 : i32
      %dma_start3A_102 = tpu.memref_slice %arg7[%dma_start3A_100, %dma_start3A_101] : memref<10000x128xf32, #tpu.memory_space<vmem_shared>> -> memref<10000x128xf32, #tpu.memory_space<vmem_shared>>
      tpu.enqueue_indirect_dma source(%arg13 : memref<128x128xf32, #tpu.memory_space<vmem>>) target(%dma_start3A_102 : memref<10000x128xf32, #tpu.memory_space<vmem_shared>>) offsets(%arg12 : memref<128xi32, #tpu.memory_space<vmem>>) semaphore(%arg23 : memref<!tpu.dma_semaphore, #tpu.memory_space<semaphore_mem>>) {add = true}
      %dma_wait3A_103 = arith.constant 0 : i32
      %dma_wait3A_104 = arith.constant 0 : i32
      %dma_wait3A_105 = tpu.memref_slice %arg2[%dma_wait3A_103, %dma_wait3A_104] : memref<10000x128xf32, #tpu.memory_space<hbm>> -> memref<10000x128xf32, #tpu.memory_space<hbm>>
      tpu.wait_indirect_dma semaphore(%arg21 : memref<!tpu.dma_semaphore, #tpu.memory_space<semaphore_mem>>) src(%dma_wait3A_105 : memref<10000x128xf32, #tpu.memory_space<hbm>>) dst(%arg16 : memref<128x128xf32, #tpu.memory_space<vmem>>)
      %dma_start3A_106 = arith.constant 0 : i32
      %dma_start3A_107 = arith.constant 0 : i32
      %dma_start3A_108 = tpu.memref_slice %arg7[%dma_start3A_106, %dma_start3A_107] : memref<10000x128xf32, #tpu.memory_space<vmem_shared>> -> memref<10000x128xf32, #tpu.memory_space<vmem_shared>>
      tpu.enqueue_indirect_dma source(%arg16 : memref<128x128xf32, #tpu.memory_space<vmem>>) target(%dma_start3A_108 : memref<10000x128xf32, #tpu.memory_space<vmem_shared>>) offsets(%arg15 : memref<128xi32, #tpu.memory_space<vmem>>) semaphore(%arg24 : memref<!tpu.dma_semaphore, #tpu.memory_space<semaphore_mem>>) {add = true}
    }
    %scan3A_11 = arith.constant 26 : i32
    %dma_wait3A = arith.constant 0 : i32
    %dma_wait3A_12 = arith.constant 0 : i32
    %dma_wait3A_13 = tpu.memref_slice %arg7[%dma_wait3A, %dma_wait3A_12] : memref<10000x128xf32, #tpu.memory_space<vmem_shared>> -> memref<10000x128xf32, #tpu.memory_space<vmem_shared>>
    tpu.wait_indirect_dma semaphore(%arg22 : memref<!tpu.dma_semaphore, #tpu.memory_space<semaphore_mem>>) src(%arg10 : memref<128x128xf32, #tpu.memory_space<vmem>>) dst(%dma_wait3A_13 : memref<10000x128xf32, #tpu.memory_space<vmem_shared>>)
    %dma_wait3A_14 = arith.constant 0 : i32
    %dma_wait3A_15 = arith.constant 0 : i32
    %dma_wait3A_16 = tpu.memref_slice %arg7[%dma_wait3A_14, %dma_wait3A_15] : memref<10000x128xf32, #tpu.memory_space<vmem_shared>> -> memref<10000x128xf32, #tpu.memory_space<vmem_shared>>
    tpu.wait_indirect_dma semaphore(%arg23 : memref<!tpu.dma_semaphore, #tpu.memory_space<semaphore_mem>>) src(%arg13 : memref<128x128xf32, #tpu.memory_space<vmem>>) dst(%dma_wait3A_16 : memref<10000x128xf32, #tpu.memory_space<vmem_shared>>)
    %dma_wait3A_17 = arith.constant 0 : i32
    %dma_wait3A_18 = arith.constant 0 : i32
    %dma_wait3A_19 = tpu.memref_slice %arg7[%dma_wait3A_17, %dma_wait3A_18] : memref<10000x128xf32, #tpu.memory_space<vmem_shared>> -> memref<10000x128xf32, #tpu.memory_space<vmem_shared>>
    tpu.wait_indirect_dma semaphore(%arg24 : memref<!tpu.dma_semaphore, #tpu.memory_space<semaphore_mem>>) src(%arg16 : memref<128x128xf32, #tpu.memory_space<vmem>>) dst(%dma_wait3A_19 : memref<10000x128xf32, #tpu.memory_space<vmem_shared>>)
    %add3A_20 = arith.constant 9984 : i32
    %add3A_21 = arith.addi %mul3A_6, %add3A_20 : i32
    "tpu.region"() ({
      %run_scoped3A = tpu.sem_alloc : memref<!tpu.dma_semaphore, #tpu.memory_space<semaphore_mem>>
      %dma_start3A_46 = tpu.memref_slice %arg3[%add3A_21] : memref<320000xi32, #tpu.memory_space<hbm>> -> memref<16xi32, #tpu.memory_space<hbm>>
      %dma_start3A_47 = tpu.memref_slice %arg3[%add3A_21] : memref<320000xi32, #tpu.memory_space<hbm>> -> memref<16xi32, #tpu.memory_space<hbm>>
      tpu.enqueue_dma source(%dma_start3A_47 : memref<16xi32, #tpu.memory_space<hbm>>) target(%arg17 : memref<16xi32, #tpu.memory_space<vmem>>) target_semaphore(%run_scoped3A : memref<!tpu.dma_semaphore, #tpu.memory_space<semaphore_mem>>)
      %dma_wait3A_48 = tpu.memref_slice %arg3[%add3A_21] : memref<320000xi32, #tpu.memory_space<hbm>> -> memref<16xi32, #tpu.memory_space<hbm>>
      %dma_wait3A_49 = tpu.memref_slice %arg3[%add3A_21] : memref<320000xi32, #tpu.memory_space<hbm>> -> memref<16xi32, #tpu.memory_space<hbm>>
      tpu.wait_dma2 semaphore(%run_scoped3A : memref<!tpu.dma_semaphore, #tpu.memory_space<semaphore_mem>>) src(%dma_wait3A_49 : memref<16xi32, #tpu.memory_space<hbm>>) dst(%arg17 : memref<16xi32, #tpu.memory_space<vmem>>)
      tpu.yield
    }) : () -> ()
    "tpu.region"() ({
      %run_scoped3A = tpu.sem_alloc : memref<!tpu.dma_semaphore, #tpu.memory_space<semaphore_mem>>
      %dma_start3A_46 = tpu.memref_slice %arg4[%add3A_21] : memref<320000xi32, #tpu.memory_space<hbm>> -> memref<16xi32, #tpu.memory_space<hbm>>
      %dma_start3A_47 = tpu.memref_slice %arg4[%add3A_21] : memref<320000xi32, #tpu.memory_space<hbm>> -> memref<16xi32, #tpu.memory_space<hbm>>
      tpu.enqueue_dma source(%dma_start3A_47 : memref<16xi32, #tpu.memory_space<hbm>>) target(%arg18 : memref<16xi32, #tpu.memory_space<vmem>>) target_semaphore(%run_scoped3A : memref<!tpu.dma_semaphore, #tpu.memory_space<semaphore_mem>>)
      %dma_wait3A_48 = tpu.memref_slice %arg4[%add3A_21] : memref<320000xi32, #tpu.memory_space<hbm>> -> memref<16xi32, #tpu.memory_space<hbm>>
      %dma_wait3A_49 = tpu.memref_slice %arg4[%add3A_21] : memref<320000xi32, #tpu.memory_space<hbm>> -> memref<16xi32, #tpu.memory_space<hbm>>
      tpu.wait_dma2 semaphore(%run_scoped3A : memref<!tpu.dma_semaphore, #tpu.memory_space<semaphore_mem>>) src(%dma_wait3A_49 : memref<16xi32, #tpu.memory_space<hbm>>) dst(%arg18 : memref<16xi32, #tpu.memory_space<vmem>>)
      tpu.yield
    }) : () -> ()
    %dma_start3A = arith.constant 0 : i32
    %dma_start3A_22 = arith.constant 0 : i32
    %dma_start3A_23 = tpu.memref_slice %arg10[%dma_start3A, %dma_start3A_22] : memref<128x128xf32, #tpu.memory_space<vmem>> -> memref<16x128xf32, #tpu.memory_space<vmem>>
    %dma_start3A_24 = arith.constant 0 : i32
    %dma_start3A_25 = arith.constant 0 : i32
    %dma_start3A_26 = tpu.memref_slice %arg2[%dma_start3A_24, %dma_start3A_25] : memref<10000x128xf32, #tpu.memory_space<hbm>> -> memref<10000x128xf32, #tpu.memory_space<hbm>>
    tpu.enqueue_indirect_dma source(%dma_start3A_26 : memref<10000x128xf32, #tpu.memory_space<hbm>>) target(%dma_start3A_23 : memref<16x128xf32, #tpu.memory_space<vmem>>) offsets(%arg17 : memref<16xi32, #tpu.memory_space<vmem>>) semaphore(%arg25 : memref<!tpu.dma_semaphore, #tpu.memory_space<semaphore_mem>>)
    %dma_wait3A_27 = arith.constant 0 : i32
    %dma_wait3A_28 = arith.constant 0 : i32
    %dma_wait3A_29 = tpu.memref_slice %arg10[%dma_wait3A_27, %dma_wait3A_28] : memref<128x128xf32, #tpu.memory_space<vmem>> -> memref<16x128xf32, #tpu.memory_space<vmem>>
    %dma_wait3A_30 = arith.constant 0 : i32
    %dma_wait3A_31 = arith.constant 0 : i32
    %dma_wait3A_32 = tpu.memref_slice %arg2[%dma_wait3A_30, %dma_wait3A_31] : memref<10000x128xf32, #tpu.memory_space<hbm>> -> memref<10000x128xf32, #tpu.memory_space<hbm>>
    tpu.wait_indirect_dma semaphore(%arg25 : memref<!tpu.dma_semaphore, #tpu.memory_space<semaphore_mem>>) src(%dma_wait3A_32 : memref<10000x128xf32, #tpu.memory_space<hbm>>) dst(%dma_wait3A_29 : memref<16x128xf32, #tpu.memory_space<vmem>>)
    "tpu.region"() ({
      %run_scoped3A = tpu.sem_alloc : memref<!tpu.dma_semaphore, #tpu.memory_space<semaphore_mem>>
      %dma_start3A_46 = arith.constant 0 : i32
      %dma_start3A_47 = arith.constant 0 : i32
      %dma_start3A_48 = tpu.memref_slice %arg10[%dma_start3A_46, %dma_start3A_47] : memref<128x128xf32, #tpu.memory_space<vmem>> -> memref<16x128xf32, #tpu.memory_space<vmem>>
      %dma_start3A_49 = arith.constant 0 : i32
      %dma_start3A_50 = arith.constant 0 : i32
      %dma_start3A_51 = tpu.memref_slice %arg7[%dma_start3A_49, %dma_start3A_50] : memref<10000x128xf32, #tpu.memory_space<vmem_shared>> -> memref<10000x128xf32, #tpu.memory_space<vmem_shared>>
      tpu.enqueue_indirect_dma source(%dma_start3A_48 : memref<16x128xf32, #tpu.memory_space<vmem>>) target(%dma_start3A_51 : memref<10000x128xf32, #tpu.memory_space<vmem_shared>>) offsets(%arg18 : memref<16xi32, #tpu.memory_space<vmem>>) semaphore(%run_scoped3A : memref<!tpu.dma_semaphore, #tpu.memory_space<semaphore_mem>>) {add = true}
      %dma_wait3A_52 = arith.constant 0 : i32
      %dma_wait3A_53 = arith.constant 0 : i32
      %dma_wait3A_54 = tpu.memref_slice %arg10[%dma_wait3A_52, %dma_wait3A_53] : memref<128x128xf32, #tpu.memory_space<vmem>> -> memref<16x128xf32, #tpu.memory_space<vmem>>
      %dma_wait3A_55 = arith.constant 0 : i32
      %dma_wait3A_56 = arith.constant 0 : i32
      %dma_wait3A_57 = tpu.memref_slice %arg7[%dma_wait3A_55, %dma_wait3A_56] : memref<10000x128xf32, #tpu.memory_space<vmem_shared>> -> memref<10000x128xf32, #tpu.memory_space<vmem_shared>>
      tpu.wait_indirect_dma semaphore(%run_scoped3A : memref<!tpu.dma_semaphore, #tpu.memory_space<semaphore_mem>>) src(%dma_wait3A_54 : memref<16x128xf32, #tpu.memory_space<vmem>>) dst(%dma_wait3A_57 : memref<10000x128xf32, #tpu.memory_space<vmem_shared>>)
      tpu.yield
    }) : () -> ()
    %barrier3A_33 = arith.constant 0 : index
    tpu.barrier barrier_id(%barrier3A_33)
    %mul3A_34 = arith.constant 624 : i32
    %mul3A_35 = arith.muli %arg1, %mul3A_34 : i32
    %mul3A_36 = arith.constant 10000 : i32
    %mul3A_37 = arith.muli %arg0, %mul3A_36 : i32
    %mul3A_38 = arith.constant 624 : i32
    %mul3A_39 = arith.muli %arg1, %mul3A_38 : i32
    %add3A_40 = arith.addi %mul3A_37, %mul3A_39 : i32
    "tpu.region"() ({
      %run_scoped3A = tpu.sem_alloc : memref<!tpu.dma_semaphore, #tpu.memory_space<semaphore_mem>>
      %dma_start3A_46 = arith.constant 0 : i32
      %dma_start3A_47 = tpu.memref_slice %arg6[%add3A_40, %dma_start3A_46] : memref<20000x128xf32, #tpu.memory_space<hbm>> -> memref<624x128xf32, #tpu.memory_space<hbm>>
      %dma_start3A_48 = arith.constant 0 : i32
      %dma_start3A_49 = tpu.memref_slice %arg7[%mul3A_35, %dma_start3A_48] : memref<10000x128xf32, #tpu.memory_space<vmem_shared>> -> memref<624x128xf32, #tpu.memory_space<vmem_shared>>
      tpu.enqueue_dma source(%dma_start3A_49 : memref<624x128xf32, #tpu.memory_space<vmem_shared>>) target(%dma_start3A_47 : memref<624x128xf32, #tpu.memory_space<hbm>>) target_semaphore(%run_scoped3A : memref<!tpu.dma_semaphore, #tpu.memory_space<semaphore_mem>>)
      %dma_wait3A_50 = arith.constant 0 : i32
      %dma_wait3A_51 = tpu.memref_slice %arg6[%add3A_40, %dma_wait3A_50] : memref<20000x128xf32, #tpu.memory_space<hbm>> -> memref<624x128xf32, #tpu.memory_space<hbm>>
      %dma_wait3A_52 = arith.constant 0 : i32
      %dma_wait3A_53 = tpu.memref_slice %arg7[%mul3A_35, %dma_wait3A_52] : memref<10000x128xf32, #tpu.memory_space<vmem_shared>> -> memref<624x128xf32, #tpu.memory_space<vmem_shared>>
      tpu.wait_dma2 semaphore(%run_scoped3A : memref<!tpu.dma_semaphore, #tpu.memory_space<semaphore_mem>>) src(%dma_wait3A_53 : memref<624x128xf32, #tpu.memory_space<vmem_shared>>) dst(%dma_wait3A_51 : memref<624x128xf32, #tpu.memory_space<hbm>>)
      tpu.yield
    }) : () -> ()
    %eq3A_41 = arith.constant 15 : i32
    %eq3A_42 = arith.cmpi eq, %arg1, %eq3A_41 : i32
    %convert_element_type3A_43 = arith.extui %eq3A_42 : i1 to i32
    %cond3A_44 = arith.constant 0 : i32
    %cond3A_45 = arith.cmpi ne, %convert_element_type3A_43, %cond3A_44 : i32
    scf.if %cond3A_45 {
      %mul3A_46 = arith.constant 10000 : i32
      %mul3A_47 = arith.muli %arg0, %mul3A_46 : i32
      %add3A_48 = arith.constant 9984 : i32
      %add3A_49 = arith.addi %mul3A_47, %add3A_48 : i32
      "tpu.region"() ({
        %run_scoped3A = tpu.sem_alloc : memref<!tpu.dma_semaphore, #tpu.memory_space<semaphore_mem>>
        %dma_start3A_50 = arith.constant 0 : i32
        %dma_start3A_51 = tpu.memref_slice %arg6[%add3A_49, %dma_start3A_50] : memref<20000x128xf32, #tpu.memory_space<hbm>> -> memref<16x128xf32, #tpu.memory_space<hbm>>
        %dma_start3A_52 = arith.constant 9984 : i32
        %dma_start3A_53 = arith.constant 0 : i32
        %dma_start3A_54 = tpu.memref_slice %arg7[%dma_start3A_52, %dma_start3A_53] : memref<10000x128xf32, #tpu.memory_space<vmem_shared>> -> memref<16x128xf32, #tpu.memory_space<vmem_shared>>
        tpu.enqueue_dma source(%dma_start3A_54 : memref<16x128xf32, #tpu.memory_space<vmem_shared>>) target(%dma_start3A_51 : memref<16x128xf32, #tpu.memory_space<hbm>>) target_semaphore(%run_scoped3A : memref<!tpu.dma_semaphore, #tpu.memory_space<semaphore_mem>>)
        %dma_wait3A_55 = arith.constant 0 : i32
        %dma_wait3A_56 = tpu.memref_slice %arg6[%add3A_49, %dma_wait3A_55] : memref<20000x128xf32, #tpu.memory_space<hbm>> -> memref<16x128xf32, #tpu.memory_space<hbm>>
        %dma_wait3A_57 = arith.constant 9984 : i32
        %dma_wait3A_58 = arith.constant 0 : i32
        %dma_wait3A_59 = tpu.memref_slice %arg7[%dma_wait3A_57, %dma_wait3A_58] : memref<10000x128xf32, #tpu.memory_space<vmem_shared>> -> memref<16x128xf32, #tpu.memory_space<vmem_shared>>
        tpu.wait_dma2 semaphore(%run_scoped3A : memref<!tpu.dma_semaphore, #tpu.memory_space<semaphore_mem>>) src(%dma_wait3A_59 : memref<16x128xf32, #tpu.memory_space<vmem_shared>>) dst(%dma_wait3A_56 : memref<16x128xf32, #tpu.memory_space<hbm>>)
        tpu.yield
      }) : () -> ()
    } else {
    }
    return
  }
}

#map = affine_map<(d0, d1) -> (0, 0)>
#map1 = affine_map<(d0, d1) -> (0)>
module attributes {stable_mosaic.version = 14 : i64} {
  func.func @_sc_scatter_body(%arg0: i32, %arg1: i32, %arg2: memref<10000x128xf32, #tpu.memory_space<hbm>>, %arg3: memref<320000xi32, #tpu.memory_space<hbm>>, %arg4: memref<320000xi32, #tpu.memory_space<hbm>>, %arg5: memref<624x128xf32, #tpu.memory_space<hbm>>, %arg6: memref<20000x128xf32, #tpu.memory_space<hbm>>, %arg7: memref<10000x128xf32, #tpu.memory_space<vmem_shared>>, %arg8: memref<128xi32, #tpu.memory_space<vmem>>, %arg9: memref<128xi32, #tpu.memory_space<vmem>>, %arg10: memref<128x128xf32, #tpu.memory_space<vmem>>, %arg11: memref<128xi32, #tpu.memory_space<vmem>>, %arg12: memref<128xi32, #tpu.memory_space<vmem>>, %arg13: memref<128x128xf32, #tpu.memory_space<vmem>>, %arg14: memref<128xi32, #tpu.memory_space<vmem>>, %arg15: memref<128xi32, #tpu.memory_space<vmem>>, %arg16: memref<128x128xf32, #tpu.memory_space<vmem>>, %arg17: memref<16xi32, #tpu.memory_space<vmem>>, %arg18: memref<16xi32, #tpu.memory_space<vmem>>, %arg19: memref<!tpu.dma_semaphore, #tpu.memory_space<semaphore_mem>>, %arg20: memref<!tpu.dma_semaphore, #tpu.memory_space<semaphore_mem>>, %arg21: memref<!tpu.dma_semaphore, #tpu.memory_space<semaphore_mem>>, %arg22: memref<!tpu.dma_semaphore, #tpu.memory_space<semaphore_mem>>, %arg23: memref<!tpu.dma_semaphore, #tpu.memory_space<semaphore_mem>>, %arg24: memref<!tpu.dma_semaphore, #tpu.memory_space<semaphore_mem>>, %arg25: memref<!tpu.dma_semaphore, #tpu.memory_space<semaphore_mem>>) attributes {dimension_semantics = [#tpu.dimension_semantics<core_parallel>, #tpu.dimension_semantics<subcore_parallel>], iteration_bounds = array<i64: 2, 16>, scalar_prefetch = 0 : i64, scratch_operands = 19 : i64, tpu.core_type = #tpu.core_type<sc_vector_subcore>, window_params = [{transform_indices = #map}, {transform_indices = #map1}, {transform_indices = #map1}, {transform_indices = #map}, {transform_indices = #map}]} {
    %mul3A = arith.constant 2 : i32
    %mul3A_0 = arith.muli %arg1, %mul3A : i32
    %add3A = arith.addi %mul3A_0, %arg0 : i32
    %mul3A_1 = arith.constant 624 : i32
    %mul3A_2 = arith.muli %arg1, %mul3A_1 : i32
    "tpu.region"() ({
      %run_scoped3A = tpu.sem_alloc : memref<!tpu.dma_semaphore, #tpu.memory_space<semaphore_mem>>
      %dma_start3A_46 = arith.constant 0 : i32
      %dma_start3A_47 = tpu.memref_slice %arg7[%mul3A_2, %dma_start3A_46] : memref<10000x128xf32, #tpu.memory_space<vmem_shared>> -> memref<624x128xf32, #tpu.memory_space<vmem_shared>>
      tpu.enqueue_dma source(%arg5 : memref<624x128xf32, #tpu.memory_space<hbm>>) target(%dma_start3A_47 : memref<624x128xf32, #tpu.memory_space<vmem_shared>>) target_semaphore(%run_scoped3A : memref<!tpu.dma_semaphore, #tpu.memory_space<semaphore_mem>>)
      %dma_wait3A_48 = arith.constant 0 : i32
      %dma_wait3A_49 = tpu.memref_slice %arg7[%mul3A_2, %dma_wait3A_48] : memref<10000x128xf32, #tpu.memory_space<vmem_shared>> -> memref<624x128xf32, #tpu.memory_space<vmem_shared>>
      tpu.wait_dma2 semaphore(%run_scoped3A : memref<!tpu.dma_semaphore, #tpu.memory_space<semaphore_mem>>) src(%arg5 : memref<624x128xf32, #tpu.memory_space<hbm>>) dst(%dma_wait3A_49 : memref<624x128xf32, #tpu.memory_space<vmem_shared>>)
      tpu.yield
    }) : () -> ()
    %eq3A = arith.constant 15 : i32
    %eq3A_3 = arith.cmpi eq, %arg1, %eq3A : i32
    %convert_element_type3A = arith.extui %eq3A_3 : i1 to i32
    %cond3A = arith.constant 0 : i32
    %cond3A_4 = arith.cmpi ne, %convert_element_type3A, %cond3A : i32
    scf.if %cond3A_4 {
      "tpu.region"() ({
        %run_scoped3A = tpu.sem_alloc : memref<!tpu.dma_semaphore, #tpu.memory_space<semaphore_mem>>
        %dma_start3A_46 = arith.constant 9984 : i32
        %dma_start3A_47 = arith.constant 0 : i32
        %dma_start3A_48 = tpu.memref_slice %arg7[%dma_start3A_46, %dma_start3A_47] : memref<10000x128xf32, #tpu.memory_space<vmem_shared>> -> memref<16x128xf32, #tpu.memory_space<vmem_shared>>
        %dma_start3A_49 = arith.constant 0 : i32
        %dma_start3A_50 = arith.constant 0 : i32
        %dma_start3A_51 = tpu.memref_slice %arg5[%dma_start3A_49, %dma_start3A_50] : memref<624x128xf32, #tpu.memory_space<hbm>> -> memref<16x128xf32, #tpu.memory_space<hbm>>
        tpu.enqueue_dma source(%dma_start3A_51 : memref<16x128xf32, #tpu.memory_space<hbm>>) target(%dma_start3A_48 : memref<16x128xf32, #tpu.memory_space<vmem_shared>>) target_semaphore(%run_scoped3A : memref<!tpu.dma_semaphore, #tpu.memory_space<semaphore_mem>>)
        %dma_wait3A_52 = arith.constant 9984 : i32
        %dma_wait3A_53 = arith.constant 0 : i32
        %dma_wait3A_54 = tpu.memref_slice %arg7[%dma_wait3A_52, %dma_wait3A_53] : memref<10000x128xf32, #tpu.memory_space<vmem_shared>> -> memref<16x128xf32, #tpu.memory_space<vmem_shared>>
        %dma_wait3A_55 = arith.constant 0 : i32
        %dma_wait3A_56 = arith.constant 0 : i32
        %dma_wait3A_57 = tpu.memref_slice %arg5[%dma_wait3A_55, %dma_wait3A_56] : memref<624x128xf32, #tpu.memory_space<hbm>> -> memref<16x128xf32, #tpu.memory_space<hbm>>
        tpu.wait_dma2 semaphore(%run_scoped3A : memref<!tpu.dma_semaphore, #tpu.memory_space<semaphore_mem>>) src(%dma_wait3A_57 : memref<16x128xf32, #tpu.memory_space<hbm>>) dst(%dma_wait3A_54 : memref<16x128xf32, #tpu.memory_space<vmem_shared>>)
        tpu.yield
      }) : () -> ()
    } else {
    }
    %barrier3A = arith.constant 0 : index
    tpu.barrier barrier_id(%barrier3A)
    %mul3A_5 = arith.constant 10000 : i32
    %mul3A_6 = arith.muli %add3A, %mul3A_5 : i32
    %scan3A = arith.constant 0 : i32
    %scan3A_7 = arith.constant 0 : i32
    %scan3A_8 = arith.constant 26 : i32
    %scan3A_9 = arith.addi %scan3A_7, %scan3A_8 : i32
    %scan3A_10 = arith.constant 1 : i32
    scf.for %scan3A_46 = %scan3A_7 to %scan3A_9 step %scan3A_10  : i32 {
      %gt3A = arith.constant 0 : i32
      %gt3A_47 = arith.cmpi sgt, %scan3A_46, %gt3A : i32
      %convert_element_type3A_48 = arith.extui %gt3A_47 : i1 to i32
      %cond3A_49 = arith.constant 0 : i32
      %cond3A_50 = arith.cmpi ne, %convert_element_type3A_48, %cond3A_49 : i32
      scf.if %cond3A_50 {
        %dma_wait3A_109 = arith.constant 0 : i32
        %dma_wait3A_110 = arith.constant 0 : i32
        %dma_wait3A_111 = tpu.memref_slice %arg7[%dma_wait3A_109, %dma_wait3A_110] : memref<10000x128xf32, #tpu.memory_space<vmem_shared>> -> memref<10000x128xf32, #tpu.memory_space<vmem_shared>>
        tpu.wait_indirect_dma semaphore(%arg22 : memref<!tpu.dma_semaphore, #tpu.memory_space<semaphore_mem>>) src(%arg10 : memref<128x128xf32, #tpu.memory_space<vmem>>) dst(%dma_wait3A_111 : memref<10000x128xf32, #tpu.memory_space<vmem_shared>>)
      } else {
      }
      %mul3A_51 = arith.constant 3 : i32
      %mul3A_52 = arith.muli %mul3A_51, %scan3A_46 : i32
      %add3A_53 = arith.constant 0 : i32
      %add3A_54 = arith.addi %mul3A_52, %add3A_53 : i32
      %mul3A_55 = arith.constant 128 : i32
      %mul3A_56 = arith.muli %add3A_54, %mul3A_55 : i32
      %add3A_57 = arith.addi %mul3A_6, %mul3A_56 : i32
      "tpu.region"() ({
        %run_scoped3A = tpu.sem_alloc : memref<!tpu.dma_semaphore, #tpu.memory_space<semaphore_mem>>
        %dma_start3A_109 = tpu.memref_slice %arg3[%add3A_57] : memref<320000xi32, #tpu.memory_space<hbm>> -> memref<128xi32, #tpu.memory_space<hbm>>
        %dma_start3A_110 = tpu.memref_slice %arg3[%add3A_57] : memref<320000xi32, #tpu.memory_space<hbm>> -> memref<128xi32, #tpu.memory_space<hbm>>
        tpu.enqueue_dma source(%dma_start3A_110 : memref<128xi32, #tpu.memory_space<hbm>>) target(%arg8 : memref<128xi32, #tpu.memory_space<vmem>>) target_semaphore(%run_scoped3A : memref<!tpu.dma_semaphore, #tpu.memory_space<semaphore_mem>>)
        %dma_wait3A_111 = tpu.memref_slice %arg3[%add3A_57] : memref<320000xi32, #tpu.memory_space<hbm>> -> memref<128xi32, #tpu.memory_space<hbm>>
        %dma_wait3A_112 = tpu.memref_slice %arg3[%add3A_57] : memref<320000xi32, #tpu.memory_space<hbm>> -> memref<128xi32, #tpu.memory_space<hbm>>
        tpu.wait_dma2 semaphore(%run_scoped3A : memref<!tpu.dma_semaphore, #tpu.memory_space<semaphore_mem>>) src(%dma_wait3A_112 : memref<128xi32, #tpu.memory_space<hbm>>) dst(%arg8 : memref<128xi32, #tpu.memory_space<vmem>>)
        tpu.yield
      }) : () -> ()
      "tpu.region"() ({
        %run_scoped3A = tpu.sem_alloc : memref<!tpu.dma_semaphore, #tpu.memory_space<semaphore_mem>>
        %dma_start3A_109 = tpu.memref_slice %arg4[%add3A_57] : memref<320000xi32, #tpu.memory_space<hbm>> -> memref<128xi32, #tpu.memory_space<hbm>>
        %dma_start3A_110 = tpu.memref_slice %arg4[%add3A_57] : memref<320000xi32, #tpu.memory_space<hbm>> -> memref<128xi32, #tpu.memory_space<hbm>>
        tpu.enqueue_dma source(%dma_start3A_110 : memref<128xi32, #tpu.memory_space<hbm>>) target(%arg9 : memref<128xi32, #tpu.memory_space<vmem>>) target_semaphore(%run_scoped3A : memref<!tpu.dma_semaphore, #tpu.memory_space<semaphore_mem>>)
        %dma_wait3A_111 = tpu.memref_slice %arg4[%add3A_57] : memref<320000xi32, #tpu.memory_space<hbm>> -> memref<128xi32, #tpu.memory_space<hbm>>
        %dma_wait3A_112 = tpu.memref_slice %arg4[%add3A_57] : memref<320000xi32, #tpu.memory_space<hbm>> -> memref<128xi32, #tpu.memory_space<hbm>>
        tpu.wait_dma2 semaphore(%run_scoped3A : memref<!tpu.dma_semaphore, #tpu.memory_space<semaphore_mem>>) src(%dma_wait3A_112 : memref<128xi32, #tpu.memory_space<hbm>>) dst(%arg9 : memref<128xi32, #tpu.memory_space<vmem>>)
        tpu.yield
      }) : () -> ()
      %dma_start3A_58 = arith.constant 0 : i32
      %dma_start3A_59 = arith.constant 0 : i32
      %dma_start3A_60 = tpu.memref_slice %arg2[%dma_start3A_58, %dma_start3A_59] : memref<10000x128xf32, #tpu.memory_space<hbm>> -> memref<10000x128xf32, #tpu.memory_space<hbm>>
      tpu.enqueue_indirect_dma source(%dma_start3A_60 : memref<10000x128xf32, #tpu.memory_space<hbm>>) target(%arg10 : memref<128x128xf32, #tpu.memory_space<vmem>>) offsets(%arg8 : memref<128xi32, #tpu.memory_space<vmem>>) semaphore(%arg19 : memref<!tpu.dma_semaphore, #tpu.memory_space<semaphore_mem>>)
      %gt3A_61 = arith.constant 0 : i32
      %gt3A_62 = arith.cmpi sgt, %scan3A_46, %gt3A_61 : i32
      %convert_element_type3A_63 = arith.extui %gt3A_62 : i1 to i32
      %cond3A_64 = arith.constant 0 : i32
      %cond3A_65 = arith.cmpi ne, %convert_element_type3A_63, %cond3A_64 : i32
      scf.if %cond3A_65 {
        %dma_wait3A_109 = arith.constant 0 : i32
        %dma_wait3A_110 = arith.constant 0 : i32
        %dma_wait3A_111 = tpu.memref_slice %arg7[%dma_wait3A_109, %dma_wait3A_110] : memref<10000x128xf32, #tpu.memory_space<vmem_shared>> -> memref<10000x128xf32, #tpu.memory_space<vmem_shared>>
        tpu.wait_indirect_dma semaphore(%arg23 : memref<!tpu.dma_semaphore, #tpu.memory_space<semaphore_mem>>) src(%arg13 : memref<128x128xf32, #tpu.memory_space<vmem>>) dst(%dma_wait3A_111 : memref<10000x128xf32, #tpu.memory_space<vmem_shared>>)
      } else {
      }
      %mul3A_66 = arith.constant 3 : i32
      %mul3A_67 = arith.muli %mul3A_66, %scan3A_46 : i32
      %add3A_68 = arith.constant 1 : i32
      %add3A_69 = arith.addi %mul3A_67, %add3A_68 : i32
      %mul3A_70 = arith.constant 128 : i32
      %mul3A_71 = arith.muli %add3A_69, %mul3A_70 : i32
      %add3A_72 = arith.addi %mul3A_6, %mul3A_71 : i32
      "tpu.region"() ({
        %run_scoped3A = tpu.sem_alloc : memref<!tpu.dma_semaphore, #tpu.memory_space<semaphore_mem>>
        %dma_start3A_109 = tpu.memref_slice %arg3[%add3A_72] : memref<320000xi32, #tpu.memory_space<hbm>> -> memref<128xi32, #tpu.memory_space<hbm>>
        %dma_start3A_110 = tpu.memref_slice %arg3[%add3A_72] : memref<320000xi32, #tpu.memory_space<hbm>> -> memref<128xi32, #tpu.memory_space<hbm>>
        tpu.enqueue_dma source(%dma_start3A_110 : memref<128xi32, #tpu.memory_space<hbm>>) target(%arg11 : memref<128xi32, #tpu.memory_space<vmem>>) target_semaphore(%run_scoped3A : memref<!tpu.dma_semaphore, #tpu.memory_space<semaphore_mem>>)
        %dma_wait3A_111 = tpu.memref_slice %arg3[%add3A_72] : memref<320000xi32, #tpu.memory_space<hbm>> -> memref<128xi32, #tpu.memory_space<hbm>>
        %dma_wait3A_112 = tpu.memref_slice %arg3[%add3A_72] : memref<320000xi32, #tpu.memory_space<hbm>> -> memref<128xi32, #tpu.memory_space<hbm>>
        tpu.wait_dma2 semaphore(%run_scoped3A : memref<!tpu.dma_semaphore, #tpu.memory_space<semaphore_mem>>) src(%dma_wait3A_112 : memref<128xi32, #tpu.memory_space<hbm>>) dst(%arg11 : memref<128xi32, #tpu.memory_space<vmem>>)
        tpu.yield
      }) : () -> ()
      "tpu.region"() ({
        %run_scoped3A = tpu.sem_alloc : memref<!tpu.dma_semaphore, #tpu.memory_space<semaphore_mem>>
        %dma_start3A_109 = tpu.memref_slice %arg4[%add3A_72] : memref<320000xi32, #tpu.memory_space<hbm>> -> memref<128xi32, #tpu.memory_space<hbm>>
        %dma_start3A_110 = tpu.memref_slice %arg4[%add3A_72] : memref<320000xi32, #tpu.memory_space<hbm>> -> memref<128xi32, #tpu.memory_space<hbm>>
        tpu.enqueue_dma source(%dma_start3A_110 : memref<128xi32, #tpu.memory_space<hbm>>) target(%arg12 : memref<128xi32, #tpu.memory_space<vmem>>) target_semaphore(%run_scoped3A : memref<!tpu.dma_semaphore, #tpu.memory_space<semaphore_mem>>)
        %dma_wait3A_111 = tpu.memref_slice %arg4[%add3A_72] : memref<320000xi32, #tpu.memory_space<hbm>> -> memref<128xi32, #tpu.memory_space<hbm>>
        %dma_wait3A_112 = tpu.memref_slice %arg4[%add3A_72] : memref<320000xi32, #tpu.memory_space<hbm>> -> memref<128xi32, #tpu.memory_space<hbm>>
        tpu.wait_dma2 semaphore(%run_scoped3A : memref<!tpu.dma_semaphore, #tpu.memory_space<semaphore_mem>>) src(%dma_wait3A_112 : memref<128xi32, #tpu.memory_space<hbm>>) dst(%arg12 : memref<128xi32, #tpu.memory_space<vmem>>)
        tpu.yield
      }) : () -> ()
      %dma_start3A_73 = arith.constant 0 : i32
      %dma_start3A_74 = arith.constant 0 : i32
      %dma_start3A_75 = tpu.memref_slice %arg2[%dma_start3A_73, %dma_start3A_74] : memref<10000x128xf32, #tpu.memory_space<hbm>> -> memref<10000x128xf32, #tpu.memory_space<hbm>>
      tpu.enqueue_indirect_dma source(%dma_start3A_75 : memref<10000x128xf32, #tpu.memory_space<hbm>>) target(%arg13 : memref<128x128xf32, #tpu.memory_space<vmem>>) offsets(%arg11 : memref<128xi32, #tpu.memory_space<vmem>>) semaphore(%arg20 : memref<!tpu.dma_semaphore, #tpu.memory_space<semaphore_mem>>)
      %gt3A_76 = arith.constant 0 : i32
      %gt3A_77 = arith.cmpi sgt, %scan3A_46, %gt3A_76 : i32
      %convert_element_type3A_78 = arith.extui %gt3A_77 : i1 to i32
      %cond3A_79 = arith.constant 0 : i32
      %cond3A_80 = arith.cmpi ne, %convert_element_type3A_78, %cond3A_79 : i32
      scf.if %cond3A_80 {
        %dma_wait3A_109 = arith.constant 0 : i32
        %dma_wait3A_110 = arith.constant 0 : i32
        %dma_wait3A_111 = tpu.memref_slice %arg7[%dma_wait3A_109, %dma_wait3A_110] : memref<10000x128xf32, #tpu.memory_space<vmem_shared>> -> memref<10000x128xf32, #tpu.memory_space<vmem_shared>>
        tpu.wait_indirect_dma semaphore(%arg24 : memref<!tpu.dma_semaphore, #tpu.memory_space<semaphore_mem>>) src(%arg16 : memref<128x128xf32, #tpu.memory_space<vmem>>) dst(%dma_wait3A_111 : memref<10000x128xf32, #tpu.memory_space<vmem_shared>>)
      } else {
      }
      %mul3A_81 = arith.constant 3 : i32
      %mul3A_82 = arith.muli %mul3A_81, %scan3A_46 : i32
      %add3A_83 = arith.constant 2 : i32
      %add3A_84 = arith.addi %mul3A_82, %add3A_83 : i32
      %mul3A_85 = arith.constant 128 : i32
      %mul3A_86 = arith.muli %add3A_84, %mul3A_85 : i32
      %add3A_87 = arith.addi %mul3A_6, %mul3A_86 : i32
      "tpu.region"() ({
        %run_scoped3A = tpu.sem_alloc : memref<!tpu.dma_semaphore, #tpu.memory_space<semaphore_mem>>
        %dma_start3A_109 = tpu.memref_slice %arg3[%add3A_87] : memref<320000xi32, #tpu.memory_space<hbm>> -> memref<128xi32, #tpu.memory_space<hbm>>
        %dma_start3A_110 = tpu.memref_slice %arg3[%add3A_87] : memref<320000xi32, #tpu.memory_space<hbm>> -> memref<128xi32, #tpu.memory_space<hbm>>
        tpu.enqueue_dma source(%dma_start3A_110 : memref<128xi32, #tpu.memory_space<hbm>>) target(%arg14 : memref<128xi32, #tpu.memory_space<vmem>>) target_semaphore(%run_scoped3A : memref<!tpu.dma_semaphore, #tpu.memory_space<semaphore_mem>>)
        %dma_wait3A_111 = tpu.memref_slice %arg3[%add3A_87] : memref<320000xi32, #tpu.memory_space<hbm>> -> memref<128xi32, #tpu.memory_space<hbm>>
        %dma_wait3A_112 = tpu.memref_slice %arg3[%add3A_87] : memref<320000xi32, #tpu.memory_space<hbm>> -> memref<128xi32, #tpu.memory_space<hbm>>
        tpu.wait_dma2 semaphore(%run_scoped3A : memref<!tpu.dma_semaphore, #tpu.memory_space<semaphore_mem>>) src(%dma_wait3A_112 : memref<128xi32, #tpu.memory_space<hbm>>) dst(%arg14 : memref<128xi32, #tpu.memory_space<vmem>>)
        tpu.yield
      }) : () -> ()
      "tpu.region"() ({
        %run_scoped3A = tpu.sem_alloc : memref<!tpu.dma_semaphore, #tpu.memory_space<semaphore_mem>>
        %dma_start3A_109 = tpu.memref_slice %arg4[%add3A_87] : memref<320000xi32, #tpu.memory_space<hbm>> -> memref<128xi32, #tpu.memory_space<hbm>>
        %dma_start3A_110 = tpu.memref_slice %arg4[%add3A_87] : memref<320000xi32, #tpu.memory_space<hbm>> -> memref<128xi32, #tpu.memory_space<hbm>>
        tpu.enqueue_dma source(%dma_start3A_110 : memref<128xi32, #tpu.memory_space<hbm>>) target(%arg15 : memref<128xi32, #tpu.memory_space<vmem>>) target_semaphore(%run_scoped3A : memref<!tpu.dma_semaphore, #tpu.memory_space<semaphore_mem>>)
        %dma_wait3A_111 = tpu.memref_slice %arg4[%add3A_87] : memref<320000xi32, #tpu.memory_space<hbm>> -> memref<128xi32, #tpu.memory_space<hbm>>
        %dma_wait3A_112 = tpu.memref_slice %arg4[%add3A_87] : memref<320000xi32, #tpu.memory_space<hbm>> -> memref<128xi32, #tpu.memory_space<hbm>>
        tpu.wait_dma2 semaphore(%run_scoped3A : memref<!tpu.dma_semaphore, #tpu.memory_space<semaphore_mem>>) src(%dma_wait3A_112 : memref<128xi32, #tpu.memory_space<hbm>>) dst(%arg15 : memref<128xi32, #tpu.memory_space<vmem>>)
        tpu.yield
      }) : () -> ()
      %dma_start3A_88 = arith.constant 0 : i32
      %dma_start3A_89 = arith.constant 0 : i32
      %dma_start3A_90 = tpu.memref_slice %arg2[%dma_start3A_88, %dma_start3A_89] : memref<10000x128xf32, #tpu.memory_space<hbm>> -> memref<10000x128xf32, #tpu.memory_space<hbm>>
      tpu.enqueue_indirect_dma source(%dma_start3A_90 : memref<10000x128xf32, #tpu.memory_space<hbm>>) target(%arg16 : memref<128x128xf32, #tpu.memory_space<vmem>>) offsets(%arg14 : memref<128xi32, #tpu.memory_space<vmem>>) semaphore(%arg21 : memref<!tpu.dma_semaphore, #tpu.memory_space<semaphore_mem>>)
      %dma_wait3A_91 = arith.constant 0 : i32
      %dma_wait3A_92 = arith.constant 0 : i32
      %dma_wait3A_93 = tpu.memref_slice %arg2[%dma_wait3A_91, %dma_wait3A_92] : memref<10000x128xf32, #tpu.memory_space<hbm>> -> memref<10000x128xf32, #tpu.memory_space<hbm>>
      tpu.wait_indirect_dma semaphore(%arg19 : memref<!tpu.dma_semaphore, #tpu.memory_space<semaphore_mem>>) src(%dma_wait3A_93 : memref<10000x128xf32, #tpu.memory_space<hbm>>) dst(%arg10 : memref<128x128xf32, #tpu.memory_space<vmem>>)
      %dma_start3A_94 = arith.constant 0 : i32
      %dma_start3A_95 = arith.constant 0 : i32
      %dma_start3A_96 = tpu.memref_slice %arg7[%dma_start3A_94, %dma_start3A_95] : memref<10000x128xf32, #tpu.memory_space<vmem_shared>> -> memref<10000x128xf32, #tpu.memory_space<vmem_shared>>
      tpu.enqueue_indirect_dma source(%arg10 : memref<128x128xf32, #tpu.memory_space<vmem>>) target(%dma_start3A_96 : memref<10000x128xf32, #tpu.memory_space<vmem_shared>>) offsets(%arg9 : memref<128xi32, #tpu.memory_space<vmem>>) semaphore(%arg22 : memref<!tpu.dma_semaphore, #tpu.memory_space<semaphore_mem>>) {add = true}
      %dma_wait3A_97 = arith.constant 0 : i32
      %dma_wait3A_98 = arith.constant 0 : i32
      %dma_wait3A_99 = tpu.memref_slice %arg2[%dma_wait3A_97, %dma_wait3A_98] : memref<10000x128xf32, #tpu.memory_space<hbm>> -> memref<10000x128xf32, #tpu.memory_space<hbm>>
      tpu.wait_indirect_dma semaphore(%arg20 : memref<!tpu.dma_semaphore, #tpu.memory_space<semaphore_mem>>) src(%dma_wait3A_99 : memref<10000x128xf32, #tpu.memory_space<hbm>>) dst(%arg13 : memref<128x128xf32, #tpu.memory_space<vmem>>)
      %dma_start3A_100 = arith.constant 0 : i32
      %dma_start3A_101 = arith.constant 0 : i32
      %dma_start3A_102 = tpu.memref_slice %arg7[%dma_start3A_100, %dma_start3A_101] : memref<10000x128xf32, #tpu.memory_space<vmem_shared>> -> memref<10000x128xf32, #tpu.memory_space<vmem_shared>>
      tpu.enqueue_indirect_dma source(%arg13 : memref<128x128xf32, #tpu.memory_space<vmem>>) target(%dma_start3A_102 : memref<10000x128xf32, #tpu.memory_space<vmem_shared>>) offsets(%arg12 : memref<128xi32, #tpu.memory_space<vmem>>) semaphore(%arg23 : memref<!tpu.dma_semaphore, #tpu.memory_space<semaphore_mem>>) {add = true}
      %dma_wait3A_103 = arith.constant 0 : i32
      %dma_wait3A_104 = arith.constant 0 : i32
      %dma_wait3A_105 = tpu.memref_slice %arg2[%dma_wait3A_103, %dma_wait3A_104] : memref<10000x128xf32, #tpu.memory_space<hbm>> -> memref<10000x128xf32, #tpu.memory_space<hbm>>
      tpu.wait_indirect_dma semaphore(%arg21 : memref<!tpu.dma_semaphore, #tpu.memory_space<semaphore_mem>>) src(%dma_wait3A_105 : memref<10000x128xf32, #tpu.memory_space<hbm>>) dst(%arg16 : memref<128x128xf32, #tpu.memory_space<vmem>>)
      %dma_start3A_106 = arith.constant 0 : i32
      %dma_start3A_107 = arith.constant 0 : i32
      %dma_start3A_108 = tpu.memref_slice %arg7[%dma_start3A_106, %dma_start3A_107] : memref<10000x128xf32, #tpu.memory_space<vmem_shared>> -> memref<10000x128xf32, #tpu.memory_space<vmem_shared>>
      tpu.enqueue_indirect_dma source(%arg16 : memref<128x128xf32, #tpu.memory_space<vmem>>) target(%dma_start3A_108 : memref<10000x128xf32, #tpu.memory_space<vmem_shared>>) offsets(%arg15 : memref<128xi32, #tpu.memory_space<vmem>>) semaphore(%arg24 : memref<!tpu.dma_semaphore, #tpu.memory_space<semaphore_mem>>) {add = true}
    }
    %scan3A_11 = arith.constant 26 : i32
    %dma_wait3A = arith.constant 0 : i32
    %dma_wait3A_12 = arith.constant 0 : i32
    %dma_wait3A_13 = tpu.memref_slice %arg7[%dma_wait3A, %dma_wait3A_12] : memref<10000x128xf32, #tpu.memory_space<vmem_shared>> -> memref<10000x128xf32, #tpu.memory_space<vmem_shared>>
    tpu.wait_indirect_dma semaphore(%arg22 : memref<!tpu.dma_semaphore, #tpu.memory_space<semaphore_mem>>) src(%arg10 : memref<128x128xf32, #tpu.memory_space<vmem>>) dst(%dma_wait3A_13 : memref<10000x128xf32, #tpu.memory_space<vmem_shared>>)
    %dma_wait3A_14 = arith.constant 0 : i32
    %dma_wait3A_15 = arith.constant 0 : i32
    %dma_wait3A_16 = tpu.memref_slice %arg7[%dma_wait3A_14, %dma_wait3A_15] : memref<10000x128xf32, #tpu.memory_space<vmem_shared>> -> memref<10000x128xf32, #tpu.memory_space<vmem_shared>>
    tpu.wait_indirect_dma semaphore(%arg23 : memref<!tpu.dma_semaphore, #tpu.memory_space<semaphore_mem>>) src(%arg13 : memref<128x128xf32, #tpu.memory_space<vmem>>) dst(%dma_wait3A_16 : memref<10000x128xf32, #tpu.memory_space<vmem_shared>>)
    %dma_wait3A_17 = arith.constant 0 : i32
    %dma_wait3A_18 = arith.constant 0 : i32
    %dma_wait3A_19 = tpu.memref_slice %arg7[%dma_wait3A_17, %dma_wait3A_18] : memref<10000x128xf32, #tpu.memory_space<vmem_shared>> -> memref<10000x128xf32, #tpu.memory_space<vmem_shared>>
    tpu.wait_indirect_dma semaphore(%arg24 : memref<!tpu.dma_semaphore, #tpu.memory_space<semaphore_mem>>) src(%arg16 : memref<128x128xf32, #tpu.memory_space<vmem>>) dst(%dma_wait3A_19 : memref<10000x128xf32, #tpu.memory_space<vmem_shared>>)
    %add3A_20 = arith.constant 9984 : i32
    %add3A_21 = arith.addi %mul3A_6, %add3A_20 : i32
    "tpu.region"() ({
      %run_scoped3A = tpu.sem_alloc : memref<!tpu.dma_semaphore, #tpu.memory_space<semaphore_mem>>
      %dma_start3A_46 = tpu.memref_slice %arg3[%add3A_21] : memref<320000xi32, #tpu.memory_space<hbm>> -> memref<16xi32, #tpu.memory_space<hbm>>
      %dma_start3A_47 = tpu.memref_slice %arg3[%add3A_21] : memref<320000xi32, #tpu.memory_space<hbm>> -> memref<16xi32, #tpu.memory_space<hbm>>
      tpu.enqueue_dma source(%dma_start3A_47 : memref<16xi32, #tpu.memory_space<hbm>>) target(%arg17 : memref<16xi32, #tpu.memory_space<vmem>>) target_semaphore(%run_scoped3A : memref<!tpu.dma_semaphore, #tpu.memory_space<semaphore_mem>>)
      %dma_wait3A_48 = tpu.memref_slice %arg3[%add3A_21] : memref<320000xi32, #tpu.memory_space<hbm>> -> memref<16xi32, #tpu.memory_space<hbm>>
      %dma_wait3A_49 = tpu.memref_slice %arg3[%add3A_21] : memref<320000xi32, #tpu.memory_space<hbm>> -> memref<16xi32, #tpu.memory_space<hbm>>
      tpu.wait_dma2 semaphore(%run_scoped3A : memref<!tpu.dma_semaphore, #tpu.memory_space<semaphore_mem>>) src(%dma_wait3A_49 : memref<16xi32, #tpu.memory_space<hbm>>) dst(%arg17 : memref<16xi32, #tpu.memory_space<vmem>>)
      tpu.yield
    }) : () -> ()
    "tpu.region"() ({
      %run_scoped3A = tpu.sem_alloc : memref<!tpu.dma_semaphore, #tpu.memory_space<semaphore_mem>>
      %dma_start3A_46 = tpu.memref_slice %arg4[%add3A_21] : memref<320000xi32, #tpu.memory_space<hbm>> -> memref<16xi32, #tpu.memory_space<hbm>>
      %dma_start3A_47 = tpu.memref_slice %arg4[%add3A_21] : memref<320000xi32, #tpu.memory_space<hbm>> -> memref<16xi32, #tpu.memory_space<hbm>>
      tpu.enqueue_dma source(%dma_start3A_47 : memref<16xi32, #tpu.memory_space<hbm>>) target(%arg18 : memref<16xi32, #tpu.memory_space<vmem>>) target_semaphore(%run_scoped3A : memref<!tpu.dma_semaphore, #tpu.memory_space<semaphore_mem>>)
      %dma_wait3A_48 = tpu.memref_slice %arg4[%add3A_21] : memref<320000xi32, #tpu.memory_space<hbm>> -> memref<16xi32, #tpu.memory_space<hbm>>
      %dma_wait3A_49 = tpu.memref_slice %arg4[%add3A_21] : memref<320000xi32, #tpu.memory_space<hbm>> -> memref<16xi32, #tpu.memory_space<hbm>>
      tpu.wait_dma2 semaphore(%run_scoped3A : memref<!tpu.dma_semaphore, #tpu.memory_space<semaphore_mem>>) src(%dma_wait3A_49 : memref<16xi32, #tpu.memory_space<hbm>>) dst(%arg18 : memref<16xi32, #tpu.memory_space<vmem>>)
      tpu.yield
    }) : () -> ()
    %dma_start3A = arith.constant 0 : i32
    %dma_start3A_22 = arith.constant 0 : i32
    %dma_start3A_23 = tpu.memref_slice %arg10[%dma_start3A, %dma_start3A_22] : memref<128x128xf32, #tpu.memory_space<vmem>> -> memref<16x128xf32, #tpu.memory_space<vmem>>
    %dma_start3A_24 = arith.constant 0 : i32
    %dma_start3A_25 = arith.constant 0 : i32
    %dma_start3A_26 = tpu.memref_slice %arg2[%dma_start3A_24, %dma_start3A_25] : memref<10000x128xf32, #tpu.memory_space<hbm>> -> memref<10000x128xf32, #tpu.memory_space<hbm>>
    tpu.enqueue_indirect_dma source(%dma_start3A_26 : memref<10000x128xf32, #tpu.memory_space<hbm>>) target(%dma_start3A_23 : memref<16x128xf32, #tpu.memory_space<vmem>>) offsets(%arg17 : memref<16xi32, #tpu.memory_space<vmem>>) semaphore(%arg25 : memref<!tpu.dma_semaphore, #tpu.memory_space<semaphore_mem>>)
    %dma_wait3A_27 = arith.constant 0 : i32
    %dma_wait3A_28 = arith.constant 0 : i32
    %dma_wait3A_29 = tpu.memref_slice %arg10[%dma_wait3A_27, %dma_wait3A_28] : memref<128x128xf32, #tpu.memory_space<vmem>> -> memref<16x128xf32, #tpu.memory_space<vmem>>
    %dma_wait3A_30 = arith.constant 0 : i32
    %dma_wait3A_31 = arith.constant 0 : i32
    %dma_wait3A_32 = tpu.memref_slice %arg2[%dma_wait3A_30, %dma_wait3A_31] : memref<10000x128xf32, #tpu.memory_space<hbm>> -> memref<10000x128xf32, #tpu.memory_space<hbm>>
    tpu.wait_indirect_dma semaphore(%arg25 : memref<!tpu.dma_semaphore, #tpu.memory_space<semaphore_mem>>) src(%dma_wait3A_32 : memref<10000x128xf32, #tpu.memory_space<hbm>>) dst(%dma_wait3A_29 : memref<16x128xf32, #tpu.memory_space<vmem>>)
    "tpu.region"() ({
      %run_scoped3A = tpu.sem_alloc : memref<!tpu.dma_semaphore, #tpu.memory_space<semaphore_mem>>
      %dma_start3A_46 = arith.constant 0 : i32
      %dma_start3A_47 = arith.constant 0 : i32
      %dma_start3A_48 = tpu.memref_slice %arg10[%dma_start3A_46, %dma_start3A_47] : memref<128x128xf32, #tpu.memory_space<vmem>> -> memref<16x128xf32, #tpu.memory_space<vmem>>
      %dma_start3A_49 = arith.constant 0 : i32
      %dma_start3A_50 = arith.constant 0 : i32
      %dma_start3A_51 = tpu.memref_slice %arg7[%dma_start3A_49, %dma_start3A_50] : memref<10000x128xf32, #tpu.memory_space<vmem_shared>> -> memref<10000x128xf32, #tpu.memory_space<vmem_shared>>
      tpu.enqueue_indirect_dma source(%dma_start3A_48 : memref<16x128xf32, #tpu.memory_space<vmem>>) target(%dma_start3A_51 : memref<10000x128xf32, #tpu.memory_space<vmem_shared>>) offsets(%arg18 : memref<16xi32, #tpu.memory_space<vmem>>) semaphore(%run_scoped3A : memref<!tpu.dma_semaphore, #tpu.memory_space<semaphore_mem>>) {add = true}
      %dma_wait3A_52 = arith.constant 0 : i32
      %dma_wait3A_53 = arith.constant 0 : i32
      %dma_wait3A_54 = tpu.memref_slice %arg10[%dma_wait3A_52, %dma_wait3A_53] : memref<128x128xf32, #tpu.memory_space<vmem>> -> memref<16x128xf32, #tpu.memory_space<vmem>>
      %dma_wait3A_55 = arith.constant 0 : i32
      %dma_wait3A_56 = arith.constant 0 : i32
      %dma_wait3A_57 = tpu.memref_slice %arg7[%dma_wait3A_55, %dma_wait3A_56] : memref<10000x128xf32, #tpu.memory_space<vmem_shared>> -> memref<10000x128xf32, #tpu.memory_space<vmem_shared>>
      tpu.wait_indirect_dma semaphore(%run_scoped3A : memref<!tpu.dma_semaphore, #tpu.memory_space<semaphore_mem>>) src(%dma_wait3A_54 : memref<16x128xf32, #tpu.memory_space<vmem>>) dst(%dma_wait3A_57 : memref<10000x128xf32, #tpu.memory_space<vmem_shared>>)
      tpu.yield
    }) : () -> ()
    %barrier3A_33 = arith.constant 0 : index
    tpu.barrier barrier_id(%barrier3A_33)
    %mul3A_34 = arith.constant 624 : i32
    %mul3A_35 = arith.muli %arg1, %mul3A_34 : i32
    %mul3A_36 = arith.constant 10000 : i32
    %mul3A_37 = arith.muli %arg0, %mul3A_36 : i32
    %mul3A_38 = arith.constant 624 : i32
    %mul3A_39 = arith.muli %arg1, %mul3A_38 : i32
    %add3A_40 = arith.addi %mul3A_37, %mul3A_39 : i32
    "tpu.region"() ({
      %run_scoped3A = tpu.sem_alloc : memref<!tpu.dma_semaphore, #tpu.memory_space<semaphore_mem>>
      %dma_start3A_46 = arith.constant 0 : i32
      %dma_start3A_47 = tpu.memref_slice %arg6[%add3A_40, %dma_start3A_46] : memref<20000x128xf32, #tpu.memory_space<hbm>> -> memref<624x128xf32, #tpu.memory_space<hbm>>
      %dma_start3A_48 = arith.constant 0 : i32
      %dma_start3A_49 = tpu.memref_slice %arg7[%mul3A_35, %dma_start3A_48] : memref<10000x128xf32, #tpu.memory_space<vmem_shared>> -> memref<624x128xf32, #tpu.memory_space<vmem_shared>>
      tpu.enqueue_dma source(%dma_start3A_49 : memref<624x128xf32, #tpu.memory_space<vmem_shared>>) target(%dma_start3A_47 : memref<624x128xf32, #tpu.memory_space<hbm>>) target_semaphore(%run_scoped3A : memref<!tpu.dma_semaphore, #tpu.memory_space<semaphore_mem>>)
      %dma_wait3A_50 = arith.constant 0 : i32
      %dma_wait3A_51 = tpu.memref_slice %arg6[%add3A_40, %dma_wait3A_50] : memref<20000x128xf32, #tpu.memory_space<hbm>> -> memref<624x128xf32, #tpu.memory_space<hbm>>
      %dma_wait3A_52 = arith.constant 0 : i32
      %dma_wait3A_53 = tpu.memref_slice %arg7[%mul3A_35, %dma_wait3A_52] : memref<10000x128xf32, #tpu.memory_space<vmem_shared>> -> memref<624x128xf32, #tpu.memory_space<vmem_shared>>
      tpu.wait_dma2 semaphore(%run_scoped3A : memref<!tpu.dma_semaphore, #tpu.memory_space<semaphore_mem>>) src(%dma_wait3A_53 : memref<624x128xf32, #tpu.memory_space<vmem_shared>>) dst(%dma_wait3A_51 : memref<624x128xf32, #tpu.memory_space<hbm>>)
      tpu.yield
    }) : () -> ()
    %eq3A_41 = arith.constant 15 : i32
    %eq3A_42 = arith.cmpi eq, %arg1, %eq3A_41 : i32
    %convert_element_type3A_43 = arith.extui %eq3A_42 : i1 to i32
    %cond3A_44 = arith.constant 0 : i32
    %cond3A_45 = arith.cmpi ne, %convert_element_type3A_43, %cond3A_44 : i32
    scf.if %cond3A_45 {
      %mul3A_46 = arith.constant 10000 : i32
      %mul3A_47 = arith.muli %arg0, %mul3A_46 : i32
      %add3A_48 = arith.constant 9984 : i32
      %add3A_49 = arith.addi %mul3A_47, %add3A_48 : i32
      "tpu.region"() ({
        %run_scoped3A = tpu.sem_alloc : memref<!tpu.dma_semaphore, #tpu.memory_space<semaphore_mem>>
        %dma_start3A_50 = arith.constant 0 : i32
        %dma_start3A_51 = tpu.memref_slice %arg6[%add3A_49, %dma_start3A_50] : memref<20000x128xf32, #tpu.memory_space<hbm>> -> memref<16x128xf32, #tpu.memory_space<hbm>>
        %dma_start3A_52 = arith.constant 9984 : i32
        %dma_start3A_53 = arith.constant 0 : i32
        %dma_start3A_54 = tpu.memref_slice %arg7[%dma_start3A_52, %dma_start3A_53] : memref<10000x128xf32, #tpu.memory_space<vmem_shared>> -> memref<16x128xf32, #tpu.memory_space<vmem_shared>>
        tpu.enqueue_dma source(%dma_start3A_54 : memref<16x128xf32, #tpu.memory_space<vmem_shared>>) target(%dma_start3A_51 : memref<16x128xf32, #tpu.memory_space<hbm>>) target_semaphore(%run_scoped3A : memref<!tpu.dma_semaphore, #tpu.memory_space<semaphore_mem>>)
        %dma_wait3A_55 = arith.constant 0 : i32
        %dma_wait3A_56 = tpu.memref_slice %arg6[%add3A_49, %dma_wait3A_55] : memref<20000x128xf32, #tpu.memory_space<hbm>> -> memref<16x128xf32, #tpu.memory_space<hbm>>
        %dma_wait3A_57 = arith.constant 9984 : i32
        %dma_wait3A_58 = arith.constant 0 : i32
        %dma_wait3A_59 = tpu.memref_slice %arg7[%dma_wait3A_57, %dma_wait3A_58] : memref<10000x128xf32, #tpu.memory_space<vmem_shared>> -> memref<16x128xf32, #tpu.memory_space<vmem_shared>>
        tpu.wait_dma2 semaphore(%run_scoped3A : memref<!tpu.dma_semaphore, #tpu.memory_space<semaphore_mem>>) src(%dma_wait3A_59 : memref<16x128xf32, #tpu.memory_space<vmem_shared>>) dst(%dma_wait3A_56 : memref<16x128xf32, #tpu.memory_space<hbm>>)
        tpu.yield
      }) : () -> ()
    } else {
    }
    return
  }
}

#map = affine_map<(d0, d1) -> (0)>
#map1 = affine_map<(d0, d1) -> (0, 0)>
module attributes {stable_mosaic.version = 14 : i64} {
  func.func @_sc_deg_body(%arg0: i32, %arg1: i32, %arg2: memref<320000xi32, #tpu.memory_space<hbm>>, %arg3: memref<320000xi32, #tpu.memory_space<hbm>>, %arg4: memref<624x128xf32, #tpu.memory_space<hbm>>, %arg5: memref<128x128xf32, #tpu.memory_space<hbm>>, %arg6: memref<20000x128xf32, #tpu.memory_space<hbm>>, %arg7: memref<20000x128xf32, #tpu.memory_space<hbm>>, %arg8: memref<10000x128xf32, #tpu.memory_space<vmem_shared>>, %arg9: memref<128x128xf32, #tpu.memory_space<vmem>>, %arg10: memref<128xi32, #tpu.memory_space<vmem>>, %arg11: memref<128xi32, #tpu.memory_space<vmem>>, %arg12: memref<128xi32, #tpu.memory_space<vmem>>, %arg13: memref<128xi32, #tpu.memory_space<vmem>>, %arg14: memref<128xi32, #tpu.memory_space<vmem>>, %arg15: memref<128xi32, #tpu.memory_space<vmem>>, %arg16: memref<16xi32, #tpu.memory_space<vmem>>, %arg17: memref<!tpu.dma_semaphore, #tpu.memory_space<semaphore_mem>>, %arg18: memref<!tpu.dma_semaphore, #tpu.memory_space<semaphore_mem>>, %arg19: memref<!tpu.dma_semaphore, #tpu.memory_space<semaphore_mem>>, %arg20: memref<!tpu.dma_semaphore, #tpu.memory_space<semaphore_mem>>, %arg21: memref<!tpu.dma_semaphore, #tpu.memory_space<semaphore_mem>>, %arg22: memref<!tpu.dma_semaphore, #tpu.memory_space<semaphore_mem>>) attributes {dimension_semantics = [#tpu.dimension_semantics<core_parallel>, #tpu.dimension_semantics<subcore_parallel>], iteration_bounds = array<i64: 2, 16>, scalar_prefetch = 0 : i64, scratch_operands = 15 : i64, tpu.core_type = #tpu.core_type<sc_vector_subcore>, window_params = [{transform_indices = #map}, {transform_indices = #map}, {transform_indices = #map1}, {transform_indices = #map1}, {transform_indices = #map1}, {transform_indices = #map1}]} {
    %mul3A = arith.constant 2 : i32
    %mul3A_0 = arith.muli %arg1, %mul3A : i32
    %add3A = arith.addi %mul3A_0, %arg0 : i32
    %mul3A_1 = arith.constant 10000 : i32
    %mul3A_2 = arith.muli %add3A, %mul3A_1 : i32
    "tpu.region"() ({
      %run_scoped3A = tpu.sem_alloc : memref<!tpu.dma_semaphore, #tpu.memory_space<semaphore_mem>>
      tpu.enqueue_dma source(%arg5 : memref<128x128xf32, #tpu.memory_space<hbm>>) target(%arg9 : memref<128x128xf32, #tpu.memory_space<vmem>>) target_semaphore(%run_scoped3A : memref<!tpu.dma_semaphore, #tpu.memory_space<semaphore_mem>>)
      tpu.wait_dma2 semaphore(%run_scoped3A : memref<!tpu.dma_semaphore, #tpu.memory_space<semaphore_mem>>) src(%arg5 : memref<128x128xf32, #tpu.memory_space<hbm>>) dst(%arg9 : memref<128x128xf32, #tpu.memory_space<vmem>>)
      tpu.yield
    }) : () -> ()
    %mul3A_3 = arith.constant 624 : i32
    %mul3A_4 = arith.muli %arg1, %mul3A_3 : i32
    "tpu.region"() ({
      %run_scoped3A = tpu.sem_alloc : memref<!tpu.dma_semaphore, #tpu.memory_space<semaphore_mem>>
      %dma_start3A = arith.constant 0 : i32
      %dma_start3A_93 = tpu.memref_slice %arg8[%mul3A_4, %dma_start3A] : memref<10000x128xf32, #tpu.memory_space<vmem_shared>> -> memref<624x128xf32, #tpu.memory_space<vmem_shared>>
      tpu.enqueue_dma source(%arg4 : memref<624x128xf32, #tpu.memory_space<hbm>>) target(%dma_start3A_93 : memref<624x128xf32, #tpu.memory_space<vmem_shared>>) target_semaphore(%run_scoped3A : memref<!tpu.dma_semaphore, #tpu.memory_space<semaphore_mem>>)
      %dma_wait3A_94 = arith.constant 0 : i32
      %dma_wait3A_95 = tpu.memref_slice %arg8[%mul3A_4, %dma_wait3A_94] : memref<10000x128xf32, #tpu.memory_space<vmem_shared>> -> memref<624x128xf32, #tpu.memory_space<vmem_shared>>
      tpu.wait_dma2 semaphore(%run_scoped3A : memref<!tpu.dma_semaphore, #tpu.memory_space<semaphore_mem>>) src(%arg4 : memref<624x128xf32, #tpu.memory_space<hbm>>) dst(%dma_wait3A_95 : memref<624x128xf32, #tpu.memory_space<vmem_shared>>)
      tpu.yield
    }) : () -> ()
    %eq3A = arith.constant 15 : i32
    %eq3A_5 = arith.cmpi eq, %arg1, %eq3A : i32
    %convert_element_type3A = arith.extui %eq3A_5 : i1 to i32
    %cond3A = arith.constant 0 : i32
    %cond3A_6 = arith.cmpi ne, %convert_element_type3A, %cond3A : i32
    scf.if %cond3A_6 {
      "tpu.region"() ({
        %run_scoped3A = tpu.sem_alloc : memref<!tpu.dma_semaphore, #tpu.memory_space<semaphore_mem>>
        %dma_start3A = arith.constant 9984 : i32
        %dma_start3A_93 = arith.constant 0 : i32
        %dma_start3A_94 = tpu.memref_slice %arg8[%dma_start3A, %dma_start3A_93] : memref<10000x128xf32, #tpu.memory_space<vmem_shared>> -> memref<16x128xf32, #tpu.memory_space<vmem_shared>>
        %dma_start3A_95 = arith.constant 0 : i32
        %dma_start3A_96 = arith.constant 0 : i32
        %dma_start3A_97 = tpu.memref_slice %arg4[%dma_start3A_95, %dma_start3A_96] : memref<624x128xf32, #tpu.memory_space<hbm>> -> memref<16x128xf32, #tpu.memory_space<hbm>>
        tpu.enqueue_dma source(%dma_start3A_97 : memref<16x128xf32, #tpu.memory_space<hbm>>) target(%dma_start3A_94 : memref<16x128xf32, #tpu.memory_space<vmem_shared>>) target_semaphore(%run_scoped3A : memref<!tpu.dma_semaphore, #tpu.memory_space<semaphore_mem>>)
        %dma_wait3A_98 = arith.constant 9984 : i32
        %dma_wait3A_99 = arith.constant 0 : i32
        %dma_wait3A_100 = tpu.memref_slice %arg8[%dma_wait3A_98, %dma_wait3A_99] : memref<10000x128xf32, #tpu.memory_space<vmem_shared>> -> memref<16x128xf32, #tpu.memory_space<vmem_shared>>
        %dma_wait3A_101 = arith.constant 0 : i32
        %dma_wait3A_102 = arith.constant 0 : i32
        %dma_wait3A_103 = tpu.memref_slice %arg4[%dma_wait3A_101, %dma_wait3A_102] : memref<624x128xf32, #tpu.memory_space<hbm>> -> memref<16x128xf32, #tpu.memory_space<hbm>>
        tpu.wait_dma2 semaphore(%run_scoped3A : memref<!tpu.dma_semaphore, #tpu.memory_space<semaphore_mem>>) src(%dma_wait3A_103 : memref<16x128xf32, #tpu.memory_space<hbm>>) dst(%dma_wait3A_100 : memref<16x128xf32, #tpu.memory_space<vmem_shared>>)
        tpu.yield
      }) : () -> ()
    } else {
    }
    %barrier3A = arith.constant 0 : index
    tpu.barrier barrier_id(%barrier3A)
    %scan3A = arith.constant 0 : i32
    %scan3A_7 = arith.constant 0 : i32
    %scan3A_8 = arith.constant 13 : i32
    %scan3A_9 = arith.addi %scan3A_7, %scan3A_8 : i32
    %scan3A_10 = arith.constant 1 : i32
    scf.for %scan3A_93 = %scan3A_7 to %scan3A_9 step %scan3A_10  : i32 {
      %gt3A = arith.constant 0 : i32
      %gt3A_94 = arith.cmpi sgt, %scan3A_93, %gt3A : i32
      %convert_element_type3A_95 = arith.extui %gt3A_94 : i1 to i32
      %cond3A_96 = arith.constant 0 : i32
      %cond3A_97 = arith.cmpi ne, %convert_element_type3A_95, %cond3A_96 : i32
      scf.if %cond3A_97 {
        %dma_wait3A_182 = arith.constant 0 : i32
        %dma_wait3A_183 = arith.constant 0 : i32
        %dma_wait3A_184 = tpu.memref_slice %arg8[%dma_wait3A_182, %dma_wait3A_183] : memref<10000x128xf32, #tpu.memory_space<vmem_shared>> -> memref<10000x128xf32, #tpu.memory_space<vmem_shared>>
        tpu.wait_indirect_dma semaphore(%arg17 : memref<!tpu.dma_semaphore, #tpu.memory_space<semaphore_mem>>) src(%arg9 : memref<128x128xf32, #tpu.memory_space<vmem>>) dst(%dma_wait3A_184 : memref<10000x128xf32, #tpu.memory_space<vmem_shared>>)
      } else {
      }
      %mul3A_98 = arith.constant 6 : i32
      %mul3A_99 = arith.muli %mul3A_98, %scan3A_93 : i32
      %add3A_100 = arith.constant 0 : i32
      %add3A_101 = arith.addi %mul3A_99, %add3A_100 : i32
      %mul3A_102 = arith.constant 128 : i32
      %mul3A_103 = arith.muli %add3A_101, %mul3A_102 : i32
      %add3A_104 = arith.addi %mul3A_2, %mul3A_103 : i32
      "tpu.region"() ({
        %run_scoped3A = tpu.sem_alloc : memref<!tpu.dma_semaphore, #tpu.memory_space<semaphore_mem>>
        %dma_start3A_182 = tpu.memref_slice %arg2[%add3A_104] : memref<320000xi32, #tpu.memory_space<hbm>> -> memref<128xi32, #tpu.memory_space<hbm>>
        %dma_start3A_183 = tpu.memref_slice %arg2[%add3A_104] : memref<320000xi32, #tpu.memory_space<hbm>> -> memref<128xi32, #tpu.memory_space<hbm>>
        tpu.enqueue_dma source(%dma_start3A_183 : memref<128xi32, #tpu.memory_space<hbm>>) target(%arg10 : memref<128xi32, #tpu.memory_space<vmem>>) target_semaphore(%run_scoped3A : memref<!tpu.dma_semaphore, #tpu.memory_space<semaphore_mem>>)
        %dma_wait3A_184 = tpu.memref_slice %arg2[%add3A_104] : memref<320000xi32, #tpu.memory_space<hbm>> -> memref<128xi32, #tpu.memory_space<hbm>>
        %dma_wait3A_185 = tpu.memref_slice %arg2[%add3A_104] : memref<320000xi32, #tpu.memory_space<hbm>> -> memref<128xi32, #tpu.memory_space<hbm>>
        tpu.wait_dma2 semaphore(%run_scoped3A : memref<!tpu.dma_semaphore, #tpu.memory_space<semaphore_mem>>) src(%dma_wait3A_185 : memref<128xi32, #tpu.memory_space<hbm>>) dst(%arg10 : memref<128xi32, #tpu.memory_space<vmem>>)
        tpu.yield
      }) : () -> ()
      %dma_start3A = arith.constant 0 : i32
      %dma_start3A_105 = arith.constant 0 : i32
      %dma_start3A_106 = tpu.memref_slice %arg8[%dma_start3A, %dma_start3A_105] : memref<10000x128xf32, #tpu.memory_space<vmem_shared>> -> memref<10000x128xf32, #tpu.memory_space<vmem_shared>>
      tpu.enqueue_indirect_dma source(%arg9 : memref<128x128xf32, #tpu.memory_space<vmem>>) target(%dma_start3A_106 : memref<10000x128xf32, #tpu.memory_space<vmem_shared>>) offsets(%arg10 : memref<128xi32, #tpu.memory_space<vmem>>) semaphore(%arg17 : memref<!tpu.dma_semaphore, #tpu.memory_space<semaphore_mem>>) {add = true}
      %gt3A_107 = arith.constant 0 : i32
      %gt3A_108 = arith.cmpi sgt, %scan3A_93, %gt3A_107 : i32
      %convert_element_type3A_109 = arith.extui %gt3A_108 : i1 to i32
      %cond3A_110 = arith.constant 0 : i32
      %cond3A_111 = arith.cmpi ne, %convert_element_type3A_109, %cond3A_110 : i32
      scf.if %cond3A_111 {
        %dma_wait3A_182 = arith.constant 0 : i32
        %dma_wait3A_183 = arith.constant 0 : i32
        %dma_wait3A_184 = tpu.memref_slice %arg8[%dma_wait3A_182, %dma_wait3A_183] : memref<10000x128xf32, #tpu.memory_space<vmem_shared>> -> memref<10000x128xf32, #tpu.memory_space<vmem_shared>>
        tpu.wait_indirect_dma semaphore(%arg18 : memref<!tpu.dma_semaphore, #tpu.memory_space<semaphore_mem>>) src(%arg9 : memref<128x128xf32, #tpu.memory_space<vmem>>) dst(%dma_wait3A_184 : memref<10000x128xf32, #tpu.memory_space<vmem_shared>>)
      } else {
      }
      %mul3A_112 = arith.constant 6 : i32
      %mul3A_113 = arith.muli %mul3A_112, %scan3A_93 : i32
      %add3A_114 = arith.constant 1 : i32
      %add3A_115 = arith.addi %mul3A_113, %add3A_114 : i32
      %mul3A_116 = arith.constant 128 : i32
      %mul3A_117 = arith.muli %add3A_115, %mul3A_116 : i32
      %add3A_118 = arith.addi %mul3A_2, %mul3A_117 : i32
      "tpu.region"() ({
        %run_scoped3A = tpu.sem_alloc : memref<!tpu.dma_semaphore, #tpu.memory_space<semaphore_mem>>
        %dma_start3A_182 = tpu.memref_slice %arg2[%add3A_118] : memref<320000xi32, #tpu.memory_space<hbm>> -> memref<128xi32, #tpu.memory_space<hbm>>
        %dma_start3A_183 = tpu.memref_slice %arg2[%add3A_118] : memref<320000xi32, #tpu.memory_space<hbm>> -> memref<128xi32, #tpu.memory_space<hbm>>
        tpu.enqueue_dma source(%dma_start3A_183 : memref<128xi32, #tpu.memory_space<hbm>>) target(%arg11 : memref<128xi32, #tpu.memory_space<vmem>>) target_semaphore(%run_scoped3A : memref<!tpu.dma_semaphore, #tpu.memory_space<semaphore_mem>>)
        %dma_wait3A_184 = tpu.memref_slice %arg2[%add3A_118] : memref<320000xi32, #tpu.memory_space<hbm>> -> memref<128xi32, #tpu.memory_space<hbm>>
        %dma_wait3A_185 = tpu.memref_slice %arg2[%add3A_118] : memref<320000xi32, #tpu.memory_space<hbm>> -> memref<128xi32, #tpu.memory_space<hbm>>
        tpu.wait_dma2 semaphore(%run_scoped3A : memref<!tpu.dma_semaphore, #tpu.memory_space<semaphore_mem>>) src(%dma_wait3A_185 : memref<128xi32, #tpu.memory_space<hbm>>) dst(%arg11 : memref<128xi32, #tpu.memory_space<vmem>>)
        tpu.yield
      }) : () -> ()
      %dma_start3A_119 = arith.constant 0 : i32
      %dma_start3A_120 = arith.constant 0 : i32
      %dma_start3A_121 = tpu.memref_slice %arg8[%dma_start3A_119, %dma_start3A_120] : memref<10000x128xf32, #tpu.memory_space<vmem_shared>> -> memref<10000x128xf32, #tpu.memory_space<vmem_shared>>
      tpu.enqueue_indirect_dma source(%arg9 : memref<128x128xf32, #tpu.memory_space<vmem>>) target(%dma_start3A_121 : memref<10000x128xf32, #tpu.memory_space<vmem_shared>>) offsets(%arg11 : memref<128xi32, #tpu.memory_space<vmem>>) semaphore(%arg18 : memref<!tpu.dma_semaphore, #tpu.memory_space<semaphore_mem>>) {add = true}
      %gt3A_122 = arith.constant 0 : i32
      %gt3A_123 = arith.cmpi sgt, %scan3A_93, %gt3A_122 : i32
      %convert_element_type3A_124 = arith.extui %gt3A_123 : i1 to i32
      %cond3A_125 = arith.constant 0 : i32
      %cond3A_126 = arith.cmpi ne, %convert_element_type3A_124, %cond3A_125 : i32
      scf.if %cond3A_126 {
        %dma_wait3A_182 = arith.constant 0 : i32
        %dma_wait3A_183 = arith.constant 0 : i32
        %dma_wait3A_184 = tpu.memref_slice %arg8[%dma_wait3A_182, %dma_wait3A_183] : memref<10000x128xf32, #tpu.memory_space<vmem_shared>> -> memref<10000x128xf32, #tpu.memory_space<vmem_shared>>
        tpu.wait_indirect_dma semaphore(%arg19 : memref<!tpu.dma_semaphore, #tpu.memory_space<semaphore_mem>>) src(%arg9 : memref<128x128xf32, #tpu.memory_space<vmem>>) dst(%dma_wait3A_184 : memref<10000x128xf32, #tpu.memory_space<vmem_shared>>)
      } else {
      }
      %mul3A_127 = arith.constant 6 : i32
      %mul3A_128 = arith.muli %mul3A_127, %scan3A_93 : i32
      %add3A_129 = arith.constant 2 : i32
      %add3A_130 = arith.addi %mul3A_128, %add3A_129 : i32
      %mul3A_131 = arith.constant 128 : i32
      %mul3A_132 = arith.muli %add3A_130, %mul3A_131 : i32
      %add3A_133 = arith.addi %mul3A_2, %mul3A_132 : i32
      "tpu.region"() ({
        %run_scoped3A = tpu.sem_alloc : memref<!tpu.dma_semaphore, #tpu.memory_space<semaphore_mem>>
        %dma_start3A_182 = tpu.memref_slice %arg2[%add3A_133] : memref<320000xi32, #tpu.memory_space<hbm>> -> memref<128xi32, #tpu.memory_space<hbm>>
        %dma_start3A_183 = tpu.memref_slice %arg2[%add3A_133] : memref<320000xi32, #tpu.memory_space<hbm>> -> memref<128xi32, #tpu.memory_space<hbm>>
        tpu.enqueue_dma source(%dma_start3A_183 : memref<128xi32, #tpu.memory_space<hbm>>) target(%arg12 : memref<128xi32, #tpu.memory_space<vmem>>) target_semaphore(%run_scoped3A : memref<!tpu.dma_semaphore, #tpu.memory_space<semaphore_mem>>)
        %dma_wait3A_184 = tpu.memref_slice %arg2[%add3A_133] : memref<320000xi32, #tpu.memory_space<hbm>> -> memref<128xi32, #tpu.memory_space<hbm>>
        %dma_wait3A_185 = tpu.memref_slice %arg2[%add3A_133] : memref<320000xi32, #tpu.memory_space<hbm>> -> memref<128xi32, #tpu.memory_space<hbm>>
        tpu.wait_dma2 semaphore(%run_scoped3A : memref<!tpu.dma_semaphore, #tpu.memory_space<semaphore_mem>>) src(%dma_wait3A_185 : memref<128xi32, #tpu.memory_space<hbm>>) dst(%arg12 : memref<128xi32, #tpu.memory_space<vmem>>)
        tpu.yield
      }) : () -> ()
      %dma_start3A_134 = arith.constant 0 : i32
      %dma_start3A_135 = arith.constant 0 : i32
      %dma_start3A_136 = tpu.memref_slice %arg8[%dma_start3A_134, %dma_start3A_135] : memref<10000x128xf32, #tpu.memory_space<vmem_shared>> -> memref<10000x128xf32, #tpu.memory_space<vmem_shared>>
      tpu.enqueue_indirect_dma source(%arg9 : memref<128x128xf32, #tpu.memory_space<vmem>>) target(%dma_start3A_136 : memref<10000x128xf32, #tpu.memory_space<vmem_shared>>) offsets(%arg12 : memref<128xi32, #tpu.memory_space<vmem>>) semaphore(%arg19 : memref<!tpu.dma_semaphore, #tpu.memory_space<semaphore_mem>>) {add = true}
      %gt3A_137 = arith.constant 0 : i32
      %gt3A_138 = arith.cmpi sgt, %scan3A_93, %gt3A_137 : i32
      %convert_element_type3A_139 = arith.extui %gt3A_138 : i1 to i32
      %cond3A_140 = arith.constant 0 : i32
      %cond3A_141 = arith.cmpi ne, %convert_element_type3A_139, %cond3A_140 : i32
      scf.if %cond3A_141 {
        %dma_wait3A_182 = arith.constant 0 : i32
        %dma_wait3A_183 = arith.constant 0 : i32
        %dma_wait3A_184 = tpu.memref_slice %arg8[%dma_wait3A_182, %dma_wait3A_183] : memref<10000x128xf32, #tpu.memory_space<vmem_shared>> -> memref<10000x128xf32, #tpu.memory_space<vmem_shared>>
        tpu.wait_indirect_dma semaphore(%arg20 : memref<!tpu.dma_semaphore, #tpu.memory_space<semaphore_mem>>) src(%arg9 : memref<128x128xf32, #tpu.memory_space<vmem>>) dst(%dma_wait3A_184 : memref<10000x128xf32, #tpu.memory_space<vmem_shared>>)
      } else {
      }
      %mul3A_142 = arith.constant 6 : i32
      %mul3A_143 = arith.muli %mul3A_142, %scan3A_93 : i32
      %add3A_144 = arith.constant 3 : i32
      %add3A_145 = arith.addi %mul3A_143, %add3A_144 : i32
      %mul3A_146 = arith.constant 128 : i32
      %mul3A_147 = arith.muli %add3A_145, %mul3A_146 : i32
      %add3A_148 = arith.addi %mul3A_2, %mul3A_147 : i32
      "tpu.region"() ({
        %run_scoped3A = tpu.sem_alloc : memref<!tpu.dma_semaphore, #tpu.memory_space<semaphore_mem>>
        %dma_start3A_182 = tpu.memref_slice %arg2[%add3A_148] : memref<320000xi32, #tpu.memory_space<hbm>> -> memref<128xi32, #tpu.memory_space<hbm>>
        %dma_start3A_183 = tpu.memref_slice %arg2[%add3A_148] : memref<320000xi32, #tpu.memory_space<hbm>> -> memref<128xi32, #tpu.memory_space<hbm>>
        tpu.enqueue_dma source(%dma_start3A_183 : memref<128xi32, #tpu.memory_space<hbm>>) target(%arg13 : memref<128xi32, #tpu.memory_space<vmem>>) target_semaphore(%run_scoped3A : memref<!tpu.dma_semaphore, #tpu.memory_space<semaphore_mem>>)
        %dma_wait3A_184 = tpu.memref_slice %arg2[%add3A_148] : memref<320000xi32, #tpu.memory_space<hbm>> -> memref<128xi32, #tpu.memory_space<hbm>>
        %dma_wait3A_185 = tpu.memref_slice %arg2[%add3A_148] : memref<320000xi32, #tpu.memory_space<hbm>> -> memref<128xi32, #tpu.memory_space<hbm>>
        tpu.wait_dma2 semaphore(%run_scoped3A : memref<!tpu.dma_semaphore, #tpu.memory_space<semaphore_mem>>) src(%dma_wait3A_185 : memref<128xi32, #tpu.memory_space<hbm>>) dst(%arg13 : memref<128xi32, #tpu.memory_space<vmem>>)
        tpu.yield
      }) : () -> ()
      %dma_start3A_149 = arith.constant 0 : i32
      %dma_start3A_150 = arith.constant 0 : i32
      %dma_start3A_151 = tpu.memref_slice %arg8[%dma_start3A_149, %dma_start3A_150] : memref<10000x128xf32, #tpu.memory_space<vmem_shared>> -> memref<10000x128xf32, #tpu.memory_space<vmem_shared>>
      tpu.enqueue_indirect_dma source(%arg9 : memref<128x128xf32, #tpu.memory_space<vmem>>) target(%dma_start3A_151 : memref<10000x128xf32, #tpu.memory_space<vmem_shared>>) offsets(%arg13 : memref<128xi32, #tpu.memory_space<vmem>>) semaphore(%arg20 : memref<!tpu.dma_semaphore, #tpu.memory_space<semaphore_mem>>) {add = true}
      %gt3A_152 = arith.constant 0 : i32
      %gt3A_153 = arith.cmpi sgt, %scan3A_93, %gt3A_152 : i32
      %convert_element_type3A_154 = arith.extui %gt3A_153 : i1 to i32
      %cond3A_155 = arith.constant 0 : i32
      %cond3A_156 = arith.cmpi ne, %convert_element_type3A_154, %cond3A_155 : i32
      scf.if %cond3A_156 {
        %dma_wait3A_182 = arith.constant 0 : i32
        %dma_wait3A_183 = arith.constant 0 : i32
        %dma_wait3A_184 = tpu.memref_slice %arg8[%dma_wait3A_182, %dma_wait3A_183] : memref<10000x128xf32, #tpu.memory_space<vmem_shared>> -> memref<10000x128xf32, #tpu.memory_space<vmem_shared>>
        tpu.wait_indirect_dma semaphore(%arg21 : memref<!tpu.dma_semaphore, #tpu.memory_space<semaphore_mem>>) src(%arg9 : memref<128x128xf32, #tpu.memory_space<vmem>>) dst(%dma_wait3A_184 : memref<10000x128xf32, #tpu.memory_space<vmem_shared>>)
      } else {
      }
      %mul3A_157 = arith.constant 6 : i32
      %mul3A_158 = arith.muli %mul3A_157, %scan3A_93 : i32
      %add3A_159 = arith.constant 4 : i32
      %add3A_160 = arith.addi %mul3A_158, %add3A_159 : i32
      %mul3A_161 = arith.constant 128 : i32
      %mul3A_162 = arith.muli %add3A_160, %mul3A_161 : i32
      %add3A_163 = arith.addi %mul3A_2, %mul3A_162 : i32
      "tpu.region"() ({
        %run_scoped3A = tpu.sem_alloc : memref<!tpu.dma_semaphore, #tpu.memory_space<semaphore_mem>>
        %dma_start3A_182 = tpu.memref_slice %arg2[%add3A_163] : memref<320000xi32, #tpu.memory_space<hbm>> -> memref<128xi32, #tpu.memory_space<hbm>>
        %dma_start3A_183 = tpu.memref_slice %arg2[%add3A_163] : memref<320000xi32, #tpu.memory_space<hbm>> -> memref<128xi32, #tpu.memory_space<hbm>>
        tpu.enqueue_dma source(%dma_start3A_183 : memref<128xi32, #tpu.memory_space<hbm>>) target(%arg14 : memref<128xi32, #tpu.memory_space<vmem>>) target_semaphore(%run_scoped3A : memref<!tpu.dma_semaphore, #tpu.memory_space<semaphore_mem>>)
        %dma_wait3A_184 = tpu.memref_slice %arg2[%add3A_163] : memref<320000xi32, #tpu.memory_space<hbm>> -> memref<128xi32, #tpu.memory_space<hbm>>
        %dma_wait3A_185 = tpu.memref_slice %arg2[%add3A_163] : memref<320000xi32, #tpu.memory_space<hbm>> -> memref<128xi32, #tpu.memory_space<hbm>>
        tpu.wait_dma2 semaphore(%run_scoped3A : memref<!tpu.dma_semaphore, #tpu.memory_space<semaphore_mem>>) src(%dma_wait3A_185 : memref<128xi32, #tpu.memory_space<hbm>>) dst(%arg14 : memref<128xi32, #tpu.memory_space<vmem>>)
        tpu.yield
      }) : () -> ()
      %dma_start3A_164 = arith.constant 0 : i32
      %dma_start3A_165 = arith.constant 0 : i32
      %dma_start3A_166 = tpu.memref_slice %arg8[%dma_start3A_164, %dma_start3A_165] : memref<10000x128xf32, #tpu.memory_space<vmem_shared>> -> memref<10000x128xf32, #tpu.memory_space<vmem_shared>>
      tpu.enqueue_indirect_dma source(%arg9 : memref<128x128xf32, #tpu.memory_space<vmem>>) target(%dma_start3A_166 : memref<10000x128xf32, #tpu.memory_space<vmem_shared>>) offsets(%arg14 : memref<128xi32, #tpu.memory_space<vmem>>) semaphore(%arg21 : memref<!tpu.dma_semaphore, #tpu.memory_space<semaphore_mem>>) {add = true}
      %gt3A_167 = arith.constant 0 : i32
      %gt3A_168 = arith.cmpi sgt, %scan3A_93, %gt3A_167 : i32
      %convert_element_type3A_169 = arith.extui %gt3A_168 : i1 to i32
      %cond3A_170 = arith.constant 0 : i32
      %cond3A_171 = arith.cmpi ne, %convert_element_type3A_169, %cond3A_170 : i32
      scf.if %cond3A_171 {
        %dma_wait3A_182 = arith.constant 0 : i32
        %dma_wait3A_183 = arith.constant 0 : i32
        %dma_wait3A_184 = tpu.memref_slice %arg8[%dma_wait3A_182, %dma_wait3A_183] : memref<10000x128xf32, #tpu.memory_space<vmem_shared>> -> memref<10000x128xf32, #tpu.memory_space<vmem_shared>>
        tpu.wait_indirect_dma semaphore(%arg22 : memref<!tpu.dma_semaphore, #tpu.memory_space<semaphore_mem>>) src(%arg9 : memref<128x128xf32, #tpu.memory_space<vmem>>) dst(%dma_wait3A_184 : memref<10000x128xf32, #tpu.memory_space<vmem_shared>>)
      } else {
      }
      %mul3A_172 = arith.constant 6 : i32
      %mul3A_173 = arith.muli %mul3A_172, %scan3A_93 : i32
      %add3A_174 = arith.constant 5 : i32
      %add3A_175 = arith.addi %mul3A_173, %add3A_174 : i32
      %mul3A_176 = arith.constant 128 : i32
      %mul3A_177 = arith.muli %add3A_175, %mul3A_176 : i32
      %add3A_178 = arith.addi %mul3A_2, %mul3A_177 : i32
      "tpu.region"() ({
        %run_scoped3A = tpu.sem_alloc : memref<!tpu.dma_semaphore, #tpu.memory_space<semaphore_mem>>
        %dma_start3A_182 = tpu.memref_slice %arg2[%add3A_178] : memref<320000xi32, #tpu.memory_space<hbm>> -> memref<128xi32, #tpu.memory_space<hbm>>
        %dma_start3A_183 = tpu.memref_slice %arg2[%add3A_178] : memref<320000xi32, #tpu.memory_space<hbm>> -> memref<128xi32, #tpu.memory_space<hbm>>
        tpu.enqueue_dma source(%dma_start3A_183 : memref<128xi32, #tpu.memory_space<hbm>>) target(%arg15 : memref<128xi32, #tpu.memory_space<vmem>>) target_semaphore(%run_scoped3A : memref<!tpu.dma_semaphore, #tpu.memory_space<semaphore_mem>>)
        %dma_wait3A_184 = tpu.memref_slice %arg2[%add3A_178] : memref<320000xi32, #tpu.memory_space<hbm>> -> memref<128xi32, #tpu.memory_space<hbm>>
        %dma_wait3A_185 = tpu.memref_slice %arg2[%add3A_178] : memref<320000xi32, #tpu.memory_space<hbm>> -> memref<128xi32, #tpu.memory_space<hbm>>
        tpu.wait_dma2 semaphore(%run_scoped3A : memref<!tpu.dma_semaphore, #tpu.memory_space<semaphore_mem>>) src(%dma_wait3A_185 : memref<128xi32, #tpu.memory_space<hbm>>) dst(%arg15 : memref<128xi32, #tpu.memory_space<vmem>>)
        tpu.yield
      }) : () -> ()
      %dma_start3A_179 = arith.constant 0 : i32
      %dma_start3A_180 = arith.constant 0 : i32
      %dma_start3A_181 = tpu.memref_slice %arg8[%dma_start3A_179, %dma_start3A_180] : memref<10000x128xf32, #tpu.memory_space<vmem_shared>> -> memref<10000x128xf32, #tpu.memory_space<vmem_shared>>
      tpu.enqueue_indirect_dma source(%arg9 : memref<128x128xf32, #tpu.memory_space<vmem>>) target(%dma_start3A_181 : memref<10000x128xf32, #tpu.memory_space<vmem_shared>>) offsets(%arg15 : memref<128xi32, #tpu.memory_space<vmem>>) semaphore(%arg22 : memref<!tpu.dma_semaphore, #tpu.memory_space<semaphore_mem>>) {add = true}
    }
    %scan3A_11 = arith.constant 13 : i32
    %dma_wait3A = arith.constant 0 : i32
    %dma_wait3A_12 = arith.constant 0 : i32
    %dma_wait3A_13 = tpu.memref_slice %arg8[%dma_wait3A, %dma_wait3A_12] : memref<10000x128xf32, #tpu.memory_space<vmem_shared>> -> memref<10000x128xf32, #tpu.memory_space<vmem_shared>>
    tpu.wait_indirect_dma semaphore(%arg17 : memref<!tpu.dma_semaphore, #tpu.memory_space<semaphore_mem>>) src(%arg9 : memref<128x128xf32, #tpu.memory_space<vmem>>) dst(%dma_wait3A_13 : memref<10000x128xf32, #tpu.memory_space<vmem_shared>>)
    %dma_wait3A_14 = arith.constant 0 : i32
    %dma_wait3A_15 = arith.constant 0 : i32
    %dma_wait3A_16 = tpu.memref_slice %arg8[%dma_wait3A_14, %dma_wait3A_15] : memref<10000x128xf32, #tpu.memory_space<vmem_shared>> -> memref<10000x128xf32, #tpu.memory_space<vmem_shared>>
    tpu.wait_indirect_dma semaphore(%arg18 : memref<!tpu.dma_semaphore, #tpu.memory_space<semaphore_mem>>) src(%arg9 : memref<128x128xf32, #tpu.memory_space<vmem>>) dst(%dma_wait3A_16 : memref<10000x128xf32, #tpu.memory_space<vmem_shared>>)
    %dma_wait3A_17 = arith.constant 0 : i32
    %dma_wait3A_18 = arith.constant 0 : i32
    %dma_wait3A_19 = tpu.memref_slice %arg8[%dma_wait3A_17, %dma_wait3A_18] : memref<10000x128xf32, #tpu.memory_space<vmem_shared>> -> memref<10000x128xf32, #tpu.memory_space<vmem_shared>>
    tpu.wait_indirect_dma semaphore(%arg19 : memref<!tpu.dma_semaphore, #tpu.memory_space<semaphore_mem>>) src(%arg9 : memref<128x128xf32, #tpu.memory_space<vmem>>) dst(%dma_wait3A_19 : memref<10000x128xf32, #tpu.memory_space<vmem_shared>>)
    %dma_wait3A_20 = arith.constant 0 : i32
    %dma_wait3A_21 = arith.constant 0 : i32
    %dma_wait3A_22 = tpu.memref_slice %arg8[%dma_wait3A_20, %dma_wait3A_21] : memref<10000x128xf32, #tpu.memory_space<vmem_shared>> -> memref<10000x128xf32, #tpu.memory_space<vmem_shared>>
    tpu.wait_indirect_dma semaphore(%arg20 : memref<!tpu.dma_semaphore, #tpu.memory_space<semaphore_mem>>) src(%arg9 : memref<128x128xf32, #tpu.memory_space<vmem>>) dst(%dma_wait3A_22 : memref<10000x128xf32, #tpu.memory_space<vmem_shared>>)
    %dma_wait3A_23 = arith.constant 0 : i32
    %dma_wait3A_24 = arith.constant 0 : i32
    %dma_wait3A_25 = tpu.memref_slice %arg8[%dma_wait3A_23, %dma_wait3A_24] : memref<10000x128xf32, #tpu.memory_space<vmem_shared>> -> memref<10000x128xf32, #tpu.memory_space<vmem_shared>>
    tpu.wait_indirect_dma semaphore(%arg21 : memref<!tpu.dma_semaphore, #tpu.memory_space<semaphore_mem>>) src(%arg9 : memref<128x128xf32, #tpu.memory_space<vmem>>) dst(%dma_wait3A_25 : memref<10000x128xf32, #tpu.memory_space<vmem_shared>>)
    %dma_wait3A_26 = arith.constant 0 : i32
    %dma_wait3A_27 = arith.constant 0 : i32
    %dma_wait3A_28 = tpu.memref_slice %arg8[%dma_wait3A_26, %dma_wait3A_27] : memref<10000x128xf32, #tpu.memory_space<vmem_shared>> -> memref<10000x128xf32, #tpu.memory_space<vmem_shared>>
    tpu.wait_indirect_dma semaphore(%arg22 : memref<!tpu.dma_semaphore, #tpu.memory_space<semaphore_mem>>) src(%arg9 : memref<128x128xf32, #tpu.memory_space<vmem>>) dst(%dma_wait3A_28 : memref<10000x128xf32, #tpu.memory_space<vmem_shared>>)
    %add3A_29 = arith.constant 9984 : i32
    %add3A_30 = arith.addi %mul3A_2, %add3A_29 : i32
    "tpu.region"() ({
      %run_scoped3A = tpu.sem_alloc : memref<!tpu.dma_semaphore, #tpu.memory_space<semaphore_mem>>
      %dma_start3A = tpu.memref_slice %arg2[%add3A_30] : memref<320000xi32, #tpu.memory_space<hbm>> -> memref<16xi32, #tpu.memory_space<hbm>>
      %dma_start3A_93 = tpu.memref_slice %arg2[%add3A_30] : memref<320000xi32, #tpu.memory_space<hbm>> -> memref<16xi32, #tpu.memory_space<hbm>>
      tpu.enqueue_dma source(%dma_start3A_93 : memref<16xi32, #tpu.memory_space<hbm>>) target(%arg16 : memref<16xi32, #tpu.memory_space<vmem>>) target_semaphore(%run_scoped3A : memref<!tpu.dma_semaphore, #tpu.memory_space<semaphore_mem>>)
      %dma_wait3A_94 = tpu.memref_slice %arg2[%add3A_30] : memref<320000xi32, #tpu.memory_space<hbm>> -> memref<16xi32, #tpu.memory_space<hbm>>
      %dma_wait3A_95 = tpu.memref_slice %arg2[%add3A_30] : memref<320000xi32, #tpu.memory_space<hbm>> -> memref<16xi32, #tpu.memory_space<hbm>>
      tpu.wait_dma2 semaphore(%run_scoped3A : memref<!tpu.dma_semaphore, #tpu.memory_space<semaphore_mem>>) src(%dma_wait3A_95 : memref<16xi32, #tpu.memory_space<hbm>>) dst(%arg16 : memref<16xi32, #tpu.memory_space<vmem>>)
      tpu.yield
    }) : () -> ()
    "tpu.region"() ({
      %run_scoped3A = tpu.sem_alloc : memref<!tpu.dma_semaphore, #tpu.memory_space<semaphore_mem>>
      %dma_start3A = arith.constant 0 : i32
      %dma_start3A_93 = arith.constant 0 : i32
      %dma_start3A_94 = tpu.memref_slice %arg9[%dma_start3A, %dma_start3A_93] : memref<128x128xf32, #tpu.memory_space<vmem>> -> memref<16x128xf32, #tpu.memory_space<vmem>>
      %dma_start3A_95 = arith.constant 0 : i32
      %dma_start3A_96 = arith.constant 0 : i32
      %dma_start3A_97 = tpu.memref_slice %arg8[%dma_start3A_95, %dma_start3A_96] : memref<10000x128xf32, #tpu.memory_space<vmem_shared>> -> memref<10000x128xf32, #tpu.memory_space<vmem_shared>>
      tpu.enqueue_indirect_dma source(%dma_start3A_94 : memref<16x128xf32, #tpu.memory_space<vmem>>) target(%dma_start3A_97 : memref<10000x128xf32, #tpu.memory_space<vmem_shared>>) offsets(%arg16 : memref<16xi32, #tpu.memory_space<vmem>>) semaphore(%run_scoped3A : memref<!tpu.dma_semaphore, #tpu.memory_space<semaphore_mem>>) {add = true}
      %dma_wait3A_98 = arith.constant 0 : i32
      %dma_wait3A_99 = arith.constant 0 : i32
      %dma_wait3A_100 = tpu.memref_slice %arg9[%dma_wait3A_98, %dma_wait3A_99] : memref<128x128xf32, #tpu.memory_space<vmem>> -> memref<16x128xf32, #tpu.memory_space<vmem>>
      %dma_wait3A_101 = arith.constant 0 : i32
      %dma_wait3A_102 = arith.constant 0 : i32
      %dma_wait3A_103 = tpu.memref_slice %arg8[%dma_wait3A_101, %dma_wait3A_102] : memref<10000x128xf32, #tpu.memory_space<vmem_shared>> -> memref<10000x128xf32, #tpu.memory_space<vmem_shared>>
      tpu.wait_indirect_dma semaphore(%run_scoped3A : memref<!tpu.dma_semaphore, #tpu.memory_space<semaphore_mem>>) src(%dma_wait3A_100 : memref<16x128xf32, #tpu.memory_space<vmem>>) dst(%dma_wait3A_103 : memref<10000x128xf32, #tpu.memory_space<vmem_shared>>)
      tpu.yield
    }) : () -> ()
    %barrier3A_31 = arith.constant 0 : index
    tpu.barrier barrier_id(%barrier3A_31)
    %mul3A_32 = arith.constant 624 : i32
    %mul3A_33 = arith.muli %arg1, %mul3A_32 : i32
    %mul3A_34 = arith.constant 10000 : i32
    %mul3A_35 = arith.muli %arg0, %mul3A_34 : i32
    %mul3A_36 = arith.constant 624 : i32
    %mul3A_37 = arith.muli %arg1, %mul3A_36 : i32
    %add3A_38 = arith.addi %mul3A_35, %mul3A_37 : i32
    "tpu.region"() ({
      %run_scoped3A = tpu.sem_alloc : memref<!tpu.dma_semaphore, #tpu.memory_space<semaphore_mem>>
      %dma_start3A = arith.constant 0 : i32
      %dma_start3A_93 = tpu.memref_slice %arg6[%add3A_38, %dma_start3A] : memref<20000x128xf32, #tpu.memory_space<hbm>> -> memref<624x128xf32, #tpu.memory_space<hbm>>
      %dma_start3A_94 = arith.constant 0 : i32
      %dma_start3A_95 = tpu.memref_slice %arg8[%mul3A_33, %dma_start3A_94] : memref<10000x128xf32, #tpu.memory_space<vmem_shared>> -> memref<624x128xf32, #tpu.memory_space<vmem_shared>>
      tpu.enqueue_dma source(%dma_start3A_95 : memref<624x128xf32, #tpu.memory_space<vmem_shared>>) target(%dma_start3A_93 : memref<624x128xf32, #tpu.memory_space<hbm>>) target_semaphore(%run_scoped3A : memref<!tpu.dma_semaphore, #tpu.memory_space<semaphore_mem>>)
      %dma_wait3A_96 = arith.constant 0 : i32
      %dma_wait3A_97 = tpu.memref_slice %arg6[%add3A_38, %dma_wait3A_96] : memref<20000x128xf32, #tpu.memory_space<hbm>> -> memref<624x128xf32, #tpu.memory_space<hbm>>
      %dma_wait3A_98 = arith.constant 0 : i32
      %dma_wait3A_99 = tpu.memref_slice %arg8[%mul3A_33, %dma_wait3A_98] : memref<10000x128xf32, #tpu.memory_space<vmem_shared>> -> memref<624x128xf32, #tpu.memory_space<vmem_shared>>
      tpu.wait_dma2 semaphore(%run_scoped3A : memref<!tpu.dma_semaphore, #tpu.memory_space<semaphore_mem>>) src(%dma_wait3A_99 : memref<624x128xf32, #tpu.memory_space<vmem_shared>>) dst(%dma_wait3A_97 : memref<624x128xf32, #tpu.memory_space<hbm>>)
      tpu.yield
    }) : () -> ()
    %eq3A_39 = arith.constant 15 : i32
    %eq3A_40 = arith.cmpi eq, %arg1, %eq3A_39 : i32
    %convert_element_type3A_41 = arith.extui %eq3A_40 : i1 to i32
    %cond3A_42 = arith.constant 0 : i32
    %cond3A_43 = arith.cmpi ne, %convert_element_type3A_41, %cond3A_42 : i32
    scf.if %cond3A_43 {
      %mul3A_93 = arith.constant 10000 : i32
      %mul3A_94 = arith.muli %arg0, %mul3A_93 : i32
      %add3A_95 = arith.constant 9984 : i32
      %add3A_96 = arith.addi %mul3A_94, %add3A_95 : i32
      "tpu.region"() ({
        %run_scoped3A = tpu.sem_alloc : memref<!tpu.dma_semaphore, #tpu.memory_space<semaphore_mem>>
        %dma_start3A = arith.constant 0 : i32
        %dma_start3A_97 = tpu.memref_slice %arg6[%add3A_96, %dma_start3A] : memref<20000x128xf32, #tpu.memory_space<hbm>> -> memref<16x128xf32, #tpu.memory_space<hbm>>
        %dma_start3A_98 = arith.constant 9984 : i32
        %dma_start3A_99 = arith.constant 0 : i32
        %dma_start3A_100 = tpu.memref_slice %arg8[%dma_start3A_98, %dma_start3A_99] : memref<10000x128xf32, #tpu.memory_space<vmem_shared>> -> memref<16x128xf32, #tpu.memory_space<vmem_shared>>
        tpu.enqueue_dma source(%dma_start3A_100 : memref<16x128xf32, #tpu.memory_space<vmem_shared>>) target(%dma_start3A_97 : memref<16x128xf32, #tpu.memory_space<hbm>>) target_semaphore(%run_scoped3A : memref<!tpu.dma_semaphore, #tpu.memory_space<semaphore_mem>>)
        %dma_wait3A_101 = arith.constant 0 : i32
        %dma_wait3A_102 = tpu.memref_slice %arg6[%add3A_96, %dma_wait3A_101] : memref<20000x128xf32, #tpu.memory_space<hbm>> -> memref<16x128xf32, #tpu.memory_space<hbm>>
        %dma_wait3A_103 = arith.constant 9984 : i32
        %dma_wait3A_104 = arith.constant 0 : i32
        %dma_wait3A_105 = tpu.memref_slice %arg8[%dma_wait3A_103, %dma_wait3A_104] : memref<10000x128xf32, #tpu.memory_space<vmem_shared>> -> memref<16x128xf32, #tpu.memory_space<vmem_shared>>
        tpu.wait_dma2 semaphore(%run_scoped3A : memref<!tpu.dma_semaphore, #tpu.memory_space<semaphore_mem>>) src(%dma_wait3A_105 : memref<16x128xf32, #tpu.memory_space<vmem_shared>>) dst(%dma_wait3A_102 : memref<16x128xf32, #tpu.memory_space<hbm>>)
        tpu.yield
      }) : () -> ()
    } else {
    }
    %barrier3A_44 = arith.constant 0 : index
    tpu.barrier barrier_id(%barrier3A_44)
    %mul3A_45 = arith.constant 624 : i32
    %mul3A_46 = arith.muli %arg1, %mul3A_45 : i32
    "tpu.region"() ({
      %run_scoped3A = tpu.sem_alloc : memref<!tpu.dma_semaphore, #tpu.memory_space<semaphore_mem>>
      %dma_start3A = arith.constant 0 : i32
      %dma_start3A_93 = tpu.memref_slice %arg8[%mul3A_46, %dma_start3A] : memref<10000x128xf32, #tpu.memory_space<vmem_shared>> -> memref<624x128xf32, #tpu.memory_space<vmem_shared>>
      tpu.enqueue_dma source(%arg4 : memref<624x128xf32, #tpu.memory_space<hbm>>) target(%dma_start3A_93 : memref<624x128xf32, #tpu.memory_space<vmem_shared>>) target_semaphore(%run_scoped3A : memref<!tpu.dma_semaphore, #tpu.memory_space<semaphore_mem>>)
      %dma_wait3A_94 = arith.constant 0 : i32
      %dma_wait3A_95 = tpu.memref_slice %arg8[%mul3A_46, %dma_wait3A_94] : memref<10000x128xf32, #tpu.memory_space<vmem_shared>> -> memref<624x128xf32, #tpu.memory_space<vmem_shared>>
      tpu.wait_dma2 semaphore(%run_scoped3A : memref<!tpu.dma_semaphore, #tpu.memory_space<semaphore_mem>>) src(%arg4 : memref<624x128xf32, #tpu.memory_space<hbm>>) dst(%dma_wait3A_95 : memref<624x128xf32, #tpu.memory_space<vmem_shared>>)
      tpu.yield
    }) : () -> ()
    %eq3A_47 = arith.constant 15 : i32
    %eq3A_48 = arith.cmpi eq, %arg1, %eq3A_47 : i32
    %convert_element_type3A_49 = arith.extui %eq3A_48 : i1 to i32
    %cond3A_50 = arith.constant 0 : i32
    %cond3A_51 = arith.cmpi ne, %convert_element_type3A_49, %cond3A_50 : i32
    scf.if %cond3A_51 {
      "tpu.region"() ({
        %run_scoped3A = tpu.sem_alloc : memref<!tpu.dma_semaphore, #tpu.memory_space<semaphore_mem>>
        %dma_start3A = arith.constant 9984 : i32
        %dma_start3A_93 = arith.constant 0 : i32
        %dma_start3A_94 = tpu.memref_slice %arg8[%dma_start3A, %dma_start3A_93] : memref<10000x128xf32, #tpu.memory_space<vmem_shared>> -> memref<16x128xf32, #tpu.memory_space<vmem_shared>>
        %dma_start3A_95 = arith.constant 0 : i32
        %dma_start3A_96 = arith.constant 0 : i32
        %dma_start3A_97 = tpu.memref_slice %arg4[%dma_start3A_95, %dma_start3A_96] : memref<624x128xf32, #tpu.memory_space<hbm>> -> memref<16x128xf32, #tpu.memory_space<hbm>>
        tpu.enqueue_dma source(%dma_start3A_97 : memref<16x128xf32, #tpu.memory_space<hbm>>) target(%dma_start3A_94 : memref<16x128xf32, #tpu.memory_space<vmem_shared>>) target_semaphore(%run_scoped3A : memref<!tpu.dma_semaphore, #tpu.memory_space<semaphore_mem>>)
        %dma_wait3A_98 = arith.constant 9984 : i32
        %dma_wait3A_99 = arith.constant 0 : i32
        %dma_wait3A_100 = tpu.memref_slice %arg8[%dma_wait3A_98, %dma_wait3A_99] : memref<10000x128xf32, #tpu.memory_space<vmem_shared>> -> memref<16x128xf32, #tpu.memory_space<vmem_shared>>
        %dma_wait3A_101 = arith.constant 0 : i32
        %dma_wait3A_102 = arith.constant 0 : i32
        %dma_wait3A_103 = tpu.memref_slice %arg4[%dma_wait3A_101, %dma_wait3A_102] : memref<624x128xf32, #tpu.memory_space<hbm>> -> memref<16x128xf32, #tpu.memory_space<hbm>>
        tpu.wait_dma2 semaphore(%run_scoped3A : memref<!tpu.dma_semaphore, #tpu.memory_space<semaphore_mem>>) src(%dma_wait3A_103 : memref<16x128xf32, #tpu.memory_space<hbm>>) dst(%dma_wait3A_100 : memref<16x128xf32, #tpu.memory_space<vmem_shared>>)
        tpu.yield
      }) : () -> ()
    } else {
    }
    %barrier3A_52 = arith.constant 0 : index
    tpu.barrier barrier_id(%barrier3A_52)
    %scan3A_53 = arith.constant 0 : i32
    %scan3A_54 = arith.constant 0 : i32
    %scan3A_55 = arith.constant 13 : i32
    %scan3A_56 = arith.addi %scan3A_54, %scan3A_55 : i32
    %scan3A_57 = arith.constant 1 : i32
    scf.for %scan3A_93 = %scan3A_54 to %scan3A_56 step %scan3A_57  : i32 {
      %gt3A = arith.constant 0 : i32
      %gt3A_94 = arith.cmpi sgt, %scan3A_93, %gt3A : i32
      %convert_element_type3A_95 = arith.extui %gt3A_94 : i1 to i32
      %cond3A_96 = arith.constant 0 : i32
      %cond3A_97 = arith.cmpi ne, %convert_element_type3A_95, %cond3A_96 : i32
      scf.if %cond3A_97 {
        %dma_wait3A_182 = arith.constant 0 : i32
        %dma_wait3A_183 = arith.constant 0 : i32
        %dma_wait3A_184 = tpu.memref_slice %arg8[%dma_wait3A_182, %dma_wait3A_183] : memref<10000x128xf32, #tpu.memory_space<vmem_shared>> -> memref<10000x128xf32, #tpu.memory_space<vmem_shared>>
        tpu.wait_indirect_dma semaphore(%arg17 : memref<!tpu.dma_semaphore, #tpu.memory_space<semaphore_mem>>) src(%arg9 : memref<128x128xf32, #tpu.memory_space<vmem>>) dst(%dma_wait3A_184 : memref<10000x128xf32, #tpu.memory_space<vmem_shared>>)
      } else {
      }
      %mul3A_98 = arith.constant 6 : i32
      %mul3A_99 = arith.muli %mul3A_98, %scan3A_93 : i32
      %add3A_100 = arith.constant 0 : i32
      %add3A_101 = arith.addi %mul3A_99, %add3A_100 : i32
      %mul3A_102 = arith.constant 128 : i32
      %mul3A_103 = arith.muli %add3A_101, %mul3A_102 : i32
      %add3A_104 = arith.addi %mul3A_2, %mul3A_103 : i32
      "tpu.region"() ({
        %run_scoped3A = tpu.sem_alloc : memref<!tpu.dma_semaphore, #tpu.memory_space<semaphore_mem>>
        %dma_start3A_182 = tpu.memref_slice %arg3[%add3A_104] : memref<320000xi32, #tpu.memory_space<hbm>> -> memref<128xi32, #tpu.memory_space<hbm>>
        %dma_start3A_183 = tpu.memref_slice %arg3[%add3A_104] : memref<320000xi32, #tpu.memory_space<hbm>> -> memref<128xi32, #tpu.memory_space<hbm>>
        tpu.enqueue_dma source(%dma_start3A_183 : memref<128xi32, #tpu.memory_space<hbm>>) target(%arg10 : memref<128xi32, #tpu.memory_space<vmem>>) target_semaphore(%run_scoped3A : memref<!tpu.dma_semaphore, #tpu.memory_space<semaphore_mem>>)
        %dma_wait3A_184 = tpu.memref_slice %arg3[%add3A_104] : memref<320000xi32, #tpu.memory_space<hbm>> -> memref<128xi32, #tpu.memory_space<hbm>>
        %dma_wait3A_185 = tpu.memref_slice %arg3[%add3A_104] : memref<320000xi32, #tpu.memory_space<hbm>> -> memref<128xi32, #tpu.memory_space<hbm>>
        tpu.wait_dma2 semaphore(%run_scoped3A : memref<!tpu.dma_semaphore, #tpu.memory_space<semaphore_mem>>) src(%dma_wait3A_185 : memref<128xi32, #tpu.memory_space<hbm>>) dst(%arg10 : memref<128xi32, #tpu.memory_space<vmem>>)
        tpu.yield
      }) : () -> ()
      %dma_start3A = arith.constant 0 : i32
      %dma_start3A_105 = arith.constant 0 : i32
      %dma_start3A_106 = tpu.memref_slice %arg8[%dma_start3A, %dma_start3A_105] : memref<10000x128xf32, #tpu.memory_space<vmem_shared>> -> memref<10000x128xf32, #tpu.memory_space<vmem_shared>>
      tpu.enqueue_indirect_dma source(%arg9 : memref<128x128xf32, #tpu.memory_space<vmem>>) target(%dma_start3A_106 : memref<10000x128xf32, #tpu.memory_space<vmem_shared>>) offsets(%arg10 : memref<128xi32, #tpu.memory_space<vmem>>) semaphore(%arg17 : memref<!tpu.dma_semaphore, #tpu.memory_space<semaphore_mem>>) {add = true}
      %gt3A_107 = arith.constant 0 : i32
      %gt3A_108 = arith.cmpi sgt, %scan3A_93, %gt3A_107 : i32
      %convert_element_type3A_109 = arith.extui %gt3A_108 : i1 to i32
      %cond3A_110 = arith.constant 0 : i32
      %cond3A_111 = arith.cmpi ne, %convert_element_type3A_109, %cond3A_110 : i32
      scf.if %cond3A_111 {
        %dma_wait3A_182 = arith.constant 0 : i32
        %dma_wait3A_183 = arith.constant 0 : i32
        %dma_wait3A_184 = tpu.memref_slice %arg8[%dma_wait3A_182, %dma_wait3A_183] : memref<10000x128xf32, #tpu.memory_space<vmem_shared>> -> memref<10000x128xf32, #tpu.memory_space<vmem_shared>>
        tpu.wait_indirect_dma semaphore(%arg18 : memref<!tpu.dma_semaphore, #tpu.memory_space<semaphore_mem>>) src(%arg9 : memref<128x128xf32, #tpu.memory_space<vmem>>) dst(%dma_wait3A_184 : memref<10000x128xf32, #tpu.memory_space<vmem_shared>>)
      } else {
      }
      %mul3A_112 = arith.constant 6 : i32
      %mul3A_113 = arith.muli %mul3A_112, %scan3A_93 : i32
      %add3A_114 = arith.constant 1 : i32
      %add3A_115 = arith.addi %mul3A_113, %add3A_114 : i32
      %mul3A_116 = arith.constant 128 : i32
      %mul3A_117 = arith.muli %add3A_115, %mul3A_116 : i32
      %add3A_118 = arith.addi %mul3A_2, %mul3A_117 : i32
      "tpu.region"() ({
        %run_scoped3A = tpu.sem_alloc : memref<!tpu.dma_semaphore, #tpu.memory_space<semaphore_mem>>
        %dma_start3A_182 = tpu.memref_slice %arg3[%add3A_118] : memref<320000xi32, #tpu.memory_space<hbm>> -> memref<128xi32, #tpu.memory_space<hbm>>
        %dma_start3A_183 = tpu.memref_slice %arg3[%add3A_118] : memref<320000xi32, #tpu.memory_space<hbm>> -> memref<128xi32, #tpu.memory_space<hbm>>
        tpu.enqueue_dma source(%dma_start3A_183 : memref<128xi32, #tpu.memory_space<hbm>>) target(%arg11 : memref<128xi32, #tpu.memory_space<vmem>>) target_semaphore(%run_scoped3A : memref<!tpu.dma_semaphore, #tpu.memory_space<semaphore_mem>>)
        %dma_wait3A_184 = tpu.memref_slice %arg3[%add3A_118] : memref<320000xi32, #tpu.memory_space<hbm>> -> memref<128xi32, #tpu.memory_space<hbm>>
        %dma_wait3A_185 = tpu.memref_slice %arg3[%add3A_118] : memref<320000xi32, #tpu.memory_space<hbm>> -> memref<128xi32, #tpu.memory_space<hbm>>
        tpu.wait_dma2 semaphore(%run_scoped3A : memref<!tpu.dma_semaphore, #tpu.memory_space<semaphore_mem>>) src(%dma_wait3A_185 : memref<128xi32, #tpu.memory_space<hbm>>) dst(%arg11 : memref<128xi32, #tpu.memory_space<vmem>>)
        tpu.yield
      }) : () -> ()
      %dma_start3A_119 = arith.constant 0 : i32
      %dma_start3A_120 = arith.constant 0 : i32
      %dma_start3A_121 = tpu.memref_slice %arg8[%dma_start3A_119, %dma_start3A_120] : memref<10000x128xf32, #tpu.memory_space<vmem_shared>> -> memref<10000x128xf32, #tpu.memory_space<vmem_shared>>
      tpu.enqueue_indirect_dma source(%arg9 : memref<128x128xf32, #tpu.memory_space<vmem>>) target(%dma_start3A_121 : memref<10000x128xf32, #tpu.memory_space<vmem_shared>>) offsets(%arg11 : memref<128xi32, #tpu.memory_space<vmem>>) semaphore(%arg18 : memref<!tpu.dma_semaphore, #tpu.memory_space<semaphore_mem>>) {add = true}
      %gt3A_122 = arith.constant 0 : i32
      %gt3A_123 = arith.cmpi sgt, %scan3A_93, %gt3A_122 : i32
      %convert_element_type3A_124 = arith.extui %gt3A_123 : i1 to i32
      %cond3A_125 = arith.constant 0 : i32
      %cond3A_126 = arith.cmpi ne, %convert_element_type3A_124, %cond3A_125 : i32
      scf.if %cond3A_126 {
        %dma_wait3A_182 = arith.constant 0 : i32
        %dma_wait3A_183 = arith.constant 0 : i32
        %dma_wait3A_184 = tpu.memref_slice %arg8[%dma_wait3A_182, %dma_wait3A_183] : memref<10000x128xf32, #tpu.memory_space<vmem_shared>> -> memref<10000x128xf32, #tpu.memory_space<vmem_shared>>
        tpu.wait_indirect_dma semaphore(%arg19 : memref<!tpu.dma_semaphore, #tpu.memory_space<semaphore_mem>>) src(%arg9 : memref<128x128xf32, #tpu.memory_space<vmem>>) dst(%dma_wait3A_184 : memref<10000x128xf32, #tpu.memory_space<vmem_shared>>)
      } else {
      }
      %mul3A_127 = arith.constant 6 : i32
      %mul3A_128 = arith.muli %mul3A_127, %scan3A_93 : i32
      %add3A_129 = arith.constant 2 : i32
      %add3A_130 = arith.addi %mul3A_128, %add3A_129 : i32
      %mul3A_131 = arith.constant 128 : i32
      %mul3A_132 = arith.muli %add3A_130, %mul3A_131 : i32
      %add3A_133 = arith.addi %mul3A_2, %mul3A_132 : i32
      "tpu.region"() ({
        %run_scoped3A = tpu.sem_alloc : memref<!tpu.dma_semaphore, #tpu.memory_space<semaphore_mem>>
        %dma_start3A_182 = tpu.memref_slice %arg3[%add3A_133] : memref<320000xi32, #tpu.memory_space<hbm>> -> memref<128xi32, #tpu.memory_space<hbm>>
        %dma_start3A_183 = tpu.memref_slice %arg3[%add3A_133] : memref<320000xi32, #tpu.memory_space<hbm>> -> memref<128xi32, #tpu.memory_space<hbm>>
        tpu.enqueue_dma source(%dma_start3A_183 : memref<128xi32, #tpu.memory_space<hbm>>) target(%arg12 : memref<128xi32, #tpu.memory_space<vmem>>) target_semaphore(%run_scoped3A : memref<!tpu.dma_semaphore, #tpu.memory_space<semaphore_mem>>)
        %dma_wait3A_184 = tpu.memref_slice %arg3[%add3A_133] : memref<320000xi32, #tpu.memory_space<hbm>> -> memref<128xi32, #tpu.memory_space<hbm>>
        %dma_wait3A_185 = tpu.memref_slice %arg3[%add3A_133] : memref<320000xi32, #tpu.memory_space<hbm>> -> memref<128xi32, #tpu.memory_space<hbm>>
        tpu.wait_dma2 semaphore(%run_scoped3A : memref<!tpu.dma_semaphore, #tpu.memory_space<semaphore_mem>>) src(%dma_wait3A_185 : memref<128xi32, #tpu.memory_space<hbm>>) dst(%arg12 : memref<128xi32, #tpu.memory_space<vmem>>)
        tpu.yield
      }) : () -> ()
      %dma_start3A_134 = arith.constant 0 : i32
      %dma_start3A_135 = arith.constant 0 : i32
      %dma_start3A_136 = tpu.memref_slice %arg8[%dma_start3A_134, %dma_start3A_135] : memref<10000x128xf32, #tpu.memory_space<vmem_shared>> -> memref<10000x128xf32, #tpu.memory_space<vmem_shared>>
      tpu.enqueue_indirect_dma source(%arg9 : memref<128x128xf32, #tpu.memory_space<vmem>>) target(%dma_start3A_136 : memref<10000x128xf32, #tpu.memory_space<vmem_shared>>) offsets(%arg12 : memref<128xi32, #tpu.memory_space<vmem>>) semaphore(%arg19 : memref<!tpu.dma_semaphore, #tpu.memory_space<semaphore_mem>>) {add = true}
      %gt3A_137 = arith.constant 0 : i32
      %gt3A_138 = arith.cmpi sgt, %scan3A_93, %gt3A_137 : i32
      %convert_element_type3A_139 = arith.extui %gt3A_138 : i1 to i32
      %cond3A_140 = arith.constant 0 : i32
      %cond3A_141 = arith.cmpi ne, %convert_element_type3A_139, %cond3A_140 : i32
      scf.if %cond3A_141 {
        %dma_wait3A_182 = arith.constant 0 : i32
        %dma_wait3A_183 = arith.constant 0 : i32
        %dma_wait3A_184 = tpu.memref_slice %arg8[%dma_wait3A_182, %dma_wait3A_183] : memref<10000x128xf32, #tpu.memory_space<vmem_shared>> -> memref<10000x128xf32, #tpu.memory_space<vmem_shared>>
        tpu.wait_indirect_dma semaphore(%arg20 : memref<!tpu.dma_semaphore, #tpu.memory_space<semaphore_mem>>) src(%arg9 : memref<128x128xf32, #tpu.memory_space<vmem>>) dst(%dma_wait3A_184 : memref<10000x128xf32, #tpu.memory_space<vmem_shared>>)
      } else {
      }
      %mul3A_142 = arith.constant 6 : i32
      %mul3A_143 = arith.muli %mul3A_142, %scan3A_93 : i32
      %add3A_144 = arith.constant 3 : i32
      %add3A_145 = arith.addi %mul3A_143, %add3A_144 : i32
      %mul3A_146 = arith.constant 128 : i32
      %mul3A_147 = arith.muli %add3A_145, %mul3A_146 : i32
      %add3A_148 = arith.addi %mul3A_2, %mul3A_147 : i32
      "tpu.region"() ({
        %run_scoped3A = tpu.sem_alloc : memref<!tpu.dma_semaphore, #tpu.memory_space<semaphore_mem>>
        %dma_start3A_182 = tpu.memref_slice %arg3[%add3A_148] : memref<320000xi32, #tpu.memory_space<hbm>> -> memref<128xi32, #tpu.memory_space<hbm>>
        %dma_start3A_183 = tpu.memref_slice %arg3[%add3A_148] : memref<320000xi32, #tpu.memory_space<hbm>> -> memref<128xi32, #tpu.memory_space<hbm>>
        tpu.enqueue_dma source(%dma_start3A_183 : memref<128xi32, #tpu.memory_space<hbm>>) target(%arg13 : memref<128xi32, #tpu.memory_space<vmem>>) target_semaphore(%run_scoped3A : memref<!tpu.dma_semaphore, #tpu.memory_space<semaphore_mem>>)
        %dma_wait3A_184 = tpu.memref_slice %arg3[%add3A_148] : memref<320000xi32, #tpu.memory_space<hbm>> -> memref<128xi32, #tpu.memory_space<hbm>>
        %dma_wait3A_185 = tpu.memref_slice %arg3[%add3A_148] : memref<320000xi32, #tpu.memory_space<hbm>> -> memref<128xi32, #tpu.memory_space<hbm>>
        tpu.wait_dma2 semaphore(%run_scoped3A : memref<!tpu.dma_semaphore, #tpu.memory_space<semaphore_mem>>) src(%dma_wait3A_185 : memref<128xi32, #tpu.memory_space<hbm>>) dst(%arg13 : memref<128xi32, #tpu.memory_space<vmem>>)
        tpu.yield
      }) : () -> ()
      %dma_start3A_149 = arith.constant 0 : i32
      %dma_start3A_150 = arith.constant 0 : i32
      %dma_start3A_151 = tpu.memref_slice %arg8[%dma_start3A_149, %dma_start3A_150] : memref<10000x128xf32, #tpu.memory_space<vmem_shared>> -> memref<10000x128xf32, #tpu.memory_space<vmem_shared>>
      tpu.enqueue_indirect_dma source(%arg9 : memref<128x128xf32, #tpu.memory_space<vmem>>) target(%dma_start3A_151 : memref<10000x128xf32, #tpu.memory_space<vmem_shared>>) offsets(%arg13 : memref<128xi32, #tpu.memory_space<vmem>>) semaphore(%arg20 : memref<!tpu.dma_semaphore, #tpu.memory_space<semaphore_mem>>) {add = true}
      %gt3A_152 = arith.constant 0 : i32
      %gt3A_153 = arith.cmpi sgt, %scan3A_93, %gt3A_152 : i32
      %convert_element_type3A_154 = arith.extui %gt3A_153 : i1 to i32
      %cond3A_155 = arith.constant 0 : i32
      %cond3A_156 = arith.cmpi ne, %convert_element_type3A_154, %cond3A_155 : i32
      scf.if %cond3A_156 {
        %dma_wait3A_182 = arith.constant 0 : i32
        %dma_wait3A_183 = arith.constant 0 : i32
        %dma_wait3A_184 = tpu.memref_slice %arg8[%dma_wait3A_182, %dma_wait3A_183] : memref<10000x128xf32, #tpu.memory_space<vmem_shared>> -> memref<10000x128xf32, #tpu.memory_space<vmem_shared>>
        tpu.wait_indirect_dma semaphore(%arg21 : memref<!tpu.dma_semaphore, #tpu.memory_space<semaphore_mem>>) src(%arg9 : memref<128x128xf32, #tpu.memory_space<vmem>>) dst(%dma_wait3A_184 : memref<10000x128xf32, #tpu.memory_space<vmem_shared>>)
      } else {
      }
      %mul3A_157 = arith.constant 6 : i32
      %mul3A_158 = arith.muli %mul3A_157, %scan3A_93 : i32
      %add3A_159 = arith.constant 4 : i32
      %add3A_160 = arith.addi %mul3A_158, %add3A_159 : i32
      %mul3A_161 = arith.constant 128 : i32
      %mul3A_162 = arith.muli %add3A_160, %mul3A_161 : i32
      %add3A_163 = arith.addi %mul3A_2, %mul3A_162 : i32
      "tpu.region"() ({
        %run_scoped3A = tpu.sem_alloc : memref<!tpu.dma_semaphore, #tpu.memory_space<semaphore_mem>>
        %dma_start3A_182 = tpu.memref_slice %arg3[%add3A_163] : memref<320000xi32, #tpu.memory_space<hbm>> -> memref<128xi32, #tpu.memory_space<hbm>>
        %dma_start3A_183 = tpu.memref_slice %arg3[%add3A_163] : memref<320000xi32, #tpu.memory_space<hbm>> -> memref<128xi32, #tpu.memory_space<hbm>>
        tpu.enqueue_dma source(%dma_start3A_183 : memref<128xi32, #tpu.memory_space<hbm>>) target(%arg14 : memref<128xi32, #tpu.memory_space<vmem>>) target_semaphore(%run_scoped3A : memref<!tpu.dma_semaphore, #tpu.memory_space<semaphore_mem>>)
        %dma_wait3A_184 = tpu.memref_slice %arg3[%add3A_163] : memref<320000xi32, #tpu.memory_space<hbm>> -> memref<128xi32, #tpu.memory_space<hbm>>
        %dma_wait3A_185 = tpu.memref_slice %arg3[%add3A_163] : memref<320000xi32, #tpu.memory_space<hbm>> -> memref<128xi32, #tpu.memory_space<hbm>>
        tpu.wait_dma2 semaphore(%run_scoped3A : memref<!tpu.dma_semaphore, #tpu.memory_space<semaphore_mem>>) src(%dma_wait3A_185 : memref<128xi32, #tpu.memory_space<hbm>>) dst(%arg14 : memref<128xi32, #tpu.memory_space<vmem>>)
        tpu.yield
      }) : () -> ()
      %dma_start3A_164 = arith.constant 0 : i32
      %dma_start3A_165 = arith.constant 0 : i32
      %dma_start3A_166 = tpu.memref_slice %arg8[%dma_start3A_164, %dma_start3A_165] : memref<10000x128xf32, #tpu.memory_space<vmem_shared>> -> memref<10000x128xf32, #tpu.memory_space<vmem_shared>>
      tpu.enqueue_indirect_dma source(%arg9 : memref<128x128xf32, #tpu.memory_space<vmem>>) target(%dma_start3A_166 : memref<10000x128xf32, #tpu.memory_space<vmem_shared>>) offsets(%arg14 : memref<128xi32, #tpu.memory_space<vmem>>) semaphore(%arg21 : memref<!tpu.dma_semaphore, #tpu.memory_space<semaphore_mem>>) {add = true}
      %gt3A_167 = arith.constant 0 : i32
      %gt3A_168 = arith.cmpi sgt, %scan3A_93, %gt3A_167 : i32
      %convert_element_type3A_169 = arith.extui %gt3A_168 : i1 to i32
      %cond3A_170 = arith.constant 0 : i32
      %cond3A_171 = arith.cmpi ne, %convert_element_type3A_169, %cond3A_170 : i32
      scf.if %cond3A_171 {
        %dma_wait3A_182 = arith.constant 0 : i32
        %dma_wait3A_183 = arith.constant 0 : i32
        %dma_wait3A_184 = tpu.memref_slice %arg8[%dma_wait3A_182, %dma_wait3A_183] : memref<10000x128xf32, #tpu.memory_space<vmem_shared>> -> memref<10000x128xf32, #tpu.memory_space<vmem_shared>>
        tpu.wait_indirect_dma semaphore(%arg22 : memref<!tpu.dma_semaphore, #tpu.memory_space<semaphore_mem>>) src(%arg9 : memref<128x128xf32, #tpu.memory_space<vmem>>) dst(%dma_wait3A_184 : memref<10000x128xf32, #tpu.memory_space<vmem_shared>>)
      } else {
      }
      %mul3A_172 = arith.constant 6 : i32
      %mul3A_173 = arith.muli %mul3A_172, %scan3A_93 : i32
      %add3A_174 = arith.constant 5 : i32
      %add3A_175 = arith.addi %mul3A_173, %add3A_174 : i32
      %mul3A_176 = arith.constant 128 : i32
      %mul3A_177 = arith.muli %add3A_175, %mul3A_176 : i32
      %add3A_178 = arith.addi %mul3A_2, %mul3A_177 : i32
      "tpu.region"() ({
        %run_scoped3A = tpu.sem_alloc : memref<!tpu.dma_semaphore, #tpu.memory_space<semaphore_mem>>
        %dma_start3A_182 = tpu.memref_slice %arg3[%add3A_178] : memref<320000xi32, #tpu.memory_space<hbm>> -> memref<128xi32, #tpu.memory_space<hbm>>
        %dma_start3A_183 = tpu.memref_slice %arg3[%add3A_178] : memref<320000xi32, #tpu.memory_space<hbm>> -> memref<128xi32, #tpu.memory_space<hbm>>
        tpu.enqueue_dma source(%dma_start3A_183 : memref<128xi32, #tpu.memory_space<hbm>>) target(%arg15 : memref<128xi32, #tpu.memory_space<vmem>>) target_semaphore(%run_scoped3A : memref<!tpu.dma_semaphore, #tpu.memory_space<semaphore_mem>>)
        %dma_wait3A_184 = tpu.memref_slice %arg3[%add3A_178] : memref<320000xi32, #tpu.memory_space<hbm>> -> memref<128xi32, #tpu.memory_space<hbm>>
        %dma_wait3A_185 = tpu.memref_slice %arg3[%add3A_178] : memref<320000xi32, #tpu.memory_space<hbm>> -> memref<128xi32, #tpu.memory_space<hbm>>
        tpu.wait_dma2 semaphore(%run_scoped3A : memref<!tpu.dma_semaphore, #tpu.memory_space<semaphore_mem>>) src(%dma_wait3A_185 : memref<128xi32, #tpu.memory_space<hbm>>) dst(%arg15 : memref<128xi32, #tpu.memory_space<vmem>>)
        tpu.yield
      }) : () -> ()
      %dma_start3A_179 = arith.constant 0 : i32
      %dma_start3A_180 = arith.constant 0 : i32
      %dma_start3A_181 = tpu.memref_slice %arg8[%dma_start3A_179, %dma_start3A_180] : memref<10000x128xf32, #tpu.memory_space<vmem_shared>> -> memref<10000x128xf32, #tpu.memory_space<vmem_shared>>
      tpu.enqueue_indirect_dma source(%arg9 : memref<128x128xf32, #tpu.memory_space<vmem>>) target(%dma_start3A_181 : memref<10000x128xf32, #tpu.memory_space<vmem_shared>>) offsets(%arg15 : memref<128xi32, #tpu.memory_space<vmem>>) semaphore(%arg22 : memref<!tpu.dma_semaphore, #tpu.memory_space<semaphore_mem>>) {add = true}
    }
    %scan3A_58 = arith.constant 13 : i32
    %dma_wait3A_59 = arith.constant 0 : i32
    %dma_wait3A_60 = arith.constant 0 : i32
    %dma_wait3A_61 = tpu.memref_slice %arg8[%dma_wait3A_59, %dma_wait3A_60] : memref<10000x128xf32, #tpu.memory_space<vmem_shared>> -> memref<10000x128xf32, #tpu.memory_space<vmem_shared>>
    tpu.wait_indirect_dma semaphore(%arg17 : memref<!tpu.dma_semaphore, #tpu.memory_space<semaphore_mem>>) src(%arg9 : memref<128x128xf32, #tpu.memory_space<vmem>>) dst(%dma_wait3A_61 : memref<10000x128xf32, #tpu.memory_space<vmem_shared>>)
    %dma_wait3A_62 = arith.constant 0 : i32
    %dma_wait3A_63 = arith.constant 0 : i32
    %dma_wait3A_64 = tpu.memref_slice %arg8[%dma_wait3A_62, %dma_wait3A_63] : memref<10000x128xf32, #tpu.memory_space<vmem_shared>> -> memref<10000x128xf32, #tpu.memory_space<vmem_shared>>
    tpu.wait_indirect_dma semaphore(%arg18 : memref<!tpu.dma_semaphore, #tpu.memory_space<semaphore_mem>>) src(%arg9 : memref<128x128xf32, #tpu.memory_space<vmem>>) dst(%dma_wait3A_64 : memref<10000x128xf32, #tpu.memory_space<vmem_shared>>)
    %dma_wait3A_65 = arith.constant 0 : i32
    %dma_wait3A_66 = arith.constant 0 : i32
    %dma_wait3A_67 = tpu.memref_slice %arg8[%dma_wait3A_65, %dma_wait3A_66] : memref<10000x128xf32, #tpu.memory_space<vmem_shared>> -> memref<10000x128xf32, #tpu.memory_space<vmem_shared>>
    tpu.wait_indirect_dma semaphore(%arg19 : memref<!tpu.dma_semaphore, #tpu.memory_space<semaphore_mem>>) src(%arg9 : memref<128x128xf32, #tpu.memory_space<vmem>>) dst(%dma_wait3A_67 : memref<10000x128xf32, #tpu.memory_space<vmem_shared>>)
    %dma_wait3A_68 = arith.constant 0 : i32
    %dma_wait3A_69 = arith.constant 0 : i32
    %dma_wait3A_70 = tpu.memref_slice %arg8[%dma_wait3A_68, %dma_wait3A_69] : memref<10000x128xf32, #tpu.memory_space<vmem_shared>> -> memref<10000x128xf32, #tpu.memory_space<vmem_shared>>
    tpu.wait_indirect_dma semaphore(%arg20 : memref<!tpu.dma_semaphore, #tpu.memory_space<semaphore_mem>>) src(%arg9 : memref<128x128xf32, #tpu.memory_space<vmem>>) dst(%dma_wait3A_70 : memref<10000x128xf32, #tpu.memory_space<vmem_shared>>)
    %dma_wait3A_71 = arith.constant 0 : i32
    %dma_wait3A_72 = arith.constant 0 : i32
    %dma_wait3A_73 = tpu.memref_slice %arg8[%dma_wait3A_71, %dma_wait3A_72] : memref<10000x128xf32, #tpu.memory_space<vmem_shared>> -> memref<10000x128xf32, #tpu.memory_space<vmem_shared>>
    tpu.wait_indirect_dma semaphore(%arg21 : memref<!tpu.dma_semaphore, #tpu.memory_space<semaphore_mem>>) src(%arg9 : memref<128x128xf32, #tpu.memory_space<vmem>>) dst(%dma_wait3A_73 : memref<10000x128xf32, #tpu.memory_space<vmem_shared>>)
    %dma_wait3A_74 = arith.constant 0 : i32
    %dma_wait3A_75 = arith.constant 0 : i32
    %dma_wait3A_76 = tpu.memref_slice %arg8[%dma_wait3A_74, %dma_wait3A_75] : memref<10000x128xf32, #tpu.memory_space<vmem_shared>> -> memref<10000x128xf32, #tpu.memory_space<vmem_shared>>
    tpu.wait_indirect_dma semaphore(%arg22 : memref<!tpu.dma_semaphore, #tpu.memory_space<semaphore_mem>>) src(%arg9 : memref<128x128xf32, #tpu.memory_space<vmem>>) dst(%dma_wait3A_76 : memref<10000x128xf32, #tpu.memory_space<vmem_shared>>)
    %add3A_77 = arith.constant 9984 : i32
    %add3A_78 = arith.addi %mul3A_2, %add3A_77 : i32
    "tpu.region"() ({
      %run_scoped3A = tpu.sem_alloc : memref<!tpu.dma_semaphore, #tpu.memory_space<semaphore_mem>>
      %dma_start3A = tpu.memref_slice %arg3[%add3A_78] : memref<320000xi32, #tpu.memory_space<hbm>> -> memref<16xi32, #tpu.memory_space<hbm>>
      %dma_start3A_93 = tpu.memref_slice %arg3[%add3A_78] : memref<320000xi32, #tpu.memory_space<hbm>> -> memref<16xi32, #tpu.memory_space<hbm>>
      tpu.enqueue_dma source(%dma_start3A_93 : memref<16xi32, #tpu.memory_space<hbm>>) target(%arg16 : memref<16xi32, #tpu.memory_space<vmem>>) target_semaphore(%run_scoped3A : memref<!tpu.dma_semaphore, #tpu.memory_space<semaphore_mem>>)
      %dma_wait3A_94 = tpu.memref_slice %arg3[%add3A_78] : memref<320000xi32, #tpu.memory_space<hbm>> -> memref<16xi32, #tpu.memory_space<hbm>>
      %dma_wait3A_95 = tpu.memref_slice %arg3[%add3A_78] : memref<320000xi32, #tpu.memory_space<hbm>> -> memref<16xi32, #tpu.memory_space<hbm>>
      tpu.wait_dma2 semaphore(%run_scoped3A : memref<!tpu.dma_semaphore, #tpu.memory_space<semaphore_mem>>) src(%dma_wait3A_95 : memref<16xi32, #tpu.memory_space<hbm>>) dst(%arg16 : memref<16xi32, #tpu.memory_space<vmem>>)
      tpu.yield
    }) : () -> ()
    "tpu.region"() ({
      %run_scoped3A = tpu.sem_alloc : memref<!tpu.dma_semaphore, #tpu.memory_space<semaphore_mem>>
      %dma_start3A = arith.constant 0 : i32
      %dma_start3A_93 = arith.constant 0 : i32
      %dma_start3A_94 = tpu.memref_slice %arg9[%dma_start3A, %dma_start3A_93] : memref<128x128xf32, #tpu.memory_space<vmem>> -> memref<16x128xf32, #tpu.memory_space<vmem>>
      %dma_start3A_95 = arith.constant 0 : i32
      %dma_start3A_96 = arith.constant 0 : i32
      %dma_start3A_97 = tpu.memref_slice %arg8[%dma_start3A_95, %dma_start3A_96] : memref<10000x128xf32, #tpu.memory_space<vmem_shared>> -> memref<10000x128xf32, #tpu.memory_space<vmem_shared>>
      tpu.enqueue_indirect_dma source(%dma_start3A_94 : memref<16x128xf32, #tpu.memory_space<vmem>>) target(%dma_start3A_97 : memref<10000x128xf32, #tpu.memory_space<vmem_shared>>) offsets(%arg16 : memref<16xi32, #tpu.memory_space<vmem>>) semaphore(%run_scoped3A : memref<!tpu.dma_semaphore, #tpu.memory_space<semaphore_mem>>) {add = true}
      %dma_wait3A_98 = arith.constant 0 : i32
      %dma_wait3A_99 = arith.constant 0 : i32
      %dma_wait3A_100 = tpu.memref_slice %arg9[%dma_wait3A_98, %dma_wait3A_99] : memref<128x128xf32, #tpu.memory_space<vmem>> -> memref<16x128xf32, #tpu.memory_space<vmem>>
      %dma_wait3A_101 = arith.constant 0 : i32
      %dma_wait3A_102 = arith.constant 0 : i32
      %dma_wait3A_103 = tpu.memref_slice %arg8[%dma_wait3A_101, %dma_wait3A_102] : memref<10000x128xf32, #tpu.memory_space<vmem_shared>> -> memref<10000x128xf32, #tpu.memory_space<vmem_shared>>
      tpu.wait_indirect_dma semaphore(%run_scoped3A : memref<!tpu.dma_semaphore, #tpu.memory_space<semaphore_mem>>) src(%dma_wait3A_100 : memref<16x128xf32, #tpu.memory_space<vmem>>) dst(%dma_wait3A_103 : memref<10000x128xf32, #tpu.memory_space<vmem_shared>>)
      tpu.yield
    }) : () -> ()
    %barrier3A_79 = arith.constant 0 : index
    tpu.barrier barrier_id(%barrier3A_79)
    %mul3A_80 = arith.constant 624 : i32
    %mul3A_81 = arith.muli %arg1, %mul3A_80 : i32
    %mul3A_82 = arith.constant 10000 : i32
    %mul3A_83 = arith.muli %arg0, %mul3A_82 : i32
    %mul3A_84 = arith.constant 624 : i32
    %mul3A_85 = arith.muli %arg1, %mul3A_84 : i32
    %add3A_86 = arith.addi %mul3A_83, %mul3A_85 : i32
    "tpu.region"() ({
      %run_scoped3A = tpu.sem_alloc : memref<!tpu.dma_semaphore, #tpu.memory_space<semaphore_mem>>
      %dma_start3A = arith.constant 0 : i32
      %dma_start3A_93 = tpu.memref_slice %arg7[%add3A_86, %dma_start3A] : memref<20000x128xf32, #tpu.memory_space<hbm>> -> memref<624x128xf32, #tpu.memory_space<hbm>>
      %dma_start3A_94 = arith.constant 0 : i32
      %dma_start3A_95 = tpu.memref_slice %arg8[%mul3A_81, %dma_start3A_94] : memref<10000x128xf32, #tpu.memory_space<vmem_shared>> -> memref<624x128xf32, #tpu.memory_space<vmem_shared>>
      tpu.enqueue_dma source(%dma_start3A_95 : memref<624x128xf32, #tpu.memory_space<vmem_shared>>) target(%dma_start3A_93 : memref<624x128xf32, #tpu.memory_space<hbm>>) target_semaphore(%run_scoped3A : memref<!tpu.dma_semaphore, #tpu.memory_space<semaphore_mem>>)
      %dma_wait3A_96 = arith.constant 0 : i32
      %dma_wait3A_97 = tpu.memref_slice %arg7[%add3A_86, %dma_wait3A_96] : memref<20000x128xf32, #tpu.memory_space<hbm>> -> memref<624x128xf32, #tpu.memory_space<hbm>>
      %dma_wait3A_98 = arith.constant 0 : i32
      %dma_wait3A_99 = tpu.memref_slice %arg8[%mul3A_81, %dma_wait3A_98] : memref<10000x128xf32, #tpu.memory_space<vmem_shared>> -> memref<624x128xf32, #tpu.memory_space<vmem_shared>>
      tpu.wait_dma2 semaphore(%run_scoped3A : memref<!tpu.dma_semaphore, #tpu.memory_space<semaphore_mem>>) src(%dma_wait3A_99 : memref<624x128xf32, #tpu.memory_space<vmem_shared>>) dst(%dma_wait3A_97 : memref<624x128xf32, #tpu.memory_space<hbm>>)
      tpu.yield
    }) : () -> ()
    %eq3A_87 = arith.constant 15 : i32
    %eq3A_88 = arith.cmpi eq, %arg1, %eq3A_87 : i32
    %convert_element_type3A_89 = arith.extui %eq3A_88 : i1 to i32
    %cond3A_90 = arith.constant 0 : i32
    %cond3A_91 = arith.cmpi ne, %convert_element_type3A_89, %cond3A_90 : i32
    scf.if %cond3A_91 {
      %mul3A_93 = arith.constant 10000 : i32
      %mul3A_94 = arith.muli %arg0, %mul3A_93 : i32
      %add3A_95 = arith.constant 9984 : i32
      %add3A_96 = arith.addi %mul3A_94, %add3A_95 : i32
      "tpu.region"() ({
        %run_scoped3A = tpu.sem_alloc : memref<!tpu.dma_semaphore, #tpu.memory_space<semaphore_mem>>
        %dma_start3A = arith.constant 0 : i32
        %dma_start3A_97 = tpu.memref_slice %arg7[%add3A_96, %dma_start3A] : memref<20000x128xf32, #tpu.memory_space<hbm>> -> memref<16x128xf32, #tpu.memory_space<hbm>>
        %dma_start3A_98 = arith.constant 9984 : i32
        %dma_start3A_99 = arith.constant 0 : i32
        %dma_start3A_100 = tpu.memref_slice %arg8[%dma_start3A_98, %dma_start3A_99] : memref<10000x128xf32, #tpu.memory_space<vmem_shared>> -> memref<16x128xf32, #tpu.memory_space<vmem_shared>>
        tpu.enqueue_dma source(%dma_start3A_100 : memref<16x128xf32, #tpu.memory_space<vmem_shared>>) target(%dma_start3A_97 : memref<16x128xf32, #tpu.memory_space<hbm>>) target_semaphore(%run_scoped3A : memref<!tpu.dma_semaphore, #tpu.memory_space<semaphore_mem>>)
        %dma_wait3A_101 = arith.constant 0 : i32
        %dma_wait3A_102 = tpu.memref_slice %arg7[%add3A_96, %dma_wait3A_101] : memref<20000x128xf32, #tpu.memory_space<hbm>> -> memref<16x128xf32, #tpu.memory_space<hbm>>
        %dma_wait3A_103 = arith.constant 9984 : i32
        %dma_wait3A_104 = arith.constant 0 : i32
        %dma_wait3A_105 = tpu.memref_slice %arg8[%dma_wait3A_103, %dma_wait3A_104] : memref<10000x128xf32, #tpu.memory_space<vmem_shared>> -> memref<16x128xf32, #tpu.memory_space<vmem_shared>>
        tpu.wait_dma2 semaphore(%run_scoped3A : memref<!tpu.dma_semaphore, #tpu.memory_space<semaphore_mem>>) src(%dma_wait3A_105 : memref<16x128xf32, #tpu.memory_space<vmem_shared>>) dst(%dma_wait3A_102 : memref<16x128xf32, #tpu.memory_space<hbm>>)
        tpu.yield
      }) : () -> ()
    } else {
    }
    %barrier3A_92 = arith.constant 0 : index
    tpu.barrier barrier_id(%barrier3A_92)
    return
  }
}

#map = affine_map<(d0, d1) -> (0, 0)>
#map1 = affine_map<(d0, d1) -> (0)>
module attributes {stable_mosaic.version = 14 : i64} {
  func.func @_sc_scatter_body(%arg0: i32, %arg1: i32, %arg2: memref<10000x128xf32, #tpu.memory_space<hbm>>, %arg3: memref<320000xi32, #tpu.memory_space<hbm>>, %arg4: memref<320000xi32, #tpu.memory_space<hbm>>, %arg5: memref<624x128xf32, #tpu.memory_space<hbm>>, %arg6: memref<20000x128xf32, #tpu.memory_space<hbm>>, %arg7: memref<10000x128xf32, #tpu.memory_space<vmem_shared>>, %arg8: memref<128xi32, #tpu.memory_space<vmem>>, %arg9: memref<128xi32, #tpu.memory_space<vmem>>, %arg10: memref<128x128xf32, #tpu.memory_space<vmem>>, %arg11: memref<128xi32, #tpu.memory_space<vmem>>, %arg12: memref<128xi32, #tpu.memory_space<vmem>>, %arg13: memref<128x128xf32, #tpu.memory_space<vmem>>, %arg14: memref<128xi32, #tpu.memory_space<vmem>>, %arg15: memref<128xi32, #tpu.memory_space<vmem>>, %arg16: memref<128x128xf32, #tpu.memory_space<vmem>>, %arg17: memref<16xi32, #tpu.memory_space<vmem>>, %arg18: memref<16xi32, #tpu.memory_space<vmem>>, %arg19: memref<!tpu.dma_semaphore, #tpu.memory_space<semaphore_mem>>, %arg20: memref<!tpu.dma_semaphore, #tpu.memory_space<semaphore_mem>>, %arg21: memref<!tpu.dma_semaphore, #tpu.memory_space<semaphore_mem>>, %arg22: memref<!tpu.dma_semaphore, #tpu.memory_space<semaphore_mem>>, %arg23: memref<!tpu.dma_semaphore, #tpu.memory_space<semaphore_mem>>, %arg24: memref<!tpu.dma_semaphore, #tpu.memory_space<semaphore_mem>>, %arg25: memref<!tpu.dma_semaphore, #tpu.memory_space<semaphore_mem>>) attributes {dimension_semantics = [#tpu.dimension_semantics<core_parallel>, #tpu.dimension_semantics<subcore_parallel>], iteration_bounds = array<i64: 2, 16>, scalar_prefetch = 0 : i64, scratch_operands = 19 : i64, tpu.core_type = #tpu.core_type<sc_vector_subcore>, window_params = [{transform_indices = #map}, {transform_indices = #map1}, {transform_indices = #map1}, {transform_indices = #map}, {transform_indices = #map}]} {
    %mul3A = arith.constant 2 : i32
    %mul3A_0 = arith.muli %arg1, %mul3A : i32
    %add3A = arith.addi %mul3A_0, %arg0 : i32
    %mul3A_1 = arith.constant 624 : i32
    %mul3A_2 = arith.muli %arg1, %mul3A_1 : i32
    "tpu.region"() ({
      %run_scoped3A = tpu.sem_alloc : memref<!tpu.dma_semaphore, #tpu.memory_space<semaphore_mem>>
      %dma_start3A_46 = arith.constant 0 : i32
      %dma_start3A_47 = tpu.memref_slice %arg7[%mul3A_2, %dma_start3A_46] : memref<10000x128xf32, #tpu.memory_space<vmem_shared>> -> memref<624x128xf32, #tpu.memory_space<vmem_shared>>
      tpu.enqueue_dma source(%arg5 : memref<624x128xf32, #tpu.memory_space<hbm>>) target(%dma_start3A_47 : memref<624x128xf32, #tpu.memory_space<vmem_shared>>) target_semaphore(%run_scoped3A : memref<!tpu.dma_semaphore, #tpu.memory_space<semaphore_mem>>)
      %dma_wait3A_48 = arith.constant 0 : i32
      %dma_wait3A_49 = tpu.memref_slice %arg7[%mul3A_2, %dma_wait3A_48] : memref<10000x128xf32, #tpu.memory_space<vmem_shared>> -> memref<624x128xf32, #tpu.memory_space<vmem_shared>>
      tpu.wait_dma2 semaphore(%run_scoped3A : memref<!tpu.dma_semaphore, #tpu.memory_space<semaphore_mem>>) src(%arg5 : memref<624x128xf32, #tpu.memory_space<hbm>>) dst(%dma_wait3A_49 : memref<624x128xf32, #tpu.memory_space<vmem_shared>>)
      tpu.yield
    }) : () -> ()
    %eq3A = arith.constant 15 : i32
    %eq3A_3 = arith.cmpi eq, %arg1, %eq3A : i32
    %convert_element_type3A = arith.extui %eq3A_3 : i1 to i32
    %cond3A = arith.constant 0 : i32
    %cond3A_4 = arith.cmpi ne, %convert_element_type3A, %cond3A : i32
    scf.if %cond3A_4 {
      "tpu.region"() ({
        %run_scoped3A = tpu.sem_alloc : memref<!tpu.dma_semaphore, #tpu.memory_space<semaphore_mem>>
        %dma_start3A_46 = arith.constant 9984 : i32
        %dma_start3A_47 = arith.constant 0 : i32
        %dma_start3A_48 = tpu.memref_slice %arg7[%dma_start3A_46, %dma_start3A_47] : memref<10000x128xf32, #tpu.memory_space<vmem_shared>> -> memref<16x128xf32, #tpu.memory_space<vmem_shared>>
        %dma_start3A_49 = arith.constant 0 : i32
        %dma_start3A_50 = arith.constant 0 : i32
        %dma_start3A_51 = tpu.memref_slice %arg5[%dma_start3A_49, %dma_start3A_50] : memref<624x128xf32, #tpu.memory_space<hbm>> -> memref<16x128xf32, #tpu.memory_space<hbm>>
        tpu.enqueue_dma source(%dma_start3A_51 : memref<16x128xf32, #tpu.memory_space<hbm>>) target(%dma_start3A_48 : memref<16x128xf32, #tpu.memory_space<vmem_shared>>) target_semaphore(%run_scoped3A : memref<!tpu.dma_semaphore, #tpu.memory_space<semaphore_mem>>)
        %dma_wait3A_52 = arith.constant 9984 : i32
        %dma_wait3A_53 = arith.constant 0 : i32
        %dma_wait3A_54 = tpu.memref_slice %arg7[%dma_wait3A_52, %dma_wait3A_53] : memref<10000x128xf32, #tpu.memory_space<vmem_shared>> -> memref<16x128xf32, #tpu.memory_space<vmem_shared>>
        %dma_wait3A_55 = arith.constant 0 : i32
        %dma_wait3A_56 = arith.constant 0 : i32
        %dma_wait3A_57 = tpu.memref_slice %arg5[%dma_wait3A_55, %dma_wait3A_56] : memref<624x128xf32, #tpu.memory_space<hbm>> -> memref<16x128xf32, #tpu.memory_space<hbm>>
        tpu.wait_dma2 semaphore(%run_scoped3A : memref<!tpu.dma_semaphore, #tpu.memory_space<semaphore_mem>>) src(%dma_wait3A_57 : memref<16x128xf32, #tpu.memory_space<hbm>>) dst(%dma_wait3A_54 : memref<16x128xf32, #tpu.memory_space<vmem_shared>>)
        tpu.yield
      }) : () -> ()
    } else {
    }
    %barrier3A = arith.constant 0 : index
    tpu.barrier barrier_id(%barrier3A)
    %mul3A_5 = arith.constant 10000 : i32
    %mul3A_6 = arith.muli %add3A, %mul3A_5 : i32
    %scan3A = arith.constant 0 : i32
    %scan3A_7 = arith.constant 0 : i32
    %scan3A_8 = arith.constant 26 : i32
    %scan3A_9 = arith.addi %scan3A_7, %scan3A_8 : i32
    %scan3A_10 = arith.constant 1 : i32
    scf.for %scan3A_46 = %scan3A_7 to %scan3A_9 step %scan3A_10  : i32 {
      %gt3A = arith.constant 0 : i32
      %gt3A_47 = arith.cmpi sgt, %scan3A_46, %gt3A : i32
      %convert_element_type3A_48 = arith.extui %gt3A_47 : i1 to i32
      %cond3A_49 = arith.constant 0 : i32
      %cond3A_50 = arith.cmpi ne, %convert_element_type3A_48, %cond3A_49 : i32
      scf.if %cond3A_50 {
        %dma_wait3A_109 = arith.constant 0 : i32
        %dma_wait3A_110 = arith.constant 0 : i32
        %dma_wait3A_111 = tpu.memref_slice %arg7[%dma_wait3A_109, %dma_wait3A_110] : memref<10000x128xf32, #tpu.memory_space<vmem_shared>> -> memref<10000x128xf32, #tpu.memory_space<vmem_shared>>
        tpu.wait_indirect_dma semaphore(%arg22 : memref<!tpu.dma_semaphore, #tpu.memory_space<semaphore_mem>>) src(%arg10 : memref<128x128xf32, #tpu.memory_space<vmem>>) dst(%dma_wait3A_111 : memref<10000x128xf32, #tpu.memory_space<vmem_shared>>)
      } else {
      }
      %mul3A_51 = arith.constant 3 : i32
      %mul3A_52 = arith.muli %mul3A_51, %scan3A_46 : i32
      %add3A_53 = arith.constant 0 : i32
      %add3A_54 = arith.addi %mul3A_52, %add3A_53 : i32
      %mul3A_55 = arith.constant 128 : i32
      %mul3A_56 = arith.muli %add3A_54, %mul3A_55 : i32
      %add3A_57 = arith.addi %mul3A_6, %mul3A_56 : i32
      "tpu.region"() ({
        %run_scoped3A = tpu.sem_alloc : memref<!tpu.dma_semaphore, #tpu.memory_space<semaphore_mem>>
        %dma_start3A_109 = tpu.memref_slice %arg3[%add3A_57] : memref<320000xi32, #tpu.memory_space<hbm>> -> memref<128xi32, #tpu.memory_space<hbm>>
        %dma_start3A_110 = tpu.memref_slice %arg3[%add3A_57] : memref<320000xi32, #tpu.memory_space<hbm>> -> memref<128xi32, #tpu.memory_space<hbm>>
        tpu.enqueue_dma source(%dma_start3A_110 : memref<128xi32, #tpu.memory_space<hbm>>) target(%arg8 : memref<128xi32, #tpu.memory_space<vmem>>) target_semaphore(%run_scoped3A : memref<!tpu.dma_semaphore, #tpu.memory_space<semaphore_mem>>)
        %dma_wait3A_111 = tpu.memref_slice %arg3[%add3A_57] : memref<320000xi32, #tpu.memory_space<hbm>> -> memref<128xi32, #tpu.memory_space<hbm>>
        %dma_wait3A_112 = tpu.memref_slice %arg3[%add3A_57] : memref<320000xi32, #tpu.memory_space<hbm>> -> memref<128xi32, #tpu.memory_space<hbm>>
        tpu.wait_dma2 semaphore(%run_scoped3A : memref<!tpu.dma_semaphore, #tpu.memory_space<semaphore_mem>>) src(%dma_wait3A_112 : memref<128xi32, #tpu.memory_space<hbm>>) dst(%arg8 : memref<128xi32, #tpu.memory_space<vmem>>)
        tpu.yield
      }) : () -> ()
      "tpu.region"() ({
        %run_scoped3A = tpu.sem_alloc : memref<!tpu.dma_semaphore, #tpu.memory_space<semaphore_mem>>
        %dma_start3A_109 = tpu.memref_slice %arg4[%add3A_57] : memref<320000xi32, #tpu.memory_space<hbm>> -> memref<128xi32, #tpu.memory_space<hbm>>
        %dma_start3A_110 = tpu.memref_slice %arg4[%add3A_57] : memref<320000xi32, #tpu.memory_space<hbm>> -> memref<128xi32, #tpu.memory_space<hbm>>
        tpu.enqueue_dma source(%dma_start3A_110 : memref<128xi32, #tpu.memory_space<hbm>>) target(%arg9 : memref<128xi32, #tpu.memory_space<vmem>>) target_semaphore(%run_scoped3A : memref<!tpu.dma_semaphore, #tpu.memory_space<semaphore_mem>>)
        %dma_wait3A_111 = tpu.memref_slice %arg4[%add3A_57] : memref<320000xi32, #tpu.memory_space<hbm>> -> memref<128xi32, #tpu.memory_space<hbm>>
        %dma_wait3A_112 = tpu.memref_slice %arg4[%add3A_57] : memref<320000xi32, #tpu.memory_space<hbm>> -> memref<128xi32, #tpu.memory_space<hbm>>
        tpu.wait_dma2 semaphore(%run_scoped3A : memref<!tpu.dma_semaphore, #tpu.memory_space<semaphore_mem>>) src(%dma_wait3A_112 : memref<128xi32, #tpu.memory_space<hbm>>) dst(%arg9 : memref<128xi32, #tpu.memory_space<vmem>>)
        tpu.yield
      }) : () -> ()
      %dma_start3A_58 = arith.constant 0 : i32
      %dma_start3A_59 = arith.constant 0 : i32
      %dma_start3A_60 = tpu.memref_slice %arg2[%dma_start3A_58, %dma_start3A_59] : memref<10000x128xf32, #tpu.memory_space<hbm>> -> memref<10000x128xf32, #tpu.memory_space<hbm>>
      tpu.enqueue_indirect_dma source(%dma_start3A_60 : memref<10000x128xf32, #tpu.memory_space<hbm>>) target(%arg10 : memref<128x128xf32, #tpu.memory_space<vmem>>) offsets(%arg8 : memref<128xi32, #tpu.memory_space<vmem>>) semaphore(%arg19 : memref<!tpu.dma_semaphore, #tpu.memory_space<semaphore_mem>>)
      %gt3A_61 = arith.constant 0 : i32
      %gt3A_62 = arith.cmpi sgt, %scan3A_46, %gt3A_61 : i32
      %convert_element_type3A_63 = arith.extui %gt3A_62 : i1 to i32
      %cond3A_64 = arith.constant 0 : i32
      %cond3A_65 = arith.cmpi ne, %convert_element_type3A_63, %cond3A_64 : i32
      scf.if %cond3A_65 {
        %dma_wait3A_109 = arith.constant 0 : i32
        %dma_wait3A_110 = arith.constant 0 : i32
        %dma_wait3A_111 = tpu.memref_slice %arg7[%dma_wait3A_109, %dma_wait3A_110] : memref<10000x128xf32, #tpu.memory_space<vmem_shared>> -> memref<10000x128xf32, #tpu.memory_space<vmem_shared>>
        tpu.wait_indirect_dma semaphore(%arg23 : memref<!tpu.dma_semaphore, #tpu.memory_space<semaphore_mem>>) src(%arg13 : memref<128x128xf32, #tpu.memory_space<vmem>>) dst(%dma_wait3A_111 : memref<10000x128xf32, #tpu.memory_space<vmem_shared>>)
      } else {
      }
      %mul3A_66 = arith.constant 3 : i32
      %mul3A_67 = arith.muli %mul3A_66, %scan3A_46 : i32
      %add3A_68 = arith.constant 1 : i32
      %add3A_69 = arith.addi %mul3A_67, %add3A_68 : i32
      %mul3A_70 = arith.constant 128 : i32
      %mul3A_71 = arith.muli %add3A_69, %mul3A_70 : i32
      %add3A_72 = arith.addi %mul3A_6, %mul3A_71 : i32
      "tpu.region"() ({
        %run_scoped3A = tpu.sem_alloc : memref<!tpu.dma_semaphore, #tpu.memory_space<semaphore_mem>>
        %dma_start3A_109 = tpu.memref_slice %arg3[%add3A_72] : memref<320000xi32, #tpu.memory_space<hbm>> -> memref<128xi32, #tpu.memory_space<hbm>>
        %dma_start3A_110 = tpu.memref_slice %arg3[%add3A_72] : memref<320000xi32, #tpu.memory_space<hbm>> -> memref<128xi32, #tpu.memory_space<hbm>>
        tpu.enqueue_dma source(%dma_start3A_110 : memref<128xi32, #tpu.memory_space<hbm>>) target(%arg11 : memref<128xi32, #tpu.memory_space<vmem>>) target_semaphore(%run_scoped3A : memref<!tpu.dma_semaphore, #tpu.memory_space<semaphore_mem>>)
        %dma_wait3A_111 = tpu.memref_slice %arg3[%add3A_72] : memref<320000xi32, #tpu.memory_space<hbm>> -> memref<128xi32, #tpu.memory_space<hbm>>
        %dma_wait3A_112 = tpu.memref_slice %arg3[%add3A_72] : memref<320000xi32, #tpu.memory_space<hbm>> -> memref<128xi32, #tpu.memory_space<hbm>>
        tpu.wait_dma2 semaphore(%run_scoped3A : memref<!tpu.dma_semaphore, #tpu.memory_space<semaphore_mem>>) src(%dma_wait3A_112 : memref<128xi32, #tpu.memory_space<hbm>>) dst(%arg11 : memref<128xi32, #tpu.memory_space<vmem>>)
        tpu.yield
      }) : () -> ()
      "tpu.region"() ({
        %run_scoped3A = tpu.sem_alloc : memref<!tpu.dma_semaphore, #tpu.memory_space<semaphore_mem>>
        %dma_start3A_109 = tpu.memref_slice %arg4[%add3A_72] : memref<320000xi32, #tpu.memory_space<hbm>> -> memref<128xi32, #tpu.memory_space<hbm>>
        %dma_start3A_110 = tpu.memref_slice %arg4[%add3A_72] : memref<320000xi32, #tpu.memory_space<hbm>> -> memref<128xi32, #tpu.memory_space<hbm>>
        tpu.enqueue_dma source(%dma_start3A_110 : memref<128xi32, #tpu.memory_space<hbm>>) target(%arg12 : memref<128xi32, #tpu.memory_space<vmem>>) target_semaphore(%run_scoped3A : memref<!tpu.dma_semaphore, #tpu.memory_space<semaphore_mem>>)
        %dma_wait3A_111 = tpu.memref_slice %arg4[%add3A_72] : memref<320000xi32, #tpu.memory_space<hbm>> -> memref<128xi32, #tpu.memory_space<hbm>>
        %dma_wait3A_112 = tpu.memref_slice %arg4[%add3A_72] : memref<320000xi32, #tpu.memory_space<hbm>> -> memref<128xi32, #tpu.memory_space<hbm>>
        tpu.wait_dma2 semaphore(%run_scoped3A : memref<!tpu.dma_semaphore, #tpu.memory_space<semaphore_mem>>) src(%dma_wait3A_112 : memref<128xi32, #tpu.memory_space<hbm>>) dst(%arg12 : memref<128xi32, #tpu.memory_space<vmem>>)
        tpu.yield
      }) : () -> ()
      %dma_start3A_73 = arith.constant 0 : i32
      %dma_start3A_74 = arith.constant 0 : i32
      %dma_start3A_75 = tpu.memref_slice %arg2[%dma_start3A_73, %dma_start3A_74] : memref<10000x128xf32, #tpu.memory_space<hbm>> -> memref<10000x128xf32, #tpu.memory_space<hbm>>
      tpu.enqueue_indirect_dma source(%dma_start3A_75 : memref<10000x128xf32, #tpu.memory_space<hbm>>) target(%arg13 : memref<128x128xf32, #tpu.memory_space<vmem>>) offsets(%arg11 : memref<128xi32, #tpu.memory_space<vmem>>) semaphore(%arg20 : memref<!tpu.dma_semaphore, #tpu.memory_space<semaphore_mem>>)
      %gt3A_76 = arith.constant 0 : i32
      %gt3A_77 = arith.cmpi sgt, %scan3A_46, %gt3A_76 : i32
      %convert_element_type3A_78 = arith.extui %gt3A_77 : i1 to i32
      %cond3A_79 = arith.constant 0 : i32
      %cond3A_80 = arith.cmpi ne, %convert_element_type3A_78, %cond3A_79 : i32
      scf.if %cond3A_80 {
        %dma_wait3A_109 = arith.constant 0 : i32
        %dma_wait3A_110 = arith.constant 0 : i32
        %dma_wait3A_111 = tpu.memref_slice %arg7[%dma_wait3A_109, %dma_wait3A_110] : memref<10000x128xf32, #tpu.memory_space<vmem_shared>> -> memref<10000x128xf32, #tpu.memory_space<vmem_shared>>
        tpu.wait_indirect_dma semaphore(%arg24 : memref<!tpu.dma_semaphore, #tpu.memory_space<semaphore_mem>>) src(%arg16 : memref<128x128xf32, #tpu.memory_space<vmem>>) dst(%dma_wait3A_111 : memref<10000x128xf32, #tpu.memory_space<vmem_shared>>)
      } else {
      }
      %mul3A_81 = arith.constant 3 : i32
      %mul3A_82 = arith.muli %mul3A_81, %scan3A_46 : i32
      %add3A_83 = arith.constant 2 : i32
      %add3A_84 = arith.addi %mul3A_82, %add3A_83 : i32
      %mul3A_85 = arith.constant 128 : i32
      %mul3A_86 = arith.muli %add3A_84, %mul3A_85 : i32
      %add3A_87 = arith.addi %mul3A_6, %mul3A_86 : i32
      "tpu.region"() ({
        %run_scoped3A = tpu.sem_alloc : memref<!tpu.dma_semaphore, #tpu.memory_space<semaphore_mem>>
        %dma_start3A_109 = tpu.memref_slice %arg3[%add3A_87] : memref<320000xi32, #tpu.memory_space<hbm>> -> memref<128xi32, #tpu.memory_space<hbm>>
        %dma_start3A_110 = tpu.memref_slice %arg3[%add3A_87] : memref<320000xi32, #tpu.memory_space<hbm>> -> memref<128xi32, #tpu.memory_space<hbm>>
        tpu.enqueue_dma source(%dma_start3A_110 : memref<128xi32, #tpu.memory_space<hbm>>) target(%arg14 : memref<128xi32, #tpu.memory_space<vmem>>) target_semaphore(%run_scoped3A : memref<!tpu.dma_semaphore, #tpu.memory_space<semaphore_mem>>)
        %dma_wait3A_111 = tpu.memref_slice %arg3[%add3A_87] : memref<320000xi32, #tpu.memory_space<hbm>> -> memref<128xi32, #tpu.memory_space<hbm>>
        %dma_wait3A_112 = tpu.memref_slice %arg3[%add3A_87] : memref<320000xi32, #tpu.memory_space<hbm>> -> memref<128xi32, #tpu.memory_space<hbm>>
        tpu.wait_dma2 semaphore(%run_scoped3A : memref<!tpu.dma_semaphore, #tpu.memory_space<semaphore_mem>>) src(%dma_wait3A_112 : memref<128xi32, #tpu.memory_space<hbm>>) dst(%arg14 : memref<128xi32, #tpu.memory_space<vmem>>)
        tpu.yield
      }) : () -> ()
      "tpu.region"() ({
        %run_scoped3A = tpu.sem_alloc : memref<!tpu.dma_semaphore, #tpu.memory_space<semaphore_mem>>
        %dma_start3A_109 = tpu.memref_slice %arg4[%add3A_87] : memref<320000xi32, #tpu.memory_space<hbm>> -> memref<128xi32, #tpu.memory_space<hbm>>
        %dma_start3A_110 = tpu.memref_slice %arg4[%add3A_87] : memref<320000xi32, #tpu.memory_space<hbm>> -> memref<128xi32, #tpu.memory_space<hbm>>
        tpu.enqueue_dma source(%dma_start3A_110 : memref<128xi32, #tpu.memory_space<hbm>>) target(%arg15 : memref<128xi32, #tpu.memory_space<vmem>>) target_semaphore(%run_scoped3A : memref<!tpu.dma_semaphore, #tpu.memory_space<semaphore_mem>>)
        %dma_wait3A_111 = tpu.memref_slice %arg4[%add3A_87] : memref<320000xi32, #tpu.memory_space<hbm>> -> memref<128xi32, #tpu.memory_space<hbm>>
        %dma_wait3A_112 = tpu.memref_slice %arg4[%add3A_87] : memref<320000xi32, #tpu.memory_space<hbm>> -> memref<128xi32, #tpu.memory_space<hbm>>
        tpu.wait_dma2 semaphore(%run_scoped3A : memref<!tpu.dma_semaphore, #tpu.memory_space<semaphore_mem>>) src(%dma_wait3A_112 : memref<128xi32, #tpu.memory_space<hbm>>) dst(%arg15 : memref<128xi32, #tpu.memory_space<vmem>>)
        tpu.yield
      }) : () -> ()
      %dma_start3A_88 = arith.constant 0 : i32
      %dma_start3A_89 = arith.constant 0 : i32
      %dma_start3A_90 = tpu.memref_slice %arg2[%dma_start3A_88, %dma_start3A_89] : memref<10000x128xf32, #tpu.memory_space<hbm>> -> memref<10000x128xf32, #tpu.memory_space<hbm>>
      tpu.enqueue_indirect_dma source(%dma_start3A_90 : memref<10000x128xf32, #tpu.memory_space<hbm>>) target(%arg16 : memref<128x128xf32, #tpu.memory_space<vmem>>) offsets(%arg14 : memref<128xi32, #tpu.memory_space<vmem>>) semaphore(%arg21 : memref<!tpu.dma_semaphore, #tpu.memory_space<semaphore_mem>>)
      %dma_wait3A_91 = arith.constant 0 : i32
      %dma_wait3A_92 = arith.constant 0 : i32
      %dma_wait3A_93 = tpu.memref_slice %arg2[%dma_wait3A_91, %dma_wait3A_92] : memref<10000x128xf32, #tpu.memory_space<hbm>> -> memref<10000x128xf32, #tpu.memory_space<hbm>>
      tpu.wait_indirect_dma semaphore(%arg19 : memref<!tpu.dma_semaphore, #tpu.memory_space<semaphore_mem>>) src(%dma_wait3A_93 : memref<10000x128xf32, #tpu.memory_space<hbm>>) dst(%arg10 : memref<128x128xf32, #tpu.memory_space<vmem>>)
      %dma_start3A_94 = arith.constant 0 : i32
      %dma_start3A_95 = arith.constant 0 : i32
      %dma_start3A_96 = tpu.memref_slice %arg7[%dma_start3A_94, %dma_start3A_95] : memref<10000x128xf32, #tpu.memory_space<vmem_shared>> -> memref<10000x128xf32, #tpu.memory_space<vmem_shared>>
      tpu.enqueue_indirect_dma source(%arg10 : memref<128x128xf32, #tpu.memory_space<vmem>>) target(%dma_start3A_96 : memref<10000x128xf32, #tpu.memory_space<vmem_shared>>) offsets(%arg9 : memref<128xi32, #tpu.memory_space<vmem>>) semaphore(%arg22 : memref<!tpu.dma_semaphore, #tpu.memory_space<semaphore_mem>>) {add = true}
      %dma_wait3A_97 = arith.constant 0 : i32
      %dma_wait3A_98 = arith.constant 0 : i32
      %dma_wait3A_99 = tpu.memref_slice %arg2[%dma_wait3A_97, %dma_wait3A_98] : memref<10000x128xf32, #tpu.memory_space<hbm>> -> memref<10000x128xf32, #tpu.memory_space<hbm>>
      tpu.wait_indirect_dma semaphore(%arg20 : memref<!tpu.dma_semaphore, #tpu.memory_space<semaphore_mem>>) src(%dma_wait3A_99 : memref<10000x128xf32, #tpu.memory_space<hbm>>) dst(%arg13 : memref<128x128xf32, #tpu.memory_space<vmem>>)
      %dma_start3A_100 = arith.constant 0 : i32
      %dma_start3A_101 = arith.constant 0 : i32
      %dma_start3A_102 = tpu.memref_slice %arg7[%dma_start3A_100, %dma_start3A_101] : memref<10000x128xf32, #tpu.memory_space<vmem_shared>> -> memref<10000x128xf32, #tpu.memory_space<vmem_shared>>
      tpu.enqueue_indirect_dma source(%arg13 : memref<128x128xf32, #tpu.memory_space<vmem>>) target(%dma_start3A_102 : memref<10000x128xf32, #tpu.memory_space<vmem_shared>>) offsets(%arg12 : memref<128xi32, #tpu.memory_space<vmem>>) semaphore(%arg23 : memref<!tpu.dma_semaphore, #tpu.memory_space<semaphore_mem>>) {add = true}
      %dma_wait3A_103 = arith.constant 0 : i32
      %dma_wait3A_104 = arith.constant 0 : i32
      %dma_wait3A_105 = tpu.memref_slice %arg2[%dma_wait3A_103, %dma_wait3A_104] : memref<10000x128xf32, #tpu.memory_space<hbm>> -> memref<10000x128xf32, #tpu.memory_space<hbm>>
      tpu.wait_indirect_dma semaphore(%arg21 : memref<!tpu.dma_semaphore, #tpu.memory_space<semaphore_mem>>) src(%dma_wait3A_105 : memref<10000x128xf32, #tpu.memory_space<hbm>>) dst(%arg16 : memref<128x128xf32, #tpu.memory_space<vmem>>)
      %dma_start3A_106 = arith.constant 0 : i32
      %dma_start3A_107 = arith.constant 0 : i32
      %dma_start3A_108 = tpu.memref_slice %arg7[%dma_start3A_106, %dma_start3A_107] : memref<10000x128xf32, #tpu.memory_space<vmem_shared>> -> memref<10000x128xf32, #tpu.memory_space<vmem_shared>>
      tpu.enqueue_indirect_dma source(%arg16 : memref<128x128xf32, #tpu.memory_space<vmem>>) target(%dma_start3A_108 : memref<10000x128xf32, #tpu.memory_space<vmem_shared>>) offsets(%arg15 : memref<128xi32, #tpu.memory_space<vmem>>) semaphore(%arg24 : memref<!tpu.dma_semaphore, #tpu.memory_space<semaphore_mem>>) {add = true}
    }
    %scan3A_11 = arith.constant 26 : i32
    %dma_wait3A = arith.constant 0 : i32
    %dma_wait3A_12 = arith.constant 0 : i32
    %dma_wait3A_13 = tpu.memref_slice %arg7[%dma_wait3A, %dma_wait3A_12] : memref<10000x128xf32, #tpu.memory_space<vmem_shared>> -> memref<10000x128xf32, #tpu.memory_space<vmem_shared>>
    tpu.wait_indirect_dma semaphore(%arg22 : memref<!tpu.dma_semaphore, #tpu.memory_space<semaphore_mem>>) src(%arg10 : memref<128x128xf32, #tpu.memory_space<vmem>>) dst(%dma_wait3A_13 : memref<10000x128xf32, #tpu.memory_space<vmem_shared>>)
    %dma_wait3A_14 = arith.constant 0 : i32
    %dma_wait3A_15 = arith.constant 0 : i32
    %dma_wait3A_16 = tpu.memref_slice %arg7[%dma_wait3A_14, %dma_wait3A_15] : memref<10000x128xf32, #tpu.memory_space<vmem_shared>> -> memref<10000x128xf32, #tpu.memory_space<vmem_shared>>
    tpu.wait_indirect_dma semaphore(%arg23 : memref<!tpu.dma_semaphore, #tpu.memory_space<semaphore_mem>>) src(%arg13 : memref<128x128xf32, #tpu.memory_space<vmem>>) dst(%dma_wait3A_16 : memref<10000x128xf32, #tpu.memory_space<vmem_shared>>)
    %dma_wait3A_17 = arith.constant 0 : i32
    %dma_wait3A_18 = arith.constant 0 : i32
    %dma_wait3A_19 = tpu.memref_slice %arg7[%dma_wait3A_17, %dma_wait3A_18] : memref<10000x128xf32, #tpu.memory_space<vmem_shared>> -> memref<10000x128xf32, #tpu.memory_space<vmem_shared>>
    tpu.wait_indirect_dma semaphore(%arg24 : memref<!tpu.dma_semaphore, #tpu.memory_space<semaphore_mem>>) src(%arg16 : memref<128x128xf32, #tpu.memory_space<vmem>>) dst(%dma_wait3A_19 : memref<10000x128xf32, #tpu.memory_space<vmem_shared>>)
    %add3A_20 = arith.constant 9984 : i32
    %add3A_21 = arith.addi %mul3A_6, %add3A_20 : i32
    "tpu.region"() ({
      %run_scoped3A = tpu.sem_alloc : memref<!tpu.dma_semaphore, #tpu.memory_space<semaphore_mem>>
      %dma_start3A_46 = tpu.memref_slice %arg3[%add3A_21] : memref<320000xi32, #tpu.memory_space<hbm>> -> memref<16xi32, #tpu.memory_space<hbm>>
      %dma_start3A_47 = tpu.memref_slice %arg3[%add3A_21] : memref<320000xi32, #tpu.memory_space<hbm>> -> memref<16xi32, #tpu.memory_space<hbm>>
      tpu.enqueue_dma source(%dma_start3A_47 : memref<16xi32, #tpu.memory_space<hbm>>) target(%arg17 : memref<16xi32, #tpu.memory_space<vmem>>) target_semaphore(%run_scoped3A : memref<!tpu.dma_semaphore, #tpu.memory_space<semaphore_mem>>)
      %dma_wait3A_48 = tpu.memref_slice %arg3[%add3A_21] : memref<320000xi32, #tpu.memory_space<hbm>> -> memref<16xi32, #tpu.memory_space<hbm>>
      %dma_wait3A_49 = tpu.memref_slice %arg3[%add3A_21] : memref<320000xi32, #tpu.memory_space<hbm>> -> memref<16xi32, #tpu.memory_space<hbm>>
      tpu.wait_dma2 semaphore(%run_scoped3A : memref<!tpu.dma_semaphore, #tpu.memory_space<semaphore_mem>>) src(%dma_wait3A_49 : memref<16xi32, #tpu.memory_space<hbm>>) dst(%arg17 : memref<16xi32, #tpu.memory_space<vmem>>)
      tpu.yield
    }) : () -> ()
    "tpu.region"() ({
      %run_scoped3A = tpu.sem_alloc : memref<!tpu.dma_semaphore, #tpu.memory_space<semaphore_mem>>
      %dma_start3A_46 = tpu.memref_slice %arg4[%add3A_21] : memref<320000xi32, #tpu.memory_space<hbm>> -> memref<16xi32, #tpu.memory_space<hbm>>
      %dma_start3A_47 = tpu.memref_slice %arg4[%add3A_21] : memref<320000xi32, #tpu.memory_space<hbm>> -> memref<16xi32, #tpu.memory_space<hbm>>
      tpu.enqueue_dma source(%dma_start3A_47 : memref<16xi32, #tpu.memory_space<hbm>>) target(%arg18 : memref<16xi32, #tpu.memory_space<vmem>>) target_semaphore(%run_scoped3A : memref<!tpu.dma_semaphore, #tpu.memory_space<semaphore_mem>>)
      %dma_wait3A_48 = tpu.memref_slice %arg4[%add3A_21] : memref<320000xi32, #tpu.memory_space<hbm>> -> memref<16xi32, #tpu.memory_space<hbm>>
      %dma_wait3A_49 = tpu.memref_slice %arg4[%add3A_21] : memref<320000xi32, #tpu.memory_space<hbm>> -> memref<16xi32, #tpu.memory_space<hbm>>
      tpu.wait_dma2 semaphore(%run_scoped3A : memref<!tpu.dma_semaphore, #tpu.memory_space<semaphore_mem>>) src(%dma_wait3A_49 : memref<16xi32, #tpu.memory_space<hbm>>) dst(%arg18 : memref<16xi32, #tpu.memory_space<vmem>>)
      tpu.yield
    }) : () -> ()
    %dma_start3A = arith.constant 0 : i32
    %dma_start3A_22 = arith.constant 0 : i32
    %dma_start3A_23 = tpu.memref_slice %arg10[%dma_start3A, %dma_start3A_22] : memref<128x128xf32, #tpu.memory_space<vmem>> -> memref<16x128xf32, #tpu.memory_space<vmem>>
    %dma_start3A_24 = arith.constant 0 : i32
    %dma_start3A_25 = arith.constant 0 : i32
    %dma_start3A_26 = tpu.memref_slice %arg2[%dma_start3A_24, %dma_start3A_25] : memref<10000x128xf32, #tpu.memory_space<hbm>> -> memref<10000x128xf32, #tpu.memory_space<hbm>>
    tpu.enqueue_indirect_dma source(%dma_start3A_26 : memref<10000x128xf32, #tpu.memory_space<hbm>>) target(%dma_start3A_23 : memref<16x128xf32, #tpu.memory_space<vmem>>) offsets(%arg17 : memref<16xi32, #tpu.memory_space<vmem>>) semaphore(%arg25 : memref<!tpu.dma_semaphore, #tpu.memory_space<semaphore_mem>>)
    %dma_wait3A_27 = arith.constant 0 : i32
    %dma_wait3A_28 = arith.constant 0 : i32
    %dma_wait3A_29 = tpu.memref_slice %arg10[%dma_wait3A_27, %dma_wait3A_28] : memref<128x128xf32, #tpu.memory_space<vmem>> -> memref<16x128xf32, #tpu.memory_space<vmem>>
    %dma_wait3A_30 = arith.constant 0 : i32
    %dma_wait3A_31 = arith.constant 0 : i32
    %dma_wait3A_32 = tpu.memref_slice %arg2[%dma_wait3A_30, %dma_wait3A_31] : memref<10000x128xf32, #tpu.memory_space<hbm>> -> memref<10000x128xf32, #tpu.memory_space<hbm>>
    tpu.wait_indirect_dma semaphore(%arg25 : memref<!tpu.dma_semaphore, #tpu.memory_space<semaphore_mem>>) src(%dma_wait3A_32 : memref<10000x128xf32, #tpu.memory_space<hbm>>) dst(%dma_wait3A_29 : memref<16x128xf32, #tpu.memory_space<vmem>>)
    "tpu.region"() ({
      %run_scoped3A = tpu.sem_alloc : memref<!tpu.dma_semaphore, #tpu.memory_space<semaphore_mem>>
      %dma_start3A_46 = arith.constant 0 : i32
      %dma_start3A_47 = arith.constant 0 : i32
      %dma_start3A_48 = tpu.memref_slice %arg10[%dma_start3A_46, %dma_start3A_47] : memref<128x128xf32, #tpu.memory_space<vmem>> -> memref<16x128xf32, #tpu.memory_space<vmem>>
      %dma_start3A_49 = arith.constant 0 : i32
      %dma_start3A_50 = arith.constant 0 : i32
      %dma_start3A_51 = tpu.memref_slice %arg7[%dma_start3A_49, %dma_start3A_50] : memref<10000x128xf32, #tpu.memory_space<vmem_shared>> -> memref<10000x128xf32, #tpu.memory_space<vmem_shared>>
      tpu.enqueue_indirect_dma source(%dma_start3A_48 : memref<16x128xf32, #tpu.memory_space<vmem>>) target(%dma_start3A_51 : memref<10000x128xf32, #tpu.memory_space<vmem_shared>>) offsets(%arg18 : memref<16xi32, #tpu.memory_space<vmem>>) semaphore(%run_scoped3A : memref<!tpu.dma_semaphore, #tpu.memory_space<semaphore_mem>>) {add = true}
      %dma_wait3A_52 = arith.constant 0 : i32
      %dma_wait3A_53 = arith.constant 0 : i32
      %dma_wait3A_54 = tpu.memref_slice %arg10[%dma_wait3A_52, %dma_wait3A_53] : memref<128x128xf32, #tpu.memory_space<vmem>> -> memref<16x128xf32, #tpu.memory_space<vmem>>
      %dma_wait3A_55 = arith.constant 0 : i32
      %dma_wait3A_56 = arith.constant 0 : i32
      %dma_wait3A_57 = tpu.memref_slice %arg7[%dma_wait3A_55, %dma_wait3A_56] : memref<10000x128xf32, #tpu.memory_space<vmem_shared>> -> memref<10000x128xf32, #tpu.memory_space<vmem_shared>>
      tpu.wait_indirect_dma semaphore(%run_scoped3A : memref<!tpu.dma_semaphore, #tpu.memory_space<semaphore_mem>>) src(%dma_wait3A_54 : memref<16x128xf32, #tpu.memory_space<vmem>>) dst(%dma_wait3A_57 : memref<10000x128xf32, #tpu.memory_space<vmem_shared>>)
      tpu.yield
    }) : () -> ()
    %barrier3A_33 = arith.constant 0 : index
    tpu.barrier barrier_id(%barrier3A_33)
    %mul3A_34 = arith.constant 624 : i32
    %mul3A_35 = arith.muli %arg1, %mul3A_34 : i32
    %mul3A_36 = arith.constant 10000 : i32
    %mul3A_37 = arith.muli %arg0, %mul3A_36 : i32
    %mul3A_38 = arith.constant 624 : i32
    %mul3A_39 = arith.muli %arg1, %mul3A_38 : i32
    %add3A_40 = arith.addi %mul3A_37, %mul3A_39 : i32
    "tpu.region"() ({
      %run_scoped3A = tpu.sem_alloc : memref<!tpu.dma_semaphore, #tpu.memory_space<semaphore_mem>>
      %dma_start3A_46 = arith.constant 0 : i32
      %dma_start3A_47 = tpu.memref_slice %arg6[%add3A_40, %dma_start3A_46] : memref<20000x128xf32, #tpu.memory_space<hbm>> -> memref<624x128xf32, #tpu.memory_space<hbm>>
      %dma_start3A_48 = arith.constant 0 : i32
      %dma_start3A_49 = tpu.memref_slice %arg7[%mul3A_35, %dma_start3A_48] : memref<10000x128xf32, #tpu.memory_space<vmem_shared>> -> memref<624x128xf32, #tpu.memory_space<vmem_shared>>
      tpu.enqueue_dma source(%dma_start3A_49 : memref<624x128xf32, #tpu.memory_space<vmem_shared>>) target(%dma_start3A_47 : memref<624x128xf32, #tpu.memory_space<hbm>>) target_semaphore(%run_scoped3A : memref<!tpu.dma_semaphore, #tpu.memory_space<semaphore_mem>>)
      %dma_wait3A_50 = arith.constant 0 : i32
      %dma_wait3A_51 = tpu.memref_slice %arg6[%add3A_40, %dma_wait3A_50] : memref<20000x128xf32, #tpu.memory_space<hbm>> -> memref<624x128xf32, #tpu.memory_space<hbm>>
      %dma_wait3A_52 = arith.constant 0 : i32
      %dma_wait3A_53 = tpu.memref_slice %arg7[%mul3A_35, %dma_wait3A_52] : memref<10000x128xf32, #tpu.memory_space<vmem_shared>> -> memref<624x128xf32, #tpu.memory_space<vmem_shared>>
      tpu.wait_dma2 semaphore(%run_scoped3A : memref<!tpu.dma_semaphore, #tpu.memory_space<semaphore_mem>>) src(%dma_wait3A_53 : memref<624x128xf32, #tpu.memory_space<vmem_shared>>) dst(%dma_wait3A_51 : memref<624x128xf32, #tpu.memory_space<hbm>>)
      tpu.yield
    }) : () -> ()
    %eq3A_41 = arith.constant 15 : i32
    %eq3A_42 = arith.cmpi eq, %arg1, %eq3A_41 : i32
    %convert_element_type3A_43 = arith.extui %eq3A_42 : i1 to i32
    %cond3A_44 = arith.constant 0 : i32
    %cond3A_45 = arith.cmpi ne, %convert_element_type3A_43, %cond3A_44 : i32
    scf.if %cond3A_45 {
      %mul3A_46 = arith.constant 10000 : i32
      %mul3A_47 = arith.muli %arg0, %mul3A_46 : i32
      %add3A_48 = arith.constant 9984 : i32
      %add3A_49 = arith.addi %mul3A_47, %add3A_48 : i32
      "tpu.region"() ({
        %run_scoped3A = tpu.sem_alloc : memref<!tpu.dma_semaphore, #tpu.memory_space<semaphore_mem>>
        %dma_start3A_50 = arith.constant 0 : i32
        %dma_start3A_51 = tpu.memref_slice %arg6[%add3A_49, %dma_start3A_50] : memref<20000x128xf32, #tpu.memory_space<hbm>> -> memref<16x128xf32, #tpu.memory_space<hbm>>
        %dma_start3A_52 = arith.constant 9984 : i32
        %dma_start3A_53 = arith.constant 0 : i32
        %dma_start3A_54 = tpu.memref_slice %arg7[%dma_start3A_52, %dma_start3A_53] : memref<10000x128xf32, #tpu.memory_space<vmem_shared>> -> memref<16x128xf32, #tpu.memory_space<vmem_shared>>
        tpu.enqueue_dma source(%dma_start3A_54 : memref<16x128xf32, #tpu.memory_space<vmem_shared>>) target(%dma_start3A_51 : memref<16x128xf32, #tpu.memory_space<hbm>>) target_semaphore(%run_scoped3A : memref<!tpu.dma_semaphore, #tpu.memory_space<semaphore_mem>>)
        %dma_wait3A_55 = arith.constant 0 : i32
        %dma_wait3A_56 = tpu.memref_slice %arg6[%add3A_49, %dma_wait3A_55] : memref<20000x128xf32, #tpu.memory_space<hbm>> -> memref<16x128xf32, #tpu.memory_space<hbm>>
        %dma_wait3A_57 = arith.constant 9984 : i32
        %dma_wait3A_58 = arith.constant 0 : i32
        %dma_wait3A_59 = tpu.memref_slice %arg7[%dma_wait3A_57, %dma_wait3A_58] : memref<10000x128xf32, #tpu.memory_space<vmem_shared>> -> memref<16x128xf32, #tpu.memory_space<vmem_shared>>
        tpu.wait_dma2 semaphore(%run_scoped3A : memref<!tpu.dma_semaphore, #tpu.memory_space<semaphore_mem>>) src(%dma_wait3A_59 : memref<16x128xf32, #tpu.memory_space<vmem_shared>>) dst(%dma_wait3A_56 : memref<16x128xf32, #tpu.memory_space<hbm>>)
        tpu.yield
      }) : () -> ()
    } else {
    }
    return
  }
}

#map = affine_map<(d0, d1) -> (0, 0)>
#map1 = affine_map<(d0, d1) -> (0)>
module attributes {stable_mosaic.version = 14 : i64} {
  func.func @_sc_scatter_body(%arg0: i32, %arg1: i32, %arg2: memref<10000x128xf32, #tpu.memory_space<hbm>>, %arg3: memref<320000xi32, #tpu.memory_space<hbm>>, %arg4: memref<320000xi32, #tpu.memory_space<hbm>>, %arg5: memref<624x128xf32, #tpu.memory_space<hbm>>, %arg6: memref<20000x128xf32, #tpu.memory_space<hbm>>, %arg7: memref<10000x128xf32, #tpu.memory_space<vmem_shared>>, %arg8: memref<128xi32, #tpu.memory_space<vmem>>, %arg9: memref<128xi32, #tpu.memory_space<vmem>>, %arg10: memref<128x128xf32, #tpu.memory_space<vmem>>, %arg11: memref<128xi32, #tpu.memory_space<vmem>>, %arg12: memref<128xi32, #tpu.memory_space<vmem>>, %arg13: memref<128x128xf32, #tpu.memory_space<vmem>>, %arg14: memref<128xi32, #tpu.memory_space<vmem>>, %arg15: memref<128xi32, #tpu.memory_space<vmem>>, %arg16: memref<128x128xf32, #tpu.memory_space<vmem>>, %arg17: memref<16xi32, #tpu.memory_space<vmem>>, %arg18: memref<16xi32, #tpu.memory_space<vmem>>, %arg19: memref<!tpu.dma_semaphore, #tpu.memory_space<semaphore_mem>>, %arg20: memref<!tpu.dma_semaphore, #tpu.memory_space<semaphore_mem>>, %arg21: memref<!tpu.dma_semaphore, #tpu.memory_space<semaphore_mem>>, %arg22: memref<!tpu.dma_semaphore, #tpu.memory_space<semaphore_mem>>, %arg23: memref<!tpu.dma_semaphore, #tpu.memory_space<semaphore_mem>>, %arg24: memref<!tpu.dma_semaphore, #tpu.memory_space<semaphore_mem>>, %arg25: memref<!tpu.dma_semaphore, #tpu.memory_space<semaphore_mem>>) attributes {dimension_semantics = [#tpu.dimension_semantics<core_parallel>, #tpu.dimension_semantics<subcore_parallel>], iteration_bounds = array<i64: 2, 16>, scalar_prefetch = 0 : i64, scratch_operands = 19 : i64, tpu.core_type = #tpu.core_type<sc_vector_subcore>, window_params = [{transform_indices = #map}, {transform_indices = #map1}, {transform_indices = #map1}, {transform_indices = #map}, {transform_indices = #map}]} {
    %mul3A = arith.constant 2 : i32
    %mul3A_0 = arith.muli %arg1, %mul3A : i32
    %add3A = arith.addi %mul3A_0, %arg0 : i32
    %mul3A_1 = arith.constant 624 : i32
    %mul3A_2 = arith.muli %arg1, %mul3A_1 : i32
    "tpu.region"() ({
      %run_scoped3A = tpu.sem_alloc : memref<!tpu.dma_semaphore, #tpu.memory_space<semaphore_mem>>
      %dma_start3A_46 = arith.constant 0 : i32
      %dma_start3A_47 = tpu.memref_slice %arg7[%mul3A_2, %dma_start3A_46] : memref<10000x128xf32, #tpu.memory_space<vmem_shared>> -> memref<624x128xf32, #tpu.memory_space<vmem_shared>>
      tpu.enqueue_dma source(%arg5 : memref<624x128xf32, #tpu.memory_space<hbm>>) target(%dma_start3A_47 : memref<624x128xf32, #tpu.memory_space<vmem_shared>>) target_semaphore(%run_scoped3A : memref<!tpu.dma_semaphore, #tpu.memory_space<semaphore_mem>>)
      %dma_wait3A_48 = arith.constant 0 : i32
      %dma_wait3A_49 = tpu.memref_slice %arg7[%mul3A_2, %dma_wait3A_48] : memref<10000x128xf32, #tpu.memory_space<vmem_shared>> -> memref<624x128xf32, #tpu.memory_space<vmem_shared>>
      tpu.wait_dma2 semaphore(%run_scoped3A : memref<!tpu.dma_semaphore, #tpu.memory_space<semaphore_mem>>) src(%arg5 : memref<624x128xf32, #tpu.memory_space<hbm>>) dst(%dma_wait3A_49 : memref<624x128xf32, #tpu.memory_space<vmem_shared>>)
      tpu.yield
    }) : () -> ()
    %eq3A = arith.constant 15 : i32
    %eq3A_3 = arith.cmpi eq, %arg1, %eq3A : i32
    %convert_element_type3A = arith.extui %eq3A_3 : i1 to i32
    %cond3A = arith.constant 0 : i32
    %cond3A_4 = arith.cmpi ne, %convert_element_type3A, %cond3A : i32
    scf.if %cond3A_4 {
      "tpu.region"() ({
        %run_scoped3A = tpu.sem_alloc : memref<!tpu.dma_semaphore, #tpu.memory_space<semaphore_mem>>
        %dma_start3A_46 = arith.constant 9984 : i32
        %dma_start3A_47 = arith.constant 0 : i32
        %dma_start3A_48 = tpu.memref_slice %arg7[%dma_start3A_46, %dma_start3A_47] : memref<10000x128xf32, #tpu.memory_space<vmem_shared>> -> memref<16x128xf32, #tpu.memory_space<vmem_shared>>
        %dma_start3A_49 = arith.constant 0 : i32
        %dma_start3A_50 = arith.constant 0 : i32
        %dma_start3A_51 = tpu.memref_slice %arg5[%dma_start3A_49, %dma_start3A_50] : memref<624x128xf32, #tpu.memory_space<hbm>> -> memref<16x128xf32, #tpu.memory_space<hbm>>
        tpu.enqueue_dma source(%dma_start3A_51 : memref<16x128xf32, #tpu.memory_space<hbm>>) target(%dma_start3A_48 : memref<16x128xf32, #tpu.memory_space<vmem_shared>>) target_semaphore(%run_scoped3A : memref<!tpu.dma_semaphore, #tpu.memory_space<semaphore_mem>>)
        %dma_wait3A_52 = arith.constant 9984 : i32
        %dma_wait3A_53 = arith.constant 0 : i32
        %dma_wait3A_54 = tpu.memref_slice %arg7[%dma_wait3A_52, %dma_wait3A_53] : memref<10000x128xf32, #tpu.memory_space<vmem_shared>> -> memref<16x128xf32, #tpu.memory_space<vmem_shared>>
        %dma_wait3A_55 = arith.constant 0 : i32
        %dma_wait3A_56 = arith.constant 0 : i32
        %dma_wait3A_57 = tpu.memref_slice %arg5[%dma_wait3A_55, %dma_wait3A_56] : memref<624x128xf32, #tpu.memory_space<hbm>> -> memref<16x128xf32, #tpu.memory_space<hbm>>
        tpu.wait_dma2 semaphore(%run_scoped3A : memref<!tpu.dma_semaphore, #tpu.memory_space<semaphore_mem>>) src(%dma_wait3A_57 : memref<16x128xf32, #tpu.memory_space<hbm>>) dst(%dma_wait3A_54 : memref<16x128xf32, #tpu.memory_space<vmem_shared>>)
        tpu.yield
      }) : () -> ()
    } else {
    }
    %barrier3A = arith.constant 0 : index
    tpu.barrier barrier_id(%barrier3A)
    %mul3A_5 = arith.constant 10000 : i32
    %mul3A_6 = arith.muli %add3A, %mul3A_5 : i32
    %scan3A = arith.constant 0 : i32
    %scan3A_7 = arith.constant 0 : i32
    %scan3A_8 = arith.constant 26 : i32
    %scan3A_9 = arith.addi %scan3A_7, %scan3A_8 : i32
    %scan3A_10 = arith.constant 1 : i32
    scf.for %scan3A_46 = %scan3A_7 to %scan3A_9 step %scan3A_10  : i32 {
      %gt3A = arith.constant 0 : i32
      %gt3A_47 = arith.cmpi sgt, %scan3A_46, %gt3A : i32
      %convert_element_type3A_48 = arith.extui %gt3A_47 : i1 to i32
      %cond3A_49 = arith.constant 0 : i32
      %cond3A_50 = arith.cmpi ne, %convert_element_type3A_48, %cond3A_49 : i32
      scf.if %cond3A_50 {
        %dma_wait3A_109 = arith.constant 0 : i32
        %dma_wait3A_110 = arith.constant 0 : i32
        %dma_wait3A_111 = tpu.memref_slice %arg7[%dma_wait3A_109, %dma_wait3A_110] : memref<10000x128xf32, #tpu.memory_space<vmem_shared>> -> memref<10000x128xf32, #tpu.memory_space<vmem_shared>>
        tpu.wait_indirect_dma semaphore(%arg22 : memref<!tpu.dma_semaphore, #tpu.memory_space<semaphore_mem>>) src(%arg10 : memref<128x128xf32, #tpu.memory_space<vmem>>) dst(%dma_wait3A_111 : memref<10000x128xf32, #tpu.memory_space<vmem_shared>>)
      } else {
      }
      %mul3A_51 = arith.constant 3 : i32
      %mul3A_52 = arith.muli %mul3A_51, %scan3A_46 : i32
      %add3A_53 = arith.constant 0 : i32
      %add3A_54 = arith.addi %mul3A_52, %add3A_53 : i32
      %mul3A_55 = arith.constant 128 : i32
      %mul3A_56 = arith.muli %add3A_54, %mul3A_55 : i32
      %add3A_57 = arith.addi %mul3A_6, %mul3A_56 : i32
      "tpu.region"() ({
        %run_scoped3A = tpu.sem_alloc : memref<!tpu.dma_semaphore, #tpu.memory_space<semaphore_mem>>
        %dma_start3A_109 = tpu.memref_slice %arg3[%add3A_57] : memref<320000xi32, #tpu.memory_space<hbm>> -> memref<128xi32, #tpu.memory_space<hbm>>
        %dma_start3A_110 = tpu.memref_slice %arg3[%add3A_57] : memref<320000xi32, #tpu.memory_space<hbm>> -> memref<128xi32, #tpu.memory_space<hbm>>
        tpu.enqueue_dma source(%dma_start3A_110 : memref<128xi32, #tpu.memory_space<hbm>>) target(%arg8 : memref<128xi32, #tpu.memory_space<vmem>>) target_semaphore(%run_scoped3A : memref<!tpu.dma_semaphore, #tpu.memory_space<semaphore_mem>>)
        %dma_wait3A_111 = tpu.memref_slice %arg3[%add3A_57] : memref<320000xi32, #tpu.memory_space<hbm>> -> memref<128xi32, #tpu.memory_space<hbm>>
        %dma_wait3A_112 = tpu.memref_slice %arg3[%add3A_57] : memref<320000xi32, #tpu.memory_space<hbm>> -> memref<128xi32, #tpu.memory_space<hbm>>
        tpu.wait_dma2 semaphore(%run_scoped3A : memref<!tpu.dma_semaphore, #tpu.memory_space<semaphore_mem>>) src(%dma_wait3A_112 : memref<128xi32, #tpu.memory_space<hbm>>) dst(%arg8 : memref<128xi32, #tpu.memory_space<vmem>>)
        tpu.yield
      }) : () -> ()
      "tpu.region"() ({
        %run_scoped3A = tpu.sem_alloc : memref<!tpu.dma_semaphore, #tpu.memory_space<semaphore_mem>>
        %dma_start3A_109 = tpu.memref_slice %arg4[%add3A_57] : memref<320000xi32, #tpu.memory_space<hbm>> -> memref<128xi32, #tpu.memory_space<hbm>>
        %dma_start3A_110 = tpu.memref_slice %arg4[%add3A_57] : memref<320000xi32, #tpu.memory_space<hbm>> -> memref<128xi32, #tpu.memory_space<hbm>>
        tpu.enqueue_dma source(%dma_start3A_110 : memref<128xi32, #tpu.memory_space<hbm>>) target(%arg9 : memref<128xi32, #tpu.memory_space<vmem>>) target_semaphore(%run_scoped3A : memref<!tpu.dma_semaphore, #tpu.memory_space<semaphore_mem>>)
        %dma_wait3A_111 = tpu.memref_slice %arg4[%add3A_57] : memref<320000xi32, #tpu.memory_space<hbm>> -> memref<128xi32, #tpu.memory_space<hbm>>
        %dma_wait3A_112 = tpu.memref_slice %arg4[%add3A_57] : memref<320000xi32, #tpu.memory_space<hbm>> -> memref<128xi32, #tpu.memory_space<hbm>>
        tpu.wait_dma2 semaphore(%run_scoped3A : memref<!tpu.dma_semaphore, #tpu.memory_space<semaphore_mem>>) src(%dma_wait3A_112 : memref<128xi32, #tpu.memory_space<hbm>>) dst(%arg9 : memref<128xi32, #tpu.memory_space<vmem>>)
        tpu.yield
      }) : () -> ()
      %dma_start3A_58 = arith.constant 0 : i32
      %dma_start3A_59 = arith.constant 0 : i32
      %dma_start3A_60 = tpu.memref_slice %arg2[%dma_start3A_58, %dma_start3A_59] : memref<10000x128xf32, #tpu.memory_space<hbm>> -> memref<10000x128xf32, #tpu.memory_space<hbm>>
      tpu.enqueue_indirect_dma source(%dma_start3A_60 : memref<10000x128xf32, #tpu.memory_space<hbm>>) target(%arg10 : memref<128x128xf32, #tpu.memory_space<vmem>>) offsets(%arg8 : memref<128xi32, #tpu.memory_space<vmem>>) semaphore(%arg19 : memref<!tpu.dma_semaphore, #tpu.memory_space<semaphore_mem>>)
      %gt3A_61 = arith.constant 0 : i32
      %gt3A_62 = arith.cmpi sgt, %scan3A_46, %gt3A_61 : i32
      %convert_element_type3A_63 = arith.extui %gt3A_62 : i1 to i32
      %cond3A_64 = arith.constant 0 : i32
      %cond3A_65 = arith.cmpi ne, %convert_element_type3A_63, %cond3A_64 : i32
      scf.if %cond3A_65 {
        %dma_wait3A_109 = arith.constant 0 : i32
        %dma_wait3A_110 = arith.constant 0 : i32
        %dma_wait3A_111 = tpu.memref_slice %arg7[%dma_wait3A_109, %dma_wait3A_110] : memref<10000x128xf32, #tpu.memory_space<vmem_shared>> -> memref<10000x128xf32, #tpu.memory_space<vmem_shared>>
        tpu.wait_indirect_dma semaphore(%arg23 : memref<!tpu.dma_semaphore, #tpu.memory_space<semaphore_mem>>) src(%arg13 : memref<128x128xf32, #tpu.memory_space<vmem>>) dst(%dma_wait3A_111 : memref<10000x128xf32, #tpu.memory_space<vmem_shared>>)
      } else {
      }
      %mul3A_66 = arith.constant 3 : i32
      %mul3A_67 = arith.muli %mul3A_66, %scan3A_46 : i32
      %add3A_68 = arith.constant 1 : i32
      %add3A_69 = arith.addi %mul3A_67, %add3A_68 : i32
      %mul3A_70 = arith.constant 128 : i32
      %mul3A_71 = arith.muli %add3A_69, %mul3A_70 : i32
      %add3A_72 = arith.addi %mul3A_6, %mul3A_71 : i32
      "tpu.region"() ({
        %run_scoped3A = tpu.sem_alloc : memref<!tpu.dma_semaphore, #tpu.memory_space<semaphore_mem>>
        %dma_start3A_109 = tpu.memref_slice %arg3[%add3A_72] : memref<320000xi32, #tpu.memory_space<hbm>> -> memref<128xi32, #tpu.memory_space<hbm>>
        %dma_start3A_110 = tpu.memref_slice %arg3[%add3A_72] : memref<320000xi32, #tpu.memory_space<hbm>> -> memref<128xi32, #tpu.memory_space<hbm>>
        tpu.enqueue_dma source(%dma_start3A_110 : memref<128xi32, #tpu.memory_space<hbm>>) target(%arg11 : memref<128xi32, #tpu.memory_space<vmem>>) target_semaphore(%run_scoped3A : memref<!tpu.dma_semaphore, #tpu.memory_space<semaphore_mem>>)
        %dma_wait3A_111 = tpu.memref_slice %arg3[%add3A_72] : memref<320000xi32, #tpu.memory_space<hbm>> -> memref<128xi32, #tpu.memory_space<hbm>>
        %dma_wait3A_112 = tpu.memref_slice %arg3[%add3A_72] : memref<320000xi32, #tpu.memory_space<hbm>> -> memref<128xi32, #tpu.memory_space<hbm>>
        tpu.wait_dma2 semaphore(%run_scoped3A : memref<!tpu.dma_semaphore, #tpu.memory_space<semaphore_mem>>) src(%dma_wait3A_112 : memref<128xi32, #tpu.memory_space<hbm>>) dst(%arg11 : memref<128xi32, #tpu.memory_space<vmem>>)
        tpu.yield
      }) : () -> ()
      "tpu.region"() ({
        %run_scoped3A = tpu.sem_alloc : memref<!tpu.dma_semaphore, #tpu.memory_space<semaphore_mem>>
        %dma_start3A_109 = tpu.memref_slice %arg4[%add3A_72] : memref<320000xi32, #tpu.memory_space<hbm>> -> memref<128xi32, #tpu.memory_space<hbm>>
        %dma_start3A_110 = tpu.memref_slice %arg4[%add3A_72] : memref<320000xi32, #tpu.memory_space<hbm>> -> memref<128xi32, #tpu.memory_space<hbm>>
        tpu.enqueue_dma source(%dma_start3A_110 : memref<128xi32, #tpu.memory_space<hbm>>) target(%arg12 : memref<128xi32, #tpu.memory_space<vmem>>) target_semaphore(%run_scoped3A : memref<!tpu.dma_semaphore, #tpu.memory_space<semaphore_mem>>)
        %dma_wait3A_111 = tpu.memref_slice %arg4[%add3A_72] : memref<320000xi32, #tpu.memory_space<hbm>> -> memref<128xi32, #tpu.memory_space<hbm>>
        %dma_wait3A_112 = tpu.memref_slice %arg4[%add3A_72] : memref<320000xi32, #tpu.memory_space<hbm>> -> memref<128xi32, #tpu.memory_space<hbm>>
        tpu.wait_dma2 semaphore(%run_scoped3A : memref<!tpu.dma_semaphore, #tpu.memory_space<semaphore_mem>>) src(%dma_wait3A_112 : memref<128xi32, #tpu.memory_space<hbm>>) dst(%arg12 : memref<128xi32, #tpu.memory_space<vmem>>)
        tpu.yield
      }) : () -> ()
      %dma_start3A_73 = arith.constant 0 : i32
      %dma_start3A_74 = arith.constant 0 : i32
      %dma_start3A_75 = tpu.memref_slice %arg2[%dma_start3A_73, %dma_start3A_74] : memref<10000x128xf32, #tpu.memory_space<hbm>> -> memref<10000x128xf32, #tpu.memory_space<hbm>>
      tpu.enqueue_indirect_dma source(%dma_start3A_75 : memref<10000x128xf32, #tpu.memory_space<hbm>>) target(%arg13 : memref<128x128xf32, #tpu.memory_space<vmem>>) offsets(%arg11 : memref<128xi32, #tpu.memory_space<vmem>>) semaphore(%arg20 : memref<!tpu.dma_semaphore, #tpu.memory_space<semaphore_mem>>)
      %gt3A_76 = arith.constant 0 : i32
      %gt3A_77 = arith.cmpi sgt, %scan3A_46, %gt3A_76 : i32
      %convert_element_type3A_78 = arith.extui %gt3A_77 : i1 to i32
      %cond3A_79 = arith.constant 0 : i32
      %cond3A_80 = arith.cmpi ne, %convert_element_type3A_78, %cond3A_79 : i32
      scf.if %cond3A_80 {
        %dma_wait3A_109 = arith.constant 0 : i32
        %dma_wait3A_110 = arith.constant 0 : i32
        %dma_wait3A_111 = tpu.memref_slice %arg7[%dma_wait3A_109, %dma_wait3A_110] : memref<10000x128xf32, #tpu.memory_space<vmem_shared>> -> memref<10000x128xf32, #tpu.memory_space<vmem_shared>>
        tpu.wait_indirect_dma semaphore(%arg24 : memref<!tpu.dma_semaphore, #tpu.memory_space<semaphore_mem>>) src(%arg16 : memref<128x128xf32, #tpu.memory_space<vmem>>) dst(%dma_wait3A_111 : memref<10000x128xf32, #tpu.memory_space<vmem_shared>>)
      } else {
      }
      %mul3A_81 = arith.constant 3 : i32
      %mul3A_82 = arith.muli %mul3A_81, %scan3A_46 : i32
      %add3A_83 = arith.constant 2 : i32
      %add3A_84 = arith.addi %mul3A_82, %add3A_83 : i32
      %mul3A_85 = arith.constant 128 : i32
      %mul3A_86 = arith.muli %add3A_84, %mul3A_85 : i32
      %add3A_87 = arith.addi %mul3A_6, %mul3A_86 : i32
      "tpu.region"() ({
        %run_scoped3A = tpu.sem_alloc : memref<!tpu.dma_semaphore, #tpu.memory_space<semaphore_mem>>
        %dma_start3A_109 = tpu.memref_slice %arg3[%add3A_87] : memref<320000xi32, #tpu.memory_space<hbm>> -> memref<128xi32, #tpu.memory_space<hbm>>
        %dma_start3A_110 = tpu.memref_slice %arg3[%add3A_87] : memref<320000xi32, #tpu.memory_space<hbm>> -> memref<128xi32, #tpu.memory_space<hbm>>
        tpu.enqueue_dma source(%dma_start3A_110 : memref<128xi32, #tpu.memory_space<hbm>>) target(%arg14 : memref<128xi32, #tpu.memory_space<vmem>>) target_semaphore(%run_scoped3A : memref<!tpu.dma_semaphore, #tpu.memory_space<semaphore_mem>>)
        %dma_wait3A_111 = tpu.memref_slice %arg3[%add3A_87] : memref<320000xi32, #tpu.memory_space<hbm>> -> memref<128xi32, #tpu.memory_space<hbm>>
        %dma_wait3A_112 = tpu.memref_slice %arg3[%add3A_87] : memref<320000xi32, #tpu.memory_space<hbm>> -> memref<128xi32, #tpu.memory_space<hbm>>
        tpu.wait_dma2 semaphore(%run_scoped3A : memref<!tpu.dma_semaphore, #tpu.memory_space<semaphore_mem>>) src(%dma_wait3A_112 : memref<128xi32, #tpu.memory_space<hbm>>) dst(%arg14 : memref<128xi32, #tpu.memory_space<vmem>>)
        tpu.yield
      }) : () -> ()
      "tpu.region"() ({
        %run_scoped3A = tpu.sem_alloc : memref<!tpu.dma_semaphore, #tpu.memory_space<semaphore_mem>>
        %dma_start3A_109 = tpu.memref_slice %arg4[%add3A_87] : memref<320000xi32, #tpu.memory_space<hbm>> -> memref<128xi32, #tpu.memory_space<hbm>>
        %dma_start3A_110 = tpu.memref_slice %arg4[%add3A_87] : memref<320000xi32, #tpu.memory_space<hbm>> -> memref<128xi32, #tpu.memory_space<hbm>>
        tpu.enqueue_dma source(%dma_start3A_110 : memref<128xi32, #tpu.memory_space<hbm>>) target(%arg15 : memref<128xi32, #tpu.memory_space<vmem>>) target_semaphore(%run_scoped3A : memref<!tpu.dma_semaphore, #tpu.memory_space<semaphore_mem>>)
        %dma_wait3A_111 = tpu.memref_slice %arg4[%add3A_87] : memref<320000xi32, #tpu.memory_space<hbm>> -> memref<128xi32, #tpu.memory_space<hbm>>
        %dma_wait3A_112 = tpu.memref_slice %arg4[%add3A_87] : memref<320000xi32, #tpu.memory_space<hbm>> -> memref<128xi32, #tpu.memory_space<hbm>>
        tpu.wait_dma2 semaphore(%run_scoped3A : memref<!tpu.dma_semaphore, #tpu.memory_space<semaphore_mem>>) src(%dma_wait3A_112 : memref<128xi32, #tpu.memory_space<hbm>>) dst(%arg15 : memref<128xi32, #tpu.memory_space<vmem>>)
        tpu.yield
      }) : () -> ()
      %dma_start3A_88 = arith.constant 0 : i32
      %dma_start3A_89 = arith.constant 0 : i32
      %dma_start3A_90 = tpu.memref_slice %arg2[%dma_start3A_88, %dma_start3A_89] : memref<10000x128xf32, #tpu.memory_space<hbm>> -> memref<10000x128xf32, #tpu.memory_space<hbm>>
      tpu.enqueue_indirect_dma source(%dma_start3A_90 : memref<10000x128xf32, #tpu.memory_space<hbm>>) target(%arg16 : memref<128x128xf32, #tpu.memory_space<vmem>>) offsets(%arg14 : memref<128xi32, #tpu.memory_space<vmem>>) semaphore(%arg21 : memref<!tpu.dma_semaphore, #tpu.memory_space<semaphore_mem>>)
      %dma_wait3A_91 = arith.constant 0 : i32
      %dma_wait3A_92 = arith.constant 0 : i32
      %dma_wait3A_93 = tpu.memref_slice %arg2[%dma_wait3A_91, %dma_wait3A_92] : memref<10000x128xf32, #tpu.memory_space<hbm>> -> memref<10000x128xf32, #tpu.memory_space<hbm>>
      tpu.wait_indirect_dma semaphore(%arg19 : memref<!tpu.dma_semaphore, #tpu.memory_space<semaphore_mem>>) src(%dma_wait3A_93 : memref<10000x128xf32, #tpu.memory_space<hbm>>) dst(%arg10 : memref<128x128xf32, #tpu.memory_space<vmem>>)
      %dma_start3A_94 = arith.constant 0 : i32
      %dma_start3A_95 = arith.constant 0 : i32
      %dma_start3A_96 = tpu.memref_slice %arg7[%dma_start3A_94, %dma_start3A_95] : memref<10000x128xf32, #tpu.memory_space<vmem_shared>> -> memref<10000x128xf32, #tpu.memory_space<vmem_shared>>
      tpu.enqueue_indirect_dma source(%arg10 : memref<128x128xf32, #tpu.memory_space<vmem>>) target(%dma_start3A_96 : memref<10000x128xf32, #tpu.memory_space<vmem_shared>>) offsets(%arg9 : memref<128xi32, #tpu.memory_space<vmem>>) semaphore(%arg22 : memref<!tpu.dma_semaphore, #tpu.memory_space<semaphore_mem>>) {add = true}
      %dma_wait3A_97 = arith.constant 0 : i32
      %dma_wait3A_98 = arith.constant 0 : i32
      %dma_wait3A_99 = tpu.memref_slice %arg2[%dma_wait3A_97, %dma_wait3A_98] : memref<10000x128xf32, #tpu.memory_space<hbm>> -> memref<10000x128xf32, #tpu.memory_space<hbm>>
      tpu.wait_indirect_dma semaphore(%arg20 : memref<!tpu.dma_semaphore, #tpu.memory_space<semaphore_mem>>) src(%dma_wait3A_99 : memref<10000x128xf32, #tpu.memory_space<hbm>>) dst(%arg13 : memref<128x128xf32, #tpu.memory_space<vmem>>)
      %dma_start3A_100 = arith.constant 0 : i32
      %dma_start3A_101 = arith.constant 0 : i32
      %dma_start3A_102 = tpu.memref_slice %arg7[%dma_start3A_100, %dma_start3A_101] : memref<10000x128xf32, #tpu.memory_space<vmem_shared>> -> memref<10000x128xf32, #tpu.memory_space<vmem_shared>>
      tpu.enqueue_indirect_dma source(%arg13 : memref<128x128xf32, #tpu.memory_space<vmem>>) target(%dma_start3A_102 : memref<10000x128xf32, #tpu.memory_space<vmem_shared>>) offsets(%arg12 : memref<128xi32, #tpu.memory_space<vmem>>) semaphore(%arg23 : memref<!tpu.dma_semaphore, #tpu.memory_space<semaphore_mem>>) {add = true}
      %dma_wait3A_103 = arith.constant 0 : i32
      %dma_wait3A_104 = arith.constant 0 : i32
      %dma_wait3A_105 = tpu.memref_slice %arg2[%dma_wait3A_103, %dma_wait3A_104] : memref<10000x128xf32, #tpu.memory_space<hbm>> -> memref<10000x128xf32, #tpu.memory_space<hbm>>
      tpu.wait_indirect_dma semaphore(%arg21 : memref<!tpu.dma_semaphore, #tpu.memory_space<semaphore_mem>>) src(%dma_wait3A_105 : memref<10000x128xf32, #tpu.memory_space<hbm>>) dst(%arg16 : memref<128x128xf32, #tpu.memory_space<vmem>>)
      %dma_start3A_106 = arith.constant 0 : i32
      %dma_start3A_107 = arith.constant 0 : i32
      %dma_start3A_108 = tpu.memref_slice %arg7[%dma_start3A_106, %dma_start3A_107] : memref<10000x128xf32, #tpu.memory_space<vmem_shared>> -> memref<10000x128xf32, #tpu.memory_space<vmem_shared>>
      tpu.enqueue_indirect_dma source(%arg16 : memref<128x128xf32, #tpu.memory_space<vmem>>) target(%dma_start3A_108 : memref<10000x128xf32, #tpu.memory_space<vmem_shared>>) offsets(%arg15 : memref<128xi32, #tpu.memory_space<vmem>>) semaphore(%arg24 : memref<!tpu.dma_semaphore, #tpu.memory_space<semaphore_mem>>) {add = true}
    }
    %scan3A_11 = arith.constant 26 : i32
    %dma_wait3A = arith.constant 0 : i32
    %dma_wait3A_12 = arith.constant 0 : i32
    %dma_wait3A_13 = tpu.memref_slice %arg7[%dma_wait3A, %dma_wait3A_12] : memref<10000x128xf32, #tpu.memory_space<vmem_shared>> -> memref<10000x128xf32, #tpu.memory_space<vmem_shared>>
    tpu.wait_indirect_dma semaphore(%arg22 : memref<!tpu.dma_semaphore, #tpu.memory_space<semaphore_mem>>) src(%arg10 : memref<128x128xf32, #tpu.memory_space<vmem>>) dst(%dma_wait3A_13 : memref<10000x128xf32, #tpu.memory_space<vmem_shared>>)
    %dma_wait3A_14 = arith.constant 0 : i32
    %dma_wait3A_15 = arith.constant 0 : i32
    %dma_wait3A_16 = tpu.memref_slice %arg7[%dma_wait3A_14, %dma_wait3A_15] : memref<10000x128xf32, #tpu.memory_space<vmem_shared>> -> memref<10000x128xf32, #tpu.memory_space<vmem_shared>>
    tpu.wait_indirect_dma semaphore(%arg23 : memref<!tpu.dma_semaphore, #tpu.memory_space<semaphore_mem>>) src(%arg13 : memref<128x128xf32, #tpu.memory_space<vmem>>) dst(%dma_wait3A_16 : memref<10000x128xf32, #tpu.memory_space<vmem_shared>>)
    %dma_wait3A_17 = arith.constant 0 : i32
    %dma_wait3A_18 = arith.constant 0 : i32
    %dma_wait3A_19 = tpu.memref_slice %arg7[%dma_wait3A_17, %dma_wait3A_18] : memref<10000x128xf32, #tpu.memory_space<vmem_shared>> -> memref<10000x128xf32, #tpu.memory_space<vmem_shared>>
    tpu.wait_indirect_dma semaphore(%arg24 : memref<!tpu.dma_semaphore, #tpu.memory_space<semaphore_mem>>) src(%arg16 : memref<128x128xf32, #tpu.memory_space<vmem>>) dst(%dma_wait3A_19 : memref<10000x128xf32, #tpu.memory_space<vmem_shared>>)
    %add3A_20 = arith.constant 9984 : i32
    %add3A_21 = arith.addi %mul3A_6, %add3A_20 : i32
    "tpu.region"() ({
      %run_scoped3A = tpu.sem_alloc : memref<!tpu.dma_semaphore, #tpu.memory_space<semaphore_mem>>
      %dma_start3A_46 = tpu.memref_slice %arg3[%add3A_21] : memref<320000xi32, #tpu.memory_space<hbm>> -> memref<16xi32, #tpu.memory_space<hbm>>
      %dma_start3A_47 = tpu.memref_slice %arg3[%add3A_21] : memref<320000xi32, #tpu.memory_space<hbm>> -> memref<16xi32, #tpu.memory_space<hbm>>
      tpu.enqueue_dma source(%dma_start3A_47 : memref<16xi32, #tpu.memory_space<hbm>>) target(%arg17 : memref<16xi32, #tpu.memory_space<vmem>>) target_semaphore(%run_scoped3A : memref<!tpu.dma_semaphore, #tpu.memory_space<semaphore_mem>>)
      %dma_wait3A_48 = tpu.memref_slice %arg3[%add3A_21] : memref<320000xi32, #tpu.memory_space<hbm>> -> memref<16xi32, #tpu.memory_space<hbm>>
      %dma_wait3A_49 = tpu.memref_slice %arg3[%add3A_21] : memref<320000xi32, #tpu.memory_space<hbm>> -> memref<16xi32, #tpu.memory_space<hbm>>
      tpu.wait_dma2 semaphore(%run_scoped3A : memref<!tpu.dma_semaphore, #tpu.memory_space<semaphore_mem>>) src(%dma_wait3A_49 : memref<16xi32, #tpu.memory_space<hbm>>) dst(%arg17 : memref<16xi32, #tpu.memory_space<vmem>>)
      tpu.yield
    }) : () -> ()
    "tpu.region"() ({
      %run_scoped3A = tpu.sem_alloc : memref<!tpu.dma_semaphore, #tpu.memory_space<semaphore_mem>>
      %dma_start3A_46 = tpu.memref_slice %arg4[%add3A_21] : memref<320000xi32, #tpu.memory_space<hbm>> -> memref<16xi32, #tpu.memory_space<hbm>>
      %dma_start3A_47 = tpu.memref_slice %arg4[%add3A_21] : memref<320000xi32, #tpu.memory_space<hbm>> -> memref<16xi32, #tpu.memory_space<hbm>>
      tpu.enqueue_dma source(%dma_start3A_47 : memref<16xi32, #tpu.memory_space<hbm>>) target(%arg18 : memref<16xi32, #tpu.memory_space<vmem>>) target_semaphore(%run_scoped3A : memref<!tpu.dma_semaphore, #tpu.memory_space<semaphore_mem>>)
      %dma_wait3A_48 = tpu.memref_slice %arg4[%add3A_21] : memref<320000xi32, #tpu.memory_space<hbm>> -> memref<16xi32, #tpu.memory_space<hbm>>
      %dma_wait3A_49 = tpu.memref_slice %arg4[%add3A_21] : memref<320000xi32, #tpu.memory_space<hbm>> -> memref<16xi32, #tpu.memory_space<hbm>>
      tpu.wait_dma2 semaphore(%run_scoped3A : memref<!tpu.dma_semaphore, #tpu.memory_space<semaphore_mem>>) src(%dma_wait3A_49 : memref<16xi32, #tpu.memory_space<hbm>>) dst(%arg18 : memref<16xi32, #tpu.memory_space<vmem>>)
      tpu.yield
    }) : () -> ()
    %dma_start3A = arith.constant 0 : i32
    %dma_start3A_22 = arith.constant 0 : i32
    %dma_start3A_23 = tpu.memref_slice %arg10[%dma_start3A, %dma_start3A_22] : memref<128x128xf32, #tpu.memory_space<vmem>> -> memref<16x128xf32, #tpu.memory_space<vmem>>
    %dma_start3A_24 = arith.constant 0 : i32
    %dma_start3A_25 = arith.constant 0 : i32
    %dma_start3A_26 = tpu.memref_slice %arg2[%dma_start3A_24, %dma_start3A_25] : memref<10000x128xf32, #tpu.memory_space<hbm>> -> memref<10000x128xf32, #tpu.memory_space<hbm>>
    tpu.enqueue_indirect_dma source(%dma_start3A_26 : memref<10000x128xf32, #tpu.memory_space<hbm>>) target(%dma_start3A_23 : memref<16x128xf32, #tpu.memory_space<vmem>>) offsets(%arg17 : memref<16xi32, #tpu.memory_space<vmem>>) semaphore(%arg25 : memref<!tpu.dma_semaphore, #tpu.memory_space<semaphore_mem>>)
    %dma_wait3A_27 = arith.constant 0 : i32
    %dma_wait3A_28 = arith.constant 0 : i32
    %dma_wait3A_29 = tpu.memref_slice %arg10[%dma_wait3A_27, %dma_wait3A_28] : memref<128x128xf32, #tpu.memory_space<vmem>> -> memref<16x128xf32, #tpu.memory_space<vmem>>
    %dma_wait3A_30 = arith.constant 0 : i32
    %dma_wait3A_31 = arith.constant 0 : i32
    %dma_wait3A_32 = tpu.memref_slice %arg2[%dma_wait3A_30, %dma_wait3A_31] : memref<10000x128xf32, #tpu.memory_space<hbm>> -> memref<10000x128xf32, #tpu.memory_space<hbm>>
    tpu.wait_indirect_dma semaphore(%arg25 : memref<!tpu.dma_semaphore, #tpu.memory_space<semaphore_mem>>) src(%dma_wait3A_32 : memref<10000x128xf32, #tpu.memory_space<hbm>>) dst(%dma_wait3A_29 : memref<16x128xf32, #tpu.memory_space<vmem>>)
    "tpu.region"() ({
      %run_scoped3A = tpu.sem_alloc : memref<!tpu.dma_semaphore, #tpu.memory_space<semaphore_mem>>
      %dma_start3A_46 = arith.constant 0 : i32
      %dma_start3A_47 = arith.constant 0 : i32
      %dma_start3A_48 = tpu.memref_slice %arg10[%dma_start3A_46, %dma_start3A_47] : memref<128x128xf32, #tpu.memory_space<vmem>> -> memref<16x128xf32, #tpu.memory_space<vmem>>
      %dma_start3A_49 = arith.constant 0 : i32
      %dma_start3A_50 = arith.constant 0 : i32
      %dma_start3A_51 = tpu.memref_slice %arg7[%dma_start3A_49, %dma_start3A_50] : memref<10000x128xf32, #tpu.memory_space<vmem_shared>> -> memref<10000x128xf32, #tpu.memory_space<vmem_shared>>
      tpu.enqueue_indirect_dma source(%dma_start3A_48 : memref<16x128xf32, #tpu.memory_space<vmem>>) target(%dma_start3A_51 : memref<10000x128xf32, #tpu.memory_space<vmem_shared>>) offsets(%arg18 : memref<16xi32, #tpu.memory_space<vmem>>) semaphore(%run_scoped3A : memref<!tpu.dma_semaphore, #tpu.memory_space<semaphore_mem>>) {add = true}
      %dma_wait3A_52 = arith.constant 0 : i32
      %dma_wait3A_53 = arith.constant 0 : i32
      %dma_wait3A_54 = tpu.memref_slice %arg10[%dma_wait3A_52, %dma_wait3A_53] : memref<128x128xf32, #tpu.memory_space<vmem>> -> memref<16x128xf32, #tpu.memory_space<vmem>>
      %dma_wait3A_55 = arith.constant 0 : i32
      %dma_wait3A_56 = arith.constant 0 : i32
      %dma_wait3A_57 = tpu.memref_slice %arg7[%dma_wait3A_55, %dma_wait3A_56] : memref<10000x128xf32, #tpu.memory_space<vmem_shared>> -> memref<10000x128xf32, #tpu.memory_space<vmem_shared>>
      tpu.wait_indirect_dma semaphore(%run_scoped3A : memref<!tpu.dma_semaphore, #tpu.memory_space<semaphore_mem>>) src(%dma_wait3A_54 : memref<16x128xf32, #tpu.memory_space<vmem>>) dst(%dma_wait3A_57 : memref<10000x128xf32, #tpu.memory_space<vmem_shared>>)
      tpu.yield
    }) : () -> ()
    %barrier3A_33 = arith.constant 0 : index
    tpu.barrier barrier_id(%barrier3A_33)
    %mul3A_34 = arith.constant 624 : i32
    %mul3A_35 = arith.muli %arg1, %mul3A_34 : i32
    %mul3A_36 = arith.constant 10000 : i32
    %mul3A_37 = arith.muli %arg0, %mul3A_36 : i32
    %mul3A_38 = arith.constant 624 : i32
    %mul3A_39 = arith.muli %arg1, %mul3A_38 : i32
    %add3A_40 = arith.addi %mul3A_37, %mul3A_39 : i32
    "tpu.region"() ({
      %run_scoped3A = tpu.sem_alloc : memref<!tpu.dma_semaphore, #tpu.memory_space<semaphore_mem>>
      %dma_start3A_46 = arith.constant 0 : i32
      %dma_start3A_47 = tpu.memref_slice %arg6[%add3A_40, %dma_start3A_46] : memref<20000x128xf32, #tpu.memory_space<hbm>> -> memref<624x128xf32, #tpu.memory_space<hbm>>
      %dma_start3A_48 = arith.constant 0 : i32
      %dma_start3A_49 = tpu.memref_slice %arg7[%mul3A_35, %dma_start3A_48] : memref<10000x128xf32, #tpu.memory_space<vmem_shared>> -> memref<624x128xf32, #tpu.memory_space<vmem_shared>>
      tpu.enqueue_dma source(%dma_start3A_49 : memref<624x128xf32, #tpu.memory_space<vmem_shared>>) target(%dma_start3A_47 : memref<624x128xf32, #tpu.memory_space<hbm>>) target_semaphore(%run_scoped3A : memref<!tpu.dma_semaphore, #tpu.memory_space<semaphore_mem>>)
      %dma_wait3A_50 = arith.constant 0 : i32
      %dma_wait3A_51 = tpu.memref_slice %arg6[%add3A_40, %dma_wait3A_50] : memref<20000x128xf32, #tpu.memory_space<hbm>> -> memref<624x128xf32, #tpu.memory_space<hbm>>
      %dma_wait3A_52 = arith.constant 0 : i32
      %dma_wait3A_53 = tpu.memref_slice %arg7[%mul3A_35, %dma_wait3A_52] : memref<10000x128xf32, #tpu.memory_space<vmem_shared>> -> memref<624x128xf32, #tpu.memory_space<vmem_shared>>
      tpu.wait_dma2 semaphore(%run_scoped3A : memref<!tpu.dma_semaphore, #tpu.memory_space<semaphore_mem>>) src(%dma_wait3A_53 : memref<624x128xf32, #tpu.memory_space<vmem_shared>>) dst(%dma_wait3A_51 : memref<624x128xf32, #tpu.memory_space<hbm>>)
      tpu.yield
    }) : () -> ()
    %eq3A_41 = arith.constant 15 : i32
    %eq3A_42 = arith.cmpi eq, %arg1, %eq3A_41 : i32
    %convert_element_type3A_43 = arith.extui %eq3A_42 : i1 to i32
    %cond3A_44 = arith.constant 0 : i32
    %cond3A_45 = arith.cmpi ne, %convert_element_type3A_43, %cond3A_44 : i32
    scf.if %cond3A_45 {
      %mul3A_46 = arith.constant 10000 : i32
      %mul3A_47 = arith.muli %arg0, %mul3A_46 : i32
      %add3A_48 = arith.constant 9984 : i32
      %add3A_49 = arith.addi %mul3A_47, %add3A_48 : i32
      "tpu.region"() ({
        %run_scoped3A = tpu.sem_alloc : memref<!tpu.dma_semaphore, #tpu.memory_space<semaphore_mem>>
        %dma_start3A_50 = arith.constant 0 : i32
        %dma_start3A_51 = tpu.memref_slice %arg6[%add3A_49, %dma_start3A_50] : memref<20000x128xf32, #tpu.memory_space<hbm>> -> memref<16x128xf32, #tpu.memory_space<hbm>>
        %dma_start3A_52 = arith.constant 9984 : i32
        %dma_start3A_53 = arith.constant 0 : i32
        %dma_start3A_54 = tpu.memref_slice %arg7[%dma_start3A_52, %dma_start3A_53] : memref<10000x128xf32, #tpu.memory_space<vmem_shared>> -> memref<16x128xf32, #tpu.memory_space<vmem_shared>>
        tpu.enqueue_dma source(%dma_start3A_54 : memref<16x128xf32, #tpu.memory_space<vmem_shared>>) target(%dma_start3A_51 : memref<16x128xf32, #tpu.memory_space<hbm>>) target_semaphore(%run_scoped3A : memref<!tpu.dma_semaphore, #tpu.memory_space<semaphore_mem>>)
        %dma_wait3A_55 = arith.constant 0 : i32
        %dma_wait3A_56 = tpu.memref_slice %arg6[%add3A_49, %dma_wait3A_55] : memref<20000x128xf32, #tpu.memory_space<hbm>> -> memref<16x128xf32, #tpu.memory_space<hbm>>
        %dma_wait3A_57 = arith.constant 9984 : i32
        %dma_wait3A_58 = arith.constant 0 : i32
        %dma_wait3A_59 = tpu.memref_slice %arg7[%dma_wait3A_57, %dma_wait3A_58] : memref<10000x128xf32, #tpu.memory_space<vmem_shared>> -> memref<16x128xf32, #tpu.memory_space<vmem_shared>>
        tpu.wait_dma2 semaphore(%run_scoped3A : memref<!tpu.dma_semaphore, #tpu.memory_space<semaphore_mem>>) src(%dma_wait3A_59 : memref<16x128xf32, #tpu.memory_space<vmem_shared>>) dst(%dma_wait3A_56 : memref<16x128xf32, #tpu.memory_space<hbm>>)
        tpu.yield
      }) : () -> ()
    } else {
    }
    return
  }
}

module attributes {stable_mosaic.version = 14 : i64} {
  func.func @_prep_body(%arg0: i32, %arg1: memref<1000x2xf32, #tpu.memory_space<vmem>>, %arg2: memref<1000x2xf32, #tpu.memory_space<vmem>>, %arg3: memref<1000x128xf32, #tpu.memory_space<vmem>>, %arg4: memref<1000x128xf32, #tpu.memory_space<vmem>>, %arg5: memref<1000x1xf32, #tpu.memory_space<vmem>>, %arg6: memref<1000x1xf32, #tpu.memory_space<vmem>>, %arg7: memref<1000x128xf32, #tpu.memory_space<vmem>>, %arg8: memref<1000x128xf32, #tpu.memory_space<vmem>>) attributes {dimension_semantics = [#tpu.dimension_semantics<arbitrary>], iteration_bounds = array<i64: 10>, scalar_prefetch = 0 : i64, scratch_operands = 0 : i64, tpu.core_type = #tpu.core_type<tc>, window_params = [{transform_indices = @transform_0, window_bounds = array<i64: 1000, 2>}, {transform_indices = @transform_1, window_bounds = array<i64: 1000, 2>}, {transform_indices = @transform_2, window_bounds = array<i64: 1000, 128>}, {transform_indices = @transform_3, window_bounds = array<i64: 1000, 128>}, {transform_indices = @transform_4, window_bounds = array<i64: 1000, 1>}, {transform_indices = @transform_5, window_bounds = array<i64: 1000, 1>}, {transform_indices = @transform_6, window_bounds = array<i64: 1000, 128>}, {transform_indices = @transform_7, window_bounds = array<i64: 1000, 128>}]} {
    %get3A = arith.constant 0 : index
    %get3A_0 = arith.constant 0 : index
    %get3A_1 = vector.load %arg1[%get3A, %get3A_0] : memref<1000x2xf32, #tpu.memory_space<vmem>>, vector<1000x2xf32>
    %get3A_2 = arith.constant 0 : index
    %get3A_3 = arith.constant 0 : index
    %get3A_4 = vector.load %arg2[%get3A_2, %get3A_3] : memref<1000x2xf32, #tpu.memory_space<vmem>>, vector<1000x2xf32>
    %slice3A = vector.extract_strided_slice %get3A_1 {offsets = [0, 0], sizes = [1000, 1], strides = [1, 1]} : vector<1000x2xf32> to vector<1000x1xf32>
    %slice3A_5 = vector.extract_strided_slice %get3A_1 {offsets = [0, 1], sizes = [1000, 1], strides = [1, 1]} : vector<1000x2xf32> to vector<1000x1xf32>
    %add3A = arith.addf %slice3A, %slice3A_5 : vector<1000x1xf32>
    %max3A = arith.constant 1.000000e+00 : f32
    %max3A_6 = vector.broadcast %max3A : f32 to vector<1000x1xf32>
    %max3A_7 = arith.maximumf %add3A, %max3A_6 : vector<1000x1xf32>
    %rsqrt3A = math.rsqrt %max3A_7 : vector<1000x1xf32>
    %slice3A_8 = vector.extract_strided_slice %get3A_4 {offsets = [0, 0], sizes = [1000, 1], strides = [1, 1]} : vector<1000x2xf32> to vector<1000x1xf32>
    %slice3A_9 = vector.extract_strided_slice %get3A_4 {offsets = [0, 1], sizes = [1000, 1], strides = [1, 1]} : vector<1000x2xf32> to vector<1000x1xf32>
    %add3A_10 = arith.addf %slice3A_8, %slice3A_9 : vector<1000x1xf32>
    %max3A_11 = arith.constant 1.000000e+00 : f32
    %max3A_12 = vector.broadcast %max3A_11 : f32 to vector<1000x1xf32>
    %max3A_13 = arith.maximumf %add3A_10, %max3A_12 : vector<1000x1xf32>
    %rsqrt3A_14 = math.rsqrt %max3A_13 : vector<1000x1xf32>
    %swap3A = arith.constant 0 : index
    %swap3A_15 = arith.constant 0 : index
    %swap3A_16 = vector.load %arg5[%swap3A, %swap3A_15] : memref<1000x1xf32, #tpu.memory_space<vmem>>, vector<1000x1xf32>
    tpu.vector_store %arg5[%swap3A, %swap3A_15], %rsqrt3A {strides = array<i32>} : memref<1000x1xf32, #tpu.memory_space<vmem>>, vector<1000x1xf32>,
    %swap3A_17 = arith.constant 0 : index
    %swap3A_18 = arith.constant 0 : index
    %swap3A_19 = vector.load %arg6[%swap3A_17, %swap3A_18] : memref<1000x1xf32, #tpu.memory_space<vmem>>, vector<1000x1xf32>
    tpu.vector_store %arg6[%swap3A_17, %swap3A_18], %rsqrt3A_14 {strides = array<i32>} : memref<1000x1xf32, #tpu.memory_space<vmem>>, vector<1000x1xf32>,
    %get3A_20 = arith.constant 0 : index
    %get3A_21 = arith.constant 0 : index
    %get3A_22 = vector.load %arg3[%get3A_20, %get3A_21] : memref<1000x128xf32, #tpu.memory_space<vmem>>, vector<1000x128xf32>
    %mul3A = vector.broadcast %rsqrt3A : vector<1000x1xf32> to vector<1000x128xf32>
    %mul3A_23 = arith.mulf %get3A_22, %mul3A : vector<1000x128xf32>
    %swap3A_24 = arith.constant 0 : index
    %swap3A_25 = arith.constant 0 : index
    %swap3A_26 = vector.load %arg7[%swap3A_24, %swap3A_25] : memref<1000x128xf32, #tpu.memory_space<vmem>>, vector<1000x128xf32>
    tpu.vector_store %arg7[%swap3A_24, %swap3A_25], %mul3A_23 {strides = array<i32>} : memref<1000x128xf32, #tpu.memory_space<vmem>>, vector<1000x128xf32>,
    %get3A_27 = arith.constant 0 : index
    %get3A_28 = arith.constant 0 : index
    %get3A_29 = vector.load %arg4[%get3A_27, %get3A_28] : memref<1000x128xf32, #tpu.memory_space<vmem>>, vector<1000x128xf32>
    %mul3A_30 = vector.broadcast %rsqrt3A_14 : vector<1000x1xf32> to vector<1000x128xf32>
    %mul3A_31 = arith.mulf %get3A_29, %mul3A_30 : vector<1000x128xf32>
    %swap3A_32 = arith.constant 0 : index
    %swap3A_33 = arith.constant 0 : index
    %swap3A_34 = vector.load %arg8[%swap3A_32, %swap3A_33] : memref<1000x128xf32, #tpu.memory_space<vmem>>, vector<1000x128xf32>
    tpu.vector_store %arg8[%swap3A_32, %swap3A_33], %mul3A_31 {strides = array<i32>} : memref<1000x128xf32, #tpu.memory_space<vmem>>, vector<1000x128xf32>,
    return
  }
  func.func @transform_0(%arg0: i32) -> (i32, i32) {
    %c0_i32 = arith.constant 0 : i32
    %c0_i32_0 = arith.constant 0 : i32
    return %arg0, %c0_i32 : i32, i32
  }
  func.func @transform_1(%arg0: i32) -> (i32, i32) {
    %c0_i32 = arith.constant 0 : i32
    %c0_i32_0 = arith.constant 0 : i32
    return %arg0, %c0_i32 : i32, i32
  }
  func.func @transform_2(%arg0: i32) -> (i32, i32) {
    %c0_i32 = arith.constant 0 : i32
    %c0_i32_0 = arith.constant 0 : i32
    return %arg0, %c0_i32 : i32, i32
  }
  func.func @transform_3(%arg0: i32) -> (i32, i32) {
    %c0_i32 = arith.constant 0 : i32
    %c0_i32_0 = arith.constant 0 : i32
    return %arg0, %c0_i32 : i32, i32
  }
  func.func @transform_4(%arg0: i32) -> (i32, i32) {
    %c0_i32 = arith.constant 0 : i32
    %c0_i32_0 = arith.constant 0 : i32
    return %arg0, %c0_i32 : i32, i32
  }
  func.func @transform_5(%arg0: i32) -> (i32, i32) {
    %c0_i32 = arith.constant 0 : i32
    %c0_i32_0 = arith.constant 0 : i32
    return %arg0, %c0_i32 : i32, i32
  }
  func.func @transform_6(%arg0: i32) -> (i32, i32) {
    %c0_i32 = arith.constant 0 : i32
    %c0_i32_0 = arith.constant 0 : i32
    return %arg0, %c0_i32 : i32, i32
  }
  func.func @transform_7(%arg0: i32) -> (i32, i32) {
    %c0_i32 = arith.constant 0 : i32
    %c0_i32_0 = arith.constant 0 : i32
    return %arg0, %c0_i32 : i32, i32
  }
}

module attributes {stable_mosaic.version = 14 : i64} {
  func.func @_comb1_body(%arg0: i32, %arg1: memref<2x1000x128xf32, #tpu.memory_space<vmem>>, %arg2: memref<2x1000x128xf32, #tpu.memory_space<vmem>>, %arg3: memref<1000x1xf32, #tpu.memory_space<vmem>>, %arg4: memref<1000x1xf32, #tpu.memory_space<vmem>>, %arg5: memref<1000x128xf32, #tpu.memory_space<vmem>>, %arg6: memref<1000x128xf32, #tpu.memory_space<vmem>>, %arg7: memref<1000x128xf32, #tpu.memory_space<vmem>>, %arg8: memref<1000x128xf32, #tpu.memory_space<vmem>>) attributes {dimension_semantics = [#tpu.dimension_semantics<arbitrary>], iteration_bounds = array<i64: 10>, scalar_prefetch = 0 : i64, scratch_operands = 0 : i64, tpu.core_type = #tpu.core_type<tc>, window_params = [{transform_indices = @transform_0, window_bounds = array<i64: 2, 1000, 128>}, {transform_indices = @transform_1, window_bounds = array<i64: 2, 1000, 128>}, {transform_indices = @transform_2, window_bounds = array<i64: 1000, 1>}, {transform_indices = @transform_3, window_bounds = array<i64: 1000, 1>}, {transform_indices = @transform_4, window_bounds = array<i64: 1000, 128>}, {transform_indices = @transform_5, window_bounds = array<i64: 1000, 128>}, {transform_indices = @transform_6, window_bounds = array<i64: 1000, 128>}, {transform_indices = @transform_7, window_bounds = array<i64: 1000, 128>}]} {
    %get3A = arith.constant 0 : index
    %get3A_0 = arith.constant 0 : index
    %get3A_1 = vector.load %arg3[%get3A, %get3A_0] : memref<1000x1xf32, #tpu.memory_space<vmem>>, vector<1000x1xf32>
    %get3A_2 = arith.constant 0 : index
    %get3A_3 = arith.constant 0 : index
    %get3A_4 = vector.load %arg4[%get3A_2, %get3A_3] : memref<1000x1xf32, #tpu.memory_space<vmem>>, vector<1000x1xf32>
    %get3A_5 = arith.constant 0 : index
    %get3A_6 = arith.constant 0 : index
    %get3A_7 = arith.constant 0 : index
    %get3A_8 = vector.load %arg1[%get3A_5, %get3A_6, %get3A_7] : memref<2x1000x128xf32, #tpu.memory_space<vmem>>, vector<1x1000x128xf32>
    %get3A_9 = vector.shape_cast %get3A_8 : vector<1x1000x128xf32> to vector<1000x128xf32>
    %get3A_10 = arith.constant 1 : index
    %get3A_11 = arith.constant 0 : index
    %get3A_12 = arith.constant 0 : index
    %get3A_13 = vector.load %arg1[%get3A_10, %get3A_11, %get3A_12] : memref<2x1000x128xf32, #tpu.memory_space<vmem>>, vector<1x1000x128xf32>
    %get3A_14 = vector.shape_cast %get3A_13 : vector<1x1000x128xf32> to vector<1000x128xf32>
    %add3A = arith.addf %get3A_9, %get3A_14 : vector<1000x128xf32>
    %mul3A = vector.broadcast %get3A_1 : vector<1000x1xf32> to vector<1000x128xf32>
    %mul3A_15 = arith.mulf %add3A, %mul3A : vector<1000x128xf32>
    %get3A_16 = arith.constant 0 : index
    %get3A_17 = arith.constant 0 : index
    %get3A_18 = arith.constant 0 : index
    %get3A_19 = vector.load %arg2[%get3A_16, %get3A_17, %get3A_18] : memref<2x1000x128xf32, #tpu.memory_space<vmem>>, vector<1x1000x128xf32>
    %get3A_20 = vector.shape_cast %get3A_19 : vector<1x1000x128xf32> to vector<1000x128xf32>
    %get3A_21 = arith.constant 1 : index
    %get3A_22 = arith.constant 0 : index
    %get3A_23 = arith.constant 0 : index
    %get3A_24 = vector.load %arg2[%get3A_21, %get3A_22, %get3A_23] : memref<2x1000x128xf32, #tpu.memory_space<vmem>>, vector<1x1000x128xf32>
    %get3A_25 = vector.shape_cast %get3A_24 : vector<1x1000x128xf32> to vector<1000x128xf32>
    %add3A_26 = arith.addf %get3A_20, %get3A_25 : vector<1000x128xf32>
    %mul3A_27 = vector.broadcast %get3A_4 : vector<1000x1xf32> to vector<1000x128xf32>
    %mul3A_28 = arith.mulf %add3A_26, %mul3A_27 : vector<1000x128xf32>
    %swap3A = arith.constant 0 : index
    %swap3A_29 = arith.constant 0 : index
    %swap3A_30 = vector.load %arg5[%swap3A, %swap3A_29] : memref<1000x128xf32, #tpu.memory_space<vmem>>, vector<1000x128xf32>
    tpu.vector_store %arg5[%swap3A, %swap3A_29], %mul3A_15 {strides = array<i32>} : memref<1000x128xf32, #tpu.memory_space<vmem>>, vector<1000x128xf32>,
    %swap3A_31 = arith.constant 0 : index
    %swap3A_32 = arith.constant 0 : index
    %swap3A_33 = vector.load %arg6[%swap3A_31, %swap3A_32] : memref<1000x128xf32, #tpu.memory_space<vmem>>, vector<1000x128xf32>
    tpu.vector_store %arg6[%swap3A_31, %swap3A_32], %mul3A_28 {strides = array<i32>} : memref<1000x128xf32, #tpu.memory_space<vmem>>, vector<1000x128xf32>,
    %mul3A_34 = vector.broadcast %get3A_1 : vector<1000x1xf32> to vector<1000x128xf32>
    %mul3A_35 = arith.mulf %mul3A_15, %mul3A_34 : vector<1000x128xf32>
    %swap3A_36 = arith.constant 0 : index
    %swap3A_37 = arith.constant 0 : index
    %swap3A_38 = vector.load %arg7[%swap3A_36, %swap3A_37] : memref<1000x128xf32, #tpu.memory_space<vmem>>, vector<1000x128xf32>
    tpu.vector_store %arg7[%swap3A_36, %swap3A_37], %mul3A_35 {strides = array<i32>} : memref<1000x128xf32, #tpu.memory_space<vmem>>, vector<1000x128xf32>,
    %mul3A_39 = vector.broadcast %get3A_4 : vector<1000x1xf32> to vector<1000x128xf32>
    %mul3A_40 = arith.mulf %mul3A_28, %mul3A_39 : vector<1000x128xf32>
    %swap3A_41 = arith.constant 0 : index
    %swap3A_42 = arith.constant 0 : index
    %swap3A_43 = vector.load %arg8[%swap3A_41, %swap3A_42] : memref<1000x128xf32, #tpu.memory_space<vmem>>, vector<1000x128xf32>
    tpu.vector_store %arg8[%swap3A_41, %swap3A_42], %mul3A_40 {strides = array<i32>} : memref<1000x128xf32, #tpu.memory_space<vmem>>, vector<1000x128xf32>,
    return
  }
  func.func @transform_0(%arg0: i32) -> (i32, i32, i32) {
    %c0_i32 = arith.constant 0 : i32
    %c0_i32_0 = arith.constant 0 : i32
    %c0_i32_1 = arith.constant 0 : i32
    return %c0_i32, %arg0, %c0_i32_0 : i32, i32, i32
  }
  func.func @transform_1(%arg0: i32) -> (i32, i32, i32) {
    %c0_i32 = arith.constant 0 : i32
    %c0_i32_0 = arith.constant 0 : i32
    %c0_i32_1 = arith.constant 0 : i32
    return %c0_i32, %arg0, %c0_i32_0 : i32, i32, i32
  }
  func.func @transform_2(%arg0: i32) -> (i32, i32) {
    %c0_i32 = arith.constant 0 : i32
    %c0_i32_0 = arith.constant 0 : i32
    return %arg0, %c0_i32 : i32, i32
  }
  func.func @transform_3(%arg0: i32) -> (i32, i32) {
    %c0_i32 = arith.constant 0 : i32
    %c0_i32_0 = arith.constant 0 : i32
    return %arg0, %c0_i32 : i32, i32
  }
  func.func @transform_4(%arg0: i32) -> (i32, i32) {
    %c0_i32 = arith.constant 0 : i32
    %c0_i32_0 = arith.constant 0 : i32
    return %arg0, %c0_i32 : i32, i32
  }
  func.func @transform_5(%arg0: i32) -> (i32, i32) {
    %c0_i32 = arith.constant 0 : i32
    %c0_i32_0 = arith.constant 0 : i32
    return %arg0, %c0_i32 : i32, i32
  }
  func.func @transform_6(%arg0: i32) -> (i32, i32) {
    %c0_i32 = arith.constant 0 : i32
    %c0_i32_0 = arith.constant 0 : i32
    return %arg0, %c0_i32 : i32, i32
  }
  func.func @transform_7(%arg0: i32) -> (i32, i32) {
    %c0_i32 = arith.constant 0 : i32
    %c0_i32_0 = arith.constant 0 : i32
    return %arg0, %c0_i32 : i32, i32
  }
}

module attributes {stable_mosaic.version = 14 : i64} {
  func.func @_aspects_body(%arg0: i32, %arg1: memref<1000x128xf32, #tpu.memory_space<vmem>>, %arg2: memref<4x128x128xf32, #tpu.memory_space<vmem>>, %arg3: memref<4x128xf32, #tpu.memory_space<vmem>>, %arg4: memref<1x128xf32, #tpu.memory_space<vmem>>, %arg5: memref<4x1000x128xf32, #tpu.memory_space<vmem>>, %arg6: memref<1000x4xf32, #tpu.memory_space<vmem>>) attributes {dimension_semantics = [#tpu.dimension_semantics<arbitrary>], iteration_bounds = array<i64: 10>, scalar_prefetch = 0 : i64, scratch_operands = 0 : i64, tpu.core_type = #tpu.core_type<tc>, window_params = [{transform_indices = @transform_0, window_bounds = array<i64: 1000, 128>}, {pipeline_mode = #tpu.pipeline_mode<synchronous>, transform_indices = @transform_1, window_bounds = array<i64: 4, 128, 128>}, {pipeline_mode = #tpu.pipeline_mode<synchronous>, transform_indices = @transform_2, window_bounds = array<i64: 4, 128>}, {pipeline_mode = #tpu.pipeline_mode<synchronous>, transform_indices = @transform_3, window_bounds = array<i64: 1, 128>}, {transform_indices = @transform_4, window_bounds = array<i64: 4, 1000, 128>}, {transform_indices = @transform_5, window_bounds = array<i64: 1000, 4>}]} {
    %get3A = arith.constant 0 : index
    %get3A_0 = arith.constant 0 : index
    %get3A_1 = vector.load %arg1[%get3A, %get3A_0] : memref<1000x128xf32, #tpu.memory_space<vmem>>, vector<1000x128xf32>
    %get3A_2 = arith.constant 0 : index
    %get3A_3 = arith.constant 0 : index
    %get3A_4 = vector.load %arg4[%get3A_2, %get3A_3] : memref<1x128xf32, #tpu.memory_space<vmem>>, vector<1x128xf32>
    %get3A_5 = arith.constant 0 : index
    %get3A_6 = arith.constant 0 : index
    %get3A_7 = arith.constant 0 : index
    %get3A_8 = vector.load %arg2[%get3A_5, %get3A_6, %get3A_7] : memref<4x128x128xf32, #tpu.memory_space<vmem>>, vector<1x128x128xf32>
    %get3A_9 = vector.shape_cast %get3A_8 : vector<1x128x128xf32> to vector<128x128xf32>
    %dot_general3A = arith.constant dense<0.000000e+00> : vector<1000x128xf32>
    %dot_general3A_10 = tpu.matmul %get3A_1, %get3A_9, %dot_general3A {dimension_numbers = #tpu.dot_dimension_numbers<[1], [1], [0], [0], [0, 0, 1, 0], [], []>, transpose_lhs_hint = false} : vector<1000x128xf32>, vector<128x128xf32>, vector<1000x128xf32> -> vector<1000x128xf32>
    %get3A_11 = arith.constant 0 : index
    %get3A_12 = arith.constant 0 : index
    %get3A_13 = vector.load %arg3[%get3A_11, %get3A_12] : memref<4x128xf32, #tpu.memory_space<vmem>>, vector<1x128xf32>
    %get3A_14 = vector.shape_cast %get3A_13 : vector<1x128xf32> to vector<128xf32>
    %broadcast_in_dim3A = vector.shape_cast %get3A_14 : vector<128xf32> to vector<1x128xf32>
    %add3A = vector.broadcast %broadcast_in_dim3A : vector<1x128xf32> to vector<1000x128xf32>
    %add3A_15 = arith.addf %dot_general3A_10, %add3A : vector<1000x128xf32>
    %logistic3A = arith.negf %add3A_15 : vector<1000x128xf32>
    %logistic3A_16 = math.exp %logistic3A : vector<1000x128xf32>
    %logistic3A_17 = arith.constant 1.000000e+00 : f32
    %logistic3A_18 = vector.broadcast %logistic3A_17 : f32 to vector<1000x128xf32>
    %logistic3A_19 = arith.addf %logistic3A_18, %logistic3A_16 : vector<1000x128xf32>
    %logistic3A_20 = arith.divf %logistic3A_18, %logistic3A_19 : vector<1000x128xf32>
    %mul3A = arith.mulf %get3A_1, %logistic3A_20 : vector<1000x128xf32>
    %swap3A = arith.constant 0 : index
    %swap3A_21 = arith.constant 0 : index
    %swap3A_22 = arith.constant 0 : index
    %swap3A_23 = vector.load %arg5[%swap3A, %swap3A_21, %swap3A_22] : memref<4x1000x128xf32, #tpu.memory_space<vmem>>, vector<1x1000x128xf32>
    %swap3A_24 = vector.shape_cast %swap3A_23 : vector<1x1000x128xf32> to vector<1000x128xf32>
    %swap3A_25 = vector.shape_cast %mul3A : vector<1000x128xf32> to vector<1x1000x128xf32>
    tpu.vector_store %arg5[%swap3A, %swap3A_21, %swap3A_22], %swap3A_25 {strides = array<i32>} : memref<4x1000x128xf32, #tpu.memory_space<vmem>>, vector<1x1000x128xf32>,
    %mul3A_26 = vector.broadcast %get3A_4 : vector<1x128xf32> to vector<1000x128xf32>
    %mul3A_27 = arith.mulf %mul3A, %mul3A_26 : vector<1000x128xf32>
    %reduce_sum3A = arith.constant dense<0.000000e+00> : vector<1000xf32>
    %reduce_sum3A_28 = vector.multi_reduction <add>, %mul3A_27, %reduce_sum3A [1] : vector<1000x128xf32> to vector<1000xf32>
    %broadcast_in_dim3A_29 = vector.shape_cast %reduce_sum3A_28 : vector<1000xf32> to vector<1000x1xf32>
    %get3A_30 = arith.constant 1 : index
    %get3A_31 = arith.constant 0 : index
    %get3A_32 = arith.constant 0 : index
    %get3A_33 = vector.load %arg2[%get3A_30, %get3A_31, %get3A_32] : memref<4x128x128xf32, #tpu.memory_space<vmem>>, vector<1x128x128xf32>
    %get3A_34 = vector.shape_cast %get3A_33 : vector<1x128x128xf32> to vector<128x128xf32>
    %dot_general3A_35 = arith.constant dense<0.000000e+00> : vector<1000x128xf32>
    %dot_general3A_36 = tpu.matmul %get3A_1, %get3A_34, %dot_general3A_35 {dimension_numbers = #tpu.dot_dimension_numbers<[1], [1], [0], [0], [0, 0, 1, 0], [], []>, transpose_lhs_hint = false} : vector<1000x128xf32>, vector<128x128xf32>, vector<1000x128xf32> -> vector<1000x128xf32>
    %get3A_37 = arith.constant 1 : index
    %get3A_38 = arith.constant 0 : index
    %get3A_39 = vector.load %arg3[%get3A_37, %get3A_38] : memref<4x128xf32, #tpu.memory_space<vmem>>, vector<1x128xf32>
    %get3A_40 = vector.shape_cast %get3A_39 : vector<1x128xf32> to vector<128xf32>
    %broadcast_in_dim3A_41 = vector.shape_cast %get3A_40 : vector<128xf32> to vector<1x128xf32>
    %add3A_42 = vector.broadcast %broadcast_in_dim3A_41 : vector<1x128xf32> to vector<1000x128xf32>
    %add3A_43 = arith.addf %dot_general3A_36, %add3A_42 : vector<1000x128xf32>
    %logistic3A_44 = arith.negf %add3A_43 : vector<1000x128xf32>
    %logistic3A_45 = math.exp %logistic3A_44 : vector<1000x128xf32>
    %logistic3A_46 = arith.constant 1.000000e+00 : f32
    %logistic3A_47 = vector.broadcast %logistic3A_46 : f32 to vector<1000x128xf32>
    %logistic3A_48 = arith.addf %logistic3A_47, %logistic3A_45 : vector<1000x128xf32>
    %logistic3A_49 = arith.divf %logistic3A_47, %logistic3A_48 : vector<1000x128xf32>
    %mul3A_50 = arith.mulf %get3A_1, %logistic3A_49 : vector<1000x128xf32>
    %swap3A_51 = arith.constant 1 : index
    %swap3A_52 = arith.constant 0 : index
    %swap3A_53 = arith.constant 0 : index
    %swap3A_54 = vector.load %arg5[%swap3A_51, %swap3A_52, %swap3A_53] : memref<4x1000x128xf32, #tpu.memory_space<vmem>>, vector<1x1000x128xf32>
    %swap3A_55 = vector.shape_cast %swap3A_54 : vector<1x1000x128xf32> to vector<1000x128xf32>
    %swap3A_56 = vector.shape_cast %mul3A_50 : vector<1000x128xf32> to vector<1x1000x128xf32>
    tpu.vector_store %arg5[%swap3A_51, %swap3A_52, %swap3A_53], %swap3A_56 {strides = array<i32>} : memref<4x1000x128xf32, #tpu.memory_space<vmem>>, vector<1x1000x128xf32>,
    %mul3A_57 = vector.broadcast %get3A_4 : vector<1x128xf32> to vector<1000x128xf32>
    %mul3A_58 = arith.mulf %mul3A_50, %mul3A_57 : vector<1000x128xf32>
    %reduce_sum3A_59 = arith.constant dense<0.000000e+00> : vector<1000xf32>
    %reduce_sum3A_60 = vector.multi_reduction <add>, %mul3A_58, %reduce_sum3A_59 [1] : vector<1000x128xf32> to vector<1000xf32>
    %broadcast_in_dim3A_61 = vector.shape_cast %reduce_sum3A_60 : vector<1000xf32> to vector<1000x1xf32>
    %get3A_62 = arith.constant 2 : index
    %get3A_63 = arith.constant 0 : index
    %get3A_64 = arith.constant 0 : index
    %get3A_65 = vector.load %arg2[%get3A_62, %get3A_63, %get3A_64] : memref<4x128x128xf32, #tpu.memory_space<vmem>>, vector<1x128x128xf32>
    %get3A_66 = vector.shape_cast %get3A_65 : vector<1x128x128xf32> to vector<128x128xf32>
    %dot_general3A_67 = arith.constant dense<0.000000e+00> : vector<1000x128xf32>
    %dot_general3A_68 = tpu.matmul %get3A_1, %get3A_66, %dot_general3A_67 {dimension_numbers = #tpu.dot_dimension_numbers<[1], [1], [0], [0], [0, 0, 1, 0], [], []>, transpose_lhs_hint = false} : vector<1000x128xf32>, vector<128x128xf32>, vector<1000x128xf32> -> vector<1000x128xf32>
    %get3A_69 = arith.constant 2 : index
    %get3A_70 = arith.constant 0 : index
    %get3A_71 = vector.load %arg3[%get3A_69, %get3A_70] : memref<4x128xf32, #tpu.memory_space<vmem>>, vector<1x128xf32>
    %get3A_72 = vector.shape_cast %get3A_71 : vector<1x128xf32> to vector<128xf32>
    %broadcast_in_dim3A_73 = vector.shape_cast %get3A_72 : vector<128xf32> to vector<1x128xf32>
    %add3A_74 = vector.broadcast %broadcast_in_dim3A_73 : vector<1x128xf32> to vector<1000x128xf32>
    %add3A_75 = arith.addf %dot_general3A_68, %add3A_74 : vector<1000x128xf32>
    %logistic3A_76 = arith.negf %add3A_75 : vector<1000x128xf32>
    %logistic3A_77 = math.exp %logistic3A_76 : vector<1000x128xf32>
    %logistic3A_78 = arith.constant 1.000000e+00 : f32
    %logistic3A_79 = vector.broadcast %logistic3A_78 : f32 to vector<1000x128xf32>
    %logistic3A_80 = arith.addf %logistic3A_79, %logistic3A_77 : vector<1000x128xf32>
    %logistic3A_81 = arith.divf %logistic3A_79, %logistic3A_80 : vector<1000x128xf32>
    %mul3A_82 = arith.mulf %get3A_1, %logistic3A_81 : vector<1000x128xf32>
    %swap3A_83 = arith.constant 2 : index
    %swap3A_84 = arith.constant 0 : index
    %swap3A_85 = arith.constant 0 : index
    %swap3A_86 = vector.load %arg5[%swap3A_83, %swap3A_84, %swap3A_85] : memref<4x1000x128xf32, #tpu.memory_space<vmem>>, vector<1x1000x128xf32>
    %swap3A_87 = vector.shape_cast %swap3A_86 : vector<1x1000x128xf32> to vector<1000x128xf32>
    %swap3A_88 = vector.shape_cast %mul3A_82 : vector<1000x128xf32> to vector<1x1000x128xf32>
    tpu.vector_store %arg5[%swap3A_83, %swap3A_84, %swap3A_85], %swap3A_88 {strides = array<i32>} : memref<4x1000x128xf32, #tpu.memory_space<vmem>>, vector<1x1000x128xf32>,
    %mul3A_89 = vector.broadcast %get3A_4 : vector<1x128xf32> to vector<1000x128xf32>
    %mul3A_90 = arith.mulf %mul3A_82, %mul3A_89 : vector<1000x128xf32>
    %reduce_sum3A_91 = arith.constant dense<0.000000e+00> : vector<1000xf32>
    %reduce_sum3A_92 = vector.multi_reduction <add>, %mul3A_90, %reduce_sum3A_91 [1] : vector<1000x128xf32> to vector<1000xf32>
    %broadcast_in_dim3A_93 = vector.shape_cast %reduce_sum3A_92 : vector<1000xf32> to vector<1000x1xf32>
    %get3A_94 = arith.constant 3 : index
    %get3A_95 = arith.constant 0 : index
    %get3A_96 = arith.constant 0 : index
    %get3A_97 = vector.load %arg2[%get3A_94, %get3A_95, %get3A_96] : memref<4x128x128xf32, #tpu.memory_space<vmem>>, vector<1x128x128xf32>
    %get3A_98 = vector.shape_cast %get3A_97 : vector<1x128x128xf32> to vector<128x128xf32>
    %dot_general3A_99 = arith.constant dense<0.000000e+00> : vector<1000x128xf32>
    %dot_general3A_100 = tpu.matmul %get3A_1, %get3A_98, %dot_general3A_99 {dimension_numbers = #tpu.dot_dimension_numbers<[1], [1], [0], [0], [0, 0, 1, 0], [], []>, transpose_lhs_hint = false} : vector<1000x128xf32>, vector<128x128xf32>, vector<1000x128xf32> -> vector<1000x128xf32>
    %get3A_101 = arith.constant 3 : index
    %get3A_102 = arith.constant 0 : index
    %get3A_103 = vector.load %arg3[%get3A_101, %get3A_102] : memref<4x128xf32, #tpu.memory_space<vmem>>, vector<1x128xf32>
    %get3A_104 = vector.shape_cast %get3A_103 : vector<1x128xf32> to vector<128xf32>
    %broadcast_in_dim3A_105 = vector.shape_cast %get3A_104 : vector<128xf32> to vector<1x128xf32>
    %add3A_106 = vector.broadcast %broadcast_in_dim3A_105 : vector<1x128xf32> to vector<1000x128xf32>
    %add3A_107 = arith.addf %dot_general3A_100, %add3A_106 : vector<1000x128xf32>
    %logistic3A_108 = arith.negf %add3A_107 : vector<1000x128xf32>
    %logistic3A_109 = math.exp %logistic3A_108 : vector<1000x128xf32>
    %logistic3A_110 = arith.constant 1.000000e+00 : f32
    %logistic3A_111 = vector.broadcast %logistic3A_110 : f32 to vector<1000x128xf32>
    %logistic3A_112 = arith.addf %logistic3A_111, %logistic3A_109 : vector<1000x128xf32>
    %logistic3A_113 = arith.divf %logistic3A_111, %logistic3A_112 : vector<1000x128xf32>
    %mul3A_114 = arith.mulf %get3A_1, %logistic3A_113 : vector<1000x128xf32>
    %swap3A_115 = arith.constant 3 : index
    %swap3A_116 = arith.constant 0 : index
    %swap3A_117 = arith.constant 0 : index
    %swap3A_118 = vector.load %arg5[%swap3A_115, %swap3A_116, %swap3A_117] : memref<4x1000x128xf32, #tpu.memory_space<vmem>>, vector<1x1000x128xf32>
    %swap3A_119 = vector.shape_cast %swap3A_118 : vector<1x1000x128xf32> to vector<1000x128xf32>
    %swap3A_120 = vector.shape_cast %mul3A_114 : vector<1000x128xf32> to vector<1x1000x128xf32>
    tpu.vector_store %arg5[%swap3A_115, %swap3A_116, %swap3A_117], %swap3A_120 {strides = array<i32>} : memref<4x1000x128xf32, #tpu.memory_space<vmem>>, vector<1x1000x128xf32>,
    %mul3A_121 = vector.broadcast %get3A_4 : vector<1x128xf32> to vector<1000x128xf32>
    %mul3A_122 = arith.mulf %mul3A_114, %mul3A_121 : vector<1000x128xf32>
    %reduce_sum3A_123 = arith.constant dense<0.000000e+00> : vector<1000xf32>
    %reduce_sum3A_124 = vector.multi_reduction <add>, %mul3A_122, %reduce_sum3A_123 [1] : vector<1000x128xf32> to vector<1000xf32>
    %broadcast_in_dim3A_125 = vector.shape_cast %reduce_sum3A_124 : vector<1000xf32> to vector<1000x1xf32>
    %concatenate3A = tpu.concatenate %broadcast_in_dim3A_29, %broadcast_in_dim3A_61, %broadcast_in_dim3A_93, %broadcast_in_dim3A_125 in 1 : vector<1000x1xf32>, vector<1000x1xf32>, vector<1000x1xf32>, vector<1000x1xf32> -> vector<1000x4xf32>
    %swap3A_126 = arith.constant 0 : index
    %swap3A_127 = arith.constant 0 : index
    %swap3A_128 = vector.load %arg6[%swap3A_126, %swap3A_127] : memref<1000x4xf32, #tpu.memory_space<vmem>>, vector<1000x4xf32>
    tpu.vector_store %arg6[%swap3A_126, %swap3A_127], %concatenate3A {strides = array<i32>} : memref<1000x4xf32, #tpu.memory_space<vmem>>, vector<1000x4xf32>,
    return
  }
  func.func @transform_0(%arg0: i32) -> (i32, i32) {
    %c0_i32 = arith.constant 0 : i32
    %c0_i32_0 = arith.constant 0 : i32
    return %arg0, %c0_i32 : i32, i32
  }
  func.func @transform_1(%arg0: i32) -> (i32, i32, i32) {
    %c0_i32 = arith.constant 0 : i32
    %c0_i32_0 = arith.constant 0 : i32
    %c0_i32_1 = arith.constant 0 : i32
    %c0_i32_2 = arith.constant 0 : i32
    return %c0_i32, %c0_i32_0, %c0_i32_1 : i32, i32, i32
  }
  func.func @transform_2(%arg0: i32) -> (i32, i32) {
    %c0_i32 = arith.constant 0 : i32
    %c0_i32_0 = arith.constant 0 : i32
    %c0_i32_1 = arith.constant 0 : i32
    return %c0_i32, %c0_i32_0 : i32, i32
  }
  func.func @transform_3(%arg0: i32) -> (i32, i32) {
    %c0_i32 = arith.constant 0 : i32
    %c0_i32_0 = arith.constant 0 : i32
    %c0_i32_1 = arith.constant 0 : i32
    return %c0_i32, %c0_i32_0 : i32, i32
  }
  func.func @transform_4(%arg0: i32) -> (i32, i32, i32) {
    %c0_i32 = arith.constant 0 : i32
    %c0_i32_0 = arith.constant 0 : i32
    %c0_i32_1 = arith.constant 0 : i32
    return %c0_i32, %arg0, %c0_i32_0 : i32, i32, i32
  }
  func.func @transform_5(%arg0: i32) -> (i32, i32) {
    %c0_i32 = arith.constant 0 : i32
    %c0_i32_0 = arith.constant 0 : i32
    return %arg0, %c0_i32 : i32, i32
  }
}

module attributes {stable_mosaic.version = 14 : i64} {
  func.func @_mmax_body(%arg0: i32, %arg1: memref<1000x256xf32, #tpu.memory_space<vmem>>, %arg2: memref<1000x4xf32, #tpu.memory_space<vmem>>, %arg3: memref<4x256xf32, #tpu.memory_space<vmem>>) attributes {dimension_semantics = [#tpu.dimension_semantics<arbitrary>], iteration_bounds = array<i64: 10>, scalar_prefetch = 0 : i64, scratch_operands = 0 : i64, tpu.core_type = #tpu.core_type<tc>, window_params = [{transform_indices = @transform_0, window_bounds = array<i64: 1000, 256>}, {transform_indices = @transform_1, window_bounds = array<i64: 1000, 4>}, {pipeline_mode = #tpu.pipeline_mode<synchronous>, transform_indices = @transform_2, window_bounds = array<i64: 4, 256>}]} {
    %get3A = arith.constant 0 : index
    %get3A_0 = arith.constant 0 : index
    %get3A_1 = vector.load %arg1[%get3A, %get3A_0] : memref<1000x256xf32, #tpu.memory_space<vmem>>, vector<1000x256xf32>
    %get3A_2 = arith.constant 0 : index
    %get3A_3 = arith.constant 0 : index
    %get3A_4 = vector.load %arg2[%get3A_2, %get3A_3] : memref<1000x4xf32, #tpu.memory_space<vmem>>, vector<1000x4xf32>
    %gt3A = arith.constant 5.000000e-01 : f32
    %gt3A_5 = vector.broadcast %gt3A : f32 to vector<1000x256xf32>
    %gt3A_6 = arith.cmpf ogt, %get3A_1, %gt3A_5 : vector<1000x256xf32>
    %slice3A = vector.extract_strided_slice %get3A_4 {offsets = [0, 0], sizes = [1000, 1], strides = [1, 1]} : vector<1000x4xf32> to vector<1000x1xf32>
    %jit3A = arith.constant 0xFF800000 : f32
    %broadcast_in_dim3A = vector.shape_cast %slice3A : vector<1000x1xf32> to vector<1000x1xf32>
    %broadcast_in_dim3A_7 = vector.broadcast %broadcast_in_dim3A : vector<1000x1xf32> to vector<1000x256xf32>
    %broadcast_in_dim3A_8 = vector.broadcast %jit3A : f32 to vector<1000x256xf32>
    %select_n3A = arith.select %gt3A_6, %broadcast_in_dim3A_7, %broadcast_in_dim3A_8 : vector<1000x256xi1>, vector<1000x256xf32>
    %reduce_max3A = arith.constant dense<0xFF800000> : vector<256xf32>
    %reduce_max3A_9 = vector.multi_reduction <maximumf>, %select_n3A, %reduce_max3A [0] : vector<1000x256xf32> to vector<256xf32>
    %broadcast_in_dim3A_10 = vector.shape_cast %reduce_max3A_9 : vector<256xf32> to vector<1x256xf32>
    %gt3A_11 = arith.constant 5.000000e-01 : f32
    %gt3A_12 = vector.broadcast %gt3A_11 : f32 to vector<1000x256xf32>
    %gt3A_13 = arith.cmpf ogt, %get3A_1, %gt3A_12 : vector<1000x256xf32>
    %slice3A_14 = vector.extract_strided_slice %get3A_4 {offsets = [0, 1], sizes = [1000, 1], strides = [1, 1]} : vector<1000x4xf32> to vector<1000x1xf32>
    %jit3A_15 = arith.constant 0xFF800000 : f32
    %broadcast_in_dim3A_16 = vector.shape_cast %slice3A_14 : vector<1000x1xf32> to vector<1000x1xf32>
    %broadcast_in_dim3A_17 = vector.broadcast %broadcast_in_dim3A_16 : vector<1000x1xf32> to vector<1000x256xf32>
    %broadcast_in_dim3A_18 = vector.broadcast %jit3A_15 : f32 to vector<1000x256xf32>
    %select_n3A_19 = arith.select %gt3A_13, %broadcast_in_dim3A_17, %broadcast_in_dim3A_18 : vector<1000x256xi1>, vector<1000x256xf32>
    %reduce_max3A_20 = arith.constant dense<0xFF800000> : vector<256xf32>
    %reduce_max3A_21 = vector.multi_reduction <maximumf>, %select_n3A_19, %reduce_max3A_20 [0] : vector<1000x256xf32> to vector<256xf32>
    %broadcast_in_dim3A_22 = vector.shape_cast %reduce_max3A_21 : vector<256xf32> to vector<1x256xf32>
    %gt3A_23 = arith.constant 5.000000e-01 : f32
    %gt3A_24 = vector.broadcast %gt3A_23 : f32 to vector<1000x256xf32>
    %gt3A_25 = arith.cmpf ogt, %get3A_1, %gt3A_24 : vector<1000x256xf32>
    %slice3A_26 = vector.extract_strided_slice %get3A_4 {offsets = [0, 2], sizes = [1000, 1], strides = [1, 1]} : vector<1000x4xf32> to vector<1000x1xf32>
    %jit3A_27 = arith.constant 0xFF800000 : f32
    %broadcast_in_dim3A_28 = vector.shape_cast %slice3A_26 : vector<1000x1xf32> to vector<1000x1xf32>
    %broadcast_in_dim3A_29 = vector.broadcast %broadcast_in_dim3A_28 : vector<1000x1xf32> to vector<1000x256xf32>
    %broadcast_in_dim3A_30 = vector.broadcast %jit3A_27 : f32 to vector<1000x256xf32>
    %select_n3A_31 = arith.select %gt3A_25, %broadcast_in_dim3A_29, %broadcast_in_dim3A_30 : vector<1000x256xi1>, vector<1000x256xf32>
    %reduce_max3A_32 = arith.constant dense<0xFF800000> : vector<256xf32>
    %reduce_max3A_33 = vector.multi_reduction <maximumf>, %select_n3A_31, %reduce_max3A_32 [0] : vector<1000x256xf32> to vector<256xf32>
    %broadcast_in_dim3A_34 = vector.shape_cast %reduce_max3A_33 : vector<256xf32> to vector<1x256xf32>
    %gt3A_35 = arith.constant 5.000000e-01 : f32
    %gt3A_36 = vector.broadcast %gt3A_35 : f32 to vector<1000x256xf32>
    %gt3A_37 = arith.cmpf ogt, %get3A_1, %gt3A_36 : vector<1000x256xf32>
    %slice3A_38 = vector.extract_strided_slice %get3A_4 {offsets = [0, 3], sizes = [1000, 1], strides = [1, 1]} : vector<1000x4xf32> to vector<1000x1xf32>
    %jit3A_39 = arith.constant 0xFF800000 : f32
    %broadcast_in_dim3A_40 = vector.shape_cast %slice3A_38 : vector<1000x1xf32> to vector<1000x1xf32>
    %broadcast_in_dim3A_41 = vector.broadcast %broadcast_in_dim3A_40 : vector<1000x1xf32> to vector<1000x256xf32>
    %broadcast_in_dim3A_42 = vector.broadcast %jit3A_39 : f32 to vector<1000x256xf32>
    %select_n3A_43 = arith.select %gt3A_37, %broadcast_in_dim3A_41, %broadcast_in_dim3A_42 : vector<1000x256xi1>, vector<1000x256xf32>
    %reduce_max3A_44 = arith.constant dense<0xFF800000> : vector<256xf32>
    %reduce_max3A_45 = vector.multi_reduction <maximumf>, %select_n3A_43, %reduce_max3A_44 [0] : vector<1000x256xf32> to vector<256xf32>
    %broadcast_in_dim3A_46 = vector.shape_cast %reduce_max3A_45 : vector<256xf32> to vector<1x256xf32>
    %concatenate3A = tpu.concatenate %broadcast_in_dim3A_10, %broadcast_in_dim3A_22, %broadcast_in_dim3A_34, %broadcast_in_dim3A_46 in 0 : vector<1x256xf32>, vector<1x256xf32>, vector<1x256xf32>, vector<1x256xf32> -> vector<4x256xf32>
    %eq3A = arith.constant 0 : i32
    %eq3A_47 = arith.cmpi eq, %arg0, %eq3A : i32
    %convert_element_type3A = arith.extui %eq3A_47 : i1 to i32
    %cond3A = arith.constant 0 : i32
    %cond3A_48 = arith.cmpi ne, %convert_element_type3A, %cond3A : i32
    scf.if %cond3A_48 {
      %swap3A = arith.constant 0 : index
      %swap3A_54 = arith.constant 0 : index
      %swap3A_55 = vector.load %arg3[%swap3A, %swap3A_54] : memref<4x256xf32, #tpu.memory_space<vmem>>, vector<4x256xf32>
      tpu.vector_store %arg3[%swap3A, %swap3A_54], %concatenate3A {strides = array<i32>} : memref<4x256xf32, #tpu.memory_space<vmem>>, vector<4x256xf32>,
    } else {
    }
    %gt3A_49 = arith.constant 0 : i32
    %gt3A_50 = arith.cmpi sgt, %arg0, %gt3A_49 : i32
    %convert_element_type3A_51 = arith.extui %gt3A_50 : i1 to i32
    %cond3A_52 = arith.constant 0 : i32
    %cond3A_53 = arith.cmpi ne, %convert_element_type3A_51, %cond3A_52 : i32
    scf.if %cond3A_53 {
      %get3A_54 = arith.constant 0 : index
      %get3A_55 = arith.constant 0 : index
      %get3A_56 = vector.load %arg3[%get3A_54, %get3A_55] : memref<4x256xf32, #tpu.memory_space<vmem>>, vector<4x256xf32>
      %max3A = arith.maximumf %get3A_56, %concatenate3A : vector<4x256xf32>
      %swap3A = arith.constant 0 : index
      %swap3A_57 = arith.constant 0 : index
      %swap3A_58 = vector.load %arg3[%swap3A, %swap3A_57] : memref<4x256xf32, #tpu.memory_space<vmem>>, vector<4x256xf32>
      tpu.vector_store %arg3[%swap3A, %swap3A_57], %max3A {strides = array<i32>} : memref<4x256xf32, #tpu.memory_space<vmem>>, vector<4x256xf32>,
    } else {
    }
    return
  }
  func.func @transform_0(%arg0: i32) -> (i32, i32) {
    %c0_i32 = arith.constant 0 : i32
    %c0_i32_0 = arith.constant 0 : i32
    return %arg0, %c0_i32 : i32, i32
  }
  func.func @transform_1(%arg0: i32) -> (i32, i32) {
    %c0_i32 = arith.constant 0 : i32
    %c0_i32_0 = arith.constant 0 : i32
    return %arg0, %c0_i32 : i32, i32
  }
  func.func @transform_2(%arg0: i32) -> (i32, i32) {
    %c0_i32 = arith.constant 0 : i32
    %c0_i32_0 = arith.constant 0 : i32
    %c0_i32_1 = arith.constant 0 : i32
    return %c0_i32, %c0_i32_0 : i32, i32
  }
}

module attributes {stable_mosaic.version = 14 : i64} {
  func.func @_gagg_body(%arg0: i32, %arg1: memref<1000x256xf32, #tpu.memory_space<vmem>>, %arg2: memref<1000x4xf32, #tpu.memory_space<vmem>>, %arg3: memref<4x1000x128xf32, #tpu.memory_space<vmem>>, %arg4: memref<4x256xf32, #tpu.memory_space<vmem>>, %arg5: memref<4x256x128xf32, #tpu.memory_space<vmem>>, %arg6: memref<4x256xf32, #tpu.memory_space<vmem>>) attributes {dimension_semantics = [#tpu.dimension_semantics<arbitrary>], iteration_bounds = array<i64: 10>, scalar_prefetch = 0 : i64, scratch_operands = 0 : i64, tpu.core_type = #tpu.core_type<tc>, window_params = [{transform_indices = @transform_0, window_bounds = array<i64: 1000, 256>}, {transform_indices = @transform_1, window_bounds = array<i64: 1000, 4>}, {transform_indices = @transform_2, window_bounds = array<i64: 4, 1000, 128>}, {pipeline_mode = #tpu.pipeline_mode<synchronous>, transform_indices = @transform_3, window_bounds = array<i64: 4, 256>}, {pipeline_mode = #tpu.pipeline_mode<synchronous>, transform_indices = @transform_4, window_bounds = array<i64: 4, 256, 128>}, {pipeline_mode = #tpu.pipeline_mode<synchronous>, transform_indices = @transform_5, window_bounds = array<i64: 4, 256>}]} {
    %get3A = arith.constant 0 : index
    %get3A_0 = arith.constant 0 : index
    %get3A_1 = vector.load %arg1[%get3A, %get3A_0] : memref<1000x256xf32, #tpu.memory_space<vmem>>, vector<1000x256xf32>
    %get3A_2 = arith.constant 0 : index
    %get3A_3 = arith.constant 0 : index
    %get3A_4 = vector.load %arg2[%get3A_2, %get3A_3] : memref<1000x4xf32, #tpu.memory_space<vmem>>, vector<1000x4xf32>
    %get3A_5 = arith.constant 0 : index
    %get3A_6 = arith.constant 0 : index
    %get3A_7 = vector.load %arg4[%get3A_5, %get3A_6] : memref<4x256xf32, #tpu.memory_space<vmem>>, vector<4x256xf32>
    %gt3A = arith.constant 5.000000e-01 : f32
    %gt3A_8 = vector.broadcast %gt3A : f32 to vector<1000x256xf32>
    %gt3A_9 = arith.cmpf ogt, %get3A_1, %gt3A_8 : vector<1000x256xf32>
    %slice3A = vector.extract_strided_slice %get3A_4 {offsets = [0, 0], sizes = [1000, 1], strides = [1, 1]} : vector<1000x4xf32> to vector<1000x1xf32>
    %slice3A_10 = vector.extract_strided_slice %get3A_7 {offsets = [0, 0], sizes = [1, 256], strides = [1, 1]} : vector<4x256xf32> to vector<1x256xf32>
    %squeeze3A = vector.shape_cast %slice3A_10 : vector<1x256xf32> to vector<256xf32>
    %broadcast_in_dim3A = vector.shape_cast %squeeze3A : vector<256xf32> to vector<1x256xf32>
    %sub3A = vector.broadcast %slice3A : vector<1000x1xf32> to vector<1000x256xf32>
    %sub3A_11 = vector.broadcast %broadcast_in_dim3A : vector<1x256xf32> to vector<1000x256xf32>
    %sub3A_12 = arith.subf %sub3A, %sub3A_11 : vector<1000x256xf32>
    %exp3A = math.exp %sub3A_12 : vector<1000x256xf32>
    %jit3A = arith.constant 0.000000e+00 : f32
    %broadcast_in_dim3A_13 = vector.broadcast %jit3A : f32 to vector<1000x256xf32>
    %select_n3A = arith.select %gt3A_9, %exp3A, %broadcast_in_dim3A_13 : vector<1000x256xi1>, vector<1000x256xf32>
    %reduce_sum3A = arith.constant dense<0.000000e+00> : vector<256xf32>
    %reduce_sum3A_14 = vector.multi_reduction <add>, %select_n3A, %reduce_sum3A [0] : vector<1000x256xf32> to vector<256xf32>
    %broadcast_in_dim3A_15 = vector.shape_cast %reduce_sum3A_14 : vector<256xf32> to vector<1x256xf32>
    %get3A_16 = arith.constant 0 : index
    %get3A_17 = arith.constant 0 : index
    %get3A_18 = arith.constant 0 : index
    %get3A_19 = vector.load %arg3[%get3A_16, %get3A_17, %get3A_18] : memref<4x1000x128xf32, #tpu.memory_space<vmem>>, vector<1x1000x128xf32>
    %get3A_20 = vector.shape_cast %get3A_19 : vector<1x1000x128xf32> to vector<1000x128xf32>
    %dot_general3A = arith.constant dense<0.000000e+00> : vector<256x128xf32>
    %dot_general3A_21 = tpu.matmul %select_n3A, %get3A_20, %dot_general3A {dimension_numbers = #tpu.dot_dimension_numbers<[0], [0], [1], [1], [0, 1, 1, 1], [], []>, transpose_lhs_hint = false} : vector<1000x256xf32>, vector<1000x128xf32>, vector<256x128xf32> -> vector<256x128xf32>
    %broadcast_in_dim3A_22 = vector.shape_cast %dot_general3A_21 : vector<256x128xf32> to vector<1x256x128xf32>
    %gt3A_23 = arith.constant 5.000000e-01 : f32
    %gt3A_24 = vector.broadcast %gt3A_23 : f32 to vector<1000x256xf32>
    %gt3A_25 = arith.cmpf ogt, %get3A_1, %gt3A_24 : vector<1000x256xf32>
    %slice3A_26 = vector.extract_strided_slice %get3A_4 {offsets = [0, 1], sizes = [1000, 1], strides = [1, 1]} : vector<1000x4xf32> to vector<1000x1xf32>
    %slice3A_27 = vector.extract_strided_slice %get3A_7 {offsets = [1, 0], sizes = [1, 256], strides = [1, 1]} : vector<4x256xf32> to vector<1x256xf32>
    %squeeze3A_28 = vector.shape_cast %slice3A_27 : vector<1x256xf32> to vector<256xf32>
    %broadcast_in_dim3A_29 = vector.shape_cast %squeeze3A_28 : vector<256xf32> to vector<1x256xf32>
    %sub3A_30 = vector.broadcast %slice3A_26 : vector<1000x1xf32> to vector<1000x256xf32>
    %sub3A_31 = vector.broadcast %broadcast_in_dim3A_29 : vector<1x256xf32> to vector<1000x256xf32>
    %sub3A_32 = arith.subf %sub3A_30, %sub3A_31 : vector<1000x256xf32>
    %exp3A_33 = math.exp %sub3A_32 : vector<1000x256xf32>
    %jit3A_34 = arith.constant 0.000000e+00 : f32
    %broadcast_in_dim3A_35 = vector.broadcast %jit3A_34 : f32 to vector<1000x256xf32>
    %select_n3A_36 = arith.select %gt3A_25, %exp3A_33, %broadcast_in_dim3A_35 : vector<1000x256xi1>, vector<1000x256xf32>
    %reduce_sum3A_37 = arith.constant dense<0.000000e+00> : vector<256xf32>
    %reduce_sum3A_38 = vector.multi_reduction <add>, %select_n3A_36, %reduce_sum3A_37 [0] : vector<1000x256xf32> to vector<256xf32>
    %broadcast_in_dim3A_39 = vector.shape_cast %reduce_sum3A_38 : vector<256xf32> to vector<1x256xf32>
    %get3A_40 = arith.constant 1 : index
    %get3A_41 = arith.constant 0 : index
    %get3A_42 = arith.constant 0 : index
    %get3A_43 = vector.load %arg3[%get3A_40, %get3A_41, %get3A_42] : memref<4x1000x128xf32, #tpu.memory_space<vmem>>, vector<1x1000x128xf32>
    %get3A_44 = vector.shape_cast %get3A_43 : vector<1x1000x128xf32> to vector<1000x128xf32>
    %dot_general3A_45 = arith.constant dense<0.000000e+00> : vector<256x128xf32>
    %dot_general3A_46 = tpu.matmul %select_n3A_36, %get3A_44, %dot_general3A_45 {dimension_numbers = #tpu.dot_dimension_numbers<[0], [0], [1], [1], [0, 1, 1, 1], [], []>, transpose_lhs_hint = false} : vector<1000x256xf32>, vector<1000x128xf32>, vector<256x128xf32> -> vector<256x128xf32>
    %broadcast_in_dim3A_47 = vector.shape_cast %dot_general3A_46 : vector<256x128xf32> to vector<1x256x128xf32>
    %gt3A_48 = arith.constant 5.000000e-01 : f32
    %gt3A_49 = vector.broadcast %gt3A_48 : f32 to vector<1000x256xf32>
    %gt3A_50 = arith.cmpf ogt, %get3A_1, %gt3A_49 : vector<1000x256xf32>
    %slice3A_51 = vector.extract_strided_slice %get3A_4 {offsets = [0, 2], sizes = [1000, 1], strides = [1, 1]} : vector<1000x4xf32> to vector<1000x1xf32>
    %slice3A_52 = vector.extract_strided_slice %get3A_7 {offsets = [2, 0], sizes = [1, 256], strides = [1, 1]} : vector<4x256xf32> to vector<1x256xf32>
    %squeeze3A_53 = vector.shape_cast %slice3A_52 : vector<1x256xf32> to vector<256xf32>
    %broadcast_in_dim3A_54 = vector.shape_cast %squeeze3A_53 : vector<256xf32> to vector<1x256xf32>
    %sub3A_55 = vector.broadcast %slice3A_51 : vector<1000x1xf32> to vector<1000x256xf32>
    %sub3A_56 = vector.broadcast %broadcast_in_dim3A_54 : vector<1x256xf32> to vector<1000x256xf32>
    %sub3A_57 = arith.subf %sub3A_55, %sub3A_56 : vector<1000x256xf32>
    %exp3A_58 = math.exp %sub3A_57 : vector<1000x256xf32>
    %jit3A_59 = arith.constant 0.000000e+00 : f32
    %broadcast_in_dim3A_60 = vector.broadcast %jit3A_59 : f32 to vector<1000x256xf32>
    %select_n3A_61 = arith.select %gt3A_50, %exp3A_58, %broadcast_in_dim3A_60 : vector<1000x256xi1>, vector<1000x256xf32>
    %reduce_sum3A_62 = arith.constant dense<0.000000e+00> : vector<256xf32>
    %reduce_sum3A_63 = vector.multi_reduction <add>, %select_n3A_61, %reduce_sum3A_62 [0] : vector<1000x256xf32> to vector<256xf32>
    %broadcast_in_dim3A_64 = vector.shape_cast %reduce_sum3A_63 : vector<256xf32> to vector<1x256xf32>
    %get3A_65 = arith.constant 2 : index
    %get3A_66 = arith.constant 0 : index
    %get3A_67 = arith.constant 0 : index
    %get3A_68 = vector.load %arg3[%get3A_65, %get3A_66, %get3A_67] : memref<4x1000x128xf32, #tpu.memory_space<vmem>>, vector<1x1000x128xf32>
    %get3A_69 = vector.shape_cast %get3A_68 : vector<1x1000x128xf32> to vector<1000x128xf32>
    %dot_general3A_70 = arith.constant dense<0.000000e+00> : vector<256x128xf32>
    %dot_general3A_71 = tpu.matmul %select_n3A_61, %get3A_69, %dot_general3A_70 {dimension_numbers = #tpu.dot_dimension_numbers<[0], [0], [1], [1], [0, 1, 1, 1], [], []>, transpose_lhs_hint = false} : vector<1000x256xf32>, vector<1000x128xf32>, vector<256x128xf32> -> vector<256x128xf32>
    %broadcast_in_dim3A_72 = vector.shape_cast %dot_general3A_71 : vector<256x128xf32> to vector<1x256x128xf32>
    %gt3A_73 = arith.constant 5.000000e-01 : f32
    %gt3A_74 = vector.broadcast %gt3A_73 : f32 to vector<1000x256xf32>
    %gt3A_75 = arith.cmpf ogt, %get3A_1, %gt3A_74 : vector<1000x256xf32>
    %slice3A_76 = vector.extract_strided_slice %get3A_4 {offsets = [0, 3], sizes = [1000, 1], strides = [1, 1]} : vector<1000x4xf32> to vector<1000x1xf32>
    %slice3A_77 = vector.extract_strided_slice %get3A_7 {offsets = [3, 0], sizes = [1, 256], strides = [1, 1]} : vector<4x256xf32> to vector<1x256xf32>
    %squeeze3A_78 = vector.shape_cast %slice3A_77 : vector<1x256xf32> to vector<256xf32>
    %broadcast_in_dim3A_79 = vector.shape_cast %squeeze3A_78 : vector<256xf32> to vector<1x256xf32>
    %sub3A_80 = vector.broadcast %slice3A_76 : vector<1000x1xf32> to vector<1000x256xf32>
    %sub3A_81 = vector.broadcast %broadcast_in_dim3A_79 : vector<1x256xf32> to vector<1000x256xf32>
    %sub3A_82 = arith.subf %sub3A_80, %sub3A_81 : vector<1000x256xf32>
    %exp3A_83 = math.exp %sub3A_82 : vector<1000x256xf32>
    %jit3A_84 = arith.constant 0.000000e+00 : f32
    %broadcast_in_dim3A_85 = vector.broadcast %jit3A_84 : f32 to vector<1000x256xf32>
    %select_n3A_86 = arith.select %gt3A_75, %exp3A_83, %broadcast_in_dim3A_85 : vector<1000x256xi1>, vector<1000x256xf32>
    %reduce_sum3A_87 = arith.constant dense<0.000000e+00> : vector<256xf32>
    %reduce_sum3A_88 = vector.multi_reduction <add>, %select_n3A_86, %reduce_sum3A_87 [0] : vector<1000x256xf32> to vector<256xf32>
    %broadcast_in_dim3A_89 = vector.shape_cast %reduce_sum3A_88 : vector<256xf32> to vector<1x256xf32>
    %get3A_90 = arith.constant 3 : index
    %get3A_91 = arith.constant 0 : index
    %get3A_92 = arith.constant 0 : index
    %get3A_93 = vector.load %arg3[%get3A_90, %get3A_91, %get3A_92] : memref<4x1000x128xf32, #tpu.memory_space<vmem>>, vector<1x1000x128xf32>
    %get3A_94 = vector.shape_cast %get3A_93 : vector<1x1000x128xf32> to vector<1000x128xf32>
    %dot_general3A_95 = arith.constant dense<0.000000e+00> : vector<256x128xf32>
    %dot_general3A_96 = tpu.matmul %select_n3A_86, %get3A_94, %dot_general3A_95 {dimension_numbers = #tpu.dot_dimension_numbers<[0], [0], [1], [1], [0, 1, 1, 1], [], []>, transpose_lhs_hint = false} : vector<1000x256xf32>, vector<1000x128xf32>, vector<256x128xf32> -> vector<256x128xf32>
    %broadcast_in_dim3A_97 = vector.shape_cast %dot_general3A_96 : vector<256x128xf32> to vector<1x256x128xf32>
    %concatenate3A = tpu.concatenate %broadcast_in_dim3A_22, %broadcast_in_dim3A_47, %broadcast_in_dim3A_72, %broadcast_in_dim3A_97 in 0 : vector<1x256x128xf32>, vector<1x256x128xf32>, vector<1x256x128xf32>, vector<1x256x128xf32> -> vector<4x256x128xf32>
    %concatenate3A_98 = tpu.concatenate %broadcast_in_dim3A_15, %broadcast_in_dim3A_39, %broadcast_in_dim3A_64, %broadcast_in_dim3A_89 in 0 : vector<1x256xf32>, vector<1x256xf32>, vector<1x256xf32>, vector<1x256xf32> -> vector<4x256xf32>
    %eq3A = arith.constant 0 : i32
    %eq3A_99 = arith.cmpi eq, %arg0, %eq3A : i32
    %convert_element_type3A = arith.extui %eq3A_99 : i1 to i32
    %cond3A = arith.constant 0 : i32
    %cond3A_100 = arith.cmpi ne, %convert_element_type3A, %cond3A : i32
    scf.if %cond3A_100 {
      %swap3A = arith.constant 0 : index
      %swap3A_106 = arith.constant 0 : index
      %swap3A_107 = arith.constant 0 : index
      %swap3A_108 = vector.load %arg5[%swap3A, %swap3A_106, %swap3A_107] : memref<4x256x128xf32, #tpu.memory_space<vmem>>, vector<4x256x128xf32>
      tpu.vector_store %arg5[%swap3A, %swap3A_106, %swap3A_107], %concatenate3A {strides = array<i32>} : memref<4x256x128xf32, #tpu.memory_space<vmem>>, vector<4x256x128xf32>,
      %swap3A_109 = arith.constant 0 : index
      %swap3A_110 = arith.constant 0 : index
      %swap3A_111 = vector.load %arg6[%swap3A_109, %swap3A_110] : memref<4x256xf32, #tpu.memory_space<vmem>>, vector<4x256xf32>
      tpu.vector_store %arg6[%swap3A_109, %swap3A_110], %concatenate3A_98 {strides = array<i32>} : memref<4x256xf32, #tpu.memory_space<vmem>>, vector<4x256xf32>,
    } else {
    }
    %gt3A_101 = arith.constant 0 : i32
    %gt3A_102 = arith.cmpi sgt, %arg0, %gt3A_101 : i32
    %convert_element_type3A_103 = arith.extui %gt3A_102 : i1 to i32
    %cond3A_104 = arith.constant 0 : i32
    %cond3A_105 = arith.cmpi ne, %convert_element_type3A_103, %cond3A_104 : i32
    scf.if %cond3A_105 {
      %get3A_106 = arith.constant 0 : index
      %get3A_107 = arith.constant 0 : index
      %get3A_108 = arith.constant 0 : index
      %get3A_109 = vector.load %arg5[%get3A_106, %get3A_107, %get3A_108] : memref<4x256x128xf32, #tpu.memory_space<vmem>>, vector<4x256x128xf32>
      %add3A = arith.addf %get3A_109, %concatenate3A : vector<4x256x128xf32>
      %swap3A = arith.constant 0 : index
      %swap3A_110 = arith.constant 0 : index
      %swap3A_111 = arith.constant 0 : index
      %swap3A_112 = vector.load %arg5[%swap3A, %swap3A_110, %swap3A_111] : memref<4x256x128xf32, #tpu.memory_space<vmem>>, vector<4x256x128xf32>
      tpu.vector_store %arg5[%swap3A, %swap3A_110, %swap3A_111], %add3A {strides = array<i32>} : memref<4x256x128xf32, #tpu.memory_space<vmem>>, vector<4x256x128xf32>,
      %get3A_113 = arith.constant 0 : index
      %get3A_114 = arith.constant 0 : index
      %get3A_115 = vector.load %arg6[%get3A_113, %get3A_114] : memref<4x256xf32, #tpu.memory_space<vmem>>, vector<4x256xf32>
      %add3A_116 = arith.addf %get3A_115, %concatenate3A_98 : vector<4x256xf32>
      %swap3A_117 = arith.constant 0 : index
      %swap3A_118 = arith.constant 0 : index
      %swap3A_119 = vector.load %arg6[%swap3A_117, %swap3A_118] : memref<4x256xf32, #tpu.memory_space<vmem>>, vector<4x256xf32>
      tpu.vector_store %arg6[%swap3A_117, %swap3A_118], %add3A_116 {strides = array<i32>} : memref<4x256xf32, #tpu.memory_space<vmem>>, vector<4x256xf32>,
    } else {
    }
    return
  }
  func.func @transform_0(%arg0: i32) -> (i32, i32) {
    %c0_i32 = arith.constant 0 : i32
    %c0_i32_0 = arith.constant 0 : i32
    return %arg0, %c0_i32 : i32, i32
  }
  func.func @transform_1(%arg0: i32) -> (i32, i32) {
    %c0_i32 = arith.constant 0 : i32
    %c0_i32_0 = arith.constant 0 : i32
    return %arg0, %c0_i32 : i32, i32
  }
  func.func @transform_2(%arg0: i32) -> (i32, i32, i32) {
    %c0_i32 = arith.constant 0 : i32
    %c0_i32_0 = arith.constant 0 : i32
    %c0_i32_1 = arith.constant 0 : i32
    return %c0_i32, %arg0, %c0_i32_0 : i32, i32, i32
  }
  func.func @transform_3(%arg0: i32) -> (i32, i32) {
    %c0_i32 = arith.constant 0 : i32
    %c0_i32_0 = arith.constant 0 : i32
    %c0_i32_1 = arith.constant 0 : i32
    return %c0_i32, %c0_i32_0 : i32, i32
  }
  func.func @transform_4(%arg0: i32) -> (i32, i32, i32) {
    %c0_i32 = arith.constant 0 : i32
    %c0_i32_0 = arith.constant 0 : i32
    %c0_i32_1 = arith.constant 0 : i32
    %c0_i32_2 = arith.constant 0 : i32
    return %c0_i32, %c0_i32_0, %c0_i32_1 : i32, i32, i32
  }
  func.func @transform_5(%arg0: i32) -> (i32, i32) {
    %c0_i32 = arith.constant 0 : i32
    %c0_i32_0 = arith.constant 0 : i32
    %c0_i32_1 = arith.constant 0 : i32
    return %c0_i32, %c0_i32_0 : i32, i32
  }
}

module attributes {stable_mosaic.version = 14 : i64} {
  func.func @_gfin_body(%arg0: i32, %arg1: memref<4x256x128xf32, #tpu.memory_space<vmem>>, %arg2: memref<4x256xf32, #tpu.memory_space<vmem>>, %arg3: memref<256x128xf32, #tpu.memory_space<vmem>>, %arg4: memref<4x256xf32, #tpu.memory_space<vmem>>, %arg5: memref<256x128xf32, #tpu.memory_space<vmem>>) attributes {dimension_semantics = [#tpu.dimension_semantics<arbitrary>], iteration_bounds = array<i64: 1>, scalar_prefetch = 0 : i64, scratch_operands = 0 : i64, tpu.core_type = #tpu.core_type<tc>, window_params = [{pipeline_mode = #tpu.pipeline_mode<synchronous>, transform_indices = @transform_0, window_bounds = array<i64: 4, 256, 128>}, {pipeline_mode = #tpu.pipeline_mode<synchronous>, transform_indices = @transform_1, window_bounds = array<i64: 4, 256>}, {pipeline_mode = #tpu.pipeline_mode<synchronous>, transform_indices = @transform_2, window_bounds = array<i64: 256, 128>}, {pipeline_mode = #tpu.pipeline_mode<synchronous>, transform_indices = @transform_3, window_bounds = array<i64: 4, 256>}, {pipeline_mode = #tpu.pipeline_mode<synchronous>, transform_indices = @transform_4, window_bounds = array<i64: 256, 128>}]} {
    %get3A = arith.constant 0 : index
    %get3A_0 = arith.constant 0 : index
    %get3A_1 = arith.constant 0 : index
    %get3A_2 = vector.load %arg1[%get3A, %get3A_0, %get3A_1] : memref<4x256x128xf32, #tpu.memory_space<vmem>>, vector<4x256x128xf32>
    %get3A_3 = arith.constant 0 : index
    %get3A_4 = arith.constant 0 : index
    %get3A_5 = vector.load %arg2[%get3A_3, %get3A_4] : memref<4x256xf32, #tpu.memory_space<vmem>>, vector<4x256xf32>
    %broadcast_in_dim3A = vector.shape_cast %get3A_5 : vector<4x256xf32> to vector<4x256x1xf32>
    %div3A = vector.broadcast %broadcast_in_dim3A : vector<4x256x1xf32> to vector<4x256x128xf32>
    %div3A_6 = arith.divf %get3A_2, %div3A : vector<4x256x128xf32>
    %get3A_7 = arith.constant 0 : index
    %get3A_8 = arith.constant 0 : index
    %get3A_9 = vector.load %arg3[%get3A_7, %get3A_8] : memref<256x128xf32, #tpu.memory_space<vmem>>, vector<256x128xf32>
    %broadcast_in_dim3A_10 = vector.shape_cast %get3A_9 : vector<256x128xf32> to vector<1x256x128xf32>
    %mul3A = vector.broadcast %broadcast_in_dim3A_10 : vector<1x256x128xf32> to vector<4x256x128xf32>
    %mul3A_11 = arith.mulf %div3A_6, %mul3A : vector<4x256x128xf32>
    %reduce_sum3A = arith.constant dense<0.000000e+00> : vector<4x256xf32>
    %reduce_sum3A_12 = vector.multi_reduction <add>, %mul3A_11, %reduce_sum3A [2] : vector<4x256x128xf32> to vector<4x256xf32>
    %get3A_13 = arith.constant 0 : index
    %get3A_14 = arith.constant 0 : index
    %get3A_15 = vector.load %arg4[%get3A_13, %get3A_14] : memref<4x256xf32, #tpu.memory_space<vmem>>, vector<4x256xf32>
    %add3A = arith.addf %reduce_sum3A_12, %get3A_15 : vector<4x256xf32>
    %div3A_16 = arith.constant 1.000000e+00 : f32
    %div3A_17 = vector.broadcast %div3A_16 : f32 to vector<4x256xf32>
    %div3A_18 = arith.divf %add3A, %div3A_17 : vector<4x256xf32>
    %reduce_max3A = arith.constant dense<0xFF800000> : vector<256xf32>
    %reduce_max3A_19 = vector.multi_reduction <maximumf>, %div3A_18, %reduce_max3A [0] : vector<4x256xf32> to vector<256xf32>
    %broadcast_in_dim3A_20 = vector.shape_cast %reduce_max3A_19 : vector<256xf32> to vector<1x256xf32>
    %sub3A = vector.broadcast %broadcast_in_dim3A_20 : vector<1x256xf32> to vector<4x256xf32>
    %sub3A_21 = arith.subf %div3A_18, %sub3A : vector<4x256xf32>
    %exp3A = math.exp %sub3A_21 : vector<4x256xf32>
    %reduce_sum3A_22 = arith.constant dense<0.000000e+00> : vector<256xf32>
    %reduce_sum3A_23 = vector.multi_reduction <add>, %exp3A, %reduce_sum3A_22 [0] : vector<4x256xf32> to vector<256xf32>
    %broadcast_in_dim3A_24 = vector.shape_cast %reduce_sum3A_23 : vector<256xf32> to vector<1x256xf32>
    %div3A_25 = vector.broadcast %broadcast_in_dim3A_24 : vector<1x256xf32> to vector<4x256xf32>
    %div3A_26 = arith.divf %exp3A, %div3A_25 : vector<4x256xf32>
    %broadcast_in_dim3A_27 = vector.shape_cast %div3A_26 : vector<4x256xf32> to vector<4x256x1xf32>
    %mul3A_28 = vector.broadcast %broadcast_in_dim3A_27 : vector<4x256x1xf32> to vector<4x256x128xf32>
    %mul3A_29 = arith.mulf %div3A_6, %mul3A_28 : vector<4x256x128xf32>
    %reduce_sum3A_30 = arith.constant dense<0.000000e+00> : vector<256x128xf32>
    %reduce_sum3A_31 = vector.multi_reduction <add>, %mul3A_29, %reduce_sum3A_30 [0] : vector<4x256x128xf32> to vector<256x128xf32>
    %add3A_32 = arith.addf %get3A_9, %reduce_sum3A_31 : vector<256x128xf32>
    %mul3A_33 = arith.constant 5.000000e-01 : f32
    %mul3A_34 = vector.broadcast %mul3A_33 : f32 to vector<256x128xf32>
    %mul3A_35 = arith.mulf %add3A_32, %mul3A_34 : vector<256x128xf32>
    %swap3A = arith.constant 0 : index
    %swap3A_36 = arith.constant 0 : index
    %swap3A_37 = vector.load %arg5[%swap3A, %swap3A_36] : memref<256x128xf32, #tpu.memory_space<vmem>>, vector<256x128xf32>
    tpu.vector_store %arg5[%swap3A, %swap3A_36], %mul3A_35 {strides = array<i32>} : memref<256x128xf32, #tpu.memory_space<vmem>>, vector<256x128xf32>,
    return
  }
  func.func @transform_0(%arg0: i32) -> (i32, i32, i32) {
    %c0_i32 = arith.constant 0 : i32
    %c0_i32_0 = arith.constant 0 : i32
    %c0_i32_1 = arith.constant 0 : i32
    %c0_i32_2 = arith.constant 0 : i32
    return %c0_i32, %c0_i32_0, %c0_i32_1 : i32, i32, i32
  }
  func.func @transform_1(%arg0: i32) -> (i32, i32) {
    %c0_i32 = arith.constant 0 : i32
    %c0_i32_0 = arith.constant 0 : i32
    %c0_i32_1 = arith.constant 0 : i32
    return %c0_i32, %c0_i32_0 : i32, i32
  }
  func.func @transform_2(%arg0: i32) -> (i32, i32) {
    %c0_i32 = arith.constant 0 : i32
    %c0_i32_0 = arith.constant 0 : i32
    %c0_i32_1 = arith.constant 0 : i32
    return %c0_i32, %c0_i32_0 : i32, i32
  }
  func.func @transform_3(%arg0: i32) -> (i32, i32) {
    %c0_i32 = arith.constant 0 : i32
    %c0_i32_0 = arith.constant 0 : i32
    %c0_i32_1 = arith.constant 0 : i32
    return %c0_i32, %c0_i32_0 : i32, i32
  }
  func.func @transform_4(%arg0: i32) -> (i32, i32) {
    %c0_i32 = arith.constant 0 : i32
    %c0_i32_0 = arith.constant 0 : i32
    %c0_i32_1 = arith.constant 0 : i32
    return %c0_i32, %c0_i32_0 : i32, i32
  }
}

module attributes {stable_mosaic.version = 14 : i64} {
  func.func @_g2u_body(%arg0: i32, %arg1: memref<1000x256xf32, #tpu.memory_space<vmem>>, %arg2: memref<256x128xf32, #tpu.memory_space<vmem>>, %arg3: memref<1000x128xf32, #tpu.memory_space<vmem>>, %arg4: memref<1000x128xf32, #tpu.memory_space<vmem>>) attributes {dimension_semantics = [#tpu.dimension_semantics<arbitrary>], iteration_bounds = array<i64: 10>, scalar_prefetch = 0 : i64, scratch_operands = 0 : i64, tpu.core_type = #tpu.core_type<tc>, window_params = [{transform_indices = @transform_0, window_bounds = array<i64: 1000, 256>}, {pipeline_mode = #tpu.pipeline_mode<synchronous>, transform_indices = @transform_1, window_bounds = array<i64: 256, 128>}, {transform_indices = @transform_2, window_bounds = array<i64: 1000, 128>}, {transform_indices = @transform_3, window_bounds = array<i64: 1000, 128>}]} {
    %get3A = arith.constant 0 : index
    %get3A_0 = arith.constant 0 : index
    %get3A_1 = vector.load %arg1[%get3A, %get3A_0] : memref<1000x256xf32, #tpu.memory_space<vmem>>, vector<1000x256xf32>
    %reduce_sum3A = arith.constant dense<0.000000e+00> : vector<1000xf32>
    %reduce_sum3A_2 = vector.multi_reduction <add>, %get3A_1, %reduce_sum3A [1] : vector<1000x256xf32> to vector<1000xf32>
    %broadcast_in_dim3A = vector.shape_cast %reduce_sum3A_2 : vector<1000xf32> to vector<1000x1xf32>
    %get3A_3 = arith.constant 0 : index
    %get3A_4 = arith.constant 0 : index
    %get3A_5 = vector.load %arg2[%get3A_3, %get3A_4] : memref<256x128xf32, #tpu.memory_space<vmem>>, vector<256x128xf32>
    %dot_general3A = arith.constant dense<0.000000e+00> : vector<1000x128xf32>
    %dot_general3A_6 = tpu.matmul %get3A_1, %get3A_5, %dot_general3A {dimension_numbers = #tpu.dot_dimension_numbers<[1], [0], [0], [1], [0, 0, 1, 1], [], []>, transpose_lhs_hint = false} : vector<1000x256xf32>, vector<256x128xf32>, vector<1000x128xf32> -> vector<1000x128xf32>
    %get3A_7 = arith.constant 0 : index
    %get3A_8 = arith.constant 0 : index
    %get3A_9 = vector.load %arg3[%get3A_7, %get3A_8] : memref<1000x128xf32, #tpu.memory_space<vmem>>, vector<1000x128xf32>
    %div3A = vector.broadcast %broadcast_in_dim3A : vector<1000x1xf32> to vector<1000x128xf32>
    %div3A_10 = arith.divf %dot_general3A_6, %div3A : vector<1000x128xf32>
    %add3A = arith.addf %get3A_9, %div3A_10 : vector<1000x128xf32>
    %mul3A = arith.constant 5.000000e-01 : f32
    %mul3A_11 = vector.broadcast %mul3A : f32 to vector<1000x128xf32>
    %mul3A_12 = arith.mulf %add3A, %mul3A_11 : vector<1000x128xf32>
    %swap3A = arith.constant 0 : index
    %swap3A_13 = arith.constant 0 : index
    %swap3A_14 = vector.load %arg4[%swap3A, %swap3A_13] : memref<1000x128xf32, #tpu.memory_space<vmem>>, vector<1000x128xf32>
    tpu.vector_store %arg4[%swap3A, %swap3A_13], %mul3A_12 {strides = array<i32>} : memref<1000x128xf32, #tpu.memory_space<vmem>>, vector<1000x128xf32>,
    return
  }
  func.func @transform_0(%arg0: i32) -> (i32, i32) {
    %c0_i32 = arith.constant 0 : i32
    %c0_i32_0 = arith.constant 0 : i32
    return %arg0, %c0_i32 : i32, i32
  }
  func.func @transform_1(%arg0: i32) -> (i32, i32) {
    %c0_i32 = arith.constant 0 : i32
    %c0_i32_0 = arith.constant 0 : i32
    %c0_i32_1 = arith.constant 0 : i32
    return %c0_i32, %c0_i32_0 : i32, i32
  }
  func.func @transform_2(%arg0: i32) -> (i32, i32) {
    %c0_i32 = arith.constant 0 : i32
    %c0_i32_0 = arith.constant 0 : i32
    return %arg0, %c0_i32 : i32, i32
  }
  func.func @transform_3(%arg0: i32) -> (i32, i32) {
    %c0_i32 = arith.constant 0 : i32
    %c0_i32_0 = arith.constant 0 : i32
    return %arg0, %c0_i32 : i32, i32
  }
}

module attributes {stable_mosaic.version = 14 : i64} {
  func.func @_comb2_body(%arg0: i32, %arg1: memref<2x1000x128xf32, #tpu.memory_space<vmem>>, %arg2: memref<2x1000x128xf32, #tpu.memory_space<vmem>>, %arg3: memref<1000x1xf32, #tpu.memory_space<vmem>>, %arg4: memref<1000x1xf32, #tpu.memory_space<vmem>>, %arg5: memref<1000x128xf32, #tpu.memory_space<vmem>>, %arg6: memref<1000x128xf32, #tpu.memory_space<vmem>>, %arg7: memref<1000x128xf32, #tpu.memory_space<vmem>>, %arg8: memref<1000x128xf32, #tpu.memory_space<vmem>>, %arg9: memref<1000x128xf32, #tpu.memory_space<vmem>>, %arg10: memref<1000x128xf32, #tpu.memory_space<vmem>>) attributes {dimension_semantics = [#tpu.dimension_semantics<arbitrary>], iteration_bounds = array<i64: 10>, scalar_prefetch = 0 : i64, scratch_operands = 0 : i64, tpu.core_type = #tpu.core_type<tc>, window_params = [{transform_indices = @transform_0, window_bounds = array<i64: 2, 1000, 128>}, {transform_indices = @transform_1, window_bounds = array<i64: 2, 1000, 128>}, {transform_indices = @transform_2, window_bounds = array<i64: 1000, 1>}, {transform_indices = @transform_3, window_bounds = array<i64: 1000, 1>}, {transform_indices = @transform_4, window_bounds = array<i64: 1000, 128>}, {transform_indices = @transform_5, window_bounds = array<i64: 1000, 128>}, {transform_indices = @transform_6, window_bounds = array<i64: 1000, 128>}, {transform_indices = @transform_7, window_bounds = array<i64: 1000, 128>}, {transform_indices = @transform_8, window_bounds = array<i64: 1000, 128>}, {transform_indices = @transform_9, window_bounds = array<i64: 1000, 128>}]} {
    %get3A = arith.constant 0 : index
    %get3A_0 = arith.constant 0 : index
    %get3A_1 = arith.constant 0 : index
    %get3A_2 = vector.load %arg1[%get3A, %get3A_0, %get3A_1] : memref<2x1000x128xf32, #tpu.memory_space<vmem>>, vector<1x1000x128xf32>
    %get3A_3 = vector.shape_cast %get3A_2 : vector<1x1000x128xf32> to vector<1000x128xf32>
    %get3A_4 = arith.constant 1 : index
    %get3A_5 = arith.constant 0 : index
    %get3A_6 = arith.constant 0 : index
    %get3A_7 = vector.load %arg1[%get3A_4, %get3A_5, %get3A_6] : memref<2x1000x128xf32, #tpu.memory_space<vmem>>, vector<1x1000x128xf32>
    %get3A_8 = vector.shape_cast %get3A_7 : vector<1x1000x128xf32> to vector<1000x128xf32>
    %add3A = arith.addf %get3A_3, %get3A_8 : vector<1000x128xf32>
    %get3A_9 = arith.constant 0 : index
    %get3A_10 = arith.constant 0 : index
    %get3A_11 = vector.load %arg3[%get3A_9, %get3A_10] : memref<1000x1xf32, #tpu.memory_space<vmem>>, vector<1000x1xf32>
    %mul3A = vector.broadcast %get3A_11 : vector<1000x1xf32> to vector<1000x128xf32>
    %mul3A_12 = arith.mulf %add3A, %mul3A : vector<1000x128xf32>
    %get3A_13 = arith.constant 0 : index
    %get3A_14 = arith.constant 0 : index
    %get3A_15 = arith.constant 0 : index
    %get3A_16 = vector.load %arg2[%get3A_13, %get3A_14, %get3A_15] : memref<2x1000x128xf32, #tpu.memory_space<vmem>>, vector<1x1000x128xf32>
    %get3A_17 = vector.shape_cast %get3A_16 : vector<1x1000x128xf32> to vector<1000x128xf32>
    %get3A_18 = arith.constant 1 : index
    %get3A_19 = arith.constant 0 : index
    %get3A_20 = arith.constant 0 : index
    %get3A_21 = vector.load %arg2[%get3A_18, %get3A_19, %get3A_20] : memref<2x1000x128xf32, #tpu.memory_space<vmem>>, vector<1x1000x128xf32>
    %get3A_22 = vector.shape_cast %get3A_21 : vector<1x1000x128xf32> to vector<1000x128xf32>
    %add3A_23 = arith.addf %get3A_17, %get3A_22 : vector<1000x128xf32>
    %get3A_24 = arith.constant 0 : index
    %get3A_25 = arith.constant 0 : index
    %get3A_26 = vector.load %arg4[%get3A_24, %get3A_25] : memref<1000x1xf32, #tpu.memory_space<vmem>>, vector<1000x1xf32>
    %mul3A_27 = vector.broadcast %get3A_26 : vector<1000x1xf32> to vector<1000x128xf32>
    %mul3A_28 = arith.mulf %add3A_23, %mul3A_27 : vector<1000x128xf32>
    %get3A_29 = arith.constant 0 : index
    %get3A_30 = arith.constant 0 : index
    %get3A_31 = vector.load %arg5[%get3A_29, %get3A_30] : memref<1000x128xf32, #tpu.memory_space<vmem>>, vector<1000x128xf32>
    %get3A_32 = arith.constant 0 : index
    %get3A_33 = arith.constant 0 : index
    %get3A_34 = vector.load %arg6[%get3A_32, %get3A_33] : memref<1000x128xf32, #tpu.memory_space<vmem>>, vector<1000x128xf32>
    %add3A_35 = arith.addf %get3A_31, %get3A_34 : vector<1000x128xf32>
    %add3A_36 = arith.addf %add3A_35, %mul3A_12 : vector<1000x128xf32>
    %div3A = arith.constant 3.000000e+00 : f32
    %div3A_37 = vector.broadcast %div3A : f32 to vector<1000x128xf32>
    %div3A_38 = arith.divf %add3A_36, %div3A_37 : vector<1000x128xf32>
    %swap3A = arith.constant 0 : index
    %swap3A_39 = arith.constant 0 : index
    %swap3A_40 = vector.load %arg9[%swap3A, %swap3A_39] : memref<1000x128xf32, #tpu.memory_space<vmem>>, vector<1000x128xf32>
    tpu.vector_store %arg9[%swap3A, %swap3A_39], %div3A_38 {strides = array<i32>} : memref<1000x128xf32, #tpu.memory_space<vmem>>, vector<1000x128xf32>,
    %get3A_41 = arith.constant 0 : index
    %get3A_42 = arith.constant 0 : index
    %get3A_43 = vector.load %arg7[%get3A_41, %get3A_42] : memref<1000x128xf32, #tpu.memory_space<vmem>>, vector<1000x128xf32>
    %get3A_44 = arith.constant 0 : index
    %get3A_45 = arith.constant 0 : index
    %get3A_46 = vector.load %arg8[%get3A_44, %get3A_45] : memref<1000x128xf32, #tpu.memory_space<vmem>>, vector<1000x128xf32>
    %add3A_47 = arith.addf %get3A_43, %get3A_46 : vector<1000x128xf32>
    %add3A_48 = arith.addf %add3A_47, %mul3A_28 : vector<1000x128xf32>
    %div3A_49 = arith.constant 3.000000e+00 : f32
    %div3A_50 = vector.broadcast %div3A_49 : f32 to vector<1000x128xf32>
    %div3A_51 = arith.divf %add3A_48, %div3A_50 : vector<1000x128xf32>
    %swap3A_52 = arith.constant 0 : index
    %swap3A_53 = arith.constant 0 : index
    %swap3A_54 = vector.load %arg10[%swap3A_52, %swap3A_53] : memref<1000x128xf32, #tpu.memory_space<vmem>>, vector<1000x128xf32>
    tpu.vector_store %arg10[%swap3A_52, %swap3A_53], %div3A_51 {strides = array<i32>} : memref<1000x128xf32, #tpu.memory_space<vmem>>, vector<1000x128xf32>,
    return
  }
  func.func @transform_0(%arg0: i32) -> (i32, i32, i32) {
    %c0_i32 = arith.constant 0 : i32
    %c0_i32_0 = arith.constant 0 : i32
    %c0_i32_1 = arith.constant 0 : i32
    return %c0_i32, %arg0, %c0_i32_0 : i32, i32, i32
  }
  func.func @transform_1(%arg0: i32) -> (i32, i32, i32) {
    %c0_i32 = arith.constant 0 : i32
    %c0_i32_0 = arith.constant 0 : i32
    %c0_i32_1 = arith.constant 0 : i32
    return %c0_i32, %arg0, %c0_i32_0 : i32, i32, i32
  }
  func.func @transform_2(%arg0: i32) -> (i32, i32) {
    %c0_i32 = arith.constant 0 : i32
    %c0_i32_0 = arith.constant 0 : i32
    return %arg0, %c0_i32 : i32, i32
  }
  func.func @transform_3(%arg0: i32) -> (i32, i32) {
    %c0_i32 = arith.constant 0 : i32
    %c0_i32_0 = arith.constant 0 : i32
    return %arg0, %c0_i32 : i32, i32
  }
  func.func @transform_4(%arg0: i32) -> (i32, i32) {
    %c0_i32 = arith.constant 0 : i32
    %c0_i32_0 = arith.constant 0 : i32
    return %arg0, %c0_i32 : i32, i32
  }
  func.func @transform_5(%arg0: i32) -> (i32, i32) {
    %c0_i32 = arith.constant 0 : i32
    %c0_i32_0 = arith.constant 0 : i32
    return %arg0, %c0_i32 : i32, i32
  }
  func.func @transform_6(%arg0: i32) -> (i32, i32) {
    %c0_i32 = arith.constant 0 : i32
    %c0_i32_0 = arith.constant 0 : i32
    return %arg0, %c0_i32 : i32, i32
  }
  func.func @transform_7(%arg0: i32) -> (i32, i32) {
    %c0_i32 = arith.constant 0 : i32
    %c0_i32_0 = arith.constant 0 : i32
    return %arg0, %c0_i32 : i32, i32
  }
  func.func @transform_8(%arg0: i32) -> (i32, i32) {
    %c0_i32 = arith.constant 0 : i32
    %c0_i32_0 = arith.constant 0 : i32
    return %arg0, %c0_i32 : i32, i32
  }
  func.func @transform_9(%arg0: i32) -> (i32, i32) {
    %c0_i32 = arith.constant 0 : i32
    %c0_i32_0 = arith.constant 0 : i32
    return %arg0, %c0_i32 : i32, i32
  }
}

</mosaic_0001>

<sc_bundles>
// kernel: kernel.15.cloned.1.call-start
scs
__scs_entry_jumppad:
0x0: {  	(pc) =	sbr.rel $0x88, $3  }
0x1: {  	(tag) =	ssettag $0x0;
	lr =	simm.s32 $0x1  }
0x2: {  	[smem:$0x3F99] =	sst lr;
	_ =	strace $0xD0000000  }
0x3: {  	_ = 	snop  }
0x4: {  	_ = 	snop  }
0x5: {  	_ = 	snop  }
0x6: {  	_ = 	snop  }
0x7: {  	_ = 	snop  }
__scs_overlays_trampoline_lowered:
0x8: {  	[smem:$0x3FA8] =	sst s0  }
0x9: {  	[smem:$0x3FA9] =	sst s1  }
0xa: {  	[smem:$0x3FAA] =	sst s2  }
0xb: {  	[smem:$0x3FAB] =	sst s3  }
0xc: {  	[smem:$0x3FAC] =	sst s4  }
0xd: {  	[smem:$0x3FAD] =	sst s5  }
0xe: {  	[smem:$0x3FAE] =	sst s6  }
0xf: {  	[smem:$0x3FAF] =	sst s7  }
0x10: {  	[smem:$0x3FB0] =	sst s8  }
0x11: {  	[smem:$0x3FB1] =	sst s9;
	s0 =	simm.s32 @!p0 $0x0  }
0x12: {  	s1 =	sld [smem:$0x3F97];
	s0 =	simm.s32 @p0 $0x1  }
0x13: {  	[smem:$0x3FB2] =	sst s0;
	s0 =	simm.s32 @!p1 $0x0  }
0x14: {  	s2 =	sld [smem:$0x3F96];
	s0 =	simm.s32 @p1 $0x1  }
0x15: {  	[smem:$0x3FB3] =	sst s0;
	s0 =	simm.s32 @!p2 $0x0  }
0x16: {  	s3 =	sld [smem:$0x3FDB];
	s0 =	simm.s32 @p2 $0x1  }
0x17: {  	s4 =	simm.s32 $0x1BF5;
	[smem:$0x3FB5] =	sst s0  }
0x18: {  	s0 =	sld [smem:$0x3F98];
	_ =	swait.ge [sflag:s4], $0x0  }
0x19: {  	s7 =	sld [smem:$0x3F99]  }
0x1a: {  	s8 =	sadd.s32 $0xFFFFE003, lr  }
0x1b: {  	s9 =	sadd.s32 $0xFFFFFEF7, lr;
	s5 =	simm.s32 $0xFFFFFFFF;
	p2 =	slt.u32 s8, $0xFFFFF086  }
0x1c: {  	p1 =	slt.u32 s9, $0xF7A;
	s5 =	simm.s32 @!p2 $0x0  }
0x1d: {  	s5 =	simm.s32 @p1 $0x1;
	p0 =	seq.s32 s7, s2  }
0x1e: {  	s7 =	smul.u32 @!p0 $0xF7A, s2;
	p2 =	seq.s32 @!p0 s5, $0x0  }
0x1f: {  	s9 =	smul.u32 $0xF7A, s1;
	s8 =	simm.s32 @!p0 $0x1BF5;
	p2 =	por !p2, p0  }
0x20: {  	[sflag:s8] =	ssyncset.s32 @!p0 $0xFFFFF086;
	s6 =	sadd.s32 @!p0 s3, s7;
	s7 =	simm.s32 @!p0 $0x108  }
0x21: {  	s3 =	sadd.s32 s3, s9;
	s6 =	sadd.s32 @!p0 $0x88, s6;
	s7 =	simm.s32 @p2 $0x1082  }
0x22: {  	[simem:s7], [sflag:s8] =	dma.local @!p0 [hbm:s6], $0xF7A  }
0x23: {  	s9 =	sor.u32 $0xD0000000, s2;
	s6 =	simm.s32 $0x108;
	_ =	swait.ge @!p0 [sflag:s8], $0x0  }
0x24: {  	s3 =	sadd.s32 $0x88, s3;
	s6 =	simm.s32 @!p1 $0x1082;
	[sflag:s4] =	ssyncset.s32 $0xFFFFF086  }
0x25: {  	[simem:s6], [sflag:s4] =	dma.local [hbm:s3], $0xF7A  }
0x26: {  	[smem:$0x3F99] =	sst s1;
	(tag) =	ssettag s2;
	_ =	strace s9  }
0x27: {  	s1 =	sld [smem:$0x3FA9]  }
0x28: {  	s2 =	sld [smem:$0x3FAA]  }
0x29: {  	s4 =	sld [smem:$0x3FAC]  }
0x2a: {  	p0 =	seq.s32 s5, $0x0;
	s5 =	sld [smem:$0x3FAD]  }
0x2b: {  	s6 =	sld [smem:$0x3FAE]  }
0x2c: {  	s7 =	sld [smem:$0x3FAF]  }
0x2d: {  	s3 =	simm.s32 $0x108;
	s8 =	sld [smem:$0x3FB0]  }
0x2e: {  	s3 =	simm.s32 @!p0 $0x1082;
	s9 =	sld [smem:$0x3FB1]  }
0x2f: {  	lr =	sadd.s32 s0, s3;
	s0 =	sld [smem:$0x3FA8]  }
0x30: {  	s3 =	sld [smem:$0x3FAB]  }
0x31: {  	[smem:$0x3FB4] =	sst s10  }
0x32: {  	s10 =	sld [smem:$0x3FB2];
	_ =	sdelay $0x3  }
0x33: {  	p0 =	seq.s32 s10, $0x1;
	s10 =	sld [smem:$0x3FB4];
	_ =	sdelay $0x3  }
0x34: {  	[smem:$0x3FB4] =	sst s10  }
0x35: {  	s10 =	sld [smem:$0x3FB3];
	_ =	sdelay $0x3  }
0x36: {  	p1 =	seq.s32 s10, $0x1;
	s10 =	sld [smem:$0x3FB4];
	_ =	sdelay $0x3  }
0x37: {  	[smem:$0x3FB4] =	sst s10  }
0x38: {  	s10 =	sld [smem:$0x3FB5]  }
0x39: {  	_ = 	snop;
	(pc) =	sbr.ind lr, $3  }
0x3a: {  	_ = 	snop  }
0x3b: {  	_ = 	snop  }
0x3c: {  	p2 =	seq.s32 s10, $0x1;
	s10 =	sld [smem:$0x3FB4]  }
0x3d: {  	_ =	shalt  }
0x3e: {  	_ =	shalt  }
0x3f: {  	_ =	shalt  }
0x40: {  	_ =	shalt  }
0x41: {  	_ =	shalt  }
0x42: {  	_ =	shalt  }
0x43: {  	_ =	shalt  }
0x44: {  	_ =	shalt  }
0x45: {  	_ =	shalt  }
0x46: {  	_ =	shalt  }
0x47: {  	_ =	shalt  }
0x48: {  	_ =	shalt  }
0x49: {  	_ =	shalt  }
0x4a: {  	_ =	shalt  }
0x4b: {  	_ =	shalt  }
0x4c: {  	_ =	shalt  }
0x4d: {  	_ =	shalt  }
0x4e: {  	_ =	shalt  }
0x4f: {  	_ =	shalt  }
0x50: {  	_ =	shalt  }
0x51: {  	_ =	shalt  }
0x52: {  	_ =	shalt  }
0x53: {  	_ =	shalt  }
0x54: {  	_ =	shalt  }
0x55: {  	_ =	shalt  }
0x56: {  	_ =	shalt  }
0x57: {  	_ =	shalt  }
0x58: {  	_ =	shalt  }
0x59: {  	_ =	shalt  }
0x5a: {  	_ =	shalt  }
0x5b: {  	_ =	shalt  }
0x5c: {  	_ =	shalt  }
0x5d: {  	_ =	shalt  }
0x5e: {  	_ =	shalt  }
0x5f: {  	_ =	shalt  }
0x60: {  	_ =	shalt  }
0x61: {  	_ =	shalt  }
0x62: {  	_ =	shalt  }
0x63: {  	_ =	shalt  }
0x64: {  	_ =	shalt  }
0x65: {  	_ =	shalt  }
0x66: {  	_ =	shalt  }
0x67: {  	_ =	shalt  }
0x68: {  	_ =	shalt  }
0x69: {  	_ =	shalt  }
0x6a: {  	_ =	shalt  }
0x6b: {  	_ =	shalt  }
0x6c: {  	_ =	shalt  }
0x6d: {  	_ =	shalt  }
0x6e: {  	_ =	shalt  }
0x6f: {  	_ =	shalt  }
0x70: {  	_ =	shalt  }
0x71: {  	_ =	shalt  }
0x72: {  	_ =	shalt  }
0x73: {  	_ =	shalt  }
0x74: {  	_ =	shalt  }
0x75: {  	_ =	shalt  }
0x76: {  	_ =	shalt  }
0x77: {  	_ =	shalt  }
0x78: {  	_ =	shalt  }
0x79: {  	_ =	shalt  }
0x7a: {  	_ =	shalt  }
0x7b: {  	_ =	shalt  }
0x7c: {  	_ =	shalt  }
0x7d: {  	_ =	shalt  }
0x7e: {  	_ =	shalt  }
0x7f: {  	_ =	shalt  }
0x80: {  	_ =	shalt  }
0x81: {  	_ =	shalt  }
0x82: {  	_ =	shalt  }
0x83: {  	_ =	shalt  }
0x84: {  	_ =	shalt  }
0x85: {  	_ =	shalt  }
0x86: {  	_ =	shalt  }
0x87: {  	_ =	shalt  }
.Lfunc_end0:
.L_simem_size_0:
called_computation_lowered:
.L_overlay_start_0:
0x88: {  	s2 =	sld [smem:$0x3FD9]  }
0x89: {  	s3 =	sld [smem:$0x3FFE];
	_ =	sdelay $0x1  }
0x8a: {  	s1 =	srdreg.scid  }
0x8b: {  	s0 =	sand.u32 $0x1, s1  }
0x8c: {  	s14 =	sshll.u32 s0, $0xA;
	s2 =	sadd.s32 s3, s2  }
0x8d: {  	s2 =	sadd.s32 s2, s14  }
0x8e: {  	[smem:$0x3FC0] =	sst s2  }
0x8f: {  	_ = 	snop  }
0x90: {  	s2 =	sld [smem:$0x3FD0];
	_ =	sdelay $0x2  }
0x91: {  	s15 =	simm.s32 $0xB;
	s4 =	simm.s32 $0x10  }
0x92: {  	[smem:s4], [sflag:s15] =	dma.local [hbm:s2], $0x1  }
0x93: {  	_ =	swait.eq [sflag:s15], $0x1  }
0x94: {  	[sflag:s15] =	ssyncset.done $0x0  }
0x95: {  	[sflag:s15] =	ssyncadd.s32 $0xFFFFFFFF  }
0x96: {  	s16 =	sld [smem:$0x12];
	(tm) =	ssettm $0x1  }
0x97: {  	s17 =	sld [smem:$0x3FFB];
	_ =	sdelay $0x3  }
0x98: {  	_ =	strace s17  }
0x99: {  	s3 =	sld [smem:$0x3FFC];
	_ =	sdelay $0x3  }
0x9a: {  	_ =	strace s3  }
0x9b: {  	s3 =	sld [smem:$0x3FFD];
	_ =	sdelay $0x3  }
0x9c: {  	_ =	strace s3  }
0x9d: {  	_ =	strace $0x8FFFFFFF  }
0x9e: {  	s18 =	sld [smem:$0x3FDB];
	_ =	sdelay $0x1  }
0x9f: {  	s19 =	simm.s32 $_scs_section_size  }
0xa0: {  	s5 =	simm.s32 $_size__tile_overlayer_lowered;
	s6 =	simm.s32 $_tile_overlayer_lowered  }
0xa1: {  	s22 =	simm.s32 $0x1BFF;
	s21 =	sshll.u32 s6, $0x1;
	s3 =	sadd.s32 s19, s18  }
0xa2: {  	s7 =	simm.s32 $0x0;
	s20 =	sshll.u32 s5, $0x1;
	s5 =	sadd.s32 s21, s3  }
0xa3: {  	[timem:s7], [sflag:s22] =	dma.local [hbm:s5], s20  }
0xa4: {  	_ =	swait.ge [sflag:s22], s20  }
0xa5: {  	s4 =	ssub.s32 $0x0, s20;
	[sflag:s22] =	ssyncset.done $0x0  }
0xa6: {  	[sflag:s22] =	ssyncadd.s32 s4;
	_ =	sdelay $0x1  }
0xa7: {  	s23 =	simm.s32 $0x1B8B  }
0xa8: {  	_ =	swait.ge [sflag:s23], $0x1  }
0xa9: {  	[sflag:s23] =	ssyncset.done $0x0  }
0xaa: {  	s25 =	simm.s32 $0x1B8E;
	s24 =	sld [smem:$0x3FFE];
	[sflag:s23] =	ssyncadd.s32 $0xFFFFFFFF  }
0xab: {  	s26 =	simm.s32 $execute0_lowered;
	[smem:$0x3FD2] =	sst s25  }
0xac: {  	s5 =	sshll.u32 s26, $0x1;
	_ =	strace $0x80000046;
	[dreg:$0x1] =	wrdreg $0xFFFFFFFF  }
0xad: {  	s28 =	simm.s32 $_size_execute0_lowered;
	s3 =	sadd.s32 s3, s5;
	[dreg:$0x0] =	wrdreg $0x0  }
0xae: {  	s5 =	sshll.u32 s28, $0x1;
	[dreg:$0x2] =	wrdreg s3  }
0xaf: {  	[dreg:$0x3] =	wrdreg s5  }
0xb0: {  	[dreg:$0x4] =	wrdreg $0xC0  }
0xb1: {  	_ =	task [dreg:s7], $0x5FFFF  }
0xb2: {  	[dreg:$0x1] =	wrdreg $0xFFFFFFFF  }
0xb3: {  	[dreg:$0x0] =	wrdreg $0x60  }
0xb4: {  	[dreg:$0x2] =	wrdreg s24  }
0xb5: {  	[dreg:$0x3] =	wrdreg s16  }
0xb6: {  	[dreg:$0x4] =	wrdreg $0x0  }
0xb7: {  	[dreg:$0x5] =	wrdreg $0x9  }
0xb8: {  	_ =	task.clear_ibuf [dreg:s7], $0x6FFFF;
	_ =	strace $0x90000046  }
0xb9: {  	s29 =	simm.s32 $0x9;
	_ =	strace $0x80000048  }
0xba: {  	_ =	swait.ge [sflag:s29], $0x1  }
0xbb: {  	[sflag:s29] =	ssyncadd.s32 $0xFFFFFFFF  }
0xbc: {  	_ =	strace $0x90000048  }
0xbd: {  	_ =	sfence  }
0xbe: {  	s30 =	sld [smem:$0x0];
	_ =	sdelay $0x2  }
0xbf: {  	s31 =	sshll.u32 s1, $0xD;
	s1 =	sshrl.u32 s1, $0x2  }
0xc0: {  	s3 =	sand.u32 $0x4000, s31;
	s1 =	sadd.s32 s1, s30  }
0xc1: {  	s0 =	sor.u32 s3, s0;
	s1 =	sshll.u32 s1, $0x11  }
0xc2: {  	s0 =	sor.u32 s1, s0  }
0xc3: {  	s0 =	sadd.s32 $0x8F2B, s0  }
0xc4: {  	[sflag:s0] =	ssyncadd.remote.s32 $0x1  }
0xc5: {  	_ =	sfence.sel $0xFFFF  }
0xc6: {  	[dreg:$0x0] =	wrdreg $0xFFFFFFFF;
	(pc) =	sbr.abs _section_cstart, $3  }
0xc7: {  	[dreg:$0x1] =	wrdreg $0xFFFFFFFF  }
0xc8: {  	_ =	task.clear_ibuf [dreg:s7], $0x2FFFF;
	_ =	strace $0x9FFFFFFF  }
0xc9: {  	(tm) =	ssettm $0x7FFFFFFF  }
tec
execute0_lowered:
.L_overlay_start_1:
0x0: {  	(tag) =	ssettag $0x1  }
0x1: {  	s0 =	rddreg [dreg:$0x0]  }
0x2: {  	s1 =	srdreg.scid;
	s24 =	stileid.u32  }
0x3: {  	s3 =	rddreg [dreg:$0x2];
	s28 =	simm.s32 $0x13880;
	s29 =	simm.s32 $0x7  }
0x4: {  	s30 =	simm.s32 $0x17880;
	s31 =	simm.s32 $0x80;
	s6 =	smul.u32 $0x270, s24  }
0x5: {  	s1 =	sand.u32 $0x1, s1;
	s2 =	sshll.u32 s24, $0x1;
	s23 =	smul.u32 $0x4E000, s24  }
0x6: {  	s4 =	sadd.s32 $0xFE00, s0;
	s5 =	sadd.s32 $0x6000, s0;
	s18 =	smul.u32 $0x4E20, s24  }
0x7: {  	s7 =	sadd.s32 $0x1C400, s0;
	s10 =	sadd.s32 $0x6A600, s0;
	s9 =	smul.u32 $0x2710, s1  }
0x8: {  	s2 =	sor.u32 s1, s2;
	s8 =	ssub.s32 $0x2, s1;
	s1 =	smul.u32 $0x138800, s1  }
0x9: {  	p0 =	sne.s32 s24, $0xF;
	s2 =	smul.u32 $0x2710, s2;
	s11 =	sshrl.u32 s8, $0x1  }
0xa: {  	s24 =	simm.s32 $0x0;
	s8 =	ssub.s32 s8, s11;
	s6 =	sadd.s32 s6, s9  }
0xb: {  	s1 =	sshrl.u32 s1, $0x3;
	s21 =	sadd.s32 s9, s18;
	s2 =	sshrl.u32 s2, $0x3  }
0xc: {  	s6 =	sshll.u32 s6, $0x4;
	s1 =	sadd.s32 $0x27000, s1;
	s22 =	sadd.s32 $0x280, s21  }
0xd: {  	s25 =	sadd.s32 $0x200, s21;
	s26 =	sadd.s32 $0x180, s21;
	s9 =	sadd.s32 $0x100, s21  }
0xe: {  	s13 =	sadd.s32 $0x80, s21;
	s2 =	sadd.s32 $0x4E0, s2;
	s19 =	sadd.s32 s7, s6  }
0xf: {  	s7 =	sadd.s32 s7, s1;
	s20 =	sadd.s32 s10, s6;
	[dreg:$0x5] =	wrdreg s19  }
0x10: {  	s1 =	sadd.s32 s10, s1;
	s6 =	sshrl.u32 s25, $0x3;
	[dreg:$0x6] =	wrdreg s7  }
0x11: {  	s9 =	sshrl.u32 s9, $0x3;
	s25 =	smax.u32 s8, $0x1;
	[dreg:$0x8] =	wrdreg s20  }
0x12: {  	s12 =	sadd.s32 s4, s2;
	s2 =	sadd.s32 s5, s2;
	[dreg:$0x9] =	wrdreg s1  }
0x13: {  	s1 =	sshrl.u32 s22, $0x3;
	s11 =	sadd.s32 s6, s4;
	s7 =	sshrl.u32 s26, $0x3  }
0x14: {  	s20 =	sshrl.u32 s13, $0x3;
	s13 =	sadd.s32 s9, s4;
	s17 =	sadd.s32 s6, s5  }
0x15: {  	s19 =	sadd.s32 s9, s5;
	s26 =	sadd.s32 $0x138000, s3;
	[dreg:$0x4] =	wrdreg s12  }
0x16: {  	[dreg:$0x7] =	wrdreg s2;
	s10 =	sadd.s32 s1, s4;
	s12 =	sadd.s32 s7, s4  }
0x17: {  	s2 =	sshrl.u32 s21, $0x3;
	s14 =	sadd.s32 s20, s4;
	s16 =	sadd.s32 s1, s5  }
0x18: {  	s18 =	sadd.s32 s7, s5;
	s20 =	sadd.s32 s20, s5;
	s21 =	simm.s32 $0x0  }
0x19: {  	s7 =	sshrl.u32 s23, $0x2;
	s23 =	sadd.s32 $0x19C00, s0;
	s1 =	simm.s32 $0x17900  }
0x1a: {  	s0 =	simm.s32 $0x17A00;
	[smem:$0x7FF] =	sst s21;
	s9 =	sadd.s32 s7, s3  }
0x1b: {  	s15 =	sadd.s32 s2, s4;
	_ =	strace $0x80000047;
	[dreg:$0xa] =	wrdreg s9  }
0x1c: {  	s22 =	sadd.s32 s2, s5;
	s2 =	simm.s32 $0x17980;
	[dreg:$0xb] =	wrdreg s25  }
0x1d: {  	s4 =	simm.s32 $0x17A80;
	s5 =	simm.s32 $0x17B00;
	[dreg:$0xc] =	wrdreg s26  }
.LBB2_1:
0x1e: {  	s6 =	rddreg [dreg:$0x1]  }
0x1f: {  	[tilespmem:s28], [sflag:$0x7] =	stream.linear.gather [hbm4b:s6+s21], $0x4000, $0x38;
	[tilespmem:$0x17C00] =	vst v63  }
0x20: {  	_ =	swait.ge [sflag:s29], $0x4000  }
0x21: {  	s26 =	stileid.u32;
	s7 =	rddreg [dreg:$0xa]  }
0x22: {  	s6 =	sshll.u32 s26, $0x6;
	[sflag:s29] =	ssyncset.done $0x0;
	s7 =	sshrl.u32 s7, $0x3  }
0x23: {  	s6 =	sor.u32 $0x1C07, s6;
	[sflag:s29] =	ssyncadd.s32 $0xFFFFC000;
	[dreg:$0xd] =	wrdreg s7  }
0x24: {  	[spmem:s7], [sflag:s6] =	dma.local [hbm:s23], $0x2700  }
0x25: {  	_ =	swait.ge [sflag:s29], $0x2700  }
0x26: {  	[sflag:s29] =	ssyncset.done $0x0;
	s7 =	rddreg [dreg:$0xc]  }
0x27: {  	s9 =	simm.s32 @!p0 $0x7;
	[sflag:s29] =	ssyncadd.s32 $0xFFFFD900;
	s8 =	sshrl.u32 @!p0 s7, $0x3  }
0x28: {  	[spmem:s8], [sflag:s6] =	dma.local @!p0 [hbm:s23], $0x100  }
0x29: {  	_ =	swait.ge @!p0 [sflag:s9], $0x100  }
0x2a: {  	[sflag:s9] =	ssyncset.done @!p0 $0x0  }
0x2b: {  	p1 =	por $0x1, $0x1;
	[sflag:s9] =	ssyncadd.s32 @!p0 $0xFFFFFF00  }
0x2c: {  	s9 =	simm.s32 @!p1 $0x1;
	[bflag:$0x0] =	sbarrier.arrive $0xFFFF  }
0x2d: {  	_ =	swait.ge @!p1 [sflag:s9], $0x4000  }
0x2e: {  	[sflag:s9] =	ssyncset.done @!p1 $0x0  }
0x2f: {  	s7 =	sadd.s32 $0x0, s15;
	[sflag:s9] =	ssyncadd.s32 @!p1 $0xFFFFC000  }
0x30: {  	[tilespmem:s30], [sflag:$0x7] =	stream.linear.gather [hbm4b:s7+s21], $0x80, $0x38;
	[tilespmem:$0x17C00] =	vst v63  }
0x31: {  	_ =	swait.ge [sflag:s29], $0x80  }
0x32: {  	[sflag:s29] =	ssyncset.done $0x0  }
0x33: {  	s9 =	simm.s32 @!p1 $0x2;
	[sflag:s29] =	ssyncadd.s32 $0xFFFFFF80  }
0x34: {  	[spmem:s3] =	stream.indirect.scatter.add.f32 [tilespmem:s28], [sflag:$0x1], $0x80, s30, s31, $0xb8;
	[tilespmem:$0x17C00] =	vst v63  }
0x35: {  	_ =	swait.ge @!p1 [sflag:s9], $0x4000  }
0x36: {  	[sflag:s9] =	ssyncset.done @!p1 $0x0  }
0x37: {  	s25 =	sadd.s32 $0x0, s14;
	[sflag:s9] =	ssyncadd.s32 @!p1 $0xFFFFC000  }
0x38: {  	[tilespmem:s1], [sflag:$0x7] =	stream.linear.gather [hbm4b:s25+s21], $0x80, $0x38;
	[tilespmem:$0x17C00] =	vst v63  }
0x39: {  	_ =	swait.ge [sflag:s29], $0x80  }
0x3a: {  	[sflag:s29] =	ssyncset.done $0x0  }
0x3b: {  	s9 =	simm.s32 @!p1 $0x3;
	[sflag:s29] =	ssyncadd.s32 $0xFFFFFF80  }
0x3c: {  	[spmem:s3] =	stream.indirect.scatter.add.f32 [tilespmem:s28], [sflag:$0x2], $0x80, s1, s31, $0xb8;
	[tilespmem:$0x17C00] =	vst v63  }
0x3d: {  	_ =	swait.ge @!p1 [sflag:s9], $0x4000  }
0x3e: {  	[sflag:s9] =	ssyncset.done @!p1 $0x0  }
0x3f: {  	s26 =	sadd.s32 $0x0, s13;
	[sflag:s9] =	ssyncadd.s32 @!p1 $0xFFFFC000  }
0x40: {  	[tilespmem:s2], [sflag:$0x7] =	stream.linear.gather [hbm4b:s26+s21], $0x80, $0x38;
	[tilespmem:$0x17C00] =	vst v63  }
0x41: {  	_ =	swait.ge [sflag:s29], $0x80  }
0x42: {  	[sflag:s29] =	ssyncset.done $0x0  }
0x43: {  	s9 =	simm.s32 @!p1 $0x4;
	[sflag:s29] =	ssyncadd.s32 $0xFFFFFF80  }
0x44: {  	[spmem:s3] =	stream.indirect.scatter.add.f32 [tilespmem:s28], [sflag:$0x3], $0x80, s2, s31, $0xb8;
	[tilespmem:$0x17C00] =	vst v63  }
0x45: {  	_ =	swait.ge @!p1 [sflag:s9], $0x4000  }
0x46: {  	[sflag:s9] =	ssyncset.done @!p1 $0x0  }
0x47: {  	s7 =	sadd.s32 $0x0, s12;
	[sflag:s9] =	ssyncadd.s32 @!p1 $0xFFFFC000  }
0x48: {  	[tilespmem:s0], [sflag:$0x7] =	stream.linear.gather [hbm4b:s7+s21], $0x80, $0x38;
	[tilespmem:$0x17C00] =	vst v63  }
0x49: {  	_ =	swait.ge [sflag:s29], $0x80  }
0x4a: {  	[sflag:s29] =	ssyncset.done $0x0  }
0x4b: {  	s9 =	simm.s32 @!p1 $0x5;
	[sflag:s29] =	ssyncadd.s32 $0xFFFFFF80  }
0x4c: {  	[spmem:s3] =	stream.indirect.scatter.add.f32 [tilespmem:s28], [sflag:$0x4], $0x80, s0, s31, $0xb8;
	[tilespmem:$0x17C00] =	vst v63  }
0x4d: {  	_ =	swait.ge @!p1 [sflag:s9], $0x4000  }
0x4e: {  	[sflag:s9] =	ssyncset.done @!p1 $0x0  }
0x4f: {  	s25 =	sadd.s32 $0x0, s11;
	[sflag:s9] =	ssyncadd.s32 @!p1 $0xFFFFC000  }
0x50: {  	[tilespmem:s4], [sflag:$0x7] =	stream.linear.gather [hbm4b:s25+s21], $0x80, $0x38;
	[tilespmem:$0x17C00] =	vst v63  }
0x51: {  	_ =	swait.ge [sflag:s29], $0x80  }
0x52: {  	[sflag:s29] =	ssyncset.done $0x0  }
0x53: {  	s9 =	simm.s32 @!p1 $0x6;
	[sflag:s29] =	ssyncadd.s32 $0xFFFFFF80  }
0x54: {  	[spmem:s3] =	stream.indirect.scatter.add.f32 [tilespmem:s28], [sflag:$0x5], $0x80, s4, s31, $0xb8;
	[tilespmem:$0x17C00] =	vst v63  }
0x55: {  	_ =	swait.ge @!p1 [sflag:s9], $0x4000  }
0x56: {  	[sflag:s9] =	ssyncset.done @!p1 $0x0  }
0x57: {  	s26 =	sadd.s32 $0x0, s10;
	[sflag:s9] =	ssyncadd.s32 @!p1 $0xFFFFC000  }
0x58: {  	[tilespmem:s5], [sflag:$0x7] =	stream.linear.gather [hbm4b:s26+s21], $0x80, $0x38;
	[tilespmem:$0x17C00] =	vst v63  }
0x59: {  	s25 =	simm.s32 $0xC0;
	_ =	swait.ge [sflag:s29], $0x80  }
0x5a: {  	s9 =	simm.s32 $0x60;
	p1 =	por $0x0, $0x0;
	[sflag:s29] =	ssyncset.done $0x0  }
.LBB2_2:
0x5b: {  	s7 =	simm.s32 @!p1 $0x1  }
0x5c: {  	[sflag:s29] =	ssyncadd.s32 $0xFFFFFF80;
	s26 =	smov.u32 s25;
	s25 =	sadd.s32 $0x60, s25  }
0x5d: {  	[spmem:s3] =	stream.indirect.scatter.add.f32 [tilespmem:s28], [sflag:$0x6], $0x80, s5, s31, $0xb8;
	[tilespmem:$0x17C00] =	vst v63  }
0x5e: {  	p2 =	sne.s32 s25, $0x4E0;
	_ =	swait.ge @!p1 [sflag:s7], $0x4000  }
0x5f: {  	[sflag:s7] =	ssyncset.done @!p1 $0x0  }
0x60: {  	[sflag:s7] =	ssyncadd.s32 @!p1 $0xFFFFC000;
	s7 =	sadd.s32 s9, s15  }
0x61: {  	[tilespmem:s30], [sflag:$0x7] =	stream.linear.gather [hbm4b:s7+s21], $0x80, $0x38;
	[tilespmem:$0x17C00] =	vst v63  }
0x62: {  	_ =	swait.ge [sflag:s29], $0x80  }
0x63: {  	[sflag:s29] =	ssyncset.done $0x0  }
0x64: {  	s7 =	simm.s32 @!p1 $0x2;
	[sflag:s29] =	ssyncadd.s32 $0xFFFFFF80  }
0x65: {  	[spmem:s3] =	stream.indirect.scatter.add.f32 [tilespmem:s28], [sflag:$0x1], $0x80, s30, s31, $0xb8;
	[tilespmem:$0x17C00] =	vst v63  }
0x66: {  	_ =	swait.ge @!p1 [sflag:s7], $0x4000  }
0x67: {  	[sflag:s7] =	ssyncset.done @!p1 $0x0  }
0x68: {  	[sflag:s7] =	ssyncadd.s32 @!p1 $0xFFFFC000;
	s7 =	sadd.s32 s9, s14  }
0x69: {  	[tilespmem:s1], [sflag:$0x7] =	stream.linear.gather [hbm4b:s7+s21], $0x80, $0x38;
	[tilespmem:$0x17C00] =	vst v63  }
0x6a: {  	_ =	swait.ge [sflag:s29], $0x80  }
0x6b: {  	[sflag:s29] =	ssyncset.done $0x0  }
0x6c: {  	s7 =	simm.s32 @!p1 $0x3;
	[sflag:s29] =	ssyncadd.s32 $0xFFFFFF80  }
0x6d: {  	[spmem:s3] =	stream.indirect.scatter.add.f32 [tilespmem:s28], [sflag:$0x2], $0x80, s1, s31, $0xb8;
	[tilespmem:$0x17C00] =	vst v63  }
0x6e: {  	_ =	swait.ge @!p1 [sflag:s7], $0x4000  }
0x6f: {  	[sflag:s7] =	ssyncset.done @!p1 $0x0  }
0x70: {  	[sflag:s7] =	ssyncadd.s32 @!p1 $0xFFFFC000;
	s7 =	sadd.s32 s9, s13  }
0x71: {  	[tilespmem:s2], [sflag:$0x7] =	stream.linear.gather [hbm4b:s7+s21], $0x80, $0x38;
	[tilespmem:$0x17C00] =	vst v63  }
0x72: {  	_ =	swait.ge [sflag:s29], $0x80  }
0x73: {  	[sflag:s29] =	ssyncset.done $0x0  }
0x74: {  	s7 =	simm.s32 @!p1 $0x4;
	[sflag:s29] =	ssyncadd.s32 $0xFFFFFF80  }
0x75: {  	[spmem:s3] =	stream.indirect.scatter.add.f32 [tilespmem:s28], [sflag:$0x3], $0x80, s2, s31, $0xb8;
	[tilespmem:$0x17C00] =	vst v63  }
0x76: {  	_ =	swait.ge @!p1 [sflag:s7], $0x4000  }
0x77: {  	[sflag:s7] =	ssyncset.done @!p1 $0x0  }
0x78: {  	[sflag:s7] =	ssyncadd.s32 @!p1 $0xFFFFC000;
	s7 =	sadd.s32 s9, s12  }
0x79: {  	[tilespmem:s0], [sflag:$0x7] =	stream.linear.gather [hbm4b:s7+s21], $0x80, $0x38;
	[tilespmem:$0x17C00] =	vst v63  }
0x7a: {  	_ =	swait.ge [sflag:s29], $0x80  }
0x7b: {  	[sflag:s29] =	ssyncset.done $0x0  }
0x7c: {  	s7 =	simm.s32 @!p1 $0x5;
	[sflag:s29] =	ssyncadd.s32 $0xFFFFFF80  }
0x7d: {  	[spmem:s3] =	stream.indirect.scatter.add.f32 [tilespmem:s28], [sflag:$0x4], $0x80, s0, s31, $0xb8;
	[tilespmem:$0x17C00] =	vst v63  }
0x7e: {  	_ =	swait.ge @!p1 [sflag:s7], $0x4000  }
0x7f: {  	[sflag:s7] =	ssyncset.done @!p1 $0x0  }
0x80: {  	[sflag:s7] =	ssyncadd.s32 @!p1 $0xFFFFC000;
	s7 =	sadd.s32 s9, s11  }
0x81: {  	[tilespmem:s4], [sflag:$0x7] =	stream.linear.gather [hbm4b:s7+s21], $0x80, $0x38;
	[tilespmem:$0x17C00] =	vst v63  }
0x82: {  	_ =	swait.ge [sflag:s29], $0x80  }
0x83: {  	[sflag:s29] =	ssyncset.done $0x0  }
0x84: {  	s7 =	simm.s32 @!p1 $0x6;
	[sflag:s29] =	ssyncadd.s32 $0xFFFFFF80  }
0x85: {  	[spmem:s3] =	stream.indirect.scatter.add.f32 [tilespmem:s28], [sflag:$0x5], $0x80, s4, s31, $0xb8;
	[tilespmem:$0x17C00] =	vst v63  }
0x86: {  	_ =	swait.ge @!p1 [sflag:s7], $0x4000  }
.Ltmp0:
0x87: {  	[sflag:s7] =	ssyncset.done @!p1 $0x0;
	(pc) =	sbr.rel @p2 .LBB2_2-.Ltmp0, $4  }
0x88: {  	[sflag:s7] =	ssyncadd.s32 @!p1 $0xFFFFC000;
	s7 =	sadd.s32 s9, s10;
	s9 =	smov.u32 s26  }
0x89: {  	[tilespmem:s5], [sflag:$0x7] =	stream.linear.gather [hbm4b:s7+s21], $0x80, $0x38;
	[tilespmem:$0x17C00] =	vst v63  }
0x8a: {  	_ =	swait.ge [sflag:s29], $0x80  }
0x8b: {  	p1 =	seq.s32 s9, $0x0;
	[sflag:s29] =	ssyncset.done $0x0  }
0x8c: {  	s7 =	simm.s32 @!p1 $0x1;
	[sflag:s29] =	ssyncadd.s32 $0xFFFFFF80  }
0x8d: {  	[spmem:s3] =	stream.indirect.scatter.add.f32 [tilespmem:s28], [sflag:$0x6], $0x80, s5, s31, $0xb8;
	[tilespmem:$0x17C00] =	vst v63  }
0x8e: {  	_ =	swait.ge @!p1 [sflag:s7], $0x4000  }
0x8f: {  	[sflag:s7] =	ssyncset.done @!p1 $0x0  }
0x90: {  	s25 =	sadd.s32 s9, s15;
	[sflag:s7] =	ssyncadd.s32 @!p1 $0xFFFFC000  }
0x91: {  	[tilespmem:s30], [sflag:$0x7] =	stream.linear.gather [hbm4b:s25+s21], $0x80, $0x38;
	[tilespmem:$0x17C00] =	vst v63  }
0x92: {  	_ =	swait.ge [sflag:s29], $0x80  }
0x93: {  	[sflag:s29] =	ssyncset.done $0x0  }
0x94: {  	s7 =	simm.s32 @!p1 $0x2;
	[sflag:s29] =	ssyncadd.s32 $0xFFFFFF80  }
0x95: {  	[spmem:s3] =	stream.indirect.scatter.add.f32 [tilespmem:s28], [sflag:$0x1], $0x80, s30, s31, $0xb8;
	[tilespmem:$0x17C00] =	vst v63  }
0x96: {  	_ =	swait.ge @!p1 [sflag:s7], $0x4000  }
0x97: {  	[sflag:s7] =	ssyncset.done @!p1 $0x0  }
0x98: {  	s26 =	sadd.s32 s9, s14;
	[sflag:s7] =	ssyncadd.s32 @!p1 $0xFFFFC000  }
0x99: {  	[tilespmem:s1], [sflag:$0x7] =	stream.linear.gather [hbm4b:s26+s21], $0x80, $0x38;
	[tilespmem:$0x17C00] =	vst v63  }
0x9a: {  	_ =	swait.ge [sflag:s29], $0x80  }
0x9b: {  	[sflag:s29] =	ssyncset.done $0x0  }
0x9c: {  	s7 =	simm.s32 @!p1 $0x3;
	[sflag:s29] =	ssyncadd.s32 $0xFFFFFF80  }
0x9d: {  	[spmem:s3] =	stream.indirect.scatter.add.f32 [tilespmem:s28], [sflag:$0x2], $0x80, s1, s31, $0xb8;
	[tilespmem:$0x17C00] =	vst v63  }
0x9e: {  	_ =	swait.ge @!p1 [sflag:s7], $0x4000  }
0x9f: {  	[sflag:s7] =	ssyncset.done @!p1 $0x0  }
0xa0: {  	s25 =	sadd.s32 s9, s13;
	[sflag:s7] =	ssyncadd.s32 @!p1 $0xFFFFC000  }
0xa1: {  	[tilespmem:s2], [sflag:$0x7] =	stream.linear.gather [hbm4b:s25+s21], $0x80, $0x38;
	[tilespmem:$0x17C00] =	vst v63  }
0xa2: {  	_ =	swait.ge [sflag:s29], $0x80  }
0xa3: {  	[sflag:s29] =	ssyncset.done $0x0  }
0xa4: {  	s7 =	simm.s32 @!p1 $0x4;
	[sflag:s29] =	ssyncadd.s32 $0xFFFFFF80  }
0xa5: {  	[spmem:s3] =	stream.indirect.scatter.add.f32 [tilespmem:s28], [sflag:$0x3], $0x80, s2, s31, $0xb8;
	[tilespmem:$0x17C00] =	vst v63  }
0xa6: {  	_ =	swait.ge @!p1 [sflag:s7], $0x4000  }
0xa7: {  	[sflag:s7] =	ssyncset.done @!p1 $0x0  }
0xa8: {  	s26 =	sadd.s32 s9, s12;
	[sflag:s7] =	ssyncadd.s32 @!p1 $0xFFFFC000  }
0xa9: {  	[tilespmem:s0], [sflag:$0x7] =	stream.linear.gather [hbm4b:s26+s21], $0x80, $0x38;
	[tilespmem:$0x17C00] =	vst v63  }
0xaa: {  	_ =	swait.ge [sflag:s29], $0x80  }
0xab: {  	[sflag:s29] =	ssyncset.done $0x0  }
0xac: {  	s7 =	simm.s32 @!p1 $0x5;
	[sflag:s29] =	ssyncadd.s32 $0xFFFFFF80  }
0xad: {  	[spmem:s3] =	stream.indirect.scatter.add.f32 [tilespmem:s28], [sflag:$0x4], $0x80, s0, s31, $0xb8;
	[tilespmem:$0x17C00] =	vst v63  }
0xae: {  	_ =	swait.ge @!p1 [sflag:s7], $0x4000  }
0xaf: {  	[sflag:s7] =	ssyncset.done @!p1 $0x0  }
0xb0: {  	s25 =	sadd.s32 s9, s11;
	[sflag:s7] =	ssyncadd.s32 @!p1 $0xFFFFC000  }
0xb1: {  	[tilespmem:s4], [sflag:$0x7] =	stream.linear.gather [hbm4b:s25+s21], $0x80, $0x38;
	[tilespmem:$0x17C00] =	vst v63  }
0xb2: {  	_ =	swait.ge [sflag:s29], $0x80  }
0xb3: {  	[sflag:s29] =	ssyncset.done $0x0  }
0xb4: {  	s7 =	simm.s32 @!p1 $0x6;
	[sflag:s29] =	ssyncadd.s32 $0xFFFFFF80  }
0xb5: {  	[spmem:s3] =	stream.indirect.scatter.add.f32 [tilespmem:s28], [sflag:$0x5], $0x80, s4, s31, $0xb8;
	[tilespmem:$0x17C00] =	vst v63  }
0xb6: {  	_ =	swait.ge @!p1 [sflag:s7], $0x4000  }
0xb7: {  	[sflag:s7] =	ssyncset.done @!p1 $0x0  }
0xb8: {  	s26 =	sadd.s32 s9, s10;
	[sflag:s7] =	ssyncadd.s32 @!p1 $0xFFFFC000  }
0xb9: {  	[tilespmem:s5], [sflag:$0x7] =	stream.linear.gather [hbm4b:s26+s21], $0x80, $0x38;
	[tilespmem:$0x17C00] =	vst v63  }
0xba: {  	_ =	swait.ge [sflag:s29], $0x80  }
0xbb: {  	[sflag:s29] =	ssyncset.done $0x0  }
0xbc: {  	s9 =	simm.s32 $0x1;
	[sflag:s29] =	ssyncadd.s32 $0xFFFFFF80  }
0xbd: {  	[spmem:s3] =	stream.indirect.scatter.add.f32 [tilespmem:s28], [sflag:$0x6], $0x80, s5, s31, $0xb8;
	[tilespmem:$0x17C00] =	vst v63  }
0xbe: {  	_ =	swait.ge [sflag:s9], $0x4000  }
0xbf: {  	[sflag:s9] =	ssyncset.done $0x0  }
0xc0: {  	s25 =	simm.s32 $0x2;
	[sflag:s9] =	ssyncadd.s32 $0xFFFFC000  }
0xc1: {  	_ =	swait.ge [sflag:s25], $0x4000  }
0xc2: {  	[sflag:s25] =	ssyncset.done $0x0  }
0xc3: {  	s26 =	simm.s32 $0x3;
	[sflag:s25] =	ssyncadd.s32 $0xFFFFC000  }
0xc4: {  	_ =	swait.ge [sflag:s26], $0x4000  }
0xc5: {  	[sflag:s26] =	ssyncset.done $0x0  }
0xc6: {  	s9 =	simm.s32 $0x4;
	[sflag:s26] =	ssyncadd.s32 $0xFFFFC000  }
0xc7: {  	_ =	swait.ge [sflag:s9], $0x4000  }
0xc8: {  	[sflag:s9] =	ssyncset.done $0x0  }
0xc9: {  	s25 =	simm.s32 $0x5;
	[sflag:s9] =	ssyncadd.s32 $0xFFFFC000  }
0xca: {  	_ =	swait.ge [sflag:s25], $0x4000  }
0xcb: {  	[sflag:s25] =	ssyncset.done $0x0  }
0xcc: {  	s26 =	simm.s32 $0x6;
	[sflag:s25] =	ssyncadd.s32 $0xFFFFC000  }
0xcd: {  	_ =	swait.ge [sflag:s26], $0x4000  }
0xce: {  	[sflag:s26] =	ssyncset.done $0x0  }
0xcf: {  	s25 =	simm.s32 $0x17B80;
	s9 =	rddreg [dreg:$0x4];
	[sflag:s26] =	ssyncadd.s32 $0xFFFFC000  }
0xd0: {  	[tilespmem:s25], [sflag:$0x7] =	stream.linear.gather [hbm4b:s9+s21], $0x10, $0x38;
	[tilespmem:$0x17C00] =	vst v63  }
0xd1: {  	_ =	swait.ge [sflag:s29], $0x10  }
0xd2: {  	[sflag:s29] =	ssyncset.done $0x0  }
0xd3: {  	s26 =	simm.s32 $0x10;
	[sflag:s29] =	ssyncadd.s32 $0xFFFFFFF0  }
0xd4: {  	[spmem:s3] =	stream.indirect.scatter.add.f32 [tilespmem:s28], [sflag:$0x7], $0x80, s25, s26, $0xb8;
	[tilespmem:$0x17C00] =	vst v63  }
0xd5: {  	_ =	swait.ge [sflag:s29], $0x800  }
0xd6: {  	[sflag:s29] =	ssyncset.done $0x0  }
0xd7: {  	[sflag:s29] =	ssyncadd.s32 $0xFFFFF800  }
0xd8: {  	[bflag:$0x0] =	sbarrier.arrive $0xFFFF  }
0xd9: {  	s25 =	rddreg [dreg:$0x5]  }
0xda: {  	s26 =	rddreg [dreg:$0xd]  }
0xdb: {  	[hbm:s25], [sflag:s6] =	dma.local [spmem:s26], $0x2700  }
0xdc: {  	_ =	swait.ge [sflag:s29], $0x2700  }
0xdd: {  	[sflag:s29] =	ssyncset.done $0x0  }
0xde: {  	[sflag:s29] =	ssyncadd.s32 $0xFFFFD900  }
0xdf: {  	[bflag:$0x0] =	sbarrier.arrive @p0 $0xFFFF  }
0xe0: {  	s9 =	rddreg [dreg:$0xa]  }
0xe1: {  	s7 =	sshrl.u32 @p0 s9, $0x3  }
0xe2: {  	[spmem:s7], [sflag:s6] =	dma.local @p0 [hbm:s23], $0x2700  }
0xe3: {  	s7 =	simm.s32 @p0 $0x7  }
0xe4: {  	_ =	swait.ge @p0 [sflag:s7], $0x2700  }
0xe5: {  	[sflag:s7] =	ssyncset.done @p0 $0x0  }
0xe6: {  	[sflag:s7] =	ssyncadd.s32 @p0 $0xFFFFD900;
	s7 =	rddreg [dreg:$0x6]  }
0xe7: {  	[hbm:s7], [sflag:s6] =	dma.local @!p0 [spmem:s8], $0x100  }
0xe8: {  	s7 =	simm.s32 @!p0 $0x7  }
0xe9: {  	_ =	swait.ge @!p0 [sflag:s7], $0x100  }
0xea: {  	[sflag:s7] =	ssyncset.done @!p0 $0x0  }
0xeb: {  	[sflag:s7] =	ssyncadd.s32 @!p0 $0xFFFFFF00  }
0xec: {  	s9 =	sshrl.u32 @!p0 s9, $0x3;
	[bflag:$0x0] =	sbarrier.arrive @!p0 $0xFFFF  }
0xed: {  	[spmem:s9], [sflag:s6] =	dma.local @!p0 [hbm:s23], $0x2700  }
0xee: {  	_ =	swait.ge @!p0 [sflag:s7], $0x2700  }
0xef: {  	[sflag:s7] =	ssyncset.done @!p0 $0x0  }
0xf0: {  	[sflag:s7] =	ssyncadd.s32 @!p0 $0xFFFFD900  }
0xf1: {  	[spmem:s8], [sflag:s6] =	dma.local @!p0 [hbm:s23], $0x100  }
0xf2: {  	_ =	swait.ge @!p0 [sflag:s7], $0x100  }
0xf3: {  	[sflag:s7] =	ssyncset.done @!p0 $0x0  }
0xf4: {  	p1 =	por $0x1, $0x1;
	[sflag:s7] =	ssyncadd.s32 @!p0 $0xFFFFFF00  }
0xf5: {  	s7 =	simm.s32 @!p1 $0x1;
	[bflag:$0x0] =	sbarrier.arrive $0xFFFF  }
0xf6: {  	_ =	swait.ge @!p1 [sflag:s7], $0x4000  }
0xf7: {  	[sflag:s7] =	ssyncset.done @!p1 $0x0  }
0xf8: {  	s9 =	sadd.s32 $0x0, s22;
	[sflag:s7] =	ssyncadd.s32 @!p1 $0xFFFFC000  }
0xf9: {  	[tilespmem:s30], [sflag:$0x7] =	stream.linear.gather [hbm4b:s9+s21], $0x80, $0x38;
	[tilespmem:$0x17C00] =	vst v63  }
0xfa: {  	_ =	swait.ge [sflag:s29], $0x80  }
0xfb: {  	[sflag:s29] =	ssyncset.done $0x0  }
0xfc: {  	s7 =	simm.s32 @!p1 $0x2;
	[sflag:s29] =	ssyncadd.s32 $0xFFFFFF80  }
0xfd: {  	[spmem:s3] =	stream.indirect.scatter.add.f32 [tilespmem:s28], [sflag:$0x1], $0x80, s30, s31, $0xb8;
	[tilespmem:$0x17C00] =	vst v63  }
0xfe: {  	_ =	swait.ge @!p1 [sflag:s7], $0x4000  }
0xff: {  	[sflag:s7] =	ssyncset.done @!p1 $0x0  }
0x100: {  	s25 =	sadd.s32 $0x0, s20;
	[sflag:s7] =	ssyncadd.s32 @!p1 $0xFFFFC000  }
0x101: {  	[tilespmem:s1], [sflag:$0x7] =	stream.linear.gather [hbm4b:s25+s21], $0x80, $0x38;
	[tilespmem:$0x17C00] =	vst v63  }
0x102: {  	_ =	swait.ge [sflag:s29], $0x80  }
0x103: {  	[sflag:s29] =	ssyncset.done $0x0  }
0x104: {  	s7 =	simm.s32 @!p1 $0x3;
	[sflag:s29] =	ssyncadd.s32 $0xFFFFFF80  }
0x105: {  	[spmem:s3] =	stream.indirect.scatter.add.f32 [tilespmem:s28], [sflag:$0x2], $0x80, s1, s31, $0xb8;
	[tilespmem:$0x17C00] =	vst v63  }
0x106: {  	_ =	swait.ge @!p1 [sflag:s7], $0x4000  }
0x107: {  	[sflag:s7] =	ssyncset.done @!p1 $0x0  }
0x108: {  	s26 =	sadd.s32 $0x0, s19;
	[sflag:s7] =	ssyncadd.s32 @!p1 $0xFFFFC000  }
0x109: {  	[tilespmem:s2], [sflag:$0x7] =	stream.linear.gather [hbm4b:s26+s21], $0x80, $0x38;
	[tilespmem:$0x17C00] =	vst v63  }
0x10a: {  	_ =	swait.ge [sflag:s29], $0x80  }
0x10b: {  	[sflag:s29] =	ssyncset.done $0x0  }
0x10c: {  	s7 =	simm.s32 @!p1 $0x4;
	[sflag:s29] =	ssyncadd.s32 $0xFFFFFF80  }
0x10d: {  	[spmem:s3] =	stream.indirect.scatter.add.f32 [tilespmem:s28], [sflag:$0x3], $0x80, s2, s31, $0xb8;
	[tilespmem:$0x17C00] =	vst v63  }
0x10e: {  	_ =	swait.ge @!p1 [sflag:s7], $0x4000  }
0x10f: {  	[sflag:s7] =	ssyncset.done @!p1 $0x0  }
0x110: {  	s9 =	sadd.s32 $0x0, s18;
	[sflag:s7] =	ssyncadd.s32 @!p1 $0xFFFFC000  }
0x111: {  	[tilespmem:s0], [sflag:$0x7] =	stream.linear.gather [hbm4b:s9+s21], $0x80, $0x38;
	[tilespmem:$0x17C00] =	vst v63  }
0x112: {  	_ =	swait.ge [sflag:s29], $0x80  }
0x113: {  	[sflag:s29] =	ssyncset.done $0x0  }
0x114: {  	s7 =	simm.s32 @!p1 $0x5;
	[sflag:s29] =	ssyncadd.s32 $0xFFFFFF80  }
0x115: {  	[spmem:s3] =	stream.indirect.scatter.add.f32 [tilespmem:s28], [sflag:$0x4], $0x80, s0, s31, $0xb8;
	[tilespmem:$0x17C00] =	vst v63  }
0x116: {  	_ =	swait.ge @!p1 [sflag:s7], $0x4000  }
0x117: {  	[sflag:s7] =	ssyncset.done @!p1 $0x0  }
0x118: {  	s25 =	sadd.s32 $0x0, s17;
	[sflag:s7] =	ssyncadd.s32 @!p1 $0xFFFFC000  }
0x119: {  	[tilespmem:s4], [sflag:$0x7] =	stream.linear.gather [hbm4b:s25+s21], $0x80, $0x38;
	[tilespmem:$0x17C00] =	vst v63  }
0x11a: {  	_ =	swait.ge [sflag:s29], $0x80  }
0x11b: {  	[sflag:s29] =	ssyncset.done $0x0  }
0x11c: {  	s7 =	simm.s32 @!p1 $0x6;
	[sflag:s29] =	ssyncadd.s32 $0xFFFFFF80  }
0x11d: {  	[spmem:s3] =	stream.indirect.scatter.add.f32 [tilespmem:s28], [sflag:$0x5], $0x80, s4, s31, $0xb8;
	[tilespmem:$0x17C00] =	vst v63  }
0x11e: {  	_ =	swait.ge @!p1 [sflag:s7], $0x4000  }
0x11f: {  	[sflag:s7] =	ssyncset.done @!p1 $0x0  }
0x120: {  	s26 =	sadd.s32 $0x0, s16;
	[sflag:s7] =	ssyncadd.s32 @!p1 $0xFFFFC000  }
0x121: {  	[tilespmem:s5], [sflag:$0x7] =	stream.linear.gather [hbm4b:s26+s21], $0x80, $0x38;
	[tilespmem:$0x17C00] =	vst v63  }
0x122: {  	s9 =	simm.s32 $0x60;
	_ =	swait.ge [sflag:s29], $0x80  }
0x123: {  	s25 =	simm.s32 $0xC0;
	p1 =	por $0x0, $0x0;
	[sflag:s29] =	ssyncset.done $0x0  }
.LBB2_4:
0x124: {  	s7 =	simm.s32 @!p1 $0x1  }
0x125: {  	[sflag:s29] =	ssyncadd.s32 $0xFFFFFF80;
	s26 =	smov.u32 s25;
	s25 =	sadd.s32 $0x60, s25  }
0x126: {  	[spmem:s3] =	stream.indirect.scatter.add.f32 [tilespmem:s28], [sflag:$0x6], $0x80, s5, s31, $0xb8;
	[tilespmem:$0x17C00] =	vst v63  }
0x127: {  	p2 =	sne.s32 s25, $0x4E0;
	_ =	swait.ge @!p1 [sflag:s7], $0x4000  }
0x128: {  	[sflag:s7] =	ssyncset.done @!p1 $0x0  }
0x129: {  	[sflag:s7] =	ssyncadd.s32 @!p1 $0xFFFFC000;
	s7 =	sadd.s32 s9, s22  }
0x12a: {  	[tilespmem:s30], [sflag:$0x7] =	stream.linear.gather [hbm4b:s7+s21], $0x80, $0x38;
	[tilespmem:$0x17C00] =	vst v63  }
0x12b: {  	_ =	swait.ge [sflag:s29], $0x80  }
0x12c: {  	[sflag:s29] =	ssyncset.done $0x0  }
0x12d: {  	s7 =	simm.s32 @!p1 $0x2;
	[sflag:s29] =	ssyncadd.s32 $0xFFFFFF80  }
0x12e: {  	[spmem:s3] =	stream.indirect.scatter.add.f32 [tilespmem:s28], [sflag:$0x1], $0x80, s30, s31, $0xb8;
	[tilespmem:$0x17C00] =	vst v63  }
0x12f: {  	_ =	swait.ge @!p1 [sflag:s7], $0x4000  }
0x130: {  	[sflag:s7] =	ssyncset.done @!p1 $0x0  }
0x131: {  	[sflag:s7] =	ssyncadd.s32 @!p1 $0xFFFFC000;
	s7 =	sadd.s32 s9, s20  }
0x132: {  	[tilespmem:s1], [sflag:$0x7] =	stream.linear.gather [hbm4b:s7+s21], $0x80, $0x38;
	[tilespmem:$0x17C00] =	vst v63  }
0x133: {  	_ =	swait.ge [sflag:s29], $0x80  }
0x134: {  	[sflag:s29] =	ssyncset.done $0x0  }
0x135: {  	s7 =	simm.s32 @!p1 $0x3;
	[sflag:s29] =	ssyncadd.s32 $0xFFFFFF80  }
0x136: {  	[spmem:s3] =	stream.indirect.scatter.add.f32 [tilespmem:s28], [sflag:$0x2], $0x80, s1, s31, $0xb8;
	[tilespmem:$0x17C00] =	vst v63  }
0x137: {  	_ =	swait.ge @!p1 [sflag:s7], $0x4000  }
0x138: {  	[sflag:s7] =	ssyncset.done @!p1 $0x0  }
0x139: {  	[sflag:s7] =	ssyncadd.s32 @!p1 $0xFFFFC000;
	s7 =	sadd.s32 s9, s19  }
0x13a: {  	[tilespmem:s2], [sflag:$0x7] =	stream.linear.gather [hbm4b:s7+s21], $0x80, $0x38;
	[tilespmem:$0x17C00] =	vst v63  }
0x13b: {  	_ =	swait.ge [sflag:s29], $0x80  }
0x13c: {  	[sflag:s29] =	ssyncset.done $0x0  }
0x13d: {  	s7 =	simm.s32 @!p1 $0x4;
	[sflag:s29] =	ssyncadd.s32 $0xFFFFFF80  }
0x13e: {  	[spmem:s3] =	stream.indirect.scatter.add.f32 [tilespmem:s28], [sflag:$0x3], $0x80, s2, s31, $0xb8;
	[tilespmem:$0x17C00] =	vst v63  }
0x13f: {  	_ =	swait.ge @!p1 [sflag:s7], $0x4000  }
0x140: {  	[sflag:s7] =	ssyncset.done @!p1 $0x0  }
0x141: {  	[sflag:s7] =	ssyncadd.s32 @!p1 $0xFFFFC000;
	s7 =	sadd.s32 s9, s18  }
0x142: {  	[tilespmem:s0], [sflag:$0x7] =	stream.linear.gather [hbm4b:s7+s21], $0x80, $0x38;
	[tilespmem:$0x17C00] =	vst v63  }
0x143: {  	_ =	swait.ge [sflag:s29], $0x80  }
0x144: {  	[sflag:s29] =	ssyncset.done $0x0  }
0x145: {  	s7 =	simm.s32 @!p1 $0x5;
	[sflag:s29] =	ssyncadd.s32 $0xFFFFFF80  }
0x146: {  	[spmem:s3] =	stream.indirect.scatter.add.f32 [tilespmem:s28], [sflag:$0x4], $0x80, s0, s31, $0xb8;
	[tilespmem:$0x17C00] =	vst v63  }
0x147: {  	_ =	swait.ge @!p1 [sflag:s7], $0x4000  }
0x148: {  	[sflag:s7] =	ssyncset.done @!p1 $0x0  }
0x149: {  	[sflag:s7] =	ssyncadd.s32 @!p1 $0xFFFFC000;
	s7 =	sadd.s32 s9, s17  }
0x14a: {  	[tilespmem:s4], [sflag:$0x7] =	stream.linear.gather [hbm4b:s7+s21], $0x80, $0x38;
	[tilespmem:$0x17C00] =	vst v63  }
0x14b: {  	_ =	swait.ge [sflag:s29], $0x80  }
0x14c: {  	[sflag:s29] =	ssyncset.done $0x0  }
0x14d: {  	s7 =	simm.s32 @!p1 $0x6;
	[sflag:s29] =	ssyncadd.s32 $0xFFFFFF80  }
0x14e: {  	[spmem:s3] =	stream.indirect.scatter.add.f32 [tilespmem:s28], [sflag:$0x5], $0x80, s4, s31, $0xb8;
	[tilespmem:$0x17C00] =	vst v63  }
0x14f: {  	_ =	swait.ge @!p1 [sflag:s7], $0x4000  }
.Ltmp1:
0x150: {  	[sflag:s7] =	ssyncset.done @!p1 $0x0;
	(pc) =	sbr.rel @p2 .LBB2_4-.Ltmp1, $4  }
0x151: {  	[sflag:s7] =	ssyncadd.s32 @!p1 $0xFFFFC000;
	s7 =	sadd.s32 s9, s16;
	s9 =	smov.u32 s26  }
0x152: {  	[tilespmem:s5], [sflag:$0x7] =	stream.linear.gather [hbm4b:s7+s21], $0x80, $0x38;
	[tilespmem:$0x17C00] =	vst v63  }
0x153: {  	_ =	swait.ge [sflag:s29], $0x80  }
0x154: {  	p1 =	seq.s32 s9, $0x0;
	[sflag:s29] =	ssyncset.done $0x0  }
0x155: {  	s7 =	simm.s32 @!p1 $0x1;
	[sflag:s29] =	ssyncadd.s32 $0xFFFFFF80  }
0x156: {  	[spmem:s3] =	stream.indirect.scatter.add.f32 [tilespmem:s28], [sflag:$0x6], $0x80, s5, s31, $0xb8;
	[tilespmem:$0x17C00] =	vst v63  }
0x157: {  	_ =	swait.ge @!p1 [sflag:s7], $0x4000  }
0x158: {  	[sflag:s7] =	ssyncset.done @!p1 $0x0  }
0x159: {  	s25 =	sadd.s32 s9, s22;
	[sflag:s7] =	ssyncadd.s32 @!p1 $0xFFFFC000  }
0x15a: {  	[tilespmem:s30], [sflag:$0x7] =	stream.linear.gather [hbm4b:s25+s21], $0x80, $0x38;
	[tilespmem:$0x17C00] =	vst v63  }
0x15b: {  	_ =	swait.ge [sflag:s29], $0x80  }
0x15c: {  	[sflag:s29] =	ssyncset.done $0x0  }
0x15d: {  	s7 =	simm.s32 @!p1 $0x2;
	[sflag:s29] =	ssyncadd.s32 $0xFFFFFF80  }
0x15e: {  	[spmem:s3] =	stream.indirect.scatter.add.f32 [tilespmem:s28], [sflag:$0x1], $0x80, s30, s31, $0xb8;
	[tilespmem:$0x17C00] =	vst v63  }
0x15f: {  	_ =	swait.ge @!p1 [sflag:s7], $0x4000  }
0x160: {  	[sflag:s7] =	ssyncset.done @!p1 $0x0  }
0x161: {  	s26 =	sadd.s32 s9, s20;
	[sflag:s7] =	ssyncadd.s32 @!p1 $0xFFFFC000  }
0x162: {  	[tilespmem:s1], [sflag:$0x7] =	stream.linear.gather [hbm4b:s26+s21], $0x80, $0x38;
	[tilespmem:$0x17C00] =	vst v63  }
0x163: {  	_ =	swait.ge [sflag:s29], $0x80  }
0x164: {  	[sflag:s29] =	ssyncset.done $0x0  }
0x165: {  	s7 =	simm.s32 @!p1 $0x3;
	[sflag:s29] =	ssyncadd.s32 $0xFFFFFF80  }
0x166: {  	[spmem:s3] =	stream.indirect.scatter.add.f32 [tilespmem:s28], [sflag:$0x2], $0x80, s1, s31, $0xb8;
	[tilespmem:$0x17C00] =	vst v63  }
0x167: {  	_ =	swait.ge @!p1 [sflag:s7], $0x4000  }
0x168: {  	[sflag:s7] =	ssyncset.done @!p1 $0x0  }
0x169: {  	s25 =	sadd.s32 s9, s19;
	[sflag:s7] =	ssyncadd.s32 @!p1 $0xFFFFC000  }
0x16a: {  	[tilespmem:s2], [sflag:$0x7] =	stream.linear.gather [hbm4b:s25+s21], $0x80, $0x38;
	[tilespmem:$0x17C00] =	vst v63  }
0x16b: {  	_ =	swait.ge [sflag:s29], $0x80  }
0x16c: {  	[sflag:s29] =	ssyncset.done $0x0  }
0x16d: {  	s7 =	simm.s32 @!p1 $0x4;
	[sflag:s29] =	ssyncadd.s32 $0xFFFFFF80  }
0x16e: {  	[spmem:s3] =	stream.indirect.scatter.add.f32 [tilespmem:s28], [sflag:$0x3], $0x80, s2, s31, $0xb8;
	[tilespmem:$0x17C00] =	vst v63  }
0x16f: {  	_ =	swait.ge @!p1 [sflag:s7], $0x4000  }
0x170: {  	[sflag:s7] =	ssyncset.done @!p1 $0x0  }
0x171: {  	s26 =	sadd.s32 s9, s18;
	[sflag:s7] =	ssyncadd.s32 @!p1 $0xFFFFC000  }
0x172: {  	[tilespmem:s0], [sflag:$0x7] =	stream.linear.gather [hbm4b:s26+s21], $0x80, $0x38;
	[tilespmem:$0x17C00] =	vst v63  }
0x173: {  	_ =	swait.ge [sflag:s29], $0x80  }
0x174: {  	[sflag:s29] =	ssyncset.done $0x0  }
0x175: {  	s7 =	simm.s32 @!p1 $0x5;
	[sflag:s29] =	ssyncadd.s32 $0xFFFFFF80  }
0x176: {  	[spmem:s3] =	stream.indirect.scatter.add.f32 [tilespmem:s28], [sflag:$0x4], $0x80, s0, s31, $0xb8;
	[tilespmem:$0x17C00] =	vst v63  }
0x177: {  	_ =	swait.ge @!p1 [sflag:s7], $0x4000  }
0x178: {  	[sflag:s7] =	ssyncset.done @!p1 $0x0  }
0x179: {  	s25 =	sadd.s32 s9, s17;
	[sflag:s7] =	ssyncadd.s32 @!p1 $0xFFFFC000  }
0x17a: {  	[tilespmem:s4], [sflag:$0x7] =	stream.linear.gather [hbm4b:s25+s21], $0x80, $0x38;
	[tilespmem:$0x17C00] =	vst v63  }
0x17b: {  	_ =	swait.ge [sflag:s29], $0x80  }
0x17c: {  	[sflag:s29] =	ssyncset.done $0x0  }
0x17d: {  	s7 =	simm.s32 @!p1 $0x6;
	[sflag:s29] =	ssyncadd.s32 $0xFFFFFF80  }
0x17e: {  	[spmem:s3] =	stream.indirect.scatter.add.f32 [tilespmem:s28], [sflag:$0x5], $0x80, s4, s31, $0xb8;
	[tilespmem:$0x17C00] =	vst v63  }
0x17f: {  	_ =	swait.ge @!p1 [sflag:s7], $0x4000  }
0x180: {  	[sflag:s7] =	ssyncset.done @!p1 $0x0  }
0x181: {  	s26 =	sadd.s32 s9, s16;
	[sflag:s7] =	ssyncadd.s32 @!p1 $0xFFFFC000  }
0x182: {  	[tilespmem:s5], [sflag:$0x7] =	stream.linear.gather [hbm4b:s26+s21], $0x80, $0x38;
	[tilespmem:$0x17C00] =	vst v63  }
0x183: {  	_ =	swait.ge [sflag:s29], $0x80  }
0x184: {  	[sflag:s29] =	ssyncset.done $0x0  }
0x185: {  	s9 =	simm.s32 $0x1;
	[sflag:s29] =	ssyncadd.s32 $0xFFFFFF80  }
0x186: {  	[spmem:s3] =	stream.indirect.scatter.add.f32 [tilespmem:s28], [sflag:$0x6], $0x80, s5, s31, $0xb8;
	[tilespmem:$0x17C00] =	vst v63  }
0x187: {  	_ =	swait.ge [sflag:s9], $0x4000  }
0x188: {  	[sflag:s9] =	ssyncset.done $0x0  }
0x189: {  	s25 =	simm.s32 $0x2;
	[sflag:s9] =	ssyncadd.s32 $0xFFFFC000  }
0x18a: {  	_ =	swait.ge [sflag:s25], $0x4000  }
0x18b: {  	[sflag:s25] =	ssyncset.done $0x0  }
0x18c: {  	s26 =	simm.s32 $0x3;
	[sflag:s25] =	ssyncadd.s32 $0xFFFFC000  }
0x18d: {  	_ =	swait.ge [sflag:s26], $0x4000  }
0x18e: {  	[sflag:s26] =	ssyncset.done $0x0  }
0x18f: {  	s9 =	simm.s32 $0x4;
	[sflag:s26] =	ssyncadd.s32 $0xFFFFC000  }
0x190: {  	_ =	swait.ge [sflag:s9], $0x4000  }
0x191: {  	[sflag:s9] =	ssyncset.done $0x0  }
0x192: {  	s25 =	simm.s32 $0x5;
	[sflag:s9] =	ssyncadd.s32 $0xFFFFC000  }
0x193: {  	_ =	swait.ge [sflag:s25], $0x4000  }
0x194: {  	[sflag:s25] =	ssyncset.done $0x0  }
0x195: {  	s26 =	simm.s32 $0x6;
	[sflag:s25] =	ssyncadd.s32 $0xFFFFC000  }
0x196: {  	_ =	swait.ge [sflag:s26], $0x4000  }
0x197: {  	[sflag:s26] =	ssyncset.done $0x0  }
0x198: {  	s25 =	simm.s32 $0x17B80;
	s9 =	rddreg [dreg:$0x7];
	[sflag:s26] =	ssyncadd.s32 $0xFFFFC000  }
0x199: {  	[tilespmem:s25], [sflag:$0x7] =	stream.linear.gather [hbm4b:s9+s21], $0x10, $0x38;
	[tilespmem:$0x17C00] =	vst v63  }
0x19a: {  	_ =	swait.ge [sflag:s29], $0x10  }
0x19b: {  	[sflag:s29] =	ssyncset.done $0x0  }
0x19c: {  	s26 =	simm.s32 $0x10;
	[sflag:s29] =	ssyncadd.s32 $0xFFFFFFF0  }
0x19d: {  	[spmem:s3] =	stream.indirect.scatter.add.f32 [tilespmem:s28], [sflag:$0x7], $0x80, s25, s26, $0xb8;
	[tilespmem:$0x17C00] =	vst v63  }
0x19e: {  	_ =	swait.ge [sflag:s29], $0x800  }
0x19f: {  	[sflag:s29] =	ssyncset.done $0x0  }
0x1a0: {  	[sflag:s29] =	ssyncadd.s32 $0xFFFFF800  }
0x1a1: {  	[bflag:$0x0] =	sbarrier.arrive $0xFFFF  }
0x1a2: {  	s9 =	rddreg [dreg:$0x8]  }
0x1a3: {  	s25 =	rddreg [dreg:$0xd]  }
0x1a4: {  	[hbm:s9], [sflag:s6] =	dma.local [spmem:s25], $0x2700  }
0x1a5: {  	_ =	swait.ge [sflag:s29], $0x2700  }
0x1a6: {  	[sflag:s29] =	ssyncset.done $0x0  }
0x1a7: {  	s7 =	rddreg [dreg:$0x9];
	[sflag:s29] =	ssyncadd.s32 $0xFFFFD900  }
0x1a8: {  	[hbm:s7], [sflag:s6] =	dma.local @!p0 [spmem:s8], $0x100  }
0x1a9: {  	s6 =	simm.s32 @!p0 $0x7  }
0x1aa: {  	_ =	swait.ge @!p0 [sflag:s6], $0x100  }
0x1ab: {  	s24 =	sadd.s32 $0x1, s24;
	s26 =	rddreg [dreg:$0xb]  }
0x1ac: {  	p1 =	sne.s32 s24, s26  }
.Ltmp2:
0x1ad: {  	_ = 	snop;
	(pc) =	sbr.rel @p1 .LBB2_1-.Ltmp2, $3  }
0x1ae: {  	[sflag:s6] =	ssyncset.done @!p0 $0x0  }
0x1af: {  	[sflag:s6] =	ssyncadd.s32 @!p0 $0xFFFFFF00  }
0x1b0: {  	[bflag:$0x0] =	sbarrier.arrive $0xFFFF;
	_ =	sdelay $0x1  }
0x1b1: {  	_ =	sfence.sel $0x180000  }
0x1b2: {  	[bflag:$0x0] =	sbarrier.arrive $0xFFFF  }
0x1b3: {  	_ =	strace $0x90000047  }
0x1b4: {  	s0 =	stileid.u32;
	[bflag:$0x2] =	sbarrier.arrive $0xFFFF  }
0x1b5: {  	p0 =	sne.s32 s0, $0x0;
	s0 =	rddreg [dreg:$0x3]  }
0x1b6: {  	s0 =	sadd.s32 @!p0 $0x100000, s0  }
0x1b7: {  	[sflag:s0] =	ssyncadd.tile.s32 @!p0 $0x1;
	_ =	shalt  }
.Lfunc_end2:
_tile_overlayer_lowered:
.L_overlay_start_2:
0x1b8: {  	(tag) =	ssettag $0x2  }
0x1b9: {  	s0 =	rddreg [dreg:$0x0];
	s2 =	stileid.u32  }
0x1ba: {  	s1 =	rddreg [dreg:$0x1];
	p0 =	sne.s32 s2, $0x0  }
0x1bb: {  	s3 =	rddreg [dreg:$0x2];
	[bflag:$0x3] =	sbarrier.arrive $0xFFFF;
	s2 =	simm.s32 @!p0 $0x1C07  }
0x1bc: {  	[timem:s3], [sflag:s2] =	dma.local @!p0 [hbm:s0], s1  }
0x1bd: {  	s0 =	simm.s32 @!p0 $0x7  }
0x1be: {  	_ =	swait.ge @!p0 [sflag:s0], s1  }
0x1bf: {  	s1 =	ssub.s32 @!p0 $0x0, s1;
	[sflag:s0] =	ssyncset.done @!p0 $0x0  }
0x1c0: {  	[sflag:s0] =	ssyncadd.s32 @!p0 s1  }
0x1c1: {  	[bflag:$0x3] =	sbarrier.arrive $0xFFFF  }
0x1c2: {  	_ =	shalt  }

// kernel: kernel.18.cloned.1.call-start
scs
__scs_entry_jumppad:
0x0: {  	(pc) =	sbr.rel $0x88, $3  }
0x1: {  	(tag) =	ssettag $0x0;
	lr =	simm.s32 $0x1  }
0x2: {  	[smem:$0x3F99] =	sst lr;
	_ =	strace $0xD0000000  }
0x3: {  	_ = 	snop  }
0x4: {  	_ = 	snop  }
0x5: {  	_ = 	snop  }
0x6: {  	_ = 	snop  }
0x7: {  	_ = 	snop  }
__scs_overlays_trampoline_lowered:
0x8: {  	[smem:$0x3FA8] =	sst s0  }
0x9: {  	[smem:$0x3FA9] =	sst s1  }
0xa: {  	[smem:$0x3FAA] =	sst s2  }
0xb: {  	[smem:$0x3FAB] =	sst s3  }
0xc: {  	[smem:$0x3FAC] =	sst s4  }
0xd: {  	[smem:$0x3FAD] =	sst s5  }
0xe: {  	[smem:$0x3FAE] =	sst s6  }
0xf: {  	[smem:$0x3FAF] =	sst s7  }
0x10: {  	[smem:$0x3FB0] =	sst s8  }
0x11: {  	[smem:$0x3FB1] =	sst s9;
	s0 =	simm.s32 @!p0 $0x0  }
0x12: {  	s1 =	sld [smem:$0x3F97];
	s0 =	simm.s32 @p0 $0x1  }
0x13: {  	[smem:$0x3FB2] =	sst s0;
	s0 =	simm.s32 @!p1 $0x0  }
0x14: {  	s2 =	sld [smem:$0x3F96];
	s0 =	simm.s32 @p1 $0x1  }
0x15: {  	[smem:$0x3FB3] =	sst s0;
	s0 =	simm.s32 @!p2 $0x0  }
0x16: {  	s3 =	sld [smem:$0x3FDB];
	s0 =	simm.s32 @p2 $0x1  }
0x17: {  	s4 =	simm.s32 $0x1BF5;
	[smem:$0x3FB5] =	sst s0  }
0x18: {  	s0 =	sld [smem:$0x3F98];
	_ =	swait.ge [sflag:s4], $0x0  }
0x19: {  	s7 =	sld [smem:$0x3F99]  }
0x1a: {  	s8 =	sadd.s32 $0xFFFFE003, lr  }
0x1b: {  	s9 =	sadd.s32 $0xFFFFFEF7, lr;
	s5 =	simm.s32 $0xFFFFFFFF;
	p2 =	slt.u32 s8, $0xFFFFF086  }
0x1c: {  	p1 =	slt.u32 s9, $0xF7A;
	s5 =	simm.s32 @!p2 $0x0  }
0x1d: {  	s5 =	simm.s32 @p1 $0x1;
	p0 =	seq.s32 s7, s2  }
0x1e: {  	s7 =	smul.u32 @!p0 $0xF7A, s2;
	p2 =	seq.s32 @!p0 s5, $0x0  }
0x1f: {  	s9 =	smul.u32 $0xF7A, s1;
	s8 =	simm.s32 @!p0 $0x1BF5;
	p2 =	por !p2, p0  }
0x20: {  	[sflag:s8] =	ssyncset.s32 @!p0 $0xFFFFF086;
	s6 =	sadd.s32 @!p0 s3, s7;
	s7 =	simm.s32 @!p0 $0x108  }
0x21: {  	s3 =	sadd.s32 s3, s9;
	s6 =	sadd.s32 @!p0 $0x88, s6;
	s7 =	simm.s32 @p2 $0x1082  }
0x22: {  	[simem:s7], [sflag:s8] =	dma.local @!p0 [hbm:s6], $0xF7A  }
0x23: {  	s9 =	sor.u32 $0xD0000000, s2;
	s6 =	simm.s32 $0x108;
	_ =	swait.ge @!p0 [sflag:s8], $0x0  }
0x24: {  	s3 =	sadd.s32 $0x88, s3;
	s6 =	simm.s32 @!p1 $0x1082;
	[sflag:s4] =	ssyncset.s32 $0xFFFFF086  }
0x25: {  	[simem:s6], [sflag:s4] =	dma.local [hbm:s3], $0xF7A  }
0x26: {  	[smem:$0x3F99] =	sst s1;
	(tag) =	ssettag s2;
	_ =	strace s9  }
0x27: {  	s1 =	sld [smem:$0x3FA9]  }
0x28: {  	s2 =	sld [smem:$0x3FAA]  }
0x29: {  	s4 =	sld [smem:$0x3FAC]  }
0x2a: {  	p0 =	seq.s32 s5, $0x0;
	s5 =	sld [smem:$0x3FAD]  }
0x2b: {  	s6 =	sld [smem:$0x3FAE]  }
0x2c: {  	s7 =	sld [smem:$0x3FAF]  }
0x2d: {  	s3 =	simm.s32 $0x108;
	s8 =	sld [smem:$0x3FB0]  }
0x2e: {  	s3 =	simm.s32 @!p0 $0x1082;
	s9 =	sld [smem:$0x3FB1]  }
0x2f: {  	lr =	sadd.s32 s0, s3;
	s0 =	sld [smem:$0x3FA8]  }
0x30: {  	s3 =	sld [smem:$0x3FAB]  }
0x31: {  	[smem:$0x3FB4] =	sst s10  }
0x32: {  	s10 =	sld [smem:$0x3FB2];
	_ =	sdelay $0x3  }
0x33: {  	p0 =	seq.s32 s10, $0x1;
	s10 =	sld [smem:$0x3FB4];
	_ =	sdelay $0x3  }
0x34: {  	[smem:$0x3FB4] =	sst s10  }
0x35: {  	s10 =	sld [smem:$0x3FB3];
	_ =	sdelay $0x3  }
0x36: {  	p1 =	seq.s32 s10, $0x1;
	s10 =	sld [smem:$0x3FB4];
	_ =	sdelay $0x3  }
0x37: {  	[smem:$0x3FB4] =	sst s10  }
0x38: {  	s10 =	sld [smem:$0x3FB5]  }
0x39: {  	_ = 	snop;
	(pc) =	sbr.ind lr, $3  }
0x3a: {  	_ = 	snop  }
0x3b: {  	_ = 	snop  }
0x3c: {  	p2 =	seq.s32 s10, $0x1;
	s10 =	sld [smem:$0x3FB4]  }
0x3d: {  	_ =	shalt  }
0x3e: {  	_ =	shalt  }
0x3f: {  	_ =	shalt  }
0x40: {  	_ =	shalt  }
0x41: {  	_ =	shalt  }
0x42: {  	_ =	shalt  }
0x43: {  	_ =	shalt  }
0x44: {  	_ =	shalt  }
0x45: {  	_ =	shalt  }
0x46: {  	_ =	shalt  }
0x47: {  	_ =	shalt  }
0x48: {  	_ =	shalt  }
0x49: {  	_ =	shalt  }
0x4a: {  	_ =	shalt  }
0x4b: {  	_ =	shalt  }
0x4c: {  	_ =	shalt  }
0x4d: {  	_ =	shalt  }
0x4e: {  	_ =	shalt  }
0x4f: {  	_ =	shalt  }
0x50: {  	_ =	shalt  }
0x51: {  	_ =	shalt  }
0x52: {  	_ =	shalt  }
0x53: {  	_ =	shalt  }
0x54: {  	_ =	shalt  }
0x55: {  	_ =	shalt  }
0x56: {  	_ =	shalt  }
0x57: {  	_ =	shalt  }
0x58: {  	_ =	shalt  }
0x59: {  	_ =	shalt  }
0x5a: {  	_ =	shalt  }
0x5b: {  	_ =	shalt  }
0x5c: {  	_ =	shalt  }
0x5d: {  	_ =	shalt  }
0x5e: {  	_ =	shalt  }
0x5f: {  	_ =	shalt  }
0x60: {  	_ =	shalt  }
0x61: {  	_ =	shalt  }
0x62: {  	_ =	shalt  }
0x63: {  	_ =	shalt  }
0x64: {  	_ =	shalt  }
0x65: {  	_ =	shalt  }
0x66: {  	_ =	shalt  }
0x67: {  	_ =	shalt  }
0x68: {  	_ =	shalt  }
0x69: {  	_ =	shalt  }
0x6a: {  	_ =	shalt  }
0x6b: {  	_ =	shalt  }
0x6c: {  	_ =	shalt  }
0x6d: {  	_ =	shalt  }
0x6e: {  	_ =	shalt  }
0x6f: {  	_ =	shalt  }
0x70: {  	_ =	shalt  }
0x71: {  	_ =	shalt  }
0x72: {  	_ =	shalt  }
0x73: {  	_ =	shalt  }
0x74: {  	_ =	shalt  }
0x75: {  	_ =	shalt  }
0x76: {  	_ =	shalt  }
0x77: {  	_ =	shalt  }
0x78: {  	_ =	shalt  }
0x79: {  	_ =	shalt  }
0x7a: {  	_ =	shalt  }
0x7b: {  	_ =	shalt  }
0x7c: {  	_ =	shalt  }
0x7d: {  	_ =	shalt  }
0x7e: {  	_ =	shalt  }
0x7f: {  	_ =	shalt  }
0x80: {  	_ =	shalt  }
0x81: {  	_ =	shalt  }
0x82: {  	_ =	shalt  }
0x83: {  	_ =	shalt  }
0x84: {  	_ =	shalt  }
0x85: {  	_ =	shalt  }
0x86: {  	_ =	shalt  }
0x87: {  	_ =	shalt  }
.Lfunc_end0:
.L_simem_size_0:
called_computation.1_lowered:
.L_overlay_start_0:
0x88: {  	s2 =	sld [smem:$0x3FD9]  }
0x89: {  	s3 =	sld [smem:$0x3FFE];
	_ =	sdelay $0x1  }
0x8a: {  	s1 =	srdreg.scid  }
0x8b: {  	s0 =	sand.u32 $0x1, s1  }
0x8c: {  	s15 =	sshll.u32 s0, $0xA;
	s2 =	sadd.s32 s3, s2  }
0x8d: {  	s2 =	sadd.s32 s2, s15  }
0x8e: {  	[smem:$0x3FC0] =	sst s2  }
0x8f: {  	_ = 	snop  }
0x90: {  	s2 =	sld [smem:$0x3FD0];
	_ =	sdelay $0x2  }
0x91: {  	s16 =	simm.s32 $0xB;
	s4 =	simm.s32 $0x10  }
0x92: {  	[smem:s4], [sflag:s16] =	dma.local [hbm:s2], $0x1  }
0x93: {  	_ =	swait.eq [sflag:s16], $0x1  }
0x94: {  	[sflag:s16] =	ssyncset.done $0x0  }
0x95: {  	[sflag:s16] =	ssyncadd.s32 $0xFFFFFFFF  }
0x96: {  	s17 =	sld [smem:$0x11];
	(tm) =	ssettm $0x1  }
0x97: {  	s18 =	sld [smem:$0x3FFB];
	_ =	sdelay $0x3  }
0x98: {  	_ =	strace s18  }
0x99: {  	s2 =	sld [smem:$0x3FFC];
	_ =	sdelay $0x3  }
0x9a: {  	_ =	strace s2  }
0x9b: {  	s2 =	sld [smem:$0x3FFD];
	_ =	sdelay $0x3  }
0x9c: {  	_ =	strace s2  }
0x9d: {  	_ =	strace $0x8FFFFFFF  }
0x9e: {  	s19 =	sld [smem:$0x3FDB];
	_ =	sdelay $0x1  }
0x9f: {  	s20 =	simm.s32 $_scs_section_size  }
0xa0: {  	s5 =	simm.s32 $_size__tile_overlayer_lowered;
	s6 =	simm.s32 $_tile_overlayer_lowered  }
0xa1: {  	s7 =	simm.s32 $0x1BFF;
	s21 =	sshll.u32 s6, $0x1;
	s4 =	sadd.s32 s20, s19  }
0xa2: {  	s22 =	simm.s32 $0x0;
	s5 =	sshll.u32 s5, $0x1;
	s6 =	sadd.s32 s21, s4  }
0xa3: {  	[timem:s22], [sflag:s7] =	dma.local [hbm:s6], s5  }
0xa4: {  	_ =	swait.ge [sflag:s7], s5  }
0xa5: {  	s5 =	ssub.s32 $0x0, s5;
	[sflag:s7] =	ssyncset.done $0x0  }
0xa6: {  	[sflag:s7] =	ssyncadd.s32 s5;
	_ =	sdelay $0x1  }
0xa7: {  	s23 =	simm.s32 $0x1B8B  }
0xa8: {  	_ =	swait.ge [sflag:s23], $0x1  }
0xa9: {  	[sflag:s23] =	ssyncset.done $0x0  }
0xaa: {  	[sflag:s23] =	ssyncadd.s32 $0xFFFFFFFF  }
0xab: {  	s5 =	sld [smem:$0x0]  }
0xac: {  	s6 =	sand.u32 $0xFFFFFFFE, s1  }
0xad: {  	p0 =	sne.s32 s1, s6  }
0xae: {  	s6 =	sshll.u32 @p0 s6, $0xE  }
0xaf: {  	s6 =	sadd.s32 @p0 $0x11B8D, s6;
	s7 =	sshll.u32 @p0 s5, $0x11  }
0xb0: {  	s6 =	sor.u32 @p0 s7, s6  }
0xb1: {  	[sflag:s6] =	ssyncadd.remote.s32 @p0 $0x1;
	_ =	sdelay $0x1  }
0xb2: {  	s6 =	simm.s32 @p0 $0x1B8D  }
0xb3: {  	_ =	swait.eq @p0 [sflag:s6], $0x1  }
0xb4: {  	[sflag:s6] =	ssyncadd.s32 @p0 $0xFFFFFFFF  }
0xb5: {  	s7 =	sshll.u32 @!p0 s1, $0xE  }
0xb6: {  	s7 =	sor.u32 @!p0 $0x4000, s7;
	s6 =	simm.s32 @!p0 $0x1B8D  }
0xb7: {  	s5 =	sshll.u32 @!p0 s5, $0x11;
	s7 =	sadd.s32 @!p0 $0x11B8D, s7;
	_ =	swait.eq @!p0 [sflag:s6], $0x1  }
0xb8: {  	s5 =	sor.u32 @!p0 s5, s7;
	[sflag:s6] =	ssyncadd.s32 @!p0 $0xFFFFFFFF  }
0xb9: {  	s25 =	simm.s32 $0x1B8E;
	s24 =	sld [smem:$0x3FFE];
	[sflag:s5] =	ssyncadd.remote.s32 @!p0 $0x1  }
0xba: {  	s26 =	simm.s32 $execute0_lowered;
	[smem:$0x3FD2] =	sst s25  }
0xbb: {  	s6 =	sshll.u32 s26, $0x1;
	_ =	strace $0x8000004C;
	[dreg:$0x1] =	wrdreg $0xFFFFFFFF  }
0xbc: {  	s28 =	simm.s32 $_size_execute0_lowered;
	s4 =	sadd.s32 s4, s6;
	[dreg:$0x0] =	wrdreg $0x0  }
0xbd: {  	s6 =	sshll.u32 s28, $0x1;
	[dreg:$0x2] =	wrdreg s4  }
0xbe: {  	[dreg:$0x3] =	wrdreg s6  }
0xbf: {  	[dreg:$0x4] =	wrdreg $0xC0  }
0xc0: {  	_ =	task [dreg:s22], $0x5FFFF  }
0xc1: {  	[dreg:$0x1] =	wrdreg $0xFFFFFFFF  }
0xc2: {  	[dreg:$0x0] =	wrdreg $0x60  }
0xc3: {  	[dreg:$0x2] =	wrdreg s17  }
0xc4: {  	[dreg:$0x3] =	wrdreg s24  }
0xc5: {  	[dreg:$0x4] =	wrdreg $0x0  }
0xc6: {  	[dreg:$0x5] =	wrdreg $0x9  }
0xc7: {  	_ =	task.clear_ibuf [dreg:s22], $0x6FFFF;
	_ =	strace $0x9000004C  }
0xc8: {  	s29 =	simm.s32 $0x9;
	_ =	strace $0x8000004E  }
0xc9: {  	_ =	swait.ge [sflag:s29], $0x1  }
0xca: {  	[sflag:s29] =	ssyncadd.s32 $0xFFFFFFFF  }
0xcb: {  	_ =	strace $0x9000004E  }
0xcc: {  	_ =	sfence  }
0xcd: {  	s30 =	sld [smem:$0x0];
	_ =	sdelay $0x2  }
0xce: {  	s31 =	sshll.u32 s1, $0xD;
	s1 =	sshrl.u32 s1, $0x2  }
0xcf: {  	s4 =	sand.u32 $0x4000, s31;
	s1 =	sadd.s32 s1, s30  }
0xd0: {  	s0 =	sor.u32 s4, s0;
	s1 =	sshll.u32 s1, $0x11  }
0xd1: {  	s0 =	sor.u32 s1, s0  }
0xd2: {  	s0 =	sadd.s32 $0x8F2B, s0  }
0xd3: {  	[sflag:s0] =	ssyncadd.remote.s32 $0x1  }
0xd4: {  	_ =	sfence.sel $0xFFFF  }
0xd5: {  	[dreg:$0x0] =	wrdreg $0xFFFFFFFF;
	(pc) =	sbr.abs _section_cstart, $3  }
0xd6: {  	[dreg:$0x1] =	wrdreg $0xFFFFFFFF  }
0xd7: {  	_ =	task.clear_ibuf [dreg:s22], $0x2FFFF;
	_ =	strace $0x9FFFFFFF  }
0xd8: {  	(tm) =	ssettm $0x7FFFFFFF  }
0xd9: {  	_ =	shalt  }
tec
execute0_lowered:
.L_overlay_start_1:
0x0: {  	(tag) =	ssettag $0x1  }
0x1: {  	s1 =	rddreg [dreg:$0x0]  }
0x2: {  	s0 =	rddreg [dreg:$0x1]  }
0x3: {  	s2 =	rddreg [dreg:$0x2];
	s3 =	simm.s32 $0x0;
	s7 =	srdreg.scid  }
0x4: {  	s18 =	stileid.u32;
	s28 =	simm.s32 $0x1BB00;
	s29 =	simm.s32 $0x1BB80  }
0x5: {  	s30 =	simm.s32 $0x1;
	s31 =	simm.s32 $0x2;
	[smem:$0x7FF] =	sst s3  }
0x6: {  	s4 =	sadd.s32 $0x6000, s0;
	s6 =	sadd.s32 $0xFE00, s0;
	s9 =	smul.u32 $0x2700, s18  }
0x7: {  	s5 =	sadd.s32 $0x19C00, s0;
	s8 =	sand.u32 $0x1, s7;
	s11 =	smul.u32 $0x4E000, s18  }
0x8: {  	s24 =	sshll.u32 s18, $0x1;
	s0 =	sadd.s32 $0xB8A00, s0;
	s16 =	smul.u32 $0x4E20, s18  }
0x9: {  	s15 =	sshll.u32 s18, $0x6;
	p0 =	sne.s32 s18, $0xF;
	s26 =	smul.u32 $0x27100, s8  }
0xa: {  	s18 =	simm.s32 $0x8;
	_ =	strace $0x8000004D;
	s14 =	smul.u32 $0x2710, s8  }
0xb: {  	s10 =	ssub.s32 $0x2, s8;
	s7 =	sor.u32 s8, s24;
	s8 =	smul.u32 $0x138800, s8  }
0xc: {  	s12 =	sshrl.u32 s10, $0x1;
	s13 =	smul.u32 $0x2710, s7;
	s25 =	sshrl.u32 s11, $0x2  }
0xd: {  	s10 =	ssub.s32 s10, s12;
	s7 =	sadd.s32 s25, s2;
	s12 =	sadd.s32 s14, s16  }
0xe: {  	s9 =	sadd.s32 s9, s26;
	s8 =	sshrl.u32 s8, $0x3;
	[dreg:$0x6] =	wrdreg s7  }
0xf: {  	s7 =	sor.u32 $0x1C08, s15;
	s13 =	sshrl.u32 s13, $0x3;
	s15 =	sadd.s32 $0x138000, s2  }
0x10: {  	s19 =	sadd.s32 $0x100, s12;
	s9 =	sadd.s32 s0, s9;
	s0 =	sadd.s32 s0, s8  }
0x11: {  	s21 =	smax.u32 s10, $0x1;
	s24 =	sadd.s32 $0x80, s12;
	[dreg:$0x7] =	wrdreg s15  }
0x12: {  	s26 =	sshrl.u32 s12, $0x3;
	s13 =	sadd.s32 $0x4E0, s13;
	[dreg:$0xa] =	wrdreg s9  }
0x13: {  	s20 =	sshrl.u32 s19, $0x3;
	s0 =	sadd.s32 $0x27000, s0;
	[dreg:$0xc] =	wrdreg s21  }
0x14: {  	s25 =	sshrl.u32 s24, $0x3;
	s16 =	sadd.s32 s26, s6;
	s19 =	simm.s32 $0x13880  }
0x15: {  	s21 =	simm.s32 $0x80;
	s24 =	simm.s32 $0x17A00;
	s17 =	sadd.s32 s4, s13  }
0x16: {  	s13 =	sadd.s32 s6, s13;
	[dreg:$0xb] =	wrdreg s0;
	s22 =	sadd.s32 s20, s6  }
0x17: {  	s23 =	sadd.s32 s20, s4;
	s14 =	sadd.s32 s25, s6;
	[dreg:$0x8] =	wrdreg s17  }
0x18: {  	s15 =	sadd.s32 s25, s4;
	s20 =	simm.s32 $0x13900;
	[dreg:$0x9] =	wrdreg s13  }
0x19: {  	s25 =	simm.s32 $0x17A80;
	s0 =	simm.s32 $0x3;
	[dreg:$0x4] =	wrdreg s22  }
0x1a: {  	[dreg:$0x5] =	wrdreg s23;
	s17 =	sadd.s32 s26, s4;
	s22 =	simm.s32 $0x13980  }
0x1b: {  	s23 =	simm.s32 $0x17980;
	s26 =	simm.s32 $0x1BA80;
	s13 =	simm.s32 $0x0  }
.LBB2_1:
0x1c: {  	s4 =	rddreg [dreg:$0x6]  }
0x1d: {  	s9 =	sshrl.u32 s4, $0x3  }
0x1e: {  	[spmem:s9], [sflag:s7] =	dma.local [hbm:s5], $0x2700  }
0x1f: {  	_ =	swait.ge [sflag:s18], $0x2700  }
0x20: {  	[sflag:s18] =	ssyncset.done $0x0;
	s4 =	rddreg [dreg:$0x7]  }
0x21: {  	[sflag:s18] =	ssyncadd.s32 $0xFFFFD900;
	s10 =	sshrl.u32 @!p0 s4, $0x3;
	s4 =	simm.s32 @!p0 $0x8  }
0x22: {  	[spmem:s10], [sflag:s7] =	dma.local @!p0 [hbm:s5], $0x100  }
0x23: {  	_ =	swait.ge @!p0 [sflag:s4], $0x100  }
0x24: {  	[sflag:s4] =	ssyncset.done @!p0 $0x0  }
0x25: {  	p1 =	por $0x1, $0x1;
	[sflag:s4] =	ssyncadd.s32 @!p0 $0xFFFFFF00  }
0x26: {  	s4 =	simm.s32 @!p1 $0x4;
	[bflag:$0x0] =	sbarrier.arrive $0xFFFF  }
0x27: {  	_ =	swait.ge @!p1 [sflag:s4], $0x4000  }
0x28: {  	[sflag:s4] =	ssyncset.done @!p1 $0x0  }
0x29: {  	s11 =	sadd.s32 $0x0, s17;
	[sflag:s4] =	ssyncadd.s32 @!p1 $0xFFFFC000  }
0x2a: {  	[tilespmem:s19], [sflag:$0x8] =	stream.linear.gather [hbm4b:s11+s3], $0x80, $0x38;
	[tilespmem:$0x1FC80] =	vst v63  }
0x2b: {  	_ =	swait.ge [sflag:s18], $0x80  }
0x2c: {  	[sflag:s18] =	ssyncset.done $0x0  }
0x2d: {  	s12 =	sadd.s32 $0x0, s16;
	[sflag:s18] =	ssyncadd.s32 $0xFFFFFF80  }
0x2e: {  	[tilespmem:s20], [sflag:$0x8] =	stream.linear.gather [hbm4b:s12+s3], $0x80, $0x38;
	[tilespmem:$0x1FC80] =	vst v63  }
0x2f: {  	_ =	swait.ge [sflag:s18], $0x80  }
0x30: {  	[sflag:s18] =	ssyncset.done $0x0  }
0x31: {  	s4 =	simm.s32 @!p1 $0x5;
	[sflag:s18] =	ssyncadd.s32 $0xFFFFFF80  }
0x32: {  	[tilespmem:s22], [sflag:$0x1] =	stream.indirect.gather [hbm4b:s1+s21], $0x80, s19, s21, $0xb8;
	[tilespmem:$0x1FC80] =	vst v63  }
0x33: {  	_ =	swait.ge @!p1 [sflag:s4], $0x4000  }
0x34: {  	[sflag:s4] =	ssyncset.done @!p1 $0x0  }
0x35: {  	s6 =	sadd.s32 $0x0, s15;
	[sflag:s4] =	ssyncadd.s32 @!p1 $0xFFFFC000  }
0x36: {  	[tilespmem:s23], [sflag:$0x8] =	stream.linear.gather [hbm4b:s6+s3], $0x80, $0x38;
	[tilespmem:$0x1FC80] =	vst v63  }
0x37: {  	_ =	swait.ge [sflag:s18], $0x80  }
0x38: {  	[sflag:s18] =	ssyncset.done $0x0  }
0x39: {  	s8 =	sadd.s32 $0x0, s14;
	[sflag:s18] =	ssyncadd.s32 $0xFFFFFF80  }
0x3a: {  	[tilespmem:s24], [sflag:$0x8] =	stream.linear.gather [hbm4b:s8+s3], $0x80, $0x38;
	[tilespmem:$0x1FC80] =	vst v63  }
0x3b: {  	_ =	swait.ge [sflag:s18], $0x80  }
0x3c: {  	[sflag:s18] =	ssyncset.done $0x0  }
0x3d: {  	s4 =	simm.s32 @!p1 $0x6;
	[sflag:s18] =	ssyncadd.s32 $0xFFFFFF80  }
0x3e: {  	[tilespmem:s25], [sflag:$0x2] =	stream.indirect.gather [hbm4b:s1+s21], $0x80, s23, s21, $0xb8;
	[tilespmem:$0x1FC80] =	vst v63  }
0x3f: {  	_ =	swait.ge @!p1 [sflag:s4], $0x4000  }
0x40: {  	s6 =	rddreg [dreg:$0x5];
	[sflag:s4] =	ssyncset.done @!p1 $0x0  }
0x41: {  	[sflag:s4] =	ssyncadd.s32 @!p1 $0xFFFFC000;
	s11 =	sadd.s32 $0x0, s6  }
0x42: {  	[tilespmem:s26], [sflag:$0x8] =	stream.linear.gather [hbm4b:s11+s3], $0x80, $0x38;
	[tilespmem:$0x1FC80] =	vst v63  }
0x43: {  	_ =	swait.ge [sflag:s18], $0x80  }
0x44: {  	s12 =	rddreg [dreg:$0x4];
	[sflag:s18] =	ssyncset.done $0x0  }
0x45: {  	[sflag:s18] =	ssyncadd.s32 $0xFFFFFF80;
	s4 =	sadd.s32 $0x0, s12  }
0x46: {  	[tilespmem:s28], [sflag:$0x8] =	stream.linear.gather [hbm4b:s4+s3], $0x80, $0x38;
	[tilespmem:$0x1FC80] =	vst v63  }
0x47: {  	_ =	swait.ge [sflag:s18], $0x80  }
0x48: {  	[sflag:s18] =	ssyncset.done $0x0  }
0x49: {  	[sflag:s18] =	ssyncadd.s32 $0xFFFFFF80  }
0x4a: {  	[tilespmem:s29], [sflag:$0x3] =	stream.indirect.gather [hbm4b:s1+s21], $0x80, s26, s21, $0xb8;
	[tilespmem:$0x1FC80] =	vst v63  }
0x4b: {  	_ =	swait.ge [sflag:s30], $0x4000  }
0x4c: {  	[sflag:s30] =	ssyncset.done $0x0  }
0x4d: {  	[sflag:s30] =	ssyncadd.s32 $0xFFFFC000  }
0x4e: {  	[spmem:s2] =	stream.indirect.scatter.add.f32 [tilespmem:s22], [sflag:$0x4], $0x80, s20, s21, $0xb8;
	[tilespmem:$0x1FC80] =	vst v63  }
0x4f: {  	_ =	swait.ge [sflag:s31], $0x4000  }
0x50: {  	[sflag:s31] =	ssyncset.done $0x0  }
0x51: {  	[sflag:s31] =	ssyncadd.s32 $0xFFFFC000  }
0x52: {  	[spmem:s2] =	stream.indirect.scatter.add.f32 [tilespmem:s25], [sflag:$0x5], $0x80, s24, s21, $0xb8;
	[tilespmem:$0x1FC80] =	vst v63  }
0x53: {  	p1 =	por $0x0, $0x0;
	_ =	swait.ge [sflag:s0], $0x4000  }
0x54: {  	s11 =	simm.s32 $0x30;
	s4 =	simm.s32 $0x60;
	[sflag:s0] =	ssyncset.done $0x0  }
.LBB2_2:
0x55: {  	s8 =	simm.s32 @!p1 $0x4;
	[sflag:s0] =	ssyncadd.s32 $0xFFFFC000  }
0x56: {  	[spmem:s2] =	stream.indirect.scatter.add.f32 [tilespmem:s29], [sflag:$0x6], $0x80, s28, s21, $0xb8;
	[tilespmem:$0x1FC80] =	vst v63  }
0x57: {  	_ =	swait.ge @!p1 [sflag:s8], $0x4000  }
0x58: {  	[sflag:s8] =	ssyncset.done @!p1 $0x0  }
0x59: {  	s12 =	sadd.s32 s11, s17;
	[sflag:s8] =	ssyncadd.s32 @!p1 $0xFFFFC000  }
0x5a: {  	[tilespmem:s19], [sflag:$0x8] =	stream.linear.gather [hbm4b:s12+s3], $0x80, $0x38;
	[tilespmem:$0x1FC80] =	vst v63  }
0x5b: {  	_ =	swait.ge [sflag:s18], $0x80  }
0x5c: {  	[sflag:s18] =	ssyncset.done $0x0  }
0x5d: {  	s12 =	sadd.s32 s11, s16;
	[sflag:s18] =	ssyncadd.s32 $0xFFFFFF80  }
0x5e: {  	[tilespmem:s20], [sflag:$0x8] =	stream.linear.gather [hbm4b:s12+s3], $0x80, $0x38;
	[tilespmem:$0x1FC80] =	vst v63  }
0x5f: {  	_ =	swait.ge [sflag:s18], $0x80  }
0x60: {  	[sflag:s18] =	ssyncset.done $0x0  }
0x61: {  	s8 =	simm.s32 @!p1 $0x5;
	[sflag:s18] =	ssyncadd.s32 $0xFFFFFF80  }
0x62: {  	[tilespmem:s22], [sflag:$0x1] =	stream.indirect.gather [hbm4b:s1+s21], $0x80, s19, s21, $0xb8;
	[tilespmem:$0x1FC80] =	vst v63  }
0x63: {  	_ =	swait.ge @!p1 [sflag:s8], $0x4000  }
0x64: {  	[sflag:s8] =	ssyncset.done @!p1 $0x0  }
0x65: {  	s12 =	sadd.s32 s11, s15;
	[sflag:s8] =	ssyncadd.s32 @!p1 $0xFFFFC000  }
0x66: {  	[tilespmem:s23], [sflag:$0x8] =	stream.linear.gather [hbm4b:s12+s3], $0x80, $0x38;
	[tilespmem:$0x1FC80] =	vst v63  }
0x67: {  	_ =	swait.ge [sflag:s18], $0x80  }
0x68: {  	[sflag:s18] =	ssyncset.done $0x0  }
0x69: {  	s12 =	sadd.s32 s11, s14;
	[sflag:s18] =	ssyncadd.s32 $0xFFFFFF80  }
0x6a: {  	[tilespmem:s24], [sflag:$0x8] =	stream.linear.gather [hbm4b:s12+s3], $0x80, $0x38;
	[tilespmem:$0x1FC80] =	vst v63  }
0x6b: {  	_ =	swait.ge [sflag:s18], $0x80  }
0x6c: {  	[sflag:s18] =	ssyncset.done $0x0  }
0x6d: {  	s8 =	simm.s32 @!p1 $0x6;
	[sflag:s18] =	ssyncadd.s32 $0xFFFFFF80  }
0x6e: {  	[tilespmem:s25], [sflag:$0x2] =	stream.indirect.gather [hbm4b:s1+s21], $0x80, s23, s21, $0xb8;
	[tilespmem:$0x1FC80] =	vst v63  }
0x6f: {  	_ =	swait.ge @!p1 [sflag:s8], $0x4000  }
0x70: {  	[sflag:s8] =	ssyncset.done @!p1 $0x0;
	s12 =	rddreg [dreg:$0x5]  }
0x71: {  	[sflag:s8] =	ssyncadd.s32 @!p1 $0xFFFFC000;
	s12 =	sadd.s32 s11, s12  }
0x72: {  	[tilespmem:s26], [sflag:$0x8] =	stream.linear.gather [hbm4b:s12+s3], $0x80, $0x38;
	[tilespmem:$0x1FC80] =	vst v63  }
0x73: {  	_ =	swait.ge [sflag:s18], $0x80  }
0x74: {  	s12 =	rddreg [dreg:$0x4];
	[sflag:s18] =	ssyncset.done $0x0  }
0x75: {  	[sflag:s18] =	ssyncadd.s32 $0xFFFFFF80;
	s8 =	sadd.s32 s11, s12  }
0x76: {  	[tilespmem:s28], [sflag:$0x8] =	stream.linear.gather [hbm4b:s8+s3], $0x80, $0x38;
	[tilespmem:$0x1FC80] =	vst v63  }
0x77: {  	_ =	swait.ge [sflag:s18], $0x80  }
0x78: {  	[sflag:s18] =	ssyncset.done $0x0  }
0x79: {  	[sflag:s18] =	ssyncadd.s32 $0xFFFFFF80  }
0x7a: {  	[tilespmem:s29], [sflag:$0x3] =	stream.indirect.gather [hbm4b:s1+s21], $0x80, s26, s21, $0xb8;
	[tilespmem:$0x1FC80] =	vst v63  }
0x7b: {  	_ =	swait.ge [sflag:s30], $0x4000  }
0x7c: {  	[sflag:s30] =	ssyncset.done $0x0  }
0x7d: {  	s6 =	smov.u32 s4;
	s4 =	sadd.s32 $0x30, s4;
	[sflag:s30] =	ssyncadd.s32 $0xFFFFC000  }
0x7e: {  	[spmem:s2] =	stream.indirect.scatter.add.f32 [tilespmem:s22], [sflag:$0x4], $0x80, s20, s21, $0xb8;
	[tilespmem:$0x1FC80] =	vst v63  }
0x7f: {  	p2 =	sne.s32 s4, $0x4E0;
	_ =	swait.ge [sflag:s31], $0x4000  }
.Ltmp0:
0x80: {  	[sflag:s31] =	ssyncset.done $0x0;
	(pc) =	sbr.rel @p2 .LBB2_2-.Ltmp0, $4  }
0x81: {  	[sflag:s31] =	ssyncadd.s32 $0xFFFFC000  }
0x82: {  	[spmem:s2] =	stream.indirect.scatter.add.f32 [tilespmem:s25], [sflag:$0x5], $0x80, s24, s21, $0xb8;
	[tilespmem:$0x1FC80] =	vst v63  }
0x83: {  	s11 =	smov.u32 s6;
	_ =	swait.ge [sflag:s0], $0x4000  }
0x84: {  	p1 =	seq.s32 s11, $0x0;
	[sflag:s0] =	ssyncset.done $0x0  }
0x85: {  	s4 =	simm.s32 @!p1 $0x4;
	[sflag:s0] =	ssyncadd.s32 $0xFFFFC000  }
0x86: {  	[spmem:s2] =	stream.indirect.scatter.add.f32 [tilespmem:s29], [sflag:$0x6], $0x80, s28, s21, $0xb8;
	[tilespmem:$0x1FC80] =	vst v63  }
0x87: {  	_ =	swait.ge @!p1 [sflag:s4], $0x4000  }
0x88: {  	[sflag:s4] =	ssyncset.done @!p1 $0x0  }
0x89: {  	s12 =	sadd.s32 s11, s17;
	[sflag:s4] =	ssyncadd.s32 @!p1 $0xFFFFC000  }
0x8a: {  	[tilespmem:s19], [sflag:$0x8] =	stream.linear.gather [hbm4b:s12+s3], $0x80, $0x38;
	[tilespmem:$0x1FC80] =	vst v63  }
0x8b: {  	_ =	swait.ge [sflag:s18], $0x80  }
0x8c: {  	[sflag:s18] =	ssyncset.done $0x0  }
0x8d: {  	s6 =	sadd.s32 s11, s16;
	[sflag:s18] =	ssyncadd.s32 $0xFFFFFF80  }
0x8e: {  	[tilespmem:s20], [sflag:$0x8] =	stream.linear.gather [hbm4b:s6+s3], $0x80, $0x38;
	[tilespmem:$0x1FC80] =	vst v63  }
0x8f: {  	_ =	swait.ge [sflag:s18], $0x80  }
0x90: {  	[sflag:s18] =	ssyncset.done $0x0  }
0x91: {  	s4 =	simm.s32 @!p1 $0x5;
	[sflag:s18] =	ssyncadd.s32 $0xFFFFFF80  }
0x92: {  	[tilespmem:s22], [sflag:$0x1] =	stream.indirect.gather [hbm4b:s1+s21], $0x80, s19, s21, $0xb8;
	[tilespmem:$0x1FC80] =	vst v63  }
0x93: {  	_ =	swait.ge @!p1 [sflag:s4], $0x4000  }
0x94: {  	[sflag:s4] =	ssyncset.done @!p1 $0x0  }
0x95: {  	s8 =	sadd.s32 s11, s15;
	[sflag:s4] =	ssyncadd.s32 @!p1 $0xFFFFC000  }
0x96: {  	[tilespmem:s23], [sflag:$0x8] =	stream.linear.gather [hbm4b:s8+s3], $0x80, $0x38;
	[tilespmem:$0x1FC80] =	vst v63  }
0x97: {  	_ =	swait.ge [sflag:s18], $0x80  }
0x98: {  	[sflag:s18] =	ssyncset.done $0x0  }
0x99: {  	s12 =	sadd.s32 s11, s14;
	[sflag:s18] =	ssyncadd.s32 $0xFFFFFF80  }
0x9a: {  	[tilespmem:s24], [sflag:$0x8] =	stream.linear.gather [hbm4b:s12+s3], $0x80, $0x38;
	[tilespmem:$0x1FC80] =	vst v63  }
0x9b: {  	_ =	swait.ge [sflag:s18], $0x80  }
0x9c: {  	[sflag:s18] =	ssyncset.done $0x0  }
0x9d: {  	s4 =	simm.s32 @!p1 $0x6;
	[sflag:s18] =	ssyncadd.s32 $0xFFFFFF80  }
0x9e: {  	[tilespmem:s25], [sflag:$0x2] =	stream.indirect.gather [hbm4b:s1+s21], $0x80, s23, s21, $0xb8;
	[tilespmem:$0x1FC80] =	vst v63  }
0x9f: {  	_ =	swait.ge @!p1 [sflag:s4], $0x4000  }
0xa0: {  	s6 =	rddreg [dreg:$0x5];
	[sflag:s4] =	ssyncset.done @!p1 $0x0  }
0xa1: {  	[sflag:s4] =	ssyncadd.s32 @!p1 $0xFFFFC000;
	s6 =	sadd.s32 s11, s6  }
0xa2: {  	[tilespmem:s26], [sflag:$0x8] =	stream.linear.gather [hbm4b:s6+s3], $0x80, $0x38;
	[tilespmem:$0x1FC80] =	vst v63  }
0xa3: {  	_ =	swait.ge [sflag:s18], $0x80  }
0xa4: {  	s8 =	rddreg [dreg:$0x4];
	[sflag:s18] =	ssyncset.done $0x0  }
0xa5: {  	s4 =	sadd.s32 s11, s8;
	[sflag:s18] =	ssyncadd.s32 $0xFFFFFF80  }
0xa6: {  	[tilespmem:s28], [sflag:$0x8] =	stream.linear.gather [hbm4b:s4+s3], $0x80, $0x38;
	[tilespmem:$0x1FC80] =	vst v63  }
0xa7: {  	_ =	swait.ge [sflag:s18], $0x80  }
0xa8: {  	[sflag:s18] =	ssyncset.done $0x0  }
0xa9: {  	[sflag:s18] =	ssyncadd.s32 $0xFFFFFF80  }
0xaa: {  	[tilespmem:s29], [sflag:$0x3] =	stream.indirect.gather [hbm4b:s1+s21], $0x80, s26, s21, $0xb8;
	[tilespmem:$0x1FC80] =	vst v63  }
0xab: {  	_ =	swait.ge [sflag:s30], $0x4000  }
0xac: {  	[sflag:s30] =	ssyncset.done $0x0  }
0xad: {  	[sflag:s30] =	ssyncadd.s32 $0xFFFFC000  }
0xae: {  	[spmem:s2] =	stream.indirect.scatter.add.f32 [tilespmem:s22], [sflag:$0x4], $0x80, s20, s21, $0xb8;
	[tilespmem:$0x1FC80] =	vst v63  }
0xaf: {  	_ =	swait.ge [sflag:s31], $0x4000  }
0xb0: {  	[sflag:s31] =	ssyncset.done $0x0  }
0xb1: {  	[sflag:s31] =	ssyncadd.s32 $0xFFFFC000  }
0xb2: {  	[spmem:s2] =	stream.indirect.scatter.add.f32 [tilespmem:s25], [sflag:$0x5], $0x80, s24, s21, $0xb8;
	[tilespmem:$0x1FC80] =	vst v63  }
0xb3: {  	_ =	swait.ge [sflag:s0], $0x4000  }
0xb4: {  	[sflag:s0] =	ssyncset.done $0x0  }
0xb5: {  	s12 =	simm.s32 $0x4;
	[sflag:s0] =	ssyncadd.s32 $0xFFFFC000  }
0xb6: {  	[spmem:s2] =	stream.indirect.scatter.add.f32 [tilespmem:s29], [sflag:$0x6], $0x80, s28, s21, $0xb8;
	[tilespmem:$0x1FC80] =	vst v63  }
0xb7: {  	_ =	swait.ge [sflag:s12], $0x4000  }
0xb8: {  	[sflag:s12] =	ssyncset.done $0x0  }
0xb9: {  	s6 =	simm.s32 $0x5;
	[sflag:s12] =	ssyncadd.s32 $0xFFFFC000  }
0xba: {  	_ =	swait.ge [sflag:s6], $0x4000  }
0xbb: {  	[sflag:s6] =	ssyncset.done $0x0  }
0xbc: {  	s8 =	simm.s32 $0x6;
	[sflag:s6] =	ssyncadd.s32 $0xFFFFC000  }
0xbd: {  	_ =	swait.ge [sflag:s8], $0x4000  }
0xbe: {  	[sflag:s8] =	ssyncset.done $0x0  }
0xbf: {  	s6 =	simm.s32 $0x1FB80;
	s11 =	rddreg [dreg:$0x8];
	[sflag:s8] =	ssyncadd.s32 $0xFFFFC000  }
0xc0: {  	[tilespmem:s6], [sflag:$0x8] =	stream.linear.gather [hbm4b:s11+s3], $0x10, $0x38;
	[tilespmem:$0x1FC80] =	vst v63  }
0xc1: {  	_ =	swait.ge [sflag:s18], $0x10  }
0xc2: {  	[sflag:s18] =	ssyncset.done $0x0  }
0xc3: {  	s8 =	simm.s32 $0x1FC00;
	s12 =	rddreg [dreg:$0x9];
	[sflag:s18] =	ssyncadd.s32 $0xFFFFFFF0  }
0xc4: {  	[tilespmem:s8], [sflag:$0x8] =	stream.linear.gather [hbm4b:s12+s3], $0x10, $0x38;
	[tilespmem:$0x1FC80] =	vst v63  }
0xc5: {  	_ =	swait.ge [sflag:s18], $0x10  }
0xc6: {  	[sflag:s18] =	ssyncset.done $0x0  }
0xc7: {  	s11 =	simm.s32 $0x10;
	s12 =	simm.s32 $0x7;
	[sflag:s18] =	ssyncadd.s32 $0xFFFFFFF0  }
0xc8: {  	[tilespmem:s22], [sflag:$0x7] =	stream.indirect.gather [hbm4b:s1+s11], $0x80, s6, s11, $0xb8;
	[tilespmem:$0x1FC80] =	vst v63  }
0xc9: {  	_ =	swait.ge [sflag:s12], $0x800  }
0xca: {  	[sflag:s12] =	ssyncset.done $0x0  }
0xcb: {  	[sflag:s12] =	ssyncadd.s32 $0xFFFFF800  }
0xcc: {  	[spmem:s2] =	stream.indirect.scatter.add.f32 [tilespmem:s22], [sflag:$0x8], $0x80, s8, s11, $0xb8;
	[tilespmem:$0x1FC80] =	vst v63  }
0xcd: {  	_ =	swait.ge [sflag:s18], $0x800  }
0xce: {  	[sflag:s18] =	ssyncset.done $0x0  }
0xcf: {  	[sflag:s18] =	ssyncadd.s32 $0xFFFFF800  }
0xd0: {  	[bflag:$0x0] =	sbarrier.arrive $0xFFFF  }
0xd1: {  	s11 =	rddreg [dreg:$0xa]  }
0xd2: {  	[hbm:s11], [sflag:s7] =	dma.local [spmem:s9], $0x2700  }
0xd3: {  	_ =	swait.ge [sflag:s18], $0x2700  }
0xd4: {  	[sflag:s18] =	ssyncset.done $0x0  }
0xd5: {  	s4 =	rddreg [dreg:$0xb];
	[sflag:s18] =	ssyncadd.s32 $0xFFFFD900  }
0xd6: {  	[hbm:s4], [sflag:s7] =	dma.local @!p0 [spmem:s10], $0x100  }
0xd7: {  	s4 =	simm.s32 @!p0 $0x8  }
0xd8: {  	_ =	swait.ge @!p0 [sflag:s4], $0x100  }
0xd9: {  	s13 =	sadd.s32 $0x1, s13;
	s12 =	rddreg [dreg:$0xc]  }
0xda: {  	p1 =	sne.s32 s13, s12  }
.Ltmp1:
0xdb: {  	_ = 	snop;
	(pc) =	sbr.rel @p1 .LBB2_1-.Ltmp1, $3  }
0xdc: {  	_ =	sdelay $0x1  }
0xdd: {  	[sflag:s4] =	ssyncset.done @!p0 $0x0  }
0xde: {  	[sflag:s4] =	ssyncadd.s32 @!p0 $0xFFFFFF00  }
0xdf: {  	_ =	sfence.sel $0x180000  }
0xe0: {  	[bflag:$0x0] =	sbarrier.arrive $0xFFFF  }
0xe1: {  	_ =	strace $0x9000004D  }
0xe2: {  	s0 =	stileid.u32;
	[bflag:$0x2] =	sbarrier.arrive $0xFFFF  }
0xe3: {  	p0 =	sne.s32 s0, $0x0;
	s0 =	rddreg [dreg:$0x3]  }
0xe4: {  	s0 =	sadd.s32 @!p0 $0x100000, s0  }
0xe5: {  	[sflag:s0] =	ssyncadd.tile.s32 @!p0 $0x1;
	_ =	shalt  }
.Lfunc_end2:
_tile_overlayer_lowered:
.L_overlay_start_2:
0xe6: {  	(tag) =	ssettag $0x2  }
0xe7: {  	s0 =	rddreg [dreg:$0x0];
	s2 =	stileid.u32  }
0xe8: {  	s1 =	rddreg [dreg:$0x1];
	p0 =	sne.s32 s2, $0x0  }
0xe9: {  	s3 =	rddreg [dreg:$0x2];
	[bflag:$0x3] =	sbarrier.arrive $0xFFFF;
	s2 =	simm.s32 @!p0 $0x1C08  }
0xea: {  	[timem:s3], [sflag:s2] =	dma.local @!p0 [hbm:s0], s1  }
0xeb: {  	s0 =	simm.s32 @!p0 $0x8  }
0xec: {  	_ =	swait.ge @!p0 [sflag:s0], s1  }
0xed: {  	s1 =	ssub.s32 @!p0 $0x0, s1;
	[sflag:s0] =	ssyncset.done @!p0 $0x0  }
0xee: {  	[sflag:s0] =	ssyncadd.s32 @!p0 s1  }
0xef: {  	[bflag:$0x3] =	sbarrier.arrive $0xFFFF  }
0xf0: {  	_ =	shalt  }

// kernel: kernel.21.cloned.1.call-start
scs
__scs_entry_jumppad:
0x0: {  	(pc) =	sbr.rel $0x88, $3  }
0x1: {  	(tag) =	ssettag $0x0;
	lr =	simm.s32 $0x1  }
0x2: {  	[smem:$0x3F99] =	sst lr;
	_ =	strace $0xD0000000  }
0x3: {  	_ = 	snop  }
0x4: {  	_ = 	snop  }
0x5: {  	_ = 	snop  }
0x6: {  	_ = 	snop  }
0x7: {  	_ = 	snop  }
__scs_overlays_trampoline_lowered:
0x8: {  	[smem:$0x3FA8] =	sst s0  }
0x9: {  	[smem:$0x3FA9] =	sst s1  }
0xa: {  	[smem:$0x3FAA] =	sst s2  }
0xb: {  	[smem:$0x3FAB] =	sst s3  }
0xc: {  	[smem:$0x3FAC] =	sst s4  }
0xd: {  	[smem:$0x3FAD] =	sst s5  }
0xe: {  	[smem:$0x3FAE] =	sst s6  }
0xf: {  	[smem:$0x3FAF] =	sst s7  }
0x10: {  	[smem:$0x3FB0] =	sst s8  }
0x11: {  	[smem:$0x3FB1] =	sst s9;
	s0 =	simm.s32 @!p0 $0x0  }
0x12: {  	s1 =	sld [smem:$0x3F97];
	s0 =	simm.s32 @p0 $0x1  }
0x13: {  	[smem:$0x3FB2] =	sst s0;
	s0 =	simm.s32 @!p1 $0x0  }
0x14: {  	s2 =	sld [smem:$0x3F96];
	s0 =	simm.s32 @p1 $0x1  }
0x15: {  	[smem:$0x3FB3] =	sst s0;
	s0 =	simm.s32 @!p2 $0x0  }
0x16: {  	s3 =	sld [smem:$0x3FDB];
	s0 =	simm.s32 @p2 $0x1  }
0x17: {  	s4 =	simm.s32 $0x1BF5;
	[smem:$0x3FB5] =	sst s0  }
0x18: {  	s0 =	sld [smem:$0x3F98];
	_ =	swait.ge [sflag:s4], $0x0  }
0x19: {  	s7 =	sld [smem:$0x3F99]  }
0x1a: {  	s8 =	sadd.s32 $0xFFFFE003, lr  }
0x1b: {  	s9 =	sadd.s32 $0xFFFFFEF7, lr;
	s5 =	simm.s32 $0xFFFFFFFF;
	p2 =	slt.u32 s8, $0xFFFFF086  }
0x1c: {  	p1 =	slt.u32 s9, $0xF7A;
	s5 =	simm.s32 @!p2 $0x0  }
0x1d: {  	s5 =	simm.s32 @p1 $0x1;
	p0 =	seq.s32 s7, s2  }
0x1e: {  	s7 =	smul.u32 @!p0 $0xF7A, s2;
	p2 =	seq.s32 @!p0 s5, $0x0  }
0x1f: {  	s9 =	smul.u32 $0xF7A, s1;
	s8 =	simm.s32 @!p0 $0x1BF5;
	p2 =	por !p2, p0  }
0x20: {  	[sflag:s8] =	ssyncset.s32 @!p0 $0xFFFFF086;
	s6 =	sadd.s32 @!p0 s3, s7;
	s7 =	simm.s32 @!p0 $0x108  }
0x21: {  	s3 =	sadd.s32 s3, s9;
	s6 =	sadd.s32 @!p0 $0x88, s6;
	s7 =	simm.s32 @p2 $0x1082  }
0x22: {  	[simem:s7], [sflag:s8] =	dma.local @!p0 [hbm:s6], $0xF7A  }
0x23: {  	s9 =	sor.u32 $0xD0000000, s2;
	s6 =	simm.s32 $0x108;
	_ =	swait.ge @!p0 [sflag:s8], $0x0  }
0x24: {  	s3 =	sadd.s32 $0x88, s3;
	s6 =	simm.s32 @!p1 $0x1082;
	[sflag:s4] =	ssyncset.s32 $0xFFFFF086  }
0x25: {  	[simem:s6], [sflag:s4] =	dma.local [hbm:s3], $0xF7A  }
0x26: {  	[smem:$0x3F99] =	sst s1;
	(tag) =	ssettag s2;
	_ =	strace s9  }
0x27: {  	s1 =	sld [smem:$0x3FA9]  }
0x28: {  	s2 =	sld [smem:$0x3FAA]  }
0x29: {  	s4 =	sld [smem:$0x3FAC]  }
0x2a: {  	p0 =	seq.s32 s5, $0x0;
	s5 =	sld [smem:$0x3FAD]  }
0x2b: {  	s6 =	sld [smem:$0x3FAE]  }
0x2c: {  	s7 =	sld [smem:$0x3FAF]  }
0x2d: {  	s3 =	simm.s32 $0x108;
	s8 =	sld [smem:$0x3FB0]  }
0x2e: {  	s3 =	simm.s32 @!p0 $0x1082;
	s9 =	sld [smem:$0x3FB1]  }
0x2f: {  	lr =	sadd.s32 s0, s3;
	s0 =	sld [smem:$0x3FA8]  }
0x30: {  	s3 =	sld [smem:$0x3FAB]  }
0x31: {  	[smem:$0x3FB4] =	sst s10  }
0x32: {  	s10 =	sld [smem:$0x3FB2];
	_ =	sdelay $0x3  }
0x33: {  	p0 =	seq.s32 s10, $0x1;
	s10 =	sld [smem:$0x3FB4];
	_ =	sdelay $0x3  }
0x34: {  	[smem:$0x3FB4] =	sst s10  }
0x35: {  	s10 =	sld [smem:$0x3FB3];
	_ =	sdelay $0x3  }
0x36: {  	p1 =	seq.s32 s10, $0x1;
	s10 =	sld [smem:$0x3FB4];
	_ =	sdelay $0x3  }
0x37: {  	[smem:$0x3FB4] =	sst s10  }
0x38: {  	s10 =	sld [smem:$0x3FB5]  }
0x39: {  	_ = 	snop;
	(pc) =	sbr.ind lr, $3  }
0x3a: {  	_ = 	snop  }
0x3b: {  	_ = 	snop  }
0x3c: {  	p2 =	seq.s32 s10, $0x1;
	s10 =	sld [smem:$0x3FB4]  }
0x3d: {  	_ =	shalt  }
0x3e: {  	_ =	shalt  }
0x3f: {  	_ =	shalt  }
0x40: {  	_ =	shalt  }
0x41: {  	_ =	shalt  }
0x42: {  	_ =	shalt  }
0x43: {  	_ =	shalt  }
0x44: {  	_ =	shalt  }
0x45: {  	_ =	shalt  }
0x46: {  	_ =	shalt  }
0x47: {  	_ =	shalt  }
0x48: {  	_ =	shalt  }
0x49: {  	_ =	shalt  }
0x4a: {  	_ =	shalt  }
0x4b: {  	_ =	shalt  }
0x4c: {  	_ =	shalt  }
0x4d: {  	_ =	shalt  }
0x4e: {  	_ =	shalt  }
0x4f: {  	_ =	shalt  }
0x50: {  	_ =	shalt  }
0x51: {  	_ =	shalt  }
0x52: {  	_ =	shalt  }
0x53: {  	_ =	shalt  }
0x54: {  	_ =	shalt  }
0x55: {  	_ =	shalt  }
0x56: {  	_ =	shalt  }
0x57: {  	_ =	shalt  }
0x58: {  	_ =	shalt  }
0x59: {  	_ =	shalt  }
0x5a: {  	_ =	shalt  }
0x5b: {  	_ =	shalt  }
0x5c: {  	_ =	shalt  }
0x5d: {  	_ =	shalt  }
0x5e: {  	_ =	shalt  }
0x5f: {  	_ =	shalt  }
0x60: {  	_ =	shalt  }
0x61: {  	_ =	shalt  }
0x62: {  	_ =	shalt  }
0x63: {  	_ =	shalt  }
0x64: {  	_ =	shalt  }
0x65: {  	_ =	shalt  }
0x66: {  	_ =	shalt  }
0x67: {  	_ =	shalt  }
0x68: {  	_ =	shalt  }
0x69: {  	_ =	shalt  }
0x6a: {  	_ =	shalt  }
0x6b: {  	_ =	shalt  }
0x6c: {  	_ =	shalt  }
0x6d: {  	_ =	shalt  }
0x6e: {  	_ =	shalt  }
0x6f: {  	_ =	shalt  }
0x70: {  	_ =	shalt  }
0x71: {  	_ =	shalt  }
0x72: {  	_ =	shalt  }
0x73: {  	_ =	shalt  }
0x74: {  	_ =	shalt  }
0x75: {  	_ =	shalt  }
0x76: {  	_ =	shalt  }
0x77: {  	_ =	shalt  }
0x78: {  	_ =	shalt  }
0x79: {  	_ =	shalt  }
0x7a: {  	_ =	shalt  }
0x7b: {  	_ =	shalt  }
0x7c: {  	_ =	shalt  }
0x7d: {  	_ =	shalt  }
0x7e: {  	_ =	shalt  }
0x7f: {  	_ =	shalt  }
0x80: {  	_ =	shalt  }
0x81: {  	_ =	shalt  }
0x82: {  	_ =	shalt  }
0x83: {  	_ =	shalt  }
0x84: {  	_ =	shalt  }
0x85: {  	_ =	shalt  }
0x86: {  	_ =	shalt  }
0x87: {  	_ =	shalt  }
.Lfunc_end0:
.L_simem_size_0:
called_computation.2_lowered:
.L_overlay_start_0:
0x88: {  	s2 =	sld [smem:$0x3FD9]  }
0x89: {  	s3 =	sld [smem:$0x3FFE];
	_ =	sdelay $0x1  }
0x8a: {  	s1 =	srdreg.scid  }
0x8b: {  	s0 =	sand.u32 $0x1, s1  }
0x8c: {  	s14 =	sshll.u32 s0, $0xA;
	s2 =	sadd.s32 s3, s2  }
0x8d: {  	s2 =	sadd.s32 s2, s14  }
0x8e: {  	[smem:$0x3FC0] =	sst s2  }
0x8f: {  	_ = 	snop  }
0x90: {  	s2 =	sld [smem:$0x3FD0];
	_ =	sdelay $0x2  }
0x91: {  	s15 =	simm.s32 $0xB;
	s4 =	simm.s32 $0x10  }
0x92: {  	[smem:s4], [sflag:s15] =	dma.local [hbm:s2], $0x1  }
0x93: {  	_ =	swait.eq [sflag:s15], $0x1  }
0x94: {  	[sflag:s15] =	ssyncset.done $0x0  }
0x95: {  	[sflag:s15] =	ssyncadd.s32 $0xFFFFFFFF  }
0x96: {  	s16 =	sld [smem:$0x10];
	(tm) =	ssettm $0x1  }
0x97: {  	s17 =	sld [smem:$0x3FFB];
	_ =	sdelay $0x3  }
0x98: {  	_ =	strace s17  }
0x99: {  	s3 =	sld [smem:$0x3FFC];
	_ =	sdelay $0x3  }
0x9a: {  	_ =	strace s3  }
0x9b: {  	s3 =	sld [smem:$0x3FFD];
	_ =	sdelay $0x3  }
0x9c: {  	_ =	strace s3  }
0x9d: {  	_ =	strace $0x8FFFFFFF  }
0x9e: {  	s18 =	sld [smem:$0x3FDB];
	_ =	sdelay $0x1  }
0x9f: {  	s19 =	simm.s32 $_scs_section_size  }
0xa0: {  	s5 =	simm.s32 $_size__tile_overlayer_lowered;
	s6 =	simm.s32 $_tile_overlayer_lowered  }
0xa1: {  	s22 =	simm.s32 $0x1BFF;
	s21 =	sshll.u32 s6, $0x1;
	s3 =	sadd.s32 s19, s18  }
0xa2: {  	s7 =	simm.s32 $0x0;
	s20 =	sshll.u32 s5, $0x1;
	s5 =	sadd.s32 s21, s3  }
0xa3: {  	[timem:s7], [sflag:s22] =	dma.local [hbm:s5], s20  }
0xa4: {  	_ =	swait.ge [sflag:s22], s20  }
0xa5: {  	s4 =	ssub.s32 $0x0, s20;
	[sflag:s22] =	ssyncset.done $0x0  }
0xa6: {  	[sflag:s22] =	ssyncadd.s32 s4;
	_ =	sdelay $0x1  }
0xa7: {  	s23 =	simm.s32 $0x1B8B  }
0xa8: {  	_ =	swait.ge [sflag:s23], $0x1  }
0xa9: {  	[sflag:s23] =	ssyncset.done $0x0  }
0xaa: {  	s25 =	simm.s32 $0x1B8E;
	s24 =	sld [smem:$0x3FFE];
	[sflag:s23] =	ssyncadd.s32 $0xFFFFFFFF  }
0xab: {  	s26 =	simm.s32 $execute0_lowered;
	[smem:$0x3FD2] =	sst s25  }
0xac: {  	s5 =	sshll.u32 s26, $0x1;
	_ =	strace $0x80000049;
	[dreg:$0x1] =	wrdreg $0xFFFFFFFF  }
0xad: {  	s28 =	simm.s32 $_size_execute0_lowered;
	s3 =	sadd.s32 s3, s5;
	[dreg:$0x0] =	wrdreg $0x0  }
0xae: {  	s5 =	sshll.u32 s28, $0x1;
	[dreg:$0x2] =	wrdreg s3  }
0xaf: {  	[dreg:$0x3] =	wrdreg s5  }
0xb0: {  	[dreg:$0x4] =	wrdreg $0xC0  }
0xb1: {  	_ =	task [dreg:s7], $0x5FFFF  }
0xb2: {  	[dreg:$0x1] =	wrdreg $0xFFFFFFFF  }
0xb3: {  	[dreg:$0x0] =	wrdreg $0x60  }
0xb4: {  	[dreg:$0x2] =	wrdreg s16  }
0xb5: {  	[dreg:$0x3] =	wrdreg s24  }
0xb6: {  	[dreg:$0x4] =	wrdreg $0x0  }
0xb7: {  	[dreg:$0x5] =	wrdreg $0xA  }
0xb8: {  	_ =	task.clear_ibuf [dreg:s7], $0x6FFFF;
	_ =	strace $0x90000049  }
0xb9: {  	s29 =	simm.s32 $0xA;
	_ =	strace $0x8000004B  }
0xba: {  	_ =	swait.ge [sflag:s29], $0x1  }
0xbb: {  	[sflag:s29] =	ssyncadd.s32 $0xFFFFFFFF  }
0xbc: {  	_ =	strace $0x9000004B  }
0xbd: {  	_ =	sfence  }
0xbe: {  	s30 =	sld [smem:$0x0];
	_ =	sdelay $0x2  }
0xbf: {  	s31 =	sshll.u32 s1, $0xD;
	s1 =	sshrl.u32 s1, $0x2  }
0xc0: {  	s3 =	sand.u32 $0x4000, s31;
	s1 =	sadd.s32 s1, s30  }
0xc1: {  	s0 =	sor.u32 s3, s0;
	s1 =	sshll.u32 s1, $0x11  }
0xc2: {  	s0 =	sor.u32 s1, s0  }
0xc3: {  	s0 =	sadd.s32 $0x8F2B, s0  }
0xc4: {  	[sflag:s0] =	ssyncadd.remote.s32 $0x1  }
0xc5: {  	_ =	sfence.sel $0xFFFF  }
0xc6: {  	[dreg:$0x0] =	wrdreg $0xFFFFFFFF;
	(pc) =	sbr.abs _section_cstart, $3  }
0xc7: {  	[dreg:$0x1] =	wrdreg $0xFFFFFFFF  }
0xc8: {  	_ =	task.clear_ibuf [dreg:s7], $0x2FFFF;
	_ =	strace $0x9FFFFFFF  }
0xc9: {  	(tm) =	ssettm $0x7FFFFFFF  }
tec
execute0_lowered:
.L_overlay_start_1:
0x0: {  	(tag) =	ssettag $0x1  }
0x1: {  	s1 =	rddreg [dreg:$0x0]  }
0x2: {  	s0 =	rddreg [dreg:$0x1]  }
0x3: {  	s2 =	rddreg [dreg:$0x2];
	s3 =	simm.s32 $0x0;
	s7 =	srdreg.scid  }
0x4: {  	s18 =	stileid.u32;
	s28 =	simm.s32 $0x1BB00;
	s29 =	simm.s32 $0x1BB80  }
0x5: {  	s30 =	simm.s32 $0x1;
	s31 =	simm.s32 $0x2;
	[smem:$0x7FF] =	sst s3  }
0x6: {  	s4 =	sadd.s32 $0xFE00, s0;
	s6 =	sadd.s32 $0x6000, s0;
	s9 =	smul.u32 $0x2700, s18  }
0x7: {  	s5 =	sadd.s32 $0x19C00, s0;
	s8 =	sand.u32 $0x1, s7;
	s11 =	smul.u32 $0x4E000, s18  }
0x8: {  	s24 =	sshll.u32 s18, $0x1;
	s0 =	sadd.s32 $0x6A800, s0;
	s16 =	smul.u32 $0x4E20, s18  }
0x9: {  	s15 =	sshll.u32 s18, $0x6;
	p0 =	sne.s32 s18, $0xF;
	s26 =	smul.u32 $0x27100, s8  }
0xa: {  	s18 =	simm.s32 $0x8;
	_ =	strace $0x8000004A;
	s14 =	smul.u32 $0x2710, s8  }
0xb: {  	s10 =	ssub.s32 $0x2, s8;
	s7 =	sor.u32 s8, s24;
	s8 =	smul.u32 $0x138800, s8  }
0xc: {  	s12 =	sshrl.u32 s10, $0x1;
	s13 =	smul.u32 $0x2710, s7;
	s25 =	sshrl.u32 s11, $0x2  }
0xd: {  	s10 =	ssub.s32 s10, s12;
	s7 =	sadd.s32 s25, s2;
	s12 =	sadd.s32 s14, s16  }
0xe: {  	s9 =	sadd.s32 s9, s26;
	s8 =	sshrl.u32 s8, $0x3;
	[dreg:$0x6] =	wrdreg s7  }
0xf: {  	s7 =	sor.u32 $0x1C08, s15;
	s13 =	sshrl.u32 s13, $0x3;
	s15 =	sadd.s32 $0x138000, s2  }
0x10: {  	s19 =	sadd.s32 $0x100, s12;
	s9 =	sadd.s32 s0, s9;
	s0 =	sadd.s32 s0, s8  }
0x11: {  	s21 =	smax.u32 s10, $0x1;
	s24 =	sadd.s32 $0x80, s12;
	[dreg:$0x7] =	wrdreg s15  }
0x12: {  	s26 =	sshrl.u32 s12, $0x3;
	s13 =	sadd.s32 $0x4E0, s13;
	[dreg:$0xa] =	wrdreg s9  }
0x13: {  	s20 =	sshrl.u32 s19, $0x3;
	s0 =	sadd.s32 $0x27000, s0;
	[dreg:$0xc] =	wrdreg s21  }
0x14: {  	s25 =	sshrl.u32 s24, $0x3;
	s16 =	sadd.s32 s26, s6;
	s19 =	simm.s32 $0x13880  }
0x15: {  	s21 =	simm.s32 $0x80;
	s24 =	simm.s32 $0x17A00;
	s17 =	sadd.s32 s4, s13  }
0x16: {  	s13 =	sadd.s32 s6, s13;
	[dreg:$0xb] =	wrdreg s0;
	s22 =	sadd.s32 s20, s6  }
0x17: {  	s23 =	sadd.s32 s20, s4;
	s14 =	sadd.s32 s25, s6;
	[dreg:$0x8] =	wrdreg s17  }
0x18: {  	s15 =	sadd.s32 s25, s4;
	s20 =	simm.s32 $0x13900;
	[dreg:$0x9] =	wrdreg s13  }
0x19: {  	s25 =	simm.s32 $0x17A80;
	s0 =	simm.s32 $0x3;
	[dreg:$0x4] =	wrdreg s22  }
0x1a: {  	[dreg:$0x5] =	wrdreg s23;
	s17 =	sadd.s32 s26, s4;
	s22 =	simm.s32 $0x13980  }
0x1b: {  	s23 =	simm.s32 $0x17980;
	s26 =	simm.s32 $0x1BA80;
	s13 =	simm.s32 $0x0  }
.LBB2_1:
0x1c: {  	s4 =	rddreg [dreg:$0x6]  }
0x1d: {  	s9 =	sshrl.u32 s4, $0x3  }
0x1e: {  	[spmem:s9], [sflag:s7] =	dma.local [hbm:s5], $0x2700  }
0x1f: {  	_ =	swait.ge [sflag:s18], $0x2700  }
0x20: {  	[sflag:s18] =	ssyncset.done $0x0;
	s4 =	rddreg [dreg:$0x7]  }
0x21: {  	[sflag:s18] =	ssyncadd.s32 $0xFFFFD900;
	s10 =	sshrl.u32 @!p0 s4, $0x3;
	s4 =	simm.s32 @!p0 $0x8  }
0x22: {  	[spmem:s10], [sflag:s7] =	dma.local @!p0 [hbm:s5], $0x100  }
0x23: {  	_ =	swait.ge @!p0 [sflag:s4], $0x100  }
0x24: {  	[sflag:s4] =	ssyncset.done @!p0 $0x0  }
0x25: {  	p1 =	por $0x1, $0x1;
	[sflag:s4] =	ssyncadd.s32 @!p0 $0xFFFFFF00  }
0x26: {  	s4 =	simm.s32 @!p1 $0x4;
	[bflag:$0x0] =	sbarrier.arrive $0xFFFF  }
0x27: {  	_ =	swait.ge @!p1 [sflag:s4], $0x4000  }
0x28: {  	[sflag:s4] =	ssyncset.done @!p1 $0x0  }
0x29: {  	s11 =	sadd.s32 $0x0, s17;
	[sflag:s4] =	ssyncadd.s32 @!p1 $0xFFFFC000  }
0x2a: {  	[tilespmem:s19], [sflag:$0x8] =	stream.linear.gather [hbm4b:s11+s3], $0x80, $0x38;
	[tilespmem:$0x1FC80] =	vst v63  }
0x2b: {  	_ =	swait.ge [sflag:s18], $0x80  }
0x2c: {  	[sflag:s18] =	ssyncset.done $0x0  }
0x2d: {  	s12 =	sadd.s32 $0x0, s16;
	[sflag:s18] =	ssyncadd.s32 $0xFFFFFF80  }
0x2e: {  	[tilespmem:s20], [sflag:$0x8] =	stream.linear.gather [hbm4b:s12+s3], $0x80, $0x38;
	[tilespmem:$0x1FC80] =	vst v63  }
0x2f: {  	_ =	swait.ge [sflag:s18], $0x80  }
0x30: {  	[sflag:s18] =	ssyncset.done $0x0  }
0x31: {  	s4 =	simm.s32 @!p1 $0x5;
	[sflag:s18] =	ssyncadd.s32 $0xFFFFFF80  }
0x32: {  	[tilespmem:s22], [sflag:$0x1] =	stream.indirect.gather [hbm4b:s1+s21], $0x80, s19, s21, $0xb8;
	[tilespmem:$0x1FC80] =	vst v63  }
0x33: {  	_ =	swait.ge @!p1 [sflag:s4], $0x4000  }
0x34: {  	[sflag:s4] =	ssyncset.done @!p1 $0x0  }
0x35: {  	s6 =	sadd.s32 $0x0, s15;
	[sflag:s4] =	ssyncadd.s32 @!p1 $0xFFFFC000  }
0x36: {  	[tilespmem:s23], [sflag:$0x8] =	stream.linear.gather [hbm4b:s6+s3], $0x80, $0x38;
	[tilespmem:$0x1FC80] =	vst v63  }
0x37: {  	_ =	swait.ge [sflag:s18], $0x80  }
0x38: {  	[sflag:s18] =	ssyncset.done $0x0  }
0x39: {  	s8 =	sadd.s32 $0x0, s14;
	[sflag:s18] =	ssyncadd.s32 $0xFFFFFF80  }
0x3a: {  	[tilespmem:s24], [sflag:$0x8] =	stream.linear.gather [hbm4b:s8+s3], $0x80, $0x38;
	[tilespmem:$0x1FC80] =	vst v63  }
0x3b: {  	_ =	swait.ge [sflag:s18], $0x80  }
0x3c: {  	[sflag:s18] =	ssyncset.done $0x0  }
0x3d: {  	s4 =	simm.s32 @!p1 $0x6;
	[sflag:s18] =	ssyncadd.s32 $0xFFFFFF80  }
0x3e: {  	[tilespmem:s25], [sflag:$0x2] =	stream.indirect.gather [hbm4b:s1+s21], $0x80, s23, s21, $0xb8;
	[tilespmem:$0x1FC80] =	vst v63  }
0x3f: {  	_ =	swait.ge @!p1 [sflag:s4], $0x4000  }
0x40: {  	s6 =	rddreg [dreg:$0x5];
	[sflag:s4] =	ssyncset.done @!p1 $0x0  }
0x41: {  	[sflag:s4] =	ssyncadd.s32 @!p1 $0xFFFFC000;
	s11 =	sadd.s32 $0x0, s6  }
0x42: {  	[tilespmem:s26], [sflag:$0x8] =	stream.linear.gather [hbm4b:s11+s3], $0x80, $0x38;
	[tilespmem:$0x1FC80] =	vst v63  }
0x43: {  	_ =	swait.ge [sflag:s18], $0x80  }
0x44: {  	s12 =	rddreg [dreg:$0x4];
	[sflag:s18] =	ssyncset.done $0x0  }
0x45: {  	[sflag:s18] =	ssyncadd.s32 $0xFFFFFF80;
	s4 =	sadd.s32 $0x0, s12  }
0x46: {  	[tilespmem:s28], [sflag:$0x8] =	stream.linear.gather [hbm4b:s4+s3], $0x80, $0x38;
	[tilespmem:$0x1FC80] =	vst v63  }
0x47: {  	_ =	swait.ge [sflag:s18], $0x80  }
0x48: {  	[sflag:s18] =	ssyncset.done $0x0  }
0x49: {  	[sflag:s18] =	ssyncadd.s32 $0xFFFFFF80  }
0x4a: {  	[tilespmem:s29], [sflag:$0x3] =	stream.indirect.gather [hbm4b:s1+s21], $0x80, s26, s21, $0xb8;
	[tilespmem:$0x1FC80] =	vst v63  }
0x4b: {  	_ =	swait.ge [sflag:s30], $0x4000  }
0x4c: {  	[sflag:s30] =	ssyncset.done $0x0  }
0x4d: {  	[sflag:s30] =	ssyncadd.s32 $0xFFFFC000  }
0x4e: {  	[spmem:s2] =	stream.indirect.scatter.add.f32 [tilespmem:s22], [sflag:$0x4], $0x80, s20, s21, $0xb8;
	[tilespmem:$0x1FC80] =	vst v63  }
0x4f: {  	_ =	swait.ge [sflag:s31], $0x4000  }
0x50: {  	[sflag:s31] =	ssyncset.done $0x0  }
0x51: {  	[sflag:s31] =	ssyncadd.s32 $0xFFFFC000  }
0x52: {  	[spmem:s2] =	stream.indirect.scatter.add.f32 [tilespmem:s25], [sflag:$0x5], $0x80, s24, s21, $0xb8;
	[tilespmem:$0x1FC80] =	vst v63  }
0x53: {  	p1 =	por $0x0, $0x0;
	_ =	swait.ge [sflag:s0], $0x4000  }
0x54: {  	s11 =	simm.s32 $0x30;
	s4 =	simm.s32 $0x60;
	[sflag:s0] =	ssyncset.done $0x0  }
.LBB2_2:
0x55: {  	s8 =	simm.s32 @!p1 $0x4;
	[sflag:s0] =	ssyncadd.s32 $0xFFFFC000  }
0x56: {  	[spmem:s2] =	stream.indirect.scatter.add.f32 [tilespmem:s29], [sflag:$0x6], $0x80, s28, s21, $0xb8;
	[tilespmem:$0x1FC80] =	vst v63  }
0x57: {  	_ =	swait.ge @!p1 [sflag:s8], $0x4000  }
0x58: {  	[sflag:s8] =	ssyncset.done @!p1 $0x0  }
0x59: {  	s12 =	sadd.s32 s11, s17;
	[sflag:s8] =	ssyncadd.s32 @!p1 $0xFFFFC000  }
0x5a: {  	[tilespmem:s19], [sflag:$0x8] =	stream.linear.gather [hbm4b:s12+s3], $0x80, $0x38;
	[tilespmem:$0x1FC80] =	vst v63  }
0x5b: {  	_ =	swait.ge [sflag:s18], $0x80  }
0x5c: {  	[sflag:s18] =	ssyncset.done $0x0  }
0x5d: {  	s12 =	sadd.s32 s11, s16;
	[sflag:s18] =	ssyncadd.s32 $0xFFFFFF80  }
0x5e: {  	[tilespmem:s20], [sflag:$0x8] =	stream.linear.gather [hbm4b:s12+s3], $0x80, $0x38;
	[tilespmem:$0x1FC80] =	vst v63  }
0x5f: {  	_ =	swait.ge [sflag:s18], $0x80  }
0x60: {  	[sflag:s18] =	ssyncset.done $0x0  }
0x61: {  	s8 =	simm.s32 @!p1 $0x5;
	[sflag:s18] =	ssyncadd.s32 $0xFFFFFF80  }
0x62: {  	[tilespmem:s22], [sflag:$0x1] =	stream.indirect.gather [hbm4b:s1+s21], $0x80, s19, s21, $0xb8;
	[tilespmem:$0x1FC80] =	vst v63  }
0x63: {  	_ =	swait.ge @!p1 [sflag:s8], $0x4000  }
0x64: {  	[sflag:s8] =	ssyncset.done @!p1 $0x0  }
0x65: {  	s12 =	sadd.s32 s11, s15;
	[sflag:s8] =	ssyncadd.s32 @!p1 $0xFFFFC000  }
0x66: {  	[tilespmem:s23], [sflag:$0x8] =	stream.linear.gather [hbm4b:s12+s3], $0x80, $0x38;
	[tilespmem:$0x1FC80] =	vst v63  }
0x67: {  	_ =	swait.ge [sflag:s18], $0x80  }
0x68: {  	[sflag:s18] =	ssyncset.done $0x0  }
0x69: {  	s12 =	sadd.s32 s11, s14;
	[sflag:s18] =	ssyncadd.s32 $0xFFFFFF80  }
0x6a: {  	[tilespmem:s24], [sflag:$0x8] =	stream.linear.gather [hbm4b:s12+s3], $0x80, $0x38;
	[tilespmem:$0x1FC80] =	vst v63  }
0x6b: {  	_ =	swait.ge [sflag:s18], $0x80  }
0x6c: {  	[sflag:s18] =	ssyncset.done $0x0  }
0x6d: {  	s8 =	simm.s32 @!p1 $0x6;
	[sflag:s18] =	ssyncadd.s32 $0xFFFFFF80  }
0x6e: {  	[tilespmem:s25], [sflag:$0x2] =	stream.indirect.gather [hbm4b:s1+s21], $0x80, s23, s21, $0xb8;
	[tilespmem:$0x1FC80] =	vst v63  }
0x6f: {  	_ =	swait.ge @!p1 [sflag:s8], $0x4000  }
0x70: {  	[sflag:s8] =	ssyncset.done @!p1 $0x0;
	s12 =	rddreg [dreg:$0x5]  }
0x71: {  	[sflag:s8] =	ssyncadd.s32 @!p1 $0xFFFFC000;
	s12 =	sadd.s32 s11, s12  }
0x72: {  	[tilespmem:s26], [sflag:$0x8] =	stream.linear.gather [hbm4b:s12+s3], $0x80, $0x38;
	[tilespmem:$0x1FC80] =	vst v63  }
0x73: {  	_ =	swait.ge [sflag:s18], $0x80  }
0x74: {  	s12 =	rddreg [dreg:$0x4];
	[sflag:s18] =	ssyncset.done $0x0  }
0x75: {  	[sflag:s18] =	ssyncadd.s32 $0xFFFFFF80;
	s8 =	sadd.s32 s11, s12  }
0x76: {  	[tilespmem:s28], [sflag:$0x8] =	stream.linear.gather [hbm4b:s8+s3], $0x80, $0x38;
	[tilespmem:$0x1FC80] =	vst v63  }
0x77: {  	_ =	swait.ge [sflag:s18], $0x80  }
0x78: {  	[sflag:s18] =	ssyncset.done $0x0  }
0x79: {  	[sflag:s18] =	ssyncadd.s32 $0xFFFFFF80  }
0x7a: {  	[tilespmem:s29], [sflag:$0x3] =	stream.indirect.gather [hbm4b:s1+s21], $0x80, s26, s21, $0xb8;
	[tilespmem:$0x1FC80] =	vst v63  }
0x7b: {  	_ =	swait.ge [sflag:s30], $0x4000  }
0x7c: {  	[sflag:s30] =	ssyncset.done $0x0  }
0x7d: {  	s6 =	smov.u32 s4;
	s4 =	sadd.s32 $0x30, s4;
	[sflag:s30] =	ssyncadd.s32 $0xFFFFC000  }
0x7e: {  	[spmem:s2] =	stream.indirect.scatter.add.f32 [tilespmem:s22], [sflag:$0x4], $0x80, s20, s21, $0xb8;
	[tilespmem:$0x1FC80] =	vst v63  }
0x7f: {  	p2 =	sne.s32 s4, $0x4E0;
	_ =	swait.ge [sflag:s31], $0x4000  }
.Ltmp0:
0x80: {  	[sflag:s31] =	ssyncset.done $0x0;
	(pc) =	sbr.rel @p2 .LBB2_2-.Ltmp0, $4  }
0x81: {  	[sflag:s31] =	ssyncadd.s32 $0xFFFFC000  }
0x82: {  	[spmem:s2] =	stream.indirect.scatter.add.f32 [tilespmem:s25], [sflag:$0x5], $0x80, s24, s21, $0xb8;
	[tilespmem:$0x1FC80] =	vst v63  }
0x83: {  	s11 =	smov.u32 s6;
	_ =	swait.ge [sflag:s0], $0x4000  }
0x84: {  	p1 =	seq.s32 s11, $0x0;
	[sflag:s0] =	ssyncset.done $0x0  }
0x85: {  	s4 =	simm.s32 @!p1 $0x4;
	[sflag:s0] =	ssyncadd.s32 $0xFFFFC000  }
0x86: {  	[spmem:s2] =	stream.indirect.scatter.add.f32 [tilespmem:s29], [sflag:$0x6], $0x80, s28, s21, $0xb8;
	[tilespmem:$0x1FC80] =	vst v63  }
0x87: {  	_ =	swait.ge @!p1 [sflag:s4], $0x4000  }
0x88: {  	[sflag:s4] =	ssyncset.done @!p1 $0x0  }
0x89: {  	s12 =	sadd.s32 s11, s17;
	[sflag:s4] =	ssyncadd.s32 @!p1 $0xFFFFC000  }
0x8a: {  	[tilespmem:s19], [sflag:$0x8] =	stream.linear.gather [hbm4b:s12+s3], $0x80, $0x38;
	[tilespmem:$0x1FC80] =	vst v63  }
0x8b: {  	_ =	swait.ge [sflag:s18], $0x80  }
0x8c: {  	[sflag:s18] =	ssyncset.done $0x0  }
0x8d: {  	s6 =	sadd.s32 s11, s16;
	[sflag:s18] =	ssyncadd.s32 $0xFFFFFF80  }
0x8e: {  	[tilespmem:s20], [sflag:$0x8] =	stream.linear.gather [hbm4b:s6+s3], $0x80, $0x38;
	[tilespmem:$0x1FC80] =	vst v63  }
0x8f: {  	_ =	swait.ge [sflag:s18], $0x80  }
0x90: {  	[sflag:s18] =	ssyncset.done $0x0  }
0x91: {  	s4 =	simm.s32 @!p1 $0x5;
	[sflag:s18] =	ssyncadd.s32 $0xFFFFFF80  }
0x92: {  	[tilespmem:s22], [sflag:$0x1] =	stream.indirect.gather [hbm4b:s1+s21], $0x80, s19, s21, $0xb8;
	[tilespmem:$0x1FC80] =	vst v63  }
0x93: {  	_ =	swait.ge @!p1 [sflag:s4], $0x4000  }
0x94: {  	[sflag:s4] =	ssyncset.done @!p1 $0x0  }
0x95: {  	s8 =	sadd.s32 s11, s15;
	[sflag:s4] =	ssyncadd.s32 @!p1 $0xFFFFC000  }
0x96: {  	[tilespmem:s23], [sflag:$0x8] =	stream.linear.gather [hbm4b:s8+s3], $0x80, $0x38;
	[tilespmem:$0x1FC80] =	vst v63  }
0x97: {  	_ =	swait.ge [sflag:s18], $0x80  }
0x98: {  	[sflag:s18] =	ssyncset.done $0x0  }
0x99: {  	s12 =	sadd.s32 s11, s14;
	[sflag:s18] =	ssyncadd.s32 $0xFFFFFF80  }
0x9a: {  	[tilespmem:s24], [sflag:$0x8] =	stream.linear.gather [hbm4b:s12+s3], $0x80, $0x38;
	[tilespmem:$0x1FC80] =	vst v63  }
0x9b: {  	_ =	swait.ge [sflag:s18], $0x80  }
0x9c: {  	[sflag:s18] =	ssyncset.done $0x0  }
0x9d: {  	s4 =	simm.s32 @!p1 $0x6;
	[sflag:s18] =	ssyncadd.s32 $0xFFFFFF80  }
0x9e: {  	[tilespmem:s25], [sflag:$0x2] =	stream.indirect.gather [hbm4b:s1+s21], $0x80, s23, s21, $0xb8;
	[tilespmem:$0x1FC80] =	vst v63  }
0x9f: {  	_ =	swait.ge @!p1 [sflag:s4], $0x4000  }
0xa0: {  	s6 =	rddreg [dreg:$0x5];
	[sflag:s4] =	ssyncset.done @!p1 $0x0  }
0xa1: {  	[sflag:s4] =	ssyncadd.s32 @!p1 $0xFFFFC000;
	s6 =	sadd.s32 s11, s6  }
0xa2: {  	[tilespmem:s26], [sflag:$0x8] =	stream.linear.gather [hbm4b:s6+s3], $0x80, $0x38;
	[tilespmem:$0x1FC80] =	vst v63  }
0xa3: {  	_ =	swait.ge [sflag:s18], $0x80  }
0xa4: {  	s8 =	rddreg [dreg:$0x4];
	[sflag:s18] =	ssyncset.done $0x0  }
0xa5: {  	s4 =	sadd.s32 s11, s8;
	[sflag:s18] =	ssyncadd.s32 $0xFFFFFF80  }
0xa6: {  	[tilespmem:s28], [sflag:$0x8] =	stream.linear.gather [hbm4b:s4+s3], $0x80, $0x38;
	[tilespmem:$0x1FC80] =	vst v63  }
0xa7: {  	_ =	swait.ge [sflag:s18], $0x80  }
0xa8: {  	[sflag:s18] =	ssyncset.done $0x0  }
0xa9: {  	[sflag:s18] =	ssyncadd.s32 $0xFFFFFF80  }
0xaa: {  	[tilespmem:s29], [sflag:$0x3] =	stream.indirect.gather [hbm4b:s1+s21], $0x80, s26, s21, $0xb8;
	[tilespmem:$0x1FC80] =	vst v63  }
0xab: {  	_ =	swait.ge [sflag:s30], $0x4000  }
0xac: {  	[sflag:s30] =	ssyncset.done $0x0  }
0xad: {  	[sflag:s30] =	ssyncadd.s32 $0xFFFFC000  }
0xae: {  	[spmem:s2] =	stream.indirect.scatter.add.f32 [tilespmem:s22], [sflag:$0x4], $0x80, s20, s21, $0xb8;
	[tilespmem:$0x1FC80] =	vst v63  }
0xaf: {  	_ =	swait.ge [sflag:s31], $0x4000  }
0xb0: {  	[sflag:s31] =	ssyncset.done $0x0  }
0xb1: {  	[sflag:s31] =	ssyncadd.s32 $0xFFFFC000  }
0xb2: {  	[spmem:s2] =	stream.indirect.scatter.add.f32 [tilespmem:s25], [sflag:$0x5], $0x80, s24, s21, $0xb8;
	[tilespmem:$0x1FC80] =	vst v63  }
0xb3: {  	_ =	swait.ge [sflag:s0], $0x4000  }
0xb4: {  	[sflag:s0] =	ssyncset.done $0x0  }
0xb5: {  	s12 =	simm.s32 $0x4;
	[sflag:s0] =	ssyncadd.s32 $0xFFFFC000  }
0xb6: {  	[spmem:s2] =	stream.indirect.scatter.add.f32 [tilespmem:s29], [sflag:$0x6], $0x80, s28, s21, $0xb8;
	[tilespmem:$0x1FC80] =	vst v63  }
0xb7: {  	_ =	swait.ge [sflag:s12], $0x4000  }
0xb8: {  	[sflag:s12] =	ssyncset.done $0x0  }
0xb9: {  	s6 =	simm.s32 $0x5;
	[sflag:s12] =	ssyncadd.s32 $0xFFFFC000  }
0xba: {  	_ =	swait.ge [sflag:s6], $0x4000  }
0xbb: {  	[sflag:s6] =	ssyncset.done $0x0  }
0xbc: {  	s8 =	simm.s32 $0x6;
	[sflag:s6] =	ssyncadd.s32 $0xFFFFC000  }
0xbd: {  	_ =	swait.ge [sflag:s8], $0x4000  }
0xbe: {  	[sflag:s8] =	ssyncset.done $0x0  }
0xbf: {  	s6 =	simm.s32 $0x1FB80;
	s11 =	rddreg [dreg:$0x8];
	[sflag:s8] =	ssyncadd.s32 $0xFFFFC000  }
0xc0: {  	[tilespmem:s6], [sflag:$0x8] =	stream.linear.gather [hbm4b:s11+s3], $0x10, $0x38;
	[tilespmem:$0x1FC80] =	vst v63  }
0xc1: {  	_ =	swait.ge [sflag:s18], $0x10  }
0xc2: {  	[sflag:s18] =	ssyncset.done $0x0  }
0xc3: {  	s8 =	simm.s32 $0x1FC00;
	s12 =	rddreg [dreg:$0x9];
	[sflag:s18] =	ssyncadd.s32 $0xFFFFFFF0  }
0xc4: {  	[tilespmem:s8], [sflag:$0x8] =	stream.linear.gather [hbm4b:s12+s3], $0x10, $0x38;
	[tilespmem:$0x1FC80] =	vst v63  }
0xc5: {  	_ =	swait.ge [sflag:s18], $0x10  }
0xc6: {  	[sflag:s18] =	ssyncset.done $0x0  }
0xc7: {  	s11 =	simm.s32 $0x10;
	s12 =	simm.s32 $0x7;
	[sflag:s18] =	ssyncadd.s32 $0xFFFFFFF0  }
0xc8: {  	[tilespmem:s22], [sflag:$0x7] =	stream.indirect.gather [hbm4b:s1+s11], $0x80, s6, s11, $0xb8;
	[tilespmem:$0x1FC80] =	vst v63  }
0xc9: {  	_ =	swait.ge [sflag:s12], $0x800  }
0xca: {  	[sflag:s12] =	ssyncset.done $0x0  }
0xcb: {  	[sflag:s12] =	ssyncadd.s32 $0xFFFFF800  }
0xcc: {  	[spmem:s2] =	stream.indirect.scatter.add.f32 [tilespmem:s22], [sflag:$0x8], $0x80, s8, s11, $0xb8;
	[tilespmem:$0x1FC80] =	vst v63  }
0xcd: {  	_ =	swait.ge [sflag:s18], $0x800  }
0xce: {  	[sflag:s18] =	ssyncset.done $0x0  }
0xcf: {  	[sflag:s18] =	ssyncadd.s32 $0xFFFFF800  }
0xd0: {  	[bflag:$0x0] =	sbarrier.arrive $0xFFFF  }
0xd1: {  	s11 =	rddreg [dreg:$0xa]  }
0xd2: {  	[hbm:s11], [sflag:s7] =	dma.local [spmem:s9], $0x2700  }
0xd3: {  	_ =	swait.ge [sflag:s18], $0x2700  }
0xd4: {  	[sflag:s18] =	ssyncset.done $0x0  }
0xd5: {  	s4 =	rddreg [dreg:$0xb];
	[sflag:s18] =	ssyncadd.s32 $0xFFFFD900  }
0xd6: {  	[hbm:s4], [sflag:s7] =	dma.local @!p0 [spmem:s10], $0x100  }
0xd7: {  	s4 =	simm.s32 @!p0 $0x8  }
0xd8: {  	_ =	swait.ge @!p0 [sflag:s4], $0x100  }
0xd9: {  	s13 =	sadd.s32 $0x1, s13;
	s12 =	rddreg [dreg:$0xc]  }
0xda: {  	p1 =	sne.s32 s13, s12  }
.Ltmp1:
0xdb: {  	_ = 	snop;
	(pc) =	sbr.rel @p1 .LBB2_1-.Ltmp1, $3  }
0xdc: {  	_ =	sdelay $0x1  }
0xdd: {  	[sflag:s4] =	ssyncset.done @!p0 $0x0  }
0xde: {  	[sflag:s4] =	ssyncadd.s32 @!p0 $0xFFFFFF00  }
0xdf: {  	_ =	sfence.sel $0x180000  }
0xe0: {  	[bflag:$0x0] =	sbarrier.arrive $0xFFFF  }
0xe1: {  	_ =	strace $0x9000004A  }
0xe2: {  	s0 =	stileid.u32;
	[bflag:$0x2] =	sbarrier.arrive $0xFFFF  }
0xe3: {  	p0 =	sne.s32 s0, $0x0;
	s0 =	rddreg [dreg:$0x3]  }
0xe4: {  	s0 =	sadd.s32 @!p0 $0x100000, s0  }
0xe5: {  	[sflag:s0] =	ssyncadd.tile.s32 @!p0 $0x1;
	_ =	shalt  }
.Lfunc_end2:
_tile_overlayer_lowered:
.L_overlay_start_2:
0xe6: {  	(tag) =	ssettag $0x2  }
0xe7: {  	s0 =	rddreg [dreg:$0x0];
	s2 =	stileid.u32  }
0xe8: {  	s1 =	rddreg [dreg:$0x1];
	p0 =	sne.s32 s2, $0x0  }
0xe9: {  	s3 =	rddreg [dreg:$0x2];
	[bflag:$0x3] =	sbarrier.arrive $0xFFFF;
	s2 =	simm.s32 @!p0 $0x1C08  }
0xea: {  	[timem:s3], [sflag:s2] =	dma.local @!p0 [hbm:s0], s1  }
0xeb: {  	s0 =	simm.s32 @!p0 $0x8  }
0xec: {  	_ =	swait.ge @!p0 [sflag:s0], s1  }
0xed: {  	s1 =	ssub.s32 @!p0 $0x0, s1;
	[sflag:s0] =	ssyncset.done @!p0 $0x0  }
0xee: {  	[sflag:s0] =	ssyncadd.s32 @!p0 s1  }
0xef: {  	[bflag:$0x3] =	sbarrier.arrive $0xFFFF  }
0xf0: {  	_ =	shalt  }

// kernel: kernel.24.cloned.1.call-start
scs
__scs_entry_jumppad:
0x0: {  	(pc) =	sbr.rel $0x88, $3  }
0x1: {  	(tag) =	ssettag $0x0;
	lr =	simm.s32 $0x1  }
0x2: {  	[smem:$0x3F99] =	sst lr;
	_ =	strace $0xD0000000  }
0x3: {  	_ = 	snop  }
0x4: {  	_ = 	snop  }
0x5: {  	_ = 	snop  }
0x6: {  	_ = 	snop  }
0x7: {  	_ = 	snop  }
__scs_overlays_trampoline_lowered:
0x8: {  	[smem:$0x3FA8] =	sst s0  }
0x9: {  	[smem:$0x3FA9] =	sst s1  }
0xa: {  	[smem:$0x3FAA] =	sst s2  }
0xb: {  	[smem:$0x3FAB] =	sst s3  }
0xc: {  	[smem:$0x3FAC] =	sst s4  }
0xd: {  	[smem:$0x3FAD] =	sst s5  }
0xe: {  	[smem:$0x3FAE] =	sst s6  }
0xf: {  	[smem:$0x3FAF] =	sst s7  }
0x10: {  	[smem:$0x3FB0] =	sst s8  }
0x11: {  	[smem:$0x3FB1] =	sst s9;
	s0 =	simm.s32 @!p0 $0x0  }
0x12: {  	s1 =	sld [smem:$0x3F97];
	s0 =	simm.s32 @p0 $0x1  }
0x13: {  	[smem:$0x3FB2] =	sst s0;
	s0 =	simm.s32 @!p1 $0x0  }
0x14: {  	s2 =	sld [smem:$0x3F96];
	s0 =	simm.s32 @p1 $0x1  }
0x15: {  	[smem:$0x3FB3] =	sst s0;
	s0 =	simm.s32 @!p2 $0x0  }
0x16: {  	s3 =	sld [smem:$0x3FDB];
	s0 =	simm.s32 @p2 $0x1  }
0x17: {  	s4 =	simm.s32 $0x1BF5;
	[smem:$0x3FB5] =	sst s0  }
0x18: {  	s0 =	sld [smem:$0x3F98];
	_ =	swait.ge [sflag:s4], $0x0  }
0x19: {  	s7 =	sld [smem:$0x3F99]  }
0x1a: {  	s8 =	sadd.s32 $0xFFFFE003, lr  }
0x1b: {  	s9 =	sadd.s32 $0xFFFFFEF7, lr;
	s5 =	simm.s32 $0xFFFFFFFF;
	p2 =	slt.u32 s8, $0xFFFFF086  }
0x1c: {  	p1 =	slt.u32 s9, $0xF7A;
	s5 =	simm.s32 @!p2 $0x0  }
0x1d: {  	s5 =	simm.s32 @p1 $0x1;
	p0 =	seq.s32 s7, s2  }
0x1e: {  	s7 =	smul.u32 @!p0 $0xF7A, s2;
	p2 =	seq.s32 @!p0 s5, $0x0  }
0x1f: {  	s9 =	smul.u32 $0xF7A, s1;
	s8 =	simm.s32 @!p0 $0x1BF5;
	p2 =	por !p2, p0  }
0x20: {  	[sflag:s8] =	ssyncset.s32 @!p0 $0xFFFFF086;
	s6 =	sadd.s32 @!p0 s3, s7;
	s7 =	simm.s32 @!p0 $0x108  }
0x21: {  	s3 =	sadd.s32 s3, s9;
	s6 =	sadd.s32 @!p0 $0x88, s6;
	s7 =	simm.s32 @p2 $0x1082  }
0x22: {  	[simem:s7], [sflag:s8] =	dma.local @!p0 [hbm:s6], $0xF7A  }
0x23: {  	s9 =	sor.u32 $0xD0000000, s2;
	s6 =	simm.s32 $0x108;
	_ =	swait.ge @!p0 [sflag:s8], $0x0  }
0x24: {  	s3 =	sadd.s32 $0x88, s3;
	s6 =	simm.s32 @!p1 $0x1082;
	[sflag:s4] =	ssyncset.s32 $0xFFFFF086  }
0x25: {  	[simem:s6], [sflag:s4] =	dma.local [hbm:s3], $0xF7A  }
0x26: {  	[smem:$0x3F99] =	sst s1;
	(tag) =	ssettag s2;
	_ =	strace s9  }
0x27: {  	s1 =	sld [smem:$0x3FA9]  }
0x28: {  	s2 =	sld [smem:$0x3FAA]  }
0x29: {  	s4 =	sld [smem:$0x3FAC]  }
0x2a: {  	p0 =	seq.s32 s5, $0x0;
	s5 =	sld [smem:$0x3FAD]  }
0x2b: {  	s6 =	sld [smem:$0x3FAE]  }
0x2c: {  	s7 =	sld [smem:$0x3FAF]  }
0x2d: {  	s3 =	simm.s32 $0x108;
	s8 =	sld [smem:$0x3FB0]  }
0x2e: {  	s3 =	simm.s32 @!p0 $0x1082;
	s9 =	sld [smem:$0x3FB1]  }
0x2f: {  	lr =	sadd.s32 s0, s3;
	s0 =	sld [smem:$0x3FA8]  }
0x30: {  	s3 =	sld [smem:$0x3FAB]  }
0x31: {  	[smem:$0x3FB4] =	sst s10  }
0x32: {  	s10 =	sld [smem:$0x3FB2];
	_ =	sdelay $0x3  }
0x33: {  	p0 =	seq.s32 s10, $0x1;
	s10 =	sld [smem:$0x3FB4];
	_ =	sdelay $0x3  }
0x34: {  	[smem:$0x3FB4] =	sst s10  }
0x35: {  	s10 =	sld [smem:$0x3FB3];
	_ =	sdelay $0x3  }
0x36: {  	p1 =	seq.s32 s10, $0x1;
	s10 =	sld [smem:$0x3FB4];
	_ =	sdelay $0x3  }
0x37: {  	[smem:$0x3FB4] =	sst s10  }
0x38: {  	s10 =	sld [smem:$0x3FB5]  }
0x39: {  	_ = 	snop;
	(pc) =	sbr.ind lr, $3  }
0x3a: {  	_ = 	snop  }
0x3b: {  	_ = 	snop  }
0x3c: {  	p2 =	seq.s32 s10, $0x1;
	s10 =	sld [smem:$0x3FB4]  }
0x3d: {  	_ =	shalt  }
0x3e: {  	_ =	shalt  }
0x3f: {  	_ =	shalt  }
0x40: {  	_ =	shalt  }
0x41: {  	_ =	shalt  }
0x42: {  	_ =	shalt  }
0x43: {  	_ =	shalt  }
0x44: {  	_ =	shalt  }
0x45: {  	_ =	shalt  }
0x46: {  	_ =	shalt  }
0x47: {  	_ =	shalt  }
0x48: {  	_ =	shalt  }
0x49: {  	_ =	shalt  }
0x4a: {  	_ =	shalt  }
0x4b: {  	_ =	shalt  }
0x4c: {  	_ =	shalt  }
0x4d: {  	_ =	shalt  }
0x4e: {  	_ =	shalt  }
0x4f: {  	_ =	shalt  }
0x50: {  	_ =	shalt  }
0x51: {  	_ =	shalt  }
0x52: {  	_ =	shalt  }
0x53: {  	_ =	shalt  }
0x54: {  	_ =	shalt  }
0x55: {  	_ =	shalt  }
0x56: {  	_ =	shalt  }
0x57: {  	_ =	shalt  }
0x58: {  	_ =	shalt  }
0x59: {  	_ =	shalt  }
0x5a: {  	_ =	shalt  }
0x5b: {  	_ =	shalt  }
0x5c: {  	_ =	shalt  }
0x5d: {  	_ =	shalt  }
0x5e: {  	_ =	shalt  }
0x5f: {  	_ =	shalt  }
0x60: {  	_ =	shalt  }
0x61: {  	_ =	shalt  }
0x62: {  	_ =	shalt  }
0x63: {  	_ =	shalt  }
0x64: {  	_ =	shalt  }
0x65: {  	_ =	shalt  }
0x66: {  	_ =	shalt  }
0x67: {  	_ =	shalt  }
0x68: {  	_ =	shalt  }
0x69: {  	_ =	shalt  }
0x6a: {  	_ =	shalt  }
0x6b: {  	_ =	shalt  }
0x6c: {  	_ =	shalt  }
0x6d: {  	_ =	shalt  }
0x6e: {  	_ =	shalt  }
0x6f: {  	_ =	shalt  }
0x70: {  	_ =	shalt  }
0x71: {  	_ =	shalt  }
0x72: {  	_ =	shalt  }
0x73: {  	_ =	shalt  }
0x74: {  	_ =	shalt  }
0x75: {  	_ =	shalt  }
0x76: {  	_ =	shalt  }
0x77: {  	_ =	shalt  }
0x78: {  	_ =	shalt  }
0x79: {  	_ =	shalt  }
0x7a: {  	_ =	shalt  }
0x7b: {  	_ =	shalt  }
0x7c: {  	_ =	shalt  }
0x7d: {  	_ =	shalt  }
0x7e: {  	_ =	shalt  }
0x7f: {  	_ =	shalt  }
0x80: {  	_ =	shalt  }
0x81: {  	_ =	shalt  }
0x82: {  	_ =	shalt  }
0x83: {  	_ =	shalt  }
0x84: {  	_ =	shalt  }
0x85: {  	_ =	shalt  }
0x86: {  	_ =	shalt  }
0x87: {  	_ =	shalt  }
.Lfunc_end0:
.L_simem_size_0:
called_computation.3_lowered:
.L_overlay_start_0:
0x88: {  	s2 =	sld [smem:$0x3FD9]  }
0x89: {  	s3 =	sld [smem:$0x3FFE];
	_ =	sdelay $0x1  }
0x8a: {  	s1 =	srdreg.scid  }
0x8b: {  	s0 =	sand.u32 $0x1, s1  }
0x8c: {  	s15 =	sshll.u32 s0, $0xA;
	s2 =	sadd.s32 s3, s2  }
0x8d: {  	s2 =	sadd.s32 s2, s15  }
0x8e: {  	[smem:$0x3FC0] =	sst s2  }
0x8f: {  	_ = 	snop  }
0x90: {  	s2 =	sld [smem:$0x3FD0];
	_ =	sdelay $0x2  }
0x91: {  	s16 =	simm.s32 $0xB;
	s4 =	simm.s32 $0x10  }
0x92: {  	[smem:s4], [sflag:s16] =	dma.local [hbm:s2], $0x1  }
0x93: {  	_ =	swait.eq [sflag:s16], $0x1  }
0x94: {  	[sflag:s16] =	ssyncset.done $0x0  }
0x95: {  	[sflag:s16] =	ssyncadd.s32 $0xFFFFFFFF  }
0x96: {  	s17 =	sld [smem:$0x11];
	(tm) =	ssettm $0x1  }
0x97: {  	s18 =	sld [smem:$0x3FFB];
	_ =	sdelay $0x3  }
0x98: {  	_ =	strace s18  }
0x99: {  	s2 =	sld [smem:$0x3FFC];
	_ =	sdelay $0x3  }
0x9a: {  	_ =	strace s2  }
0x9b: {  	s2 =	sld [smem:$0x3FFD];
	_ =	sdelay $0x3  }
0x9c: {  	_ =	strace s2  }
0x9d: {  	_ =	strace $0x8FFFFFFF  }
0x9e: {  	s19 =	sld [smem:$0x3FDB];
	_ =	sdelay $0x1  }
0x9f: {  	s20 =	simm.s32 $_scs_section_size  }
0xa0: {  	s5 =	simm.s32 $_size__tile_overlayer_lowered;
	s6 =	simm.s32 $_tile_overlayer_lowered  }
0xa1: {  	s7 =	simm.s32 $0x1BFF;
	s21 =	sshll.u32 s6, $0x1;
	s4 =	sadd.s32 s20, s19  }
0xa2: {  	s22 =	simm.s32 $0x0;
	s5 =	sshll.u32 s5, $0x1;
	s6 =	sadd.s32 s21, s4  }
0xa3: {  	[timem:s22], [sflag:s7] =	dma.local [hbm:s6], s5  }
0xa4: {  	_ =	swait.ge [sflag:s7], s5  }
0xa5: {  	s5 =	ssub.s32 $0x0, s5;
	[sflag:s7] =	ssyncset.done $0x0  }
0xa6: {  	[sflag:s7] =	ssyncadd.s32 s5;
	_ =	sdelay $0x1  }
0xa7: {  	s23 =	simm.s32 $0x1B8B  }
0xa8: {  	_ =	swait.ge [sflag:s23], $0x1  }
0xa9: {  	[sflag:s23] =	ssyncset.done $0x0  }
0xaa: {  	[sflag:s23] =	ssyncadd.s32 $0xFFFFFFFF  }
0xab: {  	s5 =	sld [smem:$0x0]  }
0xac: {  	s6 =	sand.u32 $0xFFFFFFFE, s1  }
0xad: {  	p0 =	sne.s32 s1, s6  }
0xae: {  	s6 =	sshll.u32 @p0 s6, $0xE  }
0xaf: {  	s6 =	sadd.s32 @p0 $0x11B8D, s6;
	s7 =	sshll.u32 @p0 s5, $0x11  }
0xb0: {  	s6 =	sor.u32 @p0 s7, s6  }
0xb1: {  	[sflag:s6] =	ssyncadd.remote.s32 @p0 $0x1;
	_ =	sdelay $0x1  }
0xb2: {  	s6 =	simm.s32 @p0 $0x1B8D  }
0xb3: {  	_ =	swait.eq @p0 [sflag:s6], $0x1  }
0xb4: {  	[sflag:s6] =	ssyncadd.s32 @p0 $0xFFFFFFFF  }
0xb5: {  	s7 =	sshll.u32 @!p0 s1, $0xE  }
0xb6: {  	s7 =	sor.u32 @!p0 $0x4000, s7;
	s6 =	simm.s32 @!p0 $0x1B8D  }
0xb7: {  	s5 =	sshll.u32 @!p0 s5, $0x11;
	s7 =	sadd.s32 @!p0 $0x11B8D, s7;
	_ =	swait.eq @!p0 [sflag:s6], $0x1  }
0xb8: {  	s5 =	sor.u32 @!p0 s5, s7;
	[sflag:s6] =	ssyncadd.s32 @!p0 $0xFFFFFFFF  }
0xb9: {  	s25 =	simm.s32 $0x1B8E;
	s24 =	sld [smem:$0x3FFE];
	[sflag:s5] =	ssyncadd.remote.s32 @!p0 $0x1  }
0xba: {  	s26 =	simm.s32 $execute0_lowered;
	[smem:$0x3FD2] =	sst s25  }
0xbb: {  	s6 =	sshll.u32 s26, $0x1;
	_ =	strace $0x80000052;
	[dreg:$0x1] =	wrdreg $0xFFFFFFFF  }
0xbc: {  	s28 =	simm.s32 $_size_execute0_lowered;
	s4 =	sadd.s32 s4, s6;
	[dreg:$0x0] =	wrdreg $0x0  }
0xbd: {  	s6 =	sshll.u32 s28, $0x1;
	[dreg:$0x2] =	wrdreg s4  }
0xbe: {  	[dreg:$0x3] =	wrdreg s6  }
0xbf: {  	[dreg:$0x4] =	wrdreg $0xC0  }
0xc0: {  	_ =	task [dreg:s22], $0x5FFFF  }
0xc1: {  	[dreg:$0x1] =	wrdreg $0xFFFFFFFF  }
0xc2: {  	[dreg:$0x0] =	wrdreg $0x60  }
0xc3: {  	[dreg:$0x2] =	wrdreg s17  }
0xc4: {  	[dreg:$0x3] =	wrdreg s24  }
0xc5: {  	[dreg:$0x4] =	wrdreg $0x0  }
0xc6: {  	[dreg:$0x5] =	wrdreg $0x9  }
0xc7: {  	_ =	task.clear_ibuf [dreg:s22], $0x6FFFF;
	_ =	strace $0x90000052  }
0xc8: {  	s29 =	simm.s32 $0x9;
	_ =	strace $0x80000054  }
0xc9: {  	_ =	swait.ge [sflag:s29], $0x1  }
0xca: {  	[sflag:s29] =	ssyncadd.s32 $0xFFFFFFFF  }
0xcb: {  	_ =	strace $0x90000054  }
0xcc: {  	_ =	sfence  }
0xcd: {  	s30 =	sld [smem:$0x0];
	_ =	sdelay $0x2  }
0xce: {  	s31 =	sshll.u32 s1, $0xD;
	s1 =	sshrl.u32 s1, $0x2  }
0xcf: {  	s4 =	sand.u32 $0x4000, s31;
	s1 =	sadd.s32 s1, s30  }
0xd0: {  	s0 =	sor.u32 s4, s0;
	s1 =	sshll.u32 s1, $0x11  }
0xd1: {  	s0 =	sor.u32 s1, s0  }
0xd2: {  	s0 =	sadd.s32 $0x8F2B, s0  }
0xd3: {  	[sflag:s0] =	ssyncadd.remote.s32 $0x1  }
0xd4: {  	_ =	sfence.sel $0xFFFF  }
0xd5: {  	[dreg:$0x0] =	wrdreg $0xFFFFFFFF;
	(pc) =	sbr.abs _section_cstart, $3  }
0xd6: {  	[dreg:$0x1] =	wrdreg $0xFFFFFFFF  }
0xd7: {  	_ =	task.clear_ibuf [dreg:s22], $0x2FFFF;
	_ =	strace $0x9FFFFFFF  }
0xd8: {  	(tm) =	ssettm $0x7FFFFFFF  }
0xd9: {  	_ =	shalt  }
tec
execute0_lowered:
.L_overlay_start_1:
0x0: {  	(tag) =	ssettag $0x1  }
0x1: {  	s1 =	rddreg [dreg:$0x0]  }
0x2: {  	s0 =	rddreg [dreg:$0x1]  }
0x3: {  	s2 =	rddreg [dreg:$0x2];
	s3 =	simm.s32 $0x0;
	s7 =	srdreg.scid  }
0x4: {  	s18 =	stileid.u32;
	s28 =	simm.s32 $0x1BB00;
	s29 =	simm.s32 $0x1BB80  }
0x5: {  	s30 =	simm.s32 $0x1;
	s31 =	simm.s32 $0x2;
	[smem:$0x7FF] =	sst s3  }
0x6: {  	s4 =	sadd.s32 $0x6000, s0;
	s6 =	sadd.s32 $0xFE00, s0;
	s9 =	smul.u32 $0x2700, s18  }
0x7: {  	s5 =	sadd.s32 $0x19C00, s0;
	s8 =	sand.u32 $0x1, s7;
	s11 =	smul.u32 $0x4E000, s18  }
0x8: {  	s24 =	sshll.u32 s18, $0x1;
	s0 =	sadd.s32 $0x106E00, s0;
	s16 =	smul.u32 $0x4E20, s18  }
0x9: {  	s15 =	sshll.u32 s18, $0x6;
	p0 =	sne.s32 s18, $0xF;
	s26 =	smul.u32 $0x27100, s8  }
0xa: {  	s18 =	simm.s32 $0x8;
	_ =	strace $0x80000053;
	s14 =	smul.u32 $0x2710, s8  }
0xb: {  	s10 =	ssub.s32 $0x2, s8;
	s7 =	sor.u32 s8, s24;
	s8 =	smul.u32 $0x138800, s8  }
0xc: {  	s12 =	sshrl.u32 s10, $0x1;
	s13 =	smul.u32 $0x2710, s7;
	s25 =	sshrl.u32 s11, $0x2  }
0xd: {  	s10 =	ssub.s32 s10, s12;
	s7 =	sadd.s32 s25, s2;
	s12 =	sadd.s32 s14, s16  }
0xe: {  	s9 =	sadd.s32 s9, s26;
	s8 =	sshrl.u32 s8, $0x3;
	[dreg:$0x6] =	wrdreg s7  }
0xf: {  	s7 =	sor.u32 $0x1C08, s15;
	s13 =	sshrl.u32 s13, $0x3;
	s15 =	sadd.s32 $0x138000, s2  }
0x10: {  	s19 =	sadd.s32 $0x100, s12;
	s9 =	sadd.s32 s0, s9;
	s0 =	sadd.s32 s0, s8  }
0x11: {  	s21 =	smax.u32 s10, $0x1;
	s24 =	sadd.s32 $0x80, s12;
	[dreg:$0x7] =	wrdreg s15  }
0x12: {  	s26 =	sshrl.u32 s12, $0x3;
	s13 =	sadd.s32 $0x4E0, s13;
	[dreg:$0xa] =	wrdreg s9  }
0x13: {  	s20 =	sshrl.u32 s19, $0x3;
	s0 =	sadd.s32 $0x27000, s0;
	[dreg:$0xc] =	wrdreg s21  }
0x14: {  	s25 =	sshrl.u32 s24, $0x3;
	s16 =	sadd.s32 s26, s6;
	s19 =	simm.s32 $0x13880  }
0x15: {  	s21 =	simm.s32 $0x80;
	s24 =	simm.s32 $0x17A00;
	s17 =	sadd.s32 s4, s13  }
0x16: {  	s13 =	sadd.s32 s6, s13;
	[dreg:$0xb] =	wrdreg s0;
	s22 =	sadd.s32 s20, s6  }
0x17: {  	s23 =	sadd.s32 s20, s4;
	s14 =	sadd.s32 s25, s6;
	[dreg:$0x8] =	wrdreg s17  }
0x18: {  	s15 =	sadd.s32 s25, s4;
	s20 =	simm.s32 $0x13900;
	[dreg:$0x9] =	wrdreg s13  }
0x19: {  	s25 =	simm.s32 $0x17A80;
	s0 =	simm.s32 $0x3;
	[dreg:$0x4] =	wrdreg s22  }
0x1a: {  	[dreg:$0x5] =	wrdreg s23;
	s17 =	sadd.s32 s26, s4;
	s22 =	simm.s32 $0x13980  }
0x1b: {  	s23 =	simm.s32 $0x17980;
	s26 =	simm.s32 $0x1BA80;
	s13 =	simm.s32 $0x0  }
.LBB2_1:
0x1c: {  	s4 =	rddreg [dreg:$0x6]  }
0x1d: {  	s9 =	sshrl.u32 s4, $0x3  }
0x1e: {  	[spmem:s9], [sflag:s7] =	dma.local [hbm:s5], $0x2700  }
0x1f: {  	_ =	swait.ge [sflag:s18], $0x2700  }
0x20: {  	[sflag:s18] =	ssyncset.done $0x0;
	s4 =	rddreg [dreg:$0x7]  }
0x21: {  	[sflag:s18] =	ssyncadd.s32 $0xFFFFD900;
	s10 =	sshrl.u32 @!p0 s4, $0x3;
	s4 =	simm.s32 @!p0 $0x8  }
0x22: {  	[spmem:s10], [sflag:s7] =	dma.local @!p0 [hbm:s5], $0x100  }
0x23: {  	_ =	swait.ge @!p0 [sflag:s4], $0x100  }
0x24: {  	[sflag:s4] =	ssyncset.done @!p0 $0x0  }
0x25: {  	p1 =	por $0x1, $0x1;
	[sflag:s4] =	ssyncadd.s32 @!p0 $0xFFFFFF00  }
0x26: {  	s4 =	simm.s32 @!p1 $0x4;
	[bflag:$0x0] =	sbarrier.arrive $0xFFFF  }
0x27: {  	_ =	swait.ge @!p1 [sflag:s4], $0x4000  }
0x28: {  	[sflag:s4] =	ssyncset.done @!p1 $0x0  }
0x29: {  	s11 =	sadd.s32 $0x0, s17;
	[sflag:s4] =	ssyncadd.s32 @!p1 $0xFFFFC000  }
0x2a: {  	[tilespmem:s19], [sflag:$0x8] =	stream.linear.gather [hbm4b:s11+s3], $0x80, $0x38;
	[tilespmem:$0x1FC80] =	vst v63  }
0x2b: {  	_ =	swait.ge [sflag:s18], $0x80  }
0x2c: {  	[sflag:s18] =	ssyncset.done $0x0  }
0x2d: {  	s12 =	sadd.s32 $0x0, s16;
	[sflag:s18] =	ssyncadd.s32 $0xFFFFFF80  }
0x2e: {  	[tilespmem:s20], [sflag:$0x8] =	stream.linear.gather [hbm4b:s12+s3], $0x80, $0x38;
	[tilespmem:$0x1FC80] =	vst v63  }
0x2f: {  	_ =	swait.ge [sflag:s18], $0x80  }
0x30: {  	[sflag:s18] =	ssyncset.done $0x0  }
0x31: {  	s4 =	simm.s32 @!p1 $0x5;
	[sflag:s18] =	ssyncadd.s32 $0xFFFFFF80  }
0x32: {  	[tilespmem:s22], [sflag:$0x1] =	stream.indirect.gather [hbm4b:s1+s21], $0x80, s19, s21, $0xb8;
	[tilespmem:$0x1FC80] =	vst v63  }
0x33: {  	_ =	swait.ge @!p1 [sflag:s4], $0x4000  }
0x34: {  	[sflag:s4] =	ssyncset.done @!p1 $0x0  }
0x35: {  	s6 =	sadd.s32 $0x0, s15;
	[sflag:s4] =	ssyncadd.s32 @!p1 $0xFFFFC000  }
0x36: {  	[tilespmem:s23], [sflag:$0x8] =	stream.linear.gather [hbm4b:s6+s3], $0x80, $0x38;
	[tilespmem:$0x1FC80] =	vst v63  }
0x37: {  	_ =	swait.ge [sflag:s18], $0x80  }
0x38: {  	[sflag:s18] =	ssyncset.done $0x0  }
0x39: {  	s8 =	sadd.s32 $0x0, s14;
	[sflag:s18] =	ssyncadd.s32 $0xFFFFFF80  }
0x3a: {  	[tilespmem:s24], [sflag:$0x8] =	stream.linear.gather [hbm4b:s8+s3], $0x80, $0x38;
	[tilespmem:$0x1FC80] =	vst v63  }
0x3b: {  	_ =	swait.ge [sflag:s18], $0x80  }
0x3c: {  	[sflag:s18] =	ssyncset.done $0x0  }
0x3d: {  	s4 =	simm.s32 @!p1 $0x6;
	[sflag:s18] =	ssyncadd.s32 $0xFFFFFF80  }
0x3e: {  	[tilespmem:s25], [sflag:$0x2] =	stream.indirect.gather [hbm4b:s1+s21], $0x80, s23, s21, $0xb8;
	[tilespmem:$0x1FC80] =	vst v63  }
0x3f: {  	_ =	swait.ge @!p1 [sflag:s4], $0x4000  }
0x40: {  	s6 =	rddreg [dreg:$0x5];
	[sflag:s4] =	ssyncset.done @!p1 $0x0  }
0x41: {  	[sflag:s4] =	ssyncadd.s32 @!p1 $0xFFFFC000;
	s11 =	sadd.s32 $0x0, s6  }
0x42: {  	[tilespmem:s26], [sflag:$0x8] =	stream.linear.gather [hbm4b:s11+s3], $0x80, $0x38;
	[tilespmem:$0x1FC80] =	vst v63  }
0x43: {  	_ =	swait.ge [sflag:s18], $0x80  }
0x44: {  	s12 =	rddreg [dreg:$0x4];
	[sflag:s18] =	ssyncset.done $0x0  }
0x45: {  	[sflag:s18] =	ssyncadd.s32 $0xFFFFFF80;
	s4 =	sadd.s32 $0x0, s12  }
0x46: {  	[tilespmem:s28], [sflag:$0x8] =	stream.linear.gather [hbm4b:s4+s3], $0x80, $0x38;
	[tilespmem:$0x1FC80] =	vst v63  }
0x47: {  	_ =	swait.ge [sflag:s18], $0x80  }
0x48: {  	[sflag:s18] =	ssyncset.done $0x0  }
0x49: {  	[sflag:s18] =	ssyncadd.s32 $0xFFFFFF80  }
0x4a: {  	[tilespmem:s29], [sflag:$0x3] =	stream.indirect.gather [hbm4b:s1+s21], $0x80, s26, s21, $0xb8;
	[tilespmem:$0x1FC80] =	vst v63  }
0x4b: {  	_ =	swait.ge [sflag:s30], $0x4000  }
0x4c: {  	[sflag:s30] =	ssyncset.done $0x0  }
0x4d: {  	[sflag:s30] =	ssyncadd.s32 $0xFFFFC000  }
0x4e: {  	[spmem:s2] =	stream.indirect.scatter.add.f32 [tilespmem:s22], [sflag:$0x4], $0x80, s20, s21, $0xb8;
	[tilespmem:$0x1FC80] =	vst v63  }
0x4f: {  	_ =	swait.ge [sflag:s31], $0x4000  }
0x50: {  	[sflag:s31] =	ssyncset.done $0x0  }
0x51: {  	[sflag:s31] =	ssyncadd.s32 $0xFFFFC000  }
0x52: {  	[spmem:s2] =	stream.indirect.scatter.add.f32 [tilespmem:s25], [sflag:$0x5], $0x80, s24, s21, $0xb8;
	[tilespmem:$0x1FC80] =	vst v63  }
0x53: {  	p1 =	por $0x0, $0x0;
	_ =	swait.ge [sflag:s0], $0x4000  }
0x54: {  	s11 =	simm.s32 $0x30;
	s4 =	simm.s32 $0x60;
	[sflag:s0] =	ssyncset.done $0x0  }
.LBB2_2:
0x55: {  	s8 =	simm.s32 @!p1 $0x4;
	[sflag:s0] =	ssyncadd.s32 $0xFFFFC000  }
0x56: {  	[spmem:s2] =	stream.indirect.scatter.add.f32 [tilespmem:s29], [sflag:$0x6], $0x80, s28, s21, $0xb8;
	[tilespmem:$0x1FC80] =	vst v63  }
0x57: {  	_ =	swait.ge @!p1 [sflag:s8], $0x4000  }
0x58: {  	[sflag:s8] =	ssyncset.done @!p1 $0x0  }
0x59: {  	s12 =	sadd.s32 s11, s17;
	[sflag:s8] =	ssyncadd.s32 @!p1 $0xFFFFC000  }
0x5a: {  	[tilespmem:s19], [sflag:$0x8] =	stream.linear.gather [hbm4b:s12+s3], $0x80, $0x38;
	[tilespmem:$0x1FC80] =	vst v63  }
0x5b: {  	_ =	swait.ge [sflag:s18], $0x80  }
0x5c: {  	[sflag:s18] =	ssyncset.done $0x0  }
0x5d: {  	s12 =	sadd.s32 s11, s16;
	[sflag:s18] =	ssyncadd.s32 $0xFFFFFF80  }
0x5e: {  	[tilespmem:s20], [sflag:$0x8] =	stream.linear.gather [hbm4b:s12+s3], $0x80, $0x38;
	[tilespmem:$0x1FC80] =	vst v63  }
0x5f: {  	_ =	swait.ge [sflag:s18], $0x80  }
0x60: {  	[sflag:s18] =	ssyncset.done $0x0  }
0x61: {  	s8 =	simm.s32 @!p1 $0x5;
	[sflag:s18] =	ssyncadd.s32 $0xFFFFFF80  }
0x62: {  	[tilespmem:s22], [sflag:$0x1] =	stream.indirect.gather [hbm4b:s1+s21], $0x80, s19, s21, $0xb8;
	[tilespmem:$0x1FC80] =	vst v63  }
0x63: {  	_ =	swait.ge @!p1 [sflag:s8], $0x4000  }
0x64: {  	[sflag:s8] =	ssyncset.done @!p1 $0x0  }
0x65: {  	s12 =	sadd.s32 s11, s15;
	[sflag:s8] =	ssyncadd.s32 @!p1 $0xFFFFC000  }
0x66: {  	[tilespmem:s23], [sflag:$0x8] =	stream.linear.gather [hbm4b:s12+s3], $0x80, $0x38;
	[tilespmem:$0x1FC80] =	vst v63  }
0x67: {  	_ =	swait.ge [sflag:s18], $0x80  }
0x68: {  	[sflag:s18] =	ssyncset.done $0x0  }
0x69: {  	s12 =	sadd.s32 s11, s14;
	[sflag:s18] =	ssyncadd.s32 $0xFFFFFF80  }
0x6a: {  	[tilespmem:s24], [sflag:$0x8] =	stream.linear.gather [hbm4b:s12+s3], $0x80, $0x38;
	[tilespmem:$0x1FC80] =	vst v63  }
0x6b: {  	_ =	swait.ge [sflag:s18], $0x80  }
0x6c: {  	[sflag:s18] =	ssyncset.done $0x0  }
0x6d: {  	s8 =	simm.s32 @!p1 $0x6;
	[sflag:s18] =	ssyncadd.s32 $0xFFFFFF80  }
0x6e: {  	[tilespmem:s25], [sflag:$0x2] =	stream.indirect.gather [hbm4b:s1+s21], $0x80, s23, s21, $0xb8;
	[tilespmem:$0x1FC80] =	vst v63  }
0x6f: {  	_ =	swait.ge @!p1 [sflag:s8], $0x4000  }
0x70: {  	[sflag:s8] =	ssyncset.done @!p1 $0x0;
	s12 =	rddreg [dreg:$0x5]  }
0x71: {  	[sflag:s8] =	ssyncadd.s32 @!p1 $0xFFFFC000;
	s12 =	sadd.s32 s11, s12  }
0x72: {  	[tilespmem:s26], [sflag:$0x8] =	stream.linear.gather [hbm4b:s12+s3], $0x80, $0x38;
	[tilespmem:$0x1FC80] =	vst v63  }
0x73: {  	_ =	swait.ge [sflag:s18], $0x80  }
0x74: {  	s12 =	rddreg [dreg:$0x4];
	[sflag:s18] =	ssyncset.done $0x0  }
0x75: {  	[sflag:s18] =	ssyncadd.s32 $0xFFFFFF80;
	s8 =	sadd.s32 s11, s12  }
0x76: {  	[tilespmem:s28], [sflag:$0x8] =	stream.linear.gather [hbm4b:s8+s3], $0x80, $0x38;
	[tilespmem:$0x1FC80] =	vst v63  }
0x77: {  	_ =	swait.ge [sflag:s18], $0x80  }
0x78: {  	[sflag:s18] =	ssyncset.done $0x0  }
0x79: {  	[sflag:s18] =	ssyncadd.s32 $0xFFFFFF80  }
0x7a: {  	[tilespmem:s29], [sflag:$0x3] =	stream.indirect.gather [hbm4b:s1+s21], $0x80, s26, s21, $0xb8;
	[tilespmem:$0x1FC80] =	vst v63  }
0x7b: {  	_ =	swait.ge [sflag:s30], $0x4000  }
0x7c: {  	[sflag:s30] =	ssyncset.done $0x0  }
0x7d: {  	s6 =	smov.u32 s4;
	s4 =	sadd.s32 $0x30, s4;
	[sflag:s30] =	ssyncadd.s32 $0xFFFFC000  }
0x7e: {  	[spmem:s2] =	stream.indirect.scatter.add.f32 [tilespmem:s22], [sflag:$0x4], $0x80, s20, s21, $0xb8;
	[tilespmem:$0x1FC80] =	vst v63  }
0x7f: {  	p2 =	sne.s32 s4, $0x4E0;
	_ =	swait.ge [sflag:s31], $0x4000  }
.Ltmp0:
0x80: {  	[sflag:s31] =	ssyncset.done $0x0;
	(pc) =	sbr.rel @p2 .LBB2_2-.Ltmp0, $4  }
0x81: {  	[sflag:s31] =	ssyncadd.s32 $0xFFFFC000  }
0x82: {  	[spmem:s2] =	stream.indirect.scatter.add.f32 [tilespmem:s25], [sflag:$0x5], $0x80, s24, s21, $0xb8;
	[tilespmem:$0x1FC80] =	vst v63  }
0x83: {  	s11 =	smov.u32 s6;
	_ =	swait.ge [sflag:s0], $0x4000  }
0x84: {  	p1 =	seq.s32 s11, $0x0;
	[sflag:s0] =	ssyncset.done $0x0  }
0x85: {  	s4 =	simm.s32 @!p1 $0x4;
	[sflag:s0] =	ssyncadd.s32 $0xFFFFC000  }
0x86: {  	[spmem:s2] =	stream.indirect.scatter.add.f32 [tilespmem:s29], [sflag:$0x6], $0x80, s28, s21, $0xb8;
	[tilespmem:$0x1FC80] =	vst v63  }
0x87: {  	_ =	swait.ge @!p1 [sflag:s4], $0x4000  }
0x88: {  	[sflag:s4] =	ssyncset.done @!p1 $0x0  }
0x89: {  	s12 =	sadd.s32 s11, s17;
	[sflag:s4] =	ssyncadd.s32 @!p1 $0xFFFFC000  }
0x8a: {  	[tilespmem:s19], [sflag:$0x8] =	stream.linear.gather [hbm4b:s12+s3], $0x80, $0x38;
	[tilespmem:$0x1FC80] =	vst v63  }
0x8b: {  	_ =	swait.ge [sflag:s18], $0x80  }
0x8c: {  	[sflag:s18] =	ssyncset.done $0x0  }
0x8d: {  	s6 =	sadd.s32 s11, s16;
	[sflag:s18] =	ssyncadd.s32 $0xFFFFFF80  }
0x8e: {  	[tilespmem:s20], [sflag:$0x8] =	stream.linear.gather [hbm4b:s6+s3], $0x80, $0x38;
	[tilespmem:$0x1FC80] =	vst v63  }
0x8f: {  	_ =	swait.ge [sflag:s18], $0x80  }
0x90: {  	[sflag:s18] =	ssyncset.done $0x0  }
0x91: {  	s4 =	simm.s32 @!p1 $0x5;
	[sflag:s18] =	ssyncadd.s32 $0xFFFFFF80  }
0x92: {  	[tilespmem:s22], [sflag:$0x1] =	stream.indirect.gather [hbm4b:s1+s21], $0x80, s19, s21, $0xb8;
	[tilespmem:$0x1FC80] =	vst v63  }
0x93: {  	_ =	swait.ge @!p1 [sflag:s4], $0x4000  }
0x94: {  	[sflag:s4] =	ssyncset.done @!p1 $0x0  }
0x95: {  	s8 =	sadd.s32 s11, s15;
	[sflag:s4] =	ssyncadd.s32 @!p1 $0xFFFFC000  }
0x96: {  	[tilespmem:s23], [sflag:$0x8] =	stream.linear.gather [hbm4b:s8+s3], $0x80, $0x38;
	[tilespmem:$0x1FC80] =	vst v63  }
0x97: {  	_ =	swait.ge [sflag:s18], $0x80  }
0x98: {  	[sflag:s18] =	ssyncset.done $0x0  }
0x99: {  	s12 =	sadd.s32 s11, s14;
	[sflag:s18] =	ssyncadd.s32 $0xFFFFFF80  }
0x9a: {  	[tilespmem:s24], [sflag:$0x8] =	stream.linear.gather [hbm4b:s12+s3], $0x80, $0x38;
	[tilespmem:$0x1FC80] =	vst v63  }
0x9b: {  	_ =	swait.ge [sflag:s18], $0x80  }
0x9c: {  	[sflag:s18] =	ssyncset.done $0x0  }
0x9d: {  	s4 =	simm.s32 @!p1 $0x6;
	[sflag:s18] =	ssyncadd.s32 $0xFFFFFF80  }
0x9e: {  	[tilespmem:s25], [sflag:$0x2] =	stream.indirect.gather [hbm4b:s1+s21], $0x80, s23, s21, $0xb8;
	[tilespmem:$0x1FC80] =	vst v63  }
0x9f: {  	_ =	swait.ge @!p1 [sflag:s4], $0x4000  }
0xa0: {  	s6 =	rddreg [dreg:$0x5];
	[sflag:s4] =	ssyncset.done @!p1 $0x0  }
0xa1: {  	[sflag:s4] =	ssyncadd.s32 @!p1 $0xFFFFC000;
	s6 =	sadd.s32 s11, s6  }
0xa2: {  	[tilespmem:s26], [sflag:$0x8] =	stream.linear.gather [hbm4b:s6+s3], $0x80, $0x38;
	[tilespmem:$0x1FC80] =	vst v63  }
0xa3: {  	_ =	swait.ge [sflag:s18], $0x80  }
0xa4: {  	s8 =	rddreg [dreg:$0x4];
	[sflag:s18] =	ssyncset.done $0x0  }
0xa5: {  	s4 =	sadd.s32 s11, s8;
	[sflag:s18] =	ssyncadd.s32 $0xFFFFFF80  }
0xa6: {  	[tilespmem:s28], [sflag:$0x8] =	stream.linear.gather [hbm4b:s4+s3], $0x80, $0x38;
	[tilespmem:$0x1FC80] =	vst v63  }
0xa7: {  	_ =	swait.ge [sflag:s18], $0x80  }
0xa8: {  	[sflag:s18] =	ssyncset.done $0x0  }
0xa9: {  	[sflag:s18] =	ssyncadd.s32 $0xFFFFFF80  }
0xaa: {  	[tilespmem:s29], [sflag:$0x3] =	stream.indirect.gather [hbm4b:s1+s21], $0x80, s26, s21, $0xb8;
	[tilespmem:$0x1FC80] =	vst v63  }
0xab: {  	_ =	swait.ge [sflag:s30], $0x4000  }
0xac: {  	[sflag:s30] =	ssyncset.done $0x0  }
0xad: {  	[sflag:s30] =	ssyncadd.s32 $0xFFFFC000  }
0xae: {  	[spmem:s2] =	stream.indirect.scatter.add.f32 [tilespmem:s22], [sflag:$0x4], $0x80, s20, s21, $0xb8;
	[tilespmem:$0x1FC80] =	vst v63  }
0xaf: {  	_ =	swait.ge [sflag:s31], $0x4000  }
0xb0: {  	[sflag:s31] =	ssyncset.done $0x0  }
0xb1: {  	[sflag:s31] =	ssyncadd.s32 $0xFFFFC000  }
0xb2: {  	[spmem:s2] =	stream.indirect.scatter.add.f32 [tilespmem:s25], [sflag:$0x5], $0x80, s24, s21, $0xb8;
	[tilespmem:$0x1FC80] =	vst v63  }
0xb3: {  	_ =	swait.ge [sflag:s0], $0x4000  }
0xb4: {  	[sflag:s0] =	ssyncset.done $0x0  }
0xb5: {  	s12 =	simm.s32 $0x4;
	[sflag:s0] =	ssyncadd.s32 $0xFFFFC000  }
0xb6: {  	[spmem:s2] =	stream.indirect.scatter.add.f32 [tilespmem:s29], [sflag:$0x6], $0x80, s28, s21, $0xb8;
	[tilespmem:$0x1FC80] =	vst v63  }
0xb7: {  	_ =	swait.ge [sflag:s12], $0x4000  }
0xb8: {  	[sflag:s12] =	ssyncset.done $0x0  }
0xb9: {  	s6 =	simm.s32 $0x5;
	[sflag:s12] =	ssyncadd.s32 $0xFFFFC000  }
0xba: {  	_ =	swait.ge [sflag:s6], $0x4000  }
0xbb: {  	[sflag:s6] =	ssyncset.done $0x0  }
0xbc: {  	s8 =	simm.s32 $0x6;
	[sflag:s6] =	ssyncadd.s32 $0xFFFFC000  }
0xbd: {  	_ =	swait.ge [sflag:s8], $0x4000  }
0xbe: {  	[sflag:s8] =	ssyncset.done $0x0  }
0xbf: {  	s6 =	simm.s32 $0x1FB80;
	s11 =	rddreg [dreg:$0x8];
	[sflag:s8] =	ssyncadd.s32 $0xFFFFC000  }
0xc0: {  	[tilespmem:s6], [sflag:$0x8] =	stream.linear.gather [hbm4b:s11+s3], $0x10, $0x38;
	[tilespmem:$0x1FC80] =	vst v63  }
0xc1: {  	_ =	swait.ge [sflag:s18], $0x10  }
0xc2: {  	[sflag:s18] =	ssyncset.done $0x0  }
0xc3: {  	s8 =	simm.s32 $0x1FC00;
	s12 =	rddreg [dreg:$0x9];
	[sflag:s18] =	ssyncadd.s32 $0xFFFFFFF0  }
0xc4: {  	[tilespmem:s8], [sflag:$0x8] =	stream.linear.gather [hbm4b:s12+s3], $0x10, $0x38;
	[tilespmem:$0x1FC80] =	vst v63  }
0xc5: {  	_ =	swait.ge [sflag:s18], $0x10  }
0xc6: {  	[sflag:s18] =	ssyncset.done $0x0  }
0xc7: {  	s11 =	simm.s32 $0x10;
	s12 =	simm.s32 $0x7;
	[sflag:s18] =	ssyncadd.s32 $0xFFFFFFF0  }
0xc8: {  	[tilespmem:s22], [sflag:$0x7] =	stream.indirect.gather [hbm4b:s1+s11], $0x80, s6, s11, $0xb8;
	[tilespmem:$0x1FC80] =	vst v63  }
0xc9: {  	_ =	swait.ge [sflag:s12], $0x800  }
0xca: {  	[sflag:s12] =	ssyncset.done $0x0  }
0xcb: {  	[sflag:s12] =	ssyncadd.s32 $0xFFFFF800  }
0xcc: {  	[spmem:s2] =	stream.indirect.scatter.add.f32 [tilespmem:s22], [sflag:$0x8], $0x80, s8, s11, $0xb8;
	[tilespmem:$0x1FC80] =	vst v63  }
0xcd: {  	_ =	swait.ge [sflag:s18], $0x800  }
0xce: {  	[sflag:s18] =	ssyncset.done $0x0  }
0xcf: {  	[sflag:s18] =	ssyncadd.s32 $0xFFFFF800  }
0xd0: {  	[bflag:$0x0] =	sbarrier.arrive $0xFFFF  }
0xd1: {  	s11 =	rddreg [dreg:$0xa]  }
0xd2: {  	[hbm:s11], [sflag:s7] =	dma.local [spmem:s9], $0x2700  }
0xd3: {  	_ =	swait.ge [sflag:s18], $0x2700  }
0xd4: {  	[sflag:s18] =	ssyncset.done $0x0  }
0xd5: {  	s4 =	rddreg [dreg:$0xb];
	[sflag:s18] =	ssyncadd.s32 $0xFFFFD900  }
0xd6: {  	[hbm:s4], [sflag:s7] =	dma.local @!p0 [spmem:s10], $0x100  }
0xd7: {  	s4 =	simm.s32 @!p0 $0x8  }
0xd8: {  	_ =	swait.ge @!p0 [sflag:s4], $0x100  }
0xd9: {  	s13 =	sadd.s32 $0x1, s13;
	s12 =	rddreg [dreg:$0xc]  }
0xda: {  	p1 =	sne.s32 s13, s12  }
.Ltmp1:
0xdb: {  	_ = 	snop;
	(pc) =	sbr.rel @p1 .LBB2_1-.Ltmp1, $3  }
0xdc: {  	_ =	sdelay $0x1  }
0xdd: {  	[sflag:s4] =	ssyncset.done @!p0 $0x0  }
0xde: {  	[sflag:s4] =	ssyncadd.s32 @!p0 $0xFFFFFF00  }
0xdf: {  	_ =	sfence.sel $0x180000  }
0xe0: {  	[bflag:$0x0] =	sbarrier.arrive $0xFFFF  }
0xe1: {  	_ =	strace $0x90000053  }
0xe2: {  	s0 =	stileid.u32;
	[bflag:$0x2] =	sbarrier.arrive $0xFFFF  }
0xe3: {  	p0 =	sne.s32 s0, $0x0;
	s0 =	rddreg [dreg:$0x3]  }
0xe4: {  	s0 =	sadd.s32 @!p0 $0x100000, s0  }
0xe5: {  	[sflag:s0] =	ssyncadd.tile.s32 @!p0 $0x1;
	_ =	shalt  }
.Lfunc_end2:
_tile_overlayer_lowered:
.L_overlay_start_2:
0xe6: {  	(tag) =	ssettag $0x2  }
0xe7: {  	s0 =	rddreg [dreg:$0x0];
	s2 =	stileid.u32  }
0xe8: {  	s1 =	rddreg [dreg:$0x1];
	p0 =	sne.s32 s2, $0x0  }
0xe9: {  	s3 =	rddreg [dreg:$0x2];
	[bflag:$0x3] =	sbarrier.arrive $0xFFFF;
	s2 =	simm.s32 @!p0 $0x1C08  }
0xea: {  	[timem:s3], [sflag:s2] =	dma.local @!p0 [hbm:s0], s1  }
0xeb: {  	s0 =	simm.s32 @!p0 $0x8  }
0xec: {  	_ =	swait.ge @!p0 [sflag:s0], s1  }
0xed: {  	s1 =	ssub.s32 @!p0 $0x0, s1;
	[sflag:s0] =	ssyncset.done @!p0 $0x0  }
0xee: {  	[sflag:s0] =	ssyncadd.s32 @!p0 s1  }
0xef: {  	[bflag:$0x3] =	sbarrier.arrive $0xFFFF  }
0xf0: {  	_ =	shalt  }

// kernel: kernel.27.cloned.1.call-start
scs
__scs_entry_jumppad:
0x0: {  	(pc) =	sbr.rel $0x88, $3  }
0x1: {  	(tag) =	ssettag $0x0;
	lr =	simm.s32 $0x1  }
0x2: {  	[smem:$0x3F99] =	sst lr;
	_ =	strace $0xD0000000  }
0x3: {  	_ = 	snop  }
0x4: {  	_ = 	snop  }
0x5: {  	_ = 	snop  }
0x6: {  	_ = 	snop  }
0x7: {  	_ = 	snop  }
__scs_overlays_trampoline_lowered:
0x8: {  	[smem:$0x3FA8] =	sst s0  }
0x9: {  	[smem:$0x3FA9] =	sst s1  }
0xa: {  	[smem:$0x3FAA] =	sst s2  }
0xb: {  	[smem:$0x3FAB] =	sst s3  }
0xc: {  	[smem:$0x3FAC] =	sst s4  }
0xd: {  	[smem:$0x3FAD] =	sst s5  }
0xe: {  	[smem:$0x3FAE] =	sst s6  }
0xf: {  	[smem:$0x3FAF] =	sst s7  }
0x10: {  	[smem:$0x3FB0] =	sst s8  }
0x11: {  	[smem:$0x3FB1] =	sst s9;
	s0 =	simm.s32 @!p0 $0x0  }
0x12: {  	s1 =	sld [smem:$0x3F97];
	s0 =	simm.s32 @p0 $0x1  }
0x13: {  	[smem:$0x3FB2] =	sst s0;
	s0 =	simm.s32 @!p1 $0x0  }
0x14: {  	s2 =	sld [smem:$0x3F96];
	s0 =	simm.s32 @p1 $0x1  }
0x15: {  	[smem:$0x3FB3] =	sst s0;
	s0 =	simm.s32 @!p2 $0x0  }
0x16: {  	s3 =	sld [smem:$0x3FDB];
	s0 =	simm.s32 @p2 $0x1  }
0x17: {  	s4 =	simm.s32 $0x1BF5;
	[smem:$0x3FB5] =	sst s0  }
0x18: {  	s0 =	sld [smem:$0x3F98];
	_ =	swait.ge [sflag:s4], $0x0  }
0x19: {  	s7 =	sld [smem:$0x3F99]  }
0x1a: {  	s8 =	sadd.s32 $0xFFFFE003, lr  }
0x1b: {  	s9 =	sadd.s32 $0xFFFFFEF7, lr;
	s5 =	simm.s32 $0xFFFFFFFF;
	p2 =	slt.u32 s8, $0xFFFFF086  }
0x1c: {  	p1 =	slt.u32 s9, $0xF7A;
	s5 =	simm.s32 @!p2 $0x0  }
0x1d: {  	s5 =	simm.s32 @p1 $0x1;
	p0 =	seq.s32 s7, s2  }
0x1e: {  	s7 =	smul.u32 @!p0 $0xF7A, s2;
	p2 =	seq.s32 @!p0 s5, $0x0  }
0x1f: {  	s9 =	smul.u32 $0xF7A, s1;
	s8 =	simm.s32 @!p0 $0x1BF5;
	p2 =	por !p2, p0  }
0x20: {  	[sflag:s8] =	ssyncset.s32 @!p0 $0xFFFFF086;
	s6 =	sadd.s32 @!p0 s3, s7;
	s7 =	simm.s32 @!p0 $0x108  }
0x21: {  	s3 =	sadd.s32 s3, s9;
	s6 =	sadd.s32 @!p0 $0x88, s6;
	s7 =	simm.s32 @p2 $0x1082  }
0x22: {  	[simem:s7], [sflag:s8] =	dma.local @!p0 [hbm:s6], $0xF7A  }
0x23: {  	s9 =	sor.u32 $0xD0000000, s2;
	s6 =	simm.s32 $0x108;
	_ =	swait.ge @!p0 [sflag:s8], $0x0  }
0x24: {  	s3 =	sadd.s32 $0x88, s3;
	s6 =	simm.s32 @!p1 $0x1082;
	[sflag:s4] =	ssyncset.s32 $0xFFFFF086  }
0x25: {  	[simem:s6], [sflag:s4] =	dma.local [hbm:s3], $0xF7A  }
0x26: {  	[smem:$0x3F99] =	sst s1;
	(tag) =	ssettag s2;
	_ =	strace s9  }
0x27: {  	s1 =	sld [smem:$0x3FA9]  }
0x28: {  	s2 =	sld [smem:$0x3FAA]  }
0x29: {  	s4 =	sld [smem:$0x3FAC]  }
0x2a: {  	p0 =	seq.s32 s5, $0x0;
	s5 =	sld [smem:$0x3FAD]  }
0x2b: {  	s6 =	sld [smem:$0x3FAE]  }
0x2c: {  	s7 =	sld [smem:$0x3FAF]  }
0x2d: {  	s3 =	simm.s32 $0x108;
	s8 =	sld [smem:$0x3FB0]  }
0x2e: {  	s3 =	simm.s32 @!p0 $0x1082;
	s9 =	sld [smem:$0x3FB1]  }
0x2f: {  	lr =	sadd.s32 s0, s3;
	s0 =	sld [smem:$0x3FA8]  }
0x30: {  	s3 =	sld [smem:$0x3FAB]  }
0x31: {  	[smem:$0x3FB4] =	sst s10  }
0x32: {  	s10 =	sld [smem:$0x3FB2];
	_ =	sdelay $0x3  }
0x33: {  	p0 =	seq.s32 s10, $0x1;
	s10 =	sld [smem:$0x3FB4];
	_ =	sdelay $0x3  }
0x34: {  	[smem:$0x3FB4] =	sst s10  }
0x35: {  	s10 =	sld [smem:$0x3FB3];
	_ =	sdelay $0x3  }
0x36: {  	p1 =	seq.s32 s10, $0x1;
	s10 =	sld [smem:$0x3FB4];
	_ =	sdelay $0x3  }
0x37: {  	[smem:$0x3FB4] =	sst s10  }
0x38: {  	s10 =	sld [smem:$0x3FB5]  }
0x39: {  	_ = 	snop;
	(pc) =	sbr.ind lr, $3  }
0x3a: {  	_ = 	snop  }
0x3b: {  	_ = 	snop  }
0x3c: {  	p2 =	seq.s32 s10, $0x1;
	s10 =	sld [smem:$0x3FB4]  }
0x3d: {  	_ =	shalt  }
0x3e: {  	_ =	shalt  }
0x3f: {  	_ =	shalt  }
0x40: {  	_ =	shalt  }
0x41: {  	_ =	shalt  }
0x42: {  	_ =	shalt  }
0x43: {  	_ =	shalt  }
0x44: {  	_ =	shalt  }
0x45: {  	_ =	shalt  }
0x46: {  	_ =	shalt  }
0x47: {  	_ =	shalt  }
0x48: {  	_ =	shalt  }
0x49: {  	_ =	shalt  }
0x4a: {  	_ =	shalt  }
0x4b: {  	_ =	shalt  }
0x4c: {  	_ =	shalt  }
0x4d: {  	_ =	shalt  }
0x4e: {  	_ =	shalt  }
0x4f: {  	_ =	shalt  }
0x50: {  	_ =	shalt  }
0x51: {  	_ =	shalt  }
0x52: {  	_ =	shalt  }
0x53: {  	_ =	shalt  }
0x54: {  	_ =	shalt  }
0x55: {  	_ =	shalt  }
0x56: {  	_ =	shalt  }
0x57: {  	_ =	shalt  }
0x58: {  	_ =	shalt  }
0x59: {  	_ =	shalt  }
0x5a: {  	_ =	shalt  }
0x5b: {  	_ =	shalt  }
0x5c: {  	_ =	shalt  }
0x5d: {  	_ =	shalt  }
0x5e: {  	_ =	shalt  }
0x5f: {  	_ =	shalt  }
0x60: {  	_ =	shalt  }
0x61: {  	_ =	shalt  }
0x62: {  	_ =	shalt  }
0x63: {  	_ =	shalt  }
0x64: {  	_ =	shalt  }
0x65: {  	_ =	shalt  }
0x66: {  	_ =	shalt  }
0x67: {  	_ =	shalt  }
0x68: {  	_ =	shalt  }
0x69: {  	_ =	shalt  }
0x6a: {  	_ =	shalt  }
0x6b: {  	_ =	shalt  }
0x6c: {  	_ =	shalt  }
0x6d: {  	_ =	shalt  }
0x6e: {  	_ =	shalt  }
0x6f: {  	_ =	shalt  }
0x70: {  	_ =	shalt  }
0x71: {  	_ =	shalt  }
0x72: {  	_ =	shalt  }
0x73: {  	_ =	shalt  }
0x74: {  	_ =	shalt  }
0x75: {  	_ =	shalt  }
0x76: {  	_ =	shalt  }
0x77: {  	_ =	shalt  }
0x78: {  	_ =	shalt  }
0x79: {  	_ =	shalt  }
0x7a: {  	_ =	shalt  }
0x7b: {  	_ =	shalt  }
0x7c: {  	_ =	shalt  }
0x7d: {  	_ =	shalt  }
0x7e: {  	_ =	shalt  }
0x7f: {  	_ =	shalt  }
0x80: {  	_ =	shalt  }
0x81: {  	_ =	shalt  }
0x82: {  	_ =	shalt  }
0x83: {  	_ =	shalt  }
0x84: {  	_ =	shalt  }
0x85: {  	_ =	shalt  }
0x86: {  	_ =	shalt  }
0x87: {  	_ =	shalt  }
.Lfunc_end0:
.L_simem_size_0:
called_computation.4_lowered:
.L_overlay_start_0:
0x88: {  	s2 =	sld [smem:$0x3FD9]  }
0x89: {  	s3 =	sld [smem:$0x3FFE];
	_ =	sdelay $0x1  }
0x8a: {  	s1 =	srdreg.scid  }
0x8b: {  	s0 =	sand.u32 $0x1, s1  }
0x8c: {  	s14 =	sshll.u32 s0, $0xA;
	s2 =	sadd.s32 s3, s2  }
0x8d: {  	s2 =	sadd.s32 s2, s14  }
0x8e: {  	[smem:$0x3FC0] =	sst s2  }
0x8f: {  	_ = 	snop  }
0x90: {  	s2 =	sld [smem:$0x3FD0];
	_ =	sdelay $0x2  }
0x91: {  	s15 =	simm.s32 $0xB;
	s4 =	simm.s32 $0x10  }
0x92: {  	[smem:s4], [sflag:s15] =	dma.local [hbm:s2], $0x1  }
0x93: {  	_ =	swait.eq [sflag:s15], $0x1  }
0x94: {  	[sflag:s15] =	ssyncset.done $0x0  }
0x95: {  	[sflag:s15] =	ssyncadd.s32 $0xFFFFFFFF  }
0x96: {  	s16 =	sld [smem:$0x10];
	(tm) =	ssettm $0x1  }
0x97: {  	s17 =	sld [smem:$0x3FFB];
	_ =	sdelay $0x3  }
0x98: {  	_ =	strace s17  }
0x99: {  	s3 =	sld [smem:$0x3FFC];
	_ =	sdelay $0x3  }
0x9a: {  	_ =	strace s3  }
0x9b: {  	s3 =	sld [smem:$0x3FFD];
	_ =	sdelay $0x3  }
0x9c: {  	_ =	strace s3  }
0x9d: {  	_ =	strace $0x8FFFFFFF  }
0x9e: {  	s18 =	sld [smem:$0x3FDB];
	_ =	sdelay $0x1  }
0x9f: {  	s19 =	simm.s32 $_scs_section_size  }
0xa0: {  	s5 =	simm.s32 $_size__tile_overlayer_lowered;
	s6 =	simm.s32 $_tile_overlayer_lowered  }
0xa1: {  	s22 =	simm.s32 $0x1BFF;
	s21 =	sshll.u32 s6, $0x1;
	s3 =	sadd.s32 s19, s18  }
0xa2: {  	s7 =	simm.s32 $0x0;
	s20 =	sshll.u32 s5, $0x1;
	s5 =	sadd.s32 s21, s3  }
0xa3: {  	[timem:s7], [sflag:s22] =	dma.local [hbm:s5], s20  }
0xa4: {  	_ =	swait.ge [sflag:s22], s20  }
0xa5: {  	s4 =	ssub.s32 $0x0, s20;
	[sflag:s22] =	ssyncset.done $0x0  }
0xa6: {  	[sflag:s22] =	ssyncadd.s32 s4;
	_ =	sdelay $0x1  }
0xa7: {  	s23 =	simm.s32 $0x1B8B  }
0xa8: {  	_ =	swait.ge [sflag:s23], $0x1  }
0xa9: {  	[sflag:s23] =	ssyncset.done $0x0  }
0xaa: {  	s25 =	simm.s32 $0x1B8E;
	s24 =	sld [smem:$0x3FFE];
	[sflag:s23] =	ssyncadd.s32 $0xFFFFFFFF  }
0xab: {  	s26 =	simm.s32 $execute0_lowered;
	[smem:$0x3FD2] =	sst s25  }
0xac: {  	s5 =	sshll.u32 s26, $0x1;
	_ =	strace $0x8000004F;
	[dreg:$0x1] =	wrdreg $0xFFFFFFFF  }
0xad: {  	s28 =	simm.s32 $_size_execute0_lowered;
	s3 =	sadd.s32 s3, s5;
	[dreg:$0x0] =	wrdreg $0x0  }
0xae: {  	s5 =	sshll.u32 s28, $0x1;
	[dreg:$0x2] =	wrdreg s3  }
0xaf: {  	[dreg:$0x3] =	wrdreg s5  }
0xb0: {  	[dreg:$0x4] =	wrdreg $0xC0  }
0xb1: {  	_ =	task [dreg:s7], $0x5FFFF  }
0xb2: {  	[dreg:$0x1] =	wrdreg $0xFFFFFFFF  }
0xb3: {  	[dreg:$0x0] =	wrdreg $0x60  }
0xb4: {  	[dreg:$0x2] =	wrdreg s16  }
0xb5: {  	[dreg:$0x3] =	wrdreg s24  }
0xb6: {  	[dreg:$0x4] =	wrdreg $0x0  }
0xb7: {  	[dreg:$0x5] =	wrdreg $0xA  }
0xb8: {  	_ =	task.clear_ibuf [dreg:s7], $0x6FFFF;
	_ =	strace $0x9000004F  }
0xb9: {  	s29 =	simm.s32 $0xA;
	_ =	strace $0x80000051  }
0xba: {  	_ =	swait.ge [sflag:s29], $0x1  }
0xbb: {  	[sflag:s29] =	ssyncadd.s32 $0xFFFFFFFF  }
0xbc: {  	_ =	strace $0x90000051  }
0xbd: {  	_ =	sfence  }
0xbe: {  	s30 =	sld [smem:$0x0];
	_ =	sdelay $0x2  }
0xbf: {  	s31 =	sshll.u32 s1, $0xD;
	s1 =	sshrl.u32 s1, $0x2  }
0xc0: {  	s3 =	sand.u32 $0x4000, s31;
	s1 =	sadd.s32 s1, s30  }
0xc1: {  	s0 =	sor.u32 s3, s0;
	s1 =	sshll.u32 s1, $0x11  }
0xc2: {  	s0 =	sor.u32 s1, s0  }
0xc3: {  	s0 =	sadd.s32 $0x8F2B, s0  }
0xc4: {  	[sflag:s0] =	ssyncadd.remote.s32 $0x1  }
0xc5: {  	_ =	sfence.sel $0xFFFF  }
0xc6: {  	[dreg:$0x0] =	wrdreg $0xFFFFFFFF;
	(pc) =	sbr.abs _section_cstart, $3  }
0xc7: {  	[dreg:$0x1] =	wrdreg $0xFFFFFFFF  }
0xc8: {  	_ =	task.clear_ibuf [dreg:s7], $0x2FFFF;
	_ =	strace $0x9FFFFFFF  }
0xc9: {  	(tm) =	ssettm $0x7FFFFFFF  }
tec
execute0_lowered:
.L_overlay_start_1:
0x0: {  	(tag) =	ssettag $0x1  }
0x1: {  	s1 =	rddreg [dreg:$0x0]  }
0x2: {  	s0 =	rddreg [dreg:$0x1]  }
0x3: {  	s2 =	rddreg [dreg:$0x2];
	s3 =	simm.s32 $0x0;
	s7 =	srdreg.scid  }
0x4: {  	s18 =	stileid.u32;
	s28 =	simm.s32 $0x1BB00;
	s29 =	simm.s32 $0x1BB80  }
0x5: {  	s30 =	simm.s32 $0x1;
	s31 =	simm.s32 $0x2;
	[smem:$0x7FF] =	sst s3  }
0x6: {  	s4 =	sadd.s32 $0xFE00, s0;
	s6 =	sadd.s32 $0x6000, s0;
	s9 =	smul.u32 $0x2700, s18  }
0x7: {  	s5 =	sadd.s32 $0x19C00, s0;
	s8 =	sand.u32 $0x1, s7;
	s11 =	smul.u32 $0x4E000, s18  }
0x8: {  	s24 =	sshll.u32 s18, $0x1;
	s0 =	sadd.s32 $0xB8C00, s0;
	s16 =	smul.u32 $0x4E20, s18  }
0x9: {  	s15 =	sshll.u32 s18, $0x6;
	p0 =	sne.s32 s18, $0xF;
	s26 =	smul.u32 $0x27100, s8  }
0xa: {  	s18 =	simm.s32 $0x8;
	_ =	strace $0x80000050;
	s14 =	smul.u32 $0x2710, s8  }
0xb: {  	s10 =	ssub.s32 $0x2, s8;
	s7 =	sor.u32 s8, s24;
	s8 =	smul.u32 $0x138800, s8  }
0xc: {  	s12 =	sshrl.u32 s10, $0x1;
	s13 =	smul.u32 $0x2710, s7;
	s25 =	sshrl.u32 s11, $0x2  }
0xd: {  	s10 =	ssub.s32 s10, s12;
	s7 =	sadd.s32 s25, s2;
	s12 =	sadd.s32 s14, s16  }
0xe: {  	s9 =	sadd.s32 s9, s26;
	s8 =	sshrl.u32 s8, $0x3;
	[dreg:$0x6] =	wrdreg s7  }
0xf: {  	s7 =	sor.u32 $0x1C08, s15;
	s13 =	sshrl.u32 s13, $0x3;
	s15 =	sadd.s32 $0x138000, s2  }
0x10: {  	s19 =	sadd.s32 $0x100, s12;
	s9 =	sadd.s32 s0, s9;
	s0 =	sadd.s32 s0, s8  }
0x11: {  	s21 =	smax.u32 s10, $0x1;
	s24 =	sadd.s32 $0x80, s12;
	[dreg:$0x7] =	wrdreg s15  }
0x12: {  	s26 =	sshrl.u32 s12, $0x3;
	s13 =	sadd.s32 $0x4E0, s13;
	[dreg:$0xa] =	wrdreg s9  }
0x13: {  	s20 =	sshrl.u32 s19, $0x3;
	s0 =	sadd.s32 $0x27000, s0;
	[dreg:$0xc] =	wrdreg s21  }
0x14: {  	s25 =	sshrl.u32 s24, $0x3;
	s16 =	sadd.s32 s26, s6;
	s19 =	simm.s32 $0x13880  }
0x15: {  	s21 =	simm.s32 $0x80;
	s24 =	simm.s32 $0x17A00;
	s17 =	sadd.s32 s4, s13  }
0x16: {  	s13 =	sadd.s32 s6, s13;
	[dreg:$0xb] =	wrdreg s0;
	s22 =	sadd.s32 s20, s6  }
0x17: {  	s23 =	sadd.s32 s20, s4;
	s14 =	sadd.s32 s25, s6;
	[dreg:$0x8] =	wrdreg s17  }
0x18: {  	s15 =	sadd.s32 s25, s4;
	s20 =	simm.s32 $0x13900;
	[dreg:$0x9] =	wrdreg s13  }
0x19: {  	s25 =	simm.s32 $0x17A80;
	s0 =	simm.s32 $0x3;
	[dreg:$0x4] =	wrdreg s22  }
0x1a: {  	[dreg:$0x5] =	wrdreg s23;
	s17 =	sadd.s32 s26, s4;
	s22 =	simm.s32 $0x13980  }
0x1b: {  	s23 =	simm.s32 $0x17980;
	s26 =	simm.s32 $0x1BA80;
	s13 =	simm.s32 $0x0  }
.LBB2_1:
0x1c: {  	s4 =	rddreg [dreg:$0x6]  }
0x1d: {  	s9 =	sshrl.u32 s4, $0x3  }
0x1e: {  	[spmem:s9], [sflag:s7] =	dma.local [hbm:s5], $0x2700  }
0x1f: {  	_ =	swait.ge [sflag:s18], $0x2700  }
0x20: {  	[sflag:s18] =	ssyncset.done $0x0;
	s4 =	rddreg [dreg:$0x7]  }
0x21: {  	[sflag:s18] =	ssyncadd.s32 $0xFFFFD900;
	s10 =	sshrl.u32 @!p0 s4, $0x3;
	s4 =	simm.s32 @!p0 $0x8  }
0x22: {  	[spmem:s10], [sflag:s7] =	dma.local @!p0 [hbm:s5], $0x100  }
0x23: {  	_ =	swait.ge @!p0 [sflag:s4], $0x100  }
0x24: {  	[sflag:s4] =	ssyncset.done @!p0 $0x0  }
0x25: {  	p1 =	por $0x1, $0x1;
	[sflag:s4] =	ssyncadd.s32 @!p0 $0xFFFFFF00  }
0x26: {  	s4 =	simm.s32 @!p1 $0x4;
	[bflag:$0x0] =	sbarrier.arrive $0xFFFF  }
0x27: {  	_ =	swait.ge @!p1 [sflag:s4], $0x4000  }
0x28: {  	[sflag:s4] =	ssyncset.done @!p1 $0x0  }
0x29: {  	s11 =	sadd.s32 $0x0, s17;
	[sflag:s4] =	ssyncadd.s32 @!p1 $0xFFFFC000  }
0x2a: {  	[tilespmem:s19], [sflag:$0x8] =	stream.linear.gather [hbm4b:s11+s3], $0x80, $0x38;
	[tilespmem:$0x1FC80] =	vst v63  }
0x2b: {  	_ =	swait.ge [sflag:s18], $0x80  }
0x2c: {  	[sflag:s18] =	ssyncset.done $0x0  }
0x2d: {  	s12 =	sadd.s32 $0x0, s16;
	[sflag:s18] =	ssyncadd.s32 $0xFFFFFF80  }
0x2e: {  	[tilespmem:s20], [sflag:$0x8] =	stream.linear.gather [hbm4b:s12+s3], $0x80, $0x38;
	[tilespmem:$0x1FC80] =	vst v63  }
0x2f: {  	_ =	swait.ge [sflag:s18], $0x80  }
0x30: {  	[sflag:s18] =	ssyncset.done $0x0  }
0x31: {  	s4 =	simm.s32 @!p1 $0x5;
	[sflag:s18] =	ssyncadd.s32 $0xFFFFFF80  }
0x32: {  	[tilespmem:s22], [sflag:$0x1] =	stream.indirect.gather [hbm4b:s1+s21], $0x80, s19, s21, $0xb8;
	[tilespmem:$0x1FC80] =	vst v63  }
0x33: {  	_ =	swait.ge @!p1 [sflag:s4], $0x4000  }
0x34: {  	[sflag:s4] =	ssyncset.done @!p1 $0x0  }
0x35: {  	s6 =	sadd.s32 $0x0, s15;
	[sflag:s4] =	ssyncadd.s32 @!p1 $0xFFFFC000  }
0x36: {  	[tilespmem:s23], [sflag:$0x8] =	stream.linear.gather [hbm4b:s6+s3], $0x80, $0x38;
	[tilespmem:$0x1FC80] =	vst v63  }
0x37: {  	_ =	swait.ge [sflag:s18], $0x80  }
0x38: {  	[sflag:s18] =	ssyncset.done $0x0  }
0x39: {  	s8 =	sadd.s32 $0x0, s14;
	[sflag:s18] =	ssyncadd.s32 $0xFFFFFF80  }
0x3a: {  	[tilespmem:s24], [sflag:$0x8] =	stream.linear.gather [hbm4b:s8+s3], $0x80, $0x38;
	[tilespmem:$0x1FC80] =	vst v63  }
0x3b: {  	_ =	swait.ge [sflag:s18], $0x80  }
0x3c: {  	[sflag:s18] =	ssyncset.done $0x0  }
0x3d: {  	s4 =	simm.s32 @!p1 $0x6;
	[sflag:s18] =	ssyncadd.s32 $0xFFFFFF80  }
0x3e: {  	[tilespmem:s25], [sflag:$0x2] =	stream.indirect.gather [hbm4b:s1+s21], $0x80, s23, s21, $0xb8;
	[tilespmem:$0x1FC80] =	vst v63  }
0x3f: {  	_ =	swait.ge @!p1 [sflag:s4], $0x4000  }
0x40: {  	s6 =	rddreg [dreg:$0x5];
	[sflag:s4] =	ssyncset.done @!p1 $0x0  }
0x41: {  	[sflag:s4] =	ssyncadd.s32 @!p1 $0xFFFFC000;
	s11 =	sadd.s32 $0x0, s6  }
0x42: {  	[tilespmem:s26], [sflag:$0x8] =	stream.linear.gather [hbm4b:s11+s3], $0x80, $0x38;
	[tilespmem:$0x1FC80] =	vst v63  }
0x43: {  	_ =	swait.ge [sflag:s18], $0x80  }
0x44: {  	s12 =	rddreg [dreg:$0x4];
	[sflag:s18] =	ssyncset.done $0x0  }
0x45: {  	[sflag:s18] =	ssyncadd.s32 $0xFFFFFF80;
	s4 =	sadd.s32 $0x0, s12  }
0x46: {  	[tilespmem:s28], [sflag:$0x8] =	stream.linear.gather [hbm4b:s4+s3], $0x80, $0x38;
	[tilespmem:$0x1FC80] =	vst v63  }
0x47: {  	_ =	swait.ge [sflag:s18], $0x80  }
0x48: {  	[sflag:s18] =	ssyncset.done $0x0  }
0x49: {  	[sflag:s18] =	ssyncadd.s32 $0xFFFFFF80  }
0x4a: {  	[tilespmem:s29], [sflag:$0x3] =	stream.indirect.gather [hbm4b:s1+s21], $0x80, s26, s21, $0xb8;
	[tilespmem:$0x1FC80] =	vst v63  }
0x4b: {  	_ =	swait.ge [sflag:s30], $0x4000  }
0x4c: {  	[sflag:s30] =	ssyncset.done $0x0  }
0x4d: {  	[sflag:s30] =	ssyncadd.s32 $0xFFFFC000  }
0x4e: {  	[spmem:s2] =	stream.indirect.scatter.add.f32 [tilespmem:s22], [sflag:$0x4], $0x80, s20, s21, $0xb8;
	[tilespmem:$0x1FC80] =	vst v63  }
0x4f: {  	_ =	swait.ge [sflag:s31], $0x4000  }
0x50: {  	[sflag:s31] =	ssyncset.done $0x0  }
0x51: {  	[sflag:s31] =	ssyncadd.s32 $0xFFFFC000  }
0x52: {  	[spmem:s2] =	stream.indirect.scatter.add.f32 [tilespmem:s25], [sflag:$0x5], $0x80, s24, s21, $0xb8;
	[tilespmem:$0x1FC80] =	vst v63  }
0x53: {  	p1 =	por $0x0, $0x0;
	_ =	swait.ge [sflag:s0], $0x4000  }
0x54: {  	s11 =	simm.s32 $0x30;
	s4 =	simm.s32 $0x60;
	[sflag:s0] =	ssyncset.done $0x0  }
.LBB2_2:
0x55: {  	s8 =	simm.s32 @!p1 $0x4;
	[sflag:s0] =	ssyncadd.s32 $0xFFFFC000  }
0x56: {  	[spmem:s2] =	stream.indirect.scatter.add.f32 [tilespmem:s29], [sflag:$0x6], $0x80, s28, s21, $0xb8;
	[tilespmem:$0x1FC80] =	vst v63  }
0x57: {  	_ =	swait.ge @!p1 [sflag:s8], $0x4000  }
0x58: {  	[sflag:s8] =	ssyncset.done @!p1 $0x0  }
0x59: {  	s12 =	sadd.s32 s11, s17;
	[sflag:s8] =	ssyncadd.s32 @!p1 $0xFFFFC000  }
0x5a: {  	[tilespmem:s19], [sflag:$0x8] =	stream.linear.gather [hbm4b:s12+s3], $0x80, $0x38;
	[tilespmem:$0x1FC80] =	vst v63  }
0x5b: {  	_ =	swait.ge [sflag:s18], $0x80  }
0x5c: {  	[sflag:s18] =	ssyncset.done $0x0  }
0x5d: {  	s12 =	sadd.s32 s11, s16;
	[sflag:s18] =	ssyncadd.s32 $0xFFFFFF80  }
0x5e: {  	[tilespmem:s20], [sflag:$0x8] =	stream.linear.gather [hbm4b:s12+s3], $0x80, $0x38;
	[tilespmem:$0x1FC80] =	vst v63  }
0x5f: {  	_ =	swait.ge [sflag:s18], $0x80  }
0x60: {  	[sflag:s18] =	ssyncset.done $0x0  }
0x61: {  	s8 =	simm.s32 @!p1 $0x5;
	[sflag:s18] =	ssyncadd.s32 $0xFFFFFF80  }
0x62: {  	[tilespmem:s22], [sflag:$0x1] =	stream.indirect.gather [hbm4b:s1+s21], $0x80, s19, s21, $0xb8;
	[tilespmem:$0x1FC80] =	vst v63  }
0x63: {  	_ =	swait.ge @!p1 [sflag:s8], $0x4000  }
0x64: {  	[sflag:s8] =	ssyncset.done @!p1 $0x0  }
0x65: {  	s12 =	sadd.s32 s11, s15;
	[sflag:s8] =	ssyncadd.s32 @!p1 $0xFFFFC000  }
0x66: {  	[tilespmem:s23], [sflag:$0x8] =	stream.linear.gather [hbm4b:s12+s3], $0x80, $0x38;
	[tilespmem:$0x1FC80] =	vst v63  }
0x67: {  	_ =	swait.ge [sflag:s18], $0x80  }
0x68: {  	[sflag:s18] =	ssyncset.done $0x0  }
0x69: {  	s12 =	sadd.s32 s11, s14;
	[sflag:s18] =	ssyncadd.s32 $0xFFFFFF80  }
0x6a: {  	[tilespmem:s24], [sflag:$0x8] =	stream.linear.gather [hbm4b:s12+s3], $0x80, $0x38;
	[tilespmem:$0x1FC80] =	vst v63  }
0x6b: {  	_ =	swait.ge [sflag:s18], $0x80  }
0x6c: {  	[sflag:s18] =	ssyncset.done $0x0  }
0x6d: {  	s8 =	simm.s32 @!p1 $0x6;
	[sflag:s18] =	ssyncadd.s32 $0xFFFFFF80  }
0x6e: {  	[tilespmem:s25], [sflag:$0x2] =	stream.indirect.gather [hbm4b:s1+s21], $0x80, s23, s21, $0xb8;
	[tilespmem:$0x1FC80] =	vst v63  }
0x6f: {  	_ =	swait.ge @!p1 [sflag:s8], $0x4000  }
0x70: {  	[sflag:s8] =	ssyncset.done @!p1 $0x0;
	s12 =	rddreg [dreg:$0x5]  }
0x71: {  	[sflag:s8] =	ssyncadd.s32 @!p1 $0xFFFFC000;
	s12 =	sadd.s32 s11, s12  }
0x72: {  	[tilespmem:s26], [sflag:$0x8] =	stream.linear.gather [hbm4b:s12+s3], $0x80, $0x38;
	[tilespmem:$0x1FC80] =	vst v63  }
0x73: {  	_ =	swait.ge [sflag:s18], $0x80  }
0x74: {  	s12 =	rddreg [dreg:$0x4];
	[sflag:s18] =	ssyncset.done $0x0  }
0x75: {  	[sflag:s18] =	ssyncadd.s32 $0xFFFFFF80;
	s8 =	sadd.s32 s11, s12  }
0x76: {  	[tilespmem:s28], [sflag:$0x8] =	stream.linear.gather [hbm4b:s8+s3], $0x80, $0x38;
	[tilespmem:$0x1FC80] =	vst v63  }
0x77: {  	_ =	swait.ge [sflag:s18], $0x80  }
0x78: {  	[sflag:s18] =	ssyncset.done $0x0  }
0x79: {  	[sflag:s18] =	ssyncadd.s32 $0xFFFFFF80  }
0x7a: {  	[tilespmem:s29], [sflag:$0x3] =	stream.indirect.gather [hbm4b:s1+s21], $0x80, s26, s21, $0xb8;
	[tilespmem:$0x1FC80] =	vst v63  }
0x7b: {  	_ =	swait.ge [sflag:s30], $0x4000  }
0x7c: {  	[sflag:s30] =	ssyncset.done $0x0  }
0x7d: {  	s6 =	smov.u32 s4;
	s4 =	sadd.s32 $0x30, s4;
	[sflag:s30] =	ssyncadd.s32 $0xFFFFC000  }
0x7e: {  	[spmem:s2] =	stream.indirect.scatter.add.f32 [tilespmem:s22], [sflag:$0x4], $0x80, s20, s21, $0xb8;
	[tilespmem:$0x1FC80] =	vst v63  }
0x7f: {  	p2 =	sne.s32 s4, $0x4E0;
	_ =	swait.ge [sflag:s31], $0x4000  }
.Ltmp0:
0x80: {  	[sflag:s31] =	ssyncset.done $0x0;
	(pc) =	sbr.rel @p2 .LBB2_2-.Ltmp0, $4  }
0x81: {  	[sflag:s31] =	ssyncadd.s32 $0xFFFFC000  }
0x82: {  	[spmem:s2] =	stream.indirect.scatter.add.f32 [tilespmem:s25], [sflag:$0x5], $0x80, s24, s21, $0xb8;
	[tilespmem:$0x1FC80] =	vst v63  }
0x83: {  	s11 =	smov.u32 s6;
	_ =	swait.ge [sflag:s0], $0x4000  }
0x84: {  	p1 =	seq.s32 s11, $0x0;
	[sflag:s0] =	ssyncset.done $0x0  }
0x85: {  	s4 =	simm.s32 @!p1 $0x4;
	[sflag:s0] =	ssyncadd.s32 $0xFFFFC000  }
0x86: {  	[spmem:s2] =	stream.indirect.scatter.add.f32 [tilespmem:s29], [sflag:$0x6], $0x80, s28, s21, $0xb8;
	[tilespmem:$0x1FC80] =	vst v63  }
0x87: {  	_ =	swait.ge @!p1 [sflag:s4], $0x4000  }
0x88: {  	[sflag:s4] =	ssyncset.done @!p1 $0x0  }
0x89: {  	s12 =	sadd.s32 s11, s17;
	[sflag:s4] =	ssyncadd.s32 @!p1 $0xFFFFC000  }
0x8a: {  	[tilespmem:s19], [sflag:$0x8] =	stream.linear.gather [hbm4b:s12+s3], $0x80, $0x38;
	[tilespmem:$0x1FC80] =	vst v63  }
0x8b: {  	_ =	swait.ge [sflag:s18], $0x80  }
0x8c: {  	[sflag:s18] =	ssyncset.done $0x0  }
0x8d: {  	s6 =	sadd.s32 s11, s16;
	[sflag:s18] =	ssyncadd.s32 $0xFFFFFF80  }
0x8e: {  	[tilespmem:s20], [sflag:$0x8] =	stream.linear.gather [hbm4b:s6+s3], $0x80, $0x38;
	[tilespmem:$0x1FC80] =	vst v63  }
0x8f: {  	_ =	swait.ge [sflag:s18], $0x80  }
0x90: {  	[sflag:s18] =	ssyncset.done $0x0  }
0x91: {  	s4 =	simm.s32 @!p1 $0x5;
	[sflag:s18] =	ssyncadd.s32 $0xFFFFFF80  }
0x92: {  	[tilespmem:s22], [sflag:$0x1] =	stream.indirect.gather [hbm4b:s1+s21], $0x80, s19, s21, $0xb8;
	[tilespmem:$0x1FC80] =	vst v63  }
0x93: {  	_ =	swait.ge @!p1 [sflag:s4], $0x4000  }
0x94: {  	[sflag:s4] =	ssyncset.done @!p1 $0x0  }
0x95: {  	s8 =	sadd.s32 s11, s15;
	[sflag:s4] =	ssyncadd.s32 @!p1 $0xFFFFC000  }
0x96: {  	[tilespmem:s23], [sflag:$0x8] =	stream.linear.gather [hbm4b:s8+s3], $0x80, $0x38;
	[tilespmem:$0x1FC80] =	vst v63  }
0x97: {  	_ =	swait.ge [sflag:s18], $0x80  }
0x98: {  	[sflag:s18] =	ssyncset.done $0x0  }
0x99: {  	s12 =	sadd.s32 s11, s14;
	[sflag:s18] =	ssyncadd.s32 $0xFFFFFF80  }
0x9a: {  	[tilespmem:s24], [sflag:$0x8] =	stream.linear.gather [hbm4b:s12+s3], $0x80, $0x38;
	[tilespmem:$0x1FC80] =	vst v63  }
0x9b: {  	_ =	swait.ge [sflag:s18], $0x80  }
0x9c: {  	[sflag:s18] =	ssyncset.done $0x0  }
0x9d: {  	s4 =	simm.s32 @!p1 $0x6;
	[sflag:s18] =	ssyncadd.s32 $0xFFFFFF80  }
0x9e: {  	[tilespmem:s25], [sflag:$0x2] =	stream.indirect.gather [hbm4b:s1+s21], $0x80, s23, s21, $0xb8;
	[tilespmem:$0x1FC80] =	vst v63  }
0x9f: {  	_ =	swait.ge @!p1 [sflag:s4], $0x4000  }
0xa0: {  	s6 =	rddreg [dreg:$0x5];
	[sflag:s4] =	ssyncset.done @!p1 $0x0  }
0xa1: {  	[sflag:s4] =	ssyncadd.s32 @!p1 $0xFFFFC000;
	s6 =	sadd.s32 s11, s6  }
0xa2: {  	[tilespmem:s26], [sflag:$0x8] =	stream.linear.gather [hbm4b:s6+s3], $0x80, $0x38;
	[tilespmem:$0x1FC80] =	vst v63  }
0xa3: {  	_ =	swait.ge [sflag:s18], $0x80  }
0xa4: {  	s8 =	rddreg [dreg:$0x4];
	[sflag:s18] =	ssyncset.done $0x0  }
0xa5: {  	s4 =	sadd.s32 s11, s8;
	[sflag:s18] =	ssyncadd.s32 $0xFFFFFF80  }
0xa6: {  	[tilespmem:s28], [sflag:$0x8] =	stream.linear.gather [hbm4b:s4+s3], $0x80, $0x38;
	[tilespmem:$0x1FC80] =	vst v63  }
0xa7: {  	_ =	swait.ge [sflag:s18], $0x80  }
0xa8: {  	[sflag:s18] =	ssyncset.done $0x0  }
0xa9: {  	[sflag:s18] =	ssyncadd.s32 $0xFFFFFF80  }
0xaa: {  	[tilespmem:s29], [sflag:$0x3] =	stream.indirect.gather [hbm4b:s1+s21], $0x80, s26, s21, $0xb8;
	[tilespmem:$0x1FC80] =	vst v63  }
0xab: {  	_ =	swait.ge [sflag:s30], $0x4000  }
0xac: {  	[sflag:s30] =	ssyncset.done $0x0  }
0xad: {  	[sflag:s30] =	ssyncadd.s32 $0xFFFFC000  }
0xae: {  	[spmem:s2] =	stream.indirect.scatter.add.f32 [tilespmem:s22], [sflag:$0x4], $0x80, s20, s21, $0xb8;
	[tilespmem:$0x1FC80] =	vst v63  }
0xaf: {  	_ =	swait.ge [sflag:s31], $0x4000  }
0xb0: {  	[sflag:s31] =	ssyncset.done $0x0  }
0xb1: {  	[sflag:s31] =	ssyncadd.s32 $0xFFFFC000  }
0xb2: {  	[spmem:s2] =	stream.indirect.scatter.add.f32 [tilespmem:s25], [sflag:$0x5], $0x80, s24, s21, $0xb8;
	[tilespmem:$0x1FC80] =	vst v63  }
0xb3: {  	_ =	swait.ge [sflag:s0], $0x4000  }
0xb4: {  	[sflag:s0] =	ssyncset.done $0x0  }
0xb5: {  	s12 =	simm.s32 $0x4;
	[sflag:s0] =	ssyncadd.s32 $0xFFFFC000  }
0xb6: {  	[spmem:s2] =	stream.indirect.scatter.add.f32 [tilespmem:s29], [sflag:$0x6], $0x80, s28, s21, $0xb8;
	[tilespmem:$0x1FC80] =	vst v63  }
0xb7: {  	_ =	swait.ge [sflag:s12], $0x4000  }
0xb8: {  	[sflag:s12] =	ssyncset.done $0x0  }
0xb9: {  	s6 =	simm.s32 $0x5;
	[sflag:s12] =	ssyncadd.s32 $0xFFFFC000  }
0xba: {  	_ =	swait.ge [sflag:s6], $0x4000  }
0xbb: {  	[sflag:s6] =	ssyncset.done $0x0  }
0xbc: {  	s8 =	simm.s32 $0x6;
	[sflag:s6] =	ssyncadd.s32 $0xFFFFC000  }
0xbd: {  	_ =	swait.ge [sflag:s8], $0x4000  }
0xbe: {  	[sflag:s8] =	ssyncset.done $0x0  }
0xbf: {  	s6 =	simm.s32 $0x1FB80;
	s11 =	rddreg [dreg:$0x8];
	[sflag:s8] =	ssyncadd.s32 $0xFFFFC000  }
0xc0: {  	[tilespmem:s6], [sflag:$0x8] =	stream.linear.gather [hbm4b:s11+s3], $0x10, $0x38;
	[tilespmem:$0x1FC80] =	vst v63  }
0xc1: {  	_ =	swait.ge [sflag:s18], $0x10  }
0xc2: {  	[sflag:s18] =	ssyncset.done $0x0  }
0xc3: {  	s8 =	simm.s32 $0x1FC00;
	s12 =	rddreg [dreg:$0x9];
	[sflag:s18] =	ssyncadd.s32 $0xFFFFFFF0  }
0xc4: {  	[tilespmem:s8], [sflag:$0x8] =	stream.linear.gather [hbm4b:s12+s3], $0x10, $0x38;
	[tilespmem:$0x1FC80] =	vst v63  }
0xc5: {  	_ =	swait.ge [sflag:s18], $0x10  }
0xc6: {  	[sflag:s18] =	ssyncset.done $0x0  }
0xc7: {  	s11 =	simm.s32 $0x10;
	s12 =	simm.s32 $0x7;
	[sflag:s18] =	ssyncadd.s32 $0xFFFFFFF0  }
0xc8: {  	[tilespmem:s22], [sflag:$0x7] =	stream.indirect.gather [hbm4b:s1+s11], $0x80, s6, s11, $0xb8;
	[tilespmem:$0x1FC80] =	vst v63  }
0xc9: {  	_ =	swait.ge [sflag:s12], $0x800  }
0xca: {  	[sflag:s12] =	ssyncset.done $0x0  }
0xcb: {  	[sflag:s12] =	ssyncadd.s32 $0xFFFFF800  }
0xcc: {  	[spmem:s2] =	stream.indirect.scatter.add.f32 [tilespmem:s22], [sflag:$0x8], $0x80, s8, s11, $0xb8;
	[tilespmem:$0x1FC80] =	vst v63  }
0xcd: {  	_ =	swait.ge [sflag:s18], $0x800  }
0xce: {  	[sflag:s18] =	ssyncset.done $0x0  }
0xcf: {  	[sflag:s18] =	ssyncadd.s32 $0xFFFFF800  }
0xd0: {  	[bflag:$0x0] =	sbarrier.arrive $0xFFFF  }
0xd1: {  	s11 =	rddreg [dreg:$0xa]  }
0xd2: {  	[hbm:s11], [sflag:s7] =	dma.local [spmem:s9], $0x2700  }
0xd3: {  	_ =	swait.ge [sflag:s18], $0x2700  }
0xd4: {  	[sflag:s18] =	ssyncset.done $0x0  }
0xd5: {  	s4 =	rddreg [dreg:$0xb];
	[sflag:s18] =	ssyncadd.s32 $0xFFFFD900  }
0xd6: {  	[hbm:s4], [sflag:s7] =	dma.local @!p0 [spmem:s10], $0x100  }
0xd7: {  	s4 =	simm.s32 @!p0 $0x8  }
0xd8: {  	_ =	swait.ge @!p0 [sflag:s4], $0x100  }
0xd9: {  	s13 =	sadd.s32 $0x1, s13;
	s12 =	rddreg [dreg:$0xc]  }
0xda: {  	p1 =	sne.s32 s13, s12  }
.Ltmp1:
0xdb: {  	_ = 	snop;
	(pc) =	sbr.rel @p1 .LBB2_1-.Ltmp1, $3  }
0xdc: {  	_ =	sdelay $0x1  }
0xdd: {  	[sflag:s4] =	ssyncset.done @!p0 $0x0  }
0xde: {  	[sflag:s4] =	ssyncadd.s32 @!p0 $0xFFFFFF00  }
0xdf: {  	_ =	sfence.sel $0x180000  }
0xe0: {  	[bflag:$0x0] =	sbarrier.arrive $0xFFFF  }
0xe1: {  	_ =	strace $0x90000050  }
0xe2: {  	s0 =	stileid.u32;
	[bflag:$0x2] =	sbarrier.arrive $0xFFFF  }
0xe3: {  	p0 =	sne.s32 s0, $0x0;
	s0 =	rddreg [dreg:$0x3]  }
0xe4: {  	s0 =	sadd.s32 @!p0 $0x100000, s0  }
0xe5: {  	[sflag:s0] =	ssyncadd.tile.s32 @!p0 $0x1;
	_ =	shalt  }
.Lfunc_end2:
_tile_overlayer_lowered:
.L_overlay_start_2:
0xe6: {  	(tag) =	ssettag $0x2  }
0xe7: {  	s0 =	rddreg [dreg:$0x0];
	s2 =	stileid.u32  }
0xe8: {  	s1 =	rddreg [dreg:$0x1];
	p0 =	sne.s32 s2, $0x0  }
0xe9: {  	s3 =	rddreg [dreg:$0x2];
	[bflag:$0x3] =	sbarrier.arrive $0xFFFF;
	s2 =	simm.s32 @!p0 $0x1C08  }
0xea: {  	[timem:s3], [sflag:s2] =	dma.local @!p0 [hbm:s0], s1  }
0xeb: {  	s0 =	simm.s32 @!p0 $0x8  }
0xec: {  	_ =	swait.ge @!p0 [sflag:s0], s1  }
0xed: {  	s1 =	ssub.s32 @!p0 $0x0, s1;
	[sflag:s0] =	ssyncset.done @!p0 $0x0  }
0xee: {  	[sflag:s0] =	ssyncadd.s32 @!p0 s1  }
0xef: {  	[bflag:$0x3] =	sbarrier.arrive $0xFFFF  }
0xf0: {  	_ =	shalt  }

</sc_bundles>
